<compile_context>
chip_gen: v7x
topology: tpu7x:2x2x1
jax: 0.10.2.dev20260603
libtpu: 0.0.44.dev20260713+nightly
codegen_flags: <defaults>
</compile_context>

<pallas_src>
import functools

import jax
import jax.numpy as jnp
from jax import lax
from jax.experimental import pallas as pl
from jax.experimental.pallas import tpu as pltpu
from jax.experimental.pallas import tpu_sc as plsc

N_PAD = 10240
NC, NS = 2, 16
NW = NC * NS
SLAB = N_PAD // NS
E_CHUNK = 128
ROW_BLK = 2560
GRID = N_PAD // ROW_BLK



NBUF = 8


def _make_sc_deg(e_pad):
    e_w = e_pad // NW
    n_chunks = e_w // E_CHUNK
    mesh = plsc.VectorSubcoreMesh(core_axis_name="c", subcore_axis_name="s")

    @functools.partial(
        pl.kernel,
        out_type=jax.ShapeDtypeStruct((NC, N_PAD, 8), jnp.float32),
        mesh=mesh,
        compiler_params=pltpu.CompilerParams(use_tc_tiling_on_sc=False),
        scratch_types=[
            pltpu.VMEM((e_pad // NW // E_CHUNK, E_CHUNK), jnp.int32),
            pltpu.VMEM((E_CHUNK, 8), jnp.float32),
            pltpu.VMEM_SHARED((N_PAD, 8), jnp.float32),
            pltpu.SemaphoreType.DMA((NBUF,)),
        ],
    )
    def deg_kernel(dst_hbm, ones_hbm, zeros_hbm, out_hbm, dstv, onesb, acc, sems):
        c = lax.axis_index("c")
        s = lax.axis_index("s")
        wid = s * NC + c
        slab = s * SLAB
        pltpu.sync_copy(zeros_hbm.at[pl.ds(slab, SLAB)], acc.at[pl.ds(slab, SLAB)])
        pltpu.sync_copy(ones_hbm, onesb)
        pltpu.sync_copy(dst_hbm.at[pl.ds(wid * n_chunks, n_chunks), :], dstv)
        plsc.subcore_barrier()

        def body(i, carry):
            descs = []
            for b in range(NBUF):
                j = i * NBUF + b
                descs.append(
                    pltpu.async_copy(onesb, acc.at[dstv.at[j]], sems.at[b],
                                     add=True))
            for d in descs:
                d.wait()
            return carry

        lax.fori_loop(0, n_chunks // NBUF, body, 0)
        plsc.subcore_barrier()
        pltpu.sync_copy(acc.at[pl.ds(slab, SLAB)],
                        out_hbm.at[c, pl.ds(slab, SLAB)])

    return deg_kernel


def _make_sc_agg(feat, e_pad):
    e_w = e_pad // NW
    n_chunks = e_w // E_CHUNK
    mesh = plsc.VectorSubcoreMesh(core_axis_name="c", subcore_axis_name="s")

    @functools.partial(
        pl.kernel,
        out_type=jax.ShapeDtypeStruct((NC, N_PAD, feat), jnp.float32),
        mesh=mesh,
        compiler_params=pltpu.CompilerParams(use_tc_tiling_on_sc=False),
        scratch_types=[
            pltpu.VMEM((e_pad // NW // E_CHUNK, E_CHUNK), jnp.int32),
            pltpu.VMEM((e_pad // NW // E_CHUNK, E_CHUNK), jnp.int32),
            pltpu.VMEM((NBUF, E_CHUNK, feat), jnp.float32),
            pltpu.VMEM_SHARED((N_PAD, feat), jnp.float32),
            pltpu.SemaphoreType.DMA((NBUF,)),
            pltpu.SemaphoreType.DMA((NBUF,)),
        ],
    )
    def agg_kernel(g_hbm, src_hbm, dst_hbm, zeros_hbm, out_hbm,
                   srcv, dstv, rows, acc, semg, sems):
        c = lax.axis_index("c")
        s = lax.axis_index("s")
        wid = s * NC + c
        slab = s * SLAB

        @pl.when(c == 0)
        def _():
            pltpu.sync_copy(g_hbm.at[pl.ds(slab, SLAB)],
                            acc.at[pl.ds(slab, SLAB)])

        @pl.when(c != 0)
        def _():
            pltpu.sync_copy(zeros_hbm.at[pl.ds(slab, SLAB)],
                            acc.at[pl.ds(slab, SLAB)])

        pltpu.sync_copy(src_hbm.at[pl.ds(wid * n_chunks, n_chunks), :], srcv)
        pltpu.sync_copy(dst_hbm.at[pl.ds(wid * n_chunks, n_chunks), :], dstv)
        plsc.subcore_barrier()

        def gather(j, b):
            return pltpu.async_copy(g_hbm.at[srcv.at[j]], rows.at[b],
                                    semg.at[b])

        def scatter(j, b):
            return pltpu.async_copy(rows.at[b], acc.at[dstv.at[j]],
                                    sems.at[b], add=True)

        for b in range(NBUF):
            gather(b, b)

        def body(i, carry):
            base = i * NBUF
            for b in range(NBUF):
                pltpu.make_async_copy(g_hbm.at[srcv.at[0]], rows.at[b],
                                      semg.at[b]).wait()
                scatter(base + b, b)
            for b in range(NBUF):
                pltpu.make_async_copy(rows.at[b], acc.at[dstv.at[0]],
                                      sems.at[b]).wait()
                nxt = jnp.minimum(base + NBUF + b, n_chunks - 1)
                gather(nxt, b)
            return carry

        lax.fori_loop(0, n_chunks // NBUF, body, 0)
        for b in range(NBUF):
            pltpu.make_async_copy(g_hbm.at[srcv.at[0]], rows.at[b],
                                  semg.at[b]).wait()
        plsc.subcore_barrier()
        pltpu.sync_copy(acc.at[pl.ds(slab, SLAB)],
                        out_hbm.at[c, pl.ds(slab, SLAB)])

    return agg_kernel



def _elu(x):
    return jnp.where(x > 0, x, jnp.exp(jnp.minimum(x, 0.0)) - 1.0)


def _tc_mm0(xs_p, w1bd):
    rows = xs_p.shape[0]
    blk = rows // GRID

    def body(xref, wref, out):
        out[...] = jnp.dot(xref[...], wref[...],
                           preferred_element_type=jnp.float32)

    return pl.pallas_call(
        body,
        grid=(GRID,),
        in_specs=[
            pl.BlockSpec((blk, xs_p.shape[1]), lambda i: (i, 0)),
            pl.BlockSpec(w1bd.shape, lambda i: (0, 0)),
        ],
        out_specs=pl.BlockSpec((blk, 128), lambda i: (i, 0)),
        out_shape=jax.ShapeDtypeStruct((rows, 128), jnp.float32),
    )(xs_p, w1bd)


def _tc_mid(sacc_p, dp, bp, wbd):
    rows = sacc_p.shape[1]
    blk = rows // GRID
    fo = wbd.shape[1]

    def body(aref, dref, bref, wref, out):
        a = aref[...]
        di = dref[...]
        h = _elu(di * (a[0] + a[1]) + bref[...])
        out[...] = jnp.dot(di * h, wref[...],
                           preferred_element_type=jnp.float32)

    return pl.pallas_call(
        body,
        grid=(GRID,),
        compiler_params=pltpu.CompilerParams(
            allow_input_fusion=[True, True, True, True]),
        in_specs=[
            pl.BlockSpec((2, blk, 128), lambda i: (0, i, 0)),
            pl.BlockSpec((blk, 128), lambda i: (i, 0)),
            pl.BlockSpec((1, 128), lambda i: (0, 0)),
            pl.BlockSpec(wbd.shape, lambda i: (0, 0)),
        ],
        out_specs=pl.BlockSpec((blk, fo), lambda i: (i, 0)),
        out_shape=jax.ShapeDtypeStruct((rows, fo), jnp.float32),
    )(sacc_p, dp, bp, wbd)


def _tc_head(sacc_p, dp, b3p, wf1bd, bf1p, wf2bd, bf2p, wf3bd, bf3p):
    rows = sacc_p.shape[1]
    blk = rows // GRID

    def lsm(z):
        m = jnp.max(z, axis=1, keepdims=True)
        return z - (m + jnp.log(jnp.sum(jnp.exp(z - m), axis=1,
                                        keepdims=True)))

    def body(aref, dref, b3ref, w1ref, b1ref, w2ref, b2ref, w3ref, b3fref,
             out):
        a = aref[...]
        h = _elu(dref[...] * (a[0] + a[1]) + b3ref[...])
        z = _elu(jnp.dot(h, w1ref[...], preferred_element_type=jnp.float32)
                 + b1ref[...])
        z = _elu(jnp.dot(z, w2ref[...], preferred_element_type=jnp.float32)
                 + b2ref[...])
        z = (jnp.dot(z, w3ref[...], preferred_element_type=jnp.float32)
             + b3fref[...])
        out[...] = jnp.concatenate([lsm(z[:, 0:2]), lsm(z[:, 2:4])], axis=1)

    return pl.pallas_call(
        body,
        grid=(GRID,),
        compiler_params=pltpu.CompilerParams(
            allow_input_fusion=[True] * 9),
        in_specs=[
            pl.BlockSpec((2, blk, 128), lambda i: (0, i, 0)),
            pl.BlockSpec((blk, 128), lambda i: (i, 0)),
            pl.BlockSpec((1, 128), lambda i: (0, 0)),
            pl.BlockSpec(wf1bd.shape, lambda i: (0, 0)),
            pl.BlockSpec((1, wf1bd.shape[1]), lambda i: (0, 0)),
            pl.BlockSpec(wf2bd.shape, lambda i: (0, 0)),
            pl.BlockSpec((1, wf2bd.shape[1]), lambda i: (0, 0)),
            pl.BlockSpec(wf3bd.shape, lambda i: (0, 0)),
            pl.BlockSpec((1, wf3bd.shape[1]), lambda i: (0, 0)),
        ],
        out_specs=pl.BlockSpec((blk, 4), lambda i: (i, 0)),
        out_shape=jax.ShapeDtypeStruct((rows, 4), jnp.float32),
    )(sacc_p, dp, b3p, wf1bd, bf1p, wf2bd, bf2p, wf3bd, bf3p)



def _packed_dinv(dinv, f):
    return jnp.broadcast_to(dinv[:, None], (N_PAD, f)).reshape(-1, 128)


def kernel(x, edge_index, W1, b1, W2, b2, W3, b3,
           Wf1, bf1, Wf2, bf2, Wf3, bf3):
    import jax.scipy.linalg as jsl
    n = x.shape[0]
    e = edge_index.shape[1]
    quantum = NW * E_CHUNK * NBUF
    e_pad = ((e + quantum - 1) // quantum) * quantum

    x_pad = jnp.zeros((N_PAD, x.shape[1]), x.dtype).at[:n].set(x)
    pad_vals = n + jnp.arange(e_pad - e, dtype=jnp.int32) % (N_PAD - n)
    src = jnp.concatenate(
        [edge_index[0].astype(jnp.int32), pad_vals]).reshape(-1, E_CHUNK)
    dst = jnp.concatenate(
        [edge_index[1].astype(jnp.int32), pad_vals]).reshape(-1, E_CHUNK)

    ones8 = jnp.ones((E_CHUNK, 8), jnp.float32)
    zeros8 = jnp.zeros((N_PAD, 8), jnp.float32)

    dacc = _make_sc_deg(e_pad)(dst, ones8, zeros8)
    deg = dacc[0, :, 0] + dacc[1, :, 0] + 1.0
    dinv = lax.rsqrt(jnp.maximum(deg, 1.0))
    dp16 = _packed_dinv(dinv, 16)
    dp32 = _packed_dinv(dinv, 32)
    dp64 = _packed_dinv(dinv, 64)

    w1bd = jsl.block_diag(*([W1] * 8))
    w2bd = jsl.block_diag(*([W2] * 8))
    w3bd = jsl.block_diag(*([W3] * 4))
    wf1bd = jsl.block_diag(Wf1, Wf1)
    wf2bd = jsl.block_diag(Wf2, Wf2)
    wf3bd = jsl.block_diag(Wf3, Wf3)
    b1p = jnp.tile(b1, 8).reshape(1, 128)
    b2p = jnp.tile(b2, 4).reshape(1, 128)
    b3p = jnp.tile(b3, 2).reshape(1, 128)
    bf1p = jnp.tile(bf1, 2).reshape(1, 64)
    bf2p = jnp.tile(bf2, 2).reshape(1, 32)
    bf3p = jnp.tile(bf3, 2).reshape(1, 4)

    xs_p = (x_pad * dinv[:, None]).reshape(N_PAD // 8, 1024)
    g1p = _tc_mm0(xs_p, w1bd)

    s1 = _make_sc_agg(16, e_pad)(g1p.reshape(N_PAD, 16), src, dst,
                                 jnp.zeros((N_PAD, 16), jnp.float32))
    g2p = _tc_mid(s1.reshape(NC, -1, 128), dp16, b1p, w2bd)

    s2 = _make_sc_agg(32, e_pad)(g2p.reshape(N_PAD, 32), src, dst,
                                 jnp.zeros((N_PAD, 32), jnp.float32))
    g3p = _tc_mid(s2.reshape(NC, -1, 128), dp32, b2p, w3bd)

    s3 = _make_sc_agg(64, e_pad)(g3p.reshape(N_PAD, 64), src, dst,
                                 jnp.zeros((N_PAD, 64), jnp.float32))
    outp = _tc_head(s3.reshape(NC, -1, 128), dp64, b3p,
                    wf1bd, bf1p, wf2bd, bf2p, wf3bd, bf3p)
    return outp.reshape(N_PAD, 2)[:n]

# --- scband reference (transcript-rebuilt; emitter-appended) ---
"""Pipeline reference for scband-trust-gcn-18330920419679 (READ-ONLY COPY).

The authoritative reference and input builder live on the scoring server;
editing this copy changes nothing except your own understanding.
"""

import jax, jax.numpy as jnp
import numpy as np

N_NODES = 10000


def elu(x):
    return jax.nn.elu(x)


def gcn_conv(x, edge_index, W, b, num_nodes):
    # linear transform
    h = x @ W
    src = edge_index[0]
    dst = edge_index[1]
    # add self loops
    loop = jnp.arange(num_nodes, dtype=edge_index.dtype)
    src = jnp.concatenate([src, loop])
    dst = jnp.concatenate([dst, loop])
    # symmetric normalization deg^{-1/2} on both ends
    deg = jnp.zeros((num_nodes,), dtype=h.dtype).at[dst].add(1.0)
    deg_inv_sqrt = 1.0 / jnp.sqrt(jnp.clip(deg, 1.0))
    norm = deg_inv_sqrt[src] * deg_inv_sqrt[dst]
    msg = h[src] * norm[:, None]
    out = jnp.zeros_like(h).at[dst].add(msg)
    return out + b


def glorot(key, shape):
    fan_in, fan_out = shape[0], shape[1]
    limit = np.sqrt(6.0 / (fan_in + fan_out))
    return jax.random.uniform(key, shape, minval=-limit, maxval=limit, dtype=jnp.float32)


def setup_inputs(seed: int = 0) -> dict:
    key = jax.random.key(seed)
    ks = jax.random.split(key, 12)
    x = jax.random.normal(ks[0], (N_NODES, 128), dtype=jnp.float32)
    edge_index = jax.random.randint(ks[1], (2, 320000), 0, N_NODES, dtype=jnp.int64 if jax.config.jax_enable_x64 else jnp.int32)
    W1 = glorot(ks[2], (128, 16)); b1 = jnp.zeros((16,), jnp.float32)
    W2 = glorot(ks[3], (16, 32)); b2 = jnp.zeros((32,), jnp.float32)
    W3 = glorot(ks[4], (32, 64)); b3 = jnp.zeros((64,), jnp.float32)
    Wf1 = glorot(ks[5], (64, 32)); bf1 = jnp.zeros((32,), jnp.float32)
    Wf2 = glorot(ks[6], (32, 16)); bf2 = jnp.zeros((16,), jnp.float32)
    Wf3 = glorot(ks[7], (16, 2)); bf3 = jnp.zeros((2,), jnp.float32)
    return {"x": x, "edge_index": edge_index,
            "W1": W1, "b1": b1, "W2": W2, "b2": b2, "W3": W3, "b3": b3,
            "Wf1": Wf1, "bf1": bf1, "Wf2": Wf2, "bf2": bf2, "Wf3": Wf3, "bf3": bf3}


def reference(x, edge_index, W1, b1, W2, b2, W3, b3, Wf1, bf1, Wf2, bf2, Wf3, bf3):
    n = x.shape[0]
    h = elu(gcn_conv(x, edge_index, W1, b1, n))
    h = elu(gcn_conv(h, edge_index, W2, b2, n))
    h = elu(gcn_conv(h, edge_index, W3, b3, n))
    h = elu(h @ Wf1 + bf1)
    h = elu(h @ Wf2 + bf2)
    h = h @ Wf3 + bf3
    return jax.nn.log_softmax(h, axis=1)

if __name__ == "__main__":
    import jax
    _d = setup_inputs()
    print(jax.jit(kernel)(*tuple(_d.values())))

</pallas_src>

<mosaic_0001>
#map = affine_map<(d0, d1) -> (0, 0)>
#map1 = affine_map<(d0, d1) -> (0, 0, 0)>
module attributes {stable_mosaic.version = 14 : i64} {
  func.func @agg_kernel(%arg0: i32, %arg1: i32, %arg2: memref<10240x16xf32, #tpu.memory_space<hbm>>, %arg3: memref<2560x128xi32, #tpu.memory_space<hbm>>, %arg4: memref<2560x128xi32, #tpu.memory_space<hbm>>, %arg5: memref<10240x16xf32, #tpu.memory_space<hbm>>, %arg6: memref<2x10240x16xf32, #tpu.memory_space<hbm>>, %arg7: memref<80x128xi32, #tpu.memory_space<vmem>>, %arg8: memref<80x128xi32, #tpu.memory_space<vmem>>, %arg9: memref<8x128x16xf32, #tpu.memory_space<vmem>>, %arg10: memref<10240x16xf32, #tpu.memory_space<vmem_shared>>, %arg11: memref<8x!tpu.dma_semaphore, #tpu.memory_space<semaphore_mem>>, %arg12: memref<8x!tpu.dma_semaphore, #tpu.memory_space<semaphore_mem>>) attributes {dimension_semantics = [#tpu.dimension_semantics<core_parallel>, #tpu.dimension_semantics<subcore_parallel>], iteration_bounds = array<i64: 2, 16>, scalar_prefetch = 0 : i64, scratch_operands = 6 : i64, tpu.core_type = #tpu.core_type<sc_vector_subcore>, window_params = [{transform_indices = #map}, {transform_indices = #map}, {transform_indices = #map}, {transform_indices = #map}, {transform_indices = #map1}]} {
    %mul3A = arith.constant 2 : i32
    %mul3A_0 = arith.muli %arg1, %mul3A : i32
    %add3A = arith.addi %mul3A_0, %arg0 : i32
    %mul3A_1 = arith.constant 640 : i32
    %mul3A_2 = arith.muli %arg1, %mul3A_1 : i32
    %eq3A = arith.constant 0 : i32
    %eq3A_3 = arith.cmpi eq, %arg0, %eq3A : i32
    %convert_element_type3A = arith.extui %eq3A_3 : i1 to i32
    %cond3A = arith.constant 0 : i32
    %cond3A_4 = arith.cmpi ne, %convert_element_type3A, %cond3A : i32
    scf.if %cond3A_4 {
      "tpu.region"() ({
        %run_scoped3A = tpu.sem_alloc : memref<!tpu.dma_semaphore, #tpu.memory_space<semaphore_mem>>
        %dma_start3A_257 = arith.constant 0 : i32
        %dma_start3A_258 = tpu.memref_slice %arg10[%mul3A_2, %dma_start3A_257] : memref<10240x16xf32, #tpu.memory_space<vmem_shared>> -> memref<640x16xf32, #tpu.memory_space<vmem_shared>>
        %dma_start3A_259 = arith.constant 0 : i32
        %dma_start3A_260 = tpu.memref_slice %arg2[%mul3A_2, %dma_start3A_259] : memref<10240x16xf32, #tpu.memory_space<hbm>> -> memref<640x16xf32, #tpu.memory_space<hbm>>
        tpu.enqueue_dma source(%dma_start3A_260 : memref<640x16xf32, #tpu.memory_space<hbm>>) target(%dma_start3A_258 : memref<640x16xf32, #tpu.memory_space<vmem_shared>>) target_semaphore(%run_scoped3A : memref<!tpu.dma_semaphore, #tpu.memory_space<semaphore_mem>>)
        %dma_wait3A_261 = arith.constant 0 : i32
        %dma_wait3A_262 = tpu.memref_slice %arg10[%mul3A_2, %dma_wait3A_261] : memref<10240x16xf32, #tpu.memory_space<vmem_shared>> -> memref<640x16xf32, #tpu.memory_space<vmem_shared>>
        %dma_wait3A_263 = arith.constant 0 : i32
        %dma_wait3A_264 = tpu.memref_slice %arg2[%mul3A_2, %dma_wait3A_263] : memref<10240x16xf32, #tpu.memory_space<hbm>> -> memref<640x16xf32, #tpu.memory_space<hbm>>
        tpu.wait_dma2 semaphore(%run_scoped3A : memref<!tpu.dma_semaphore, #tpu.memory_space<semaphore_mem>>) src(%dma_wait3A_264 : memref<640x16xf32, #tpu.memory_space<hbm>>) dst(%dma_wait3A_262 : memref<640x16xf32, #tpu.memory_space<vmem_shared>>)
        tpu.yield
      }) : () -> ()
    } else {
    }
    %ne3A = arith.constant 0 : i32
    %ne3A_5 = arith.cmpi ne, %arg0, %ne3A : i32
    %convert_element_type3A_6 = arith.extui %ne3A_5 : i1 to i32
    %cond3A_7 = arith.constant 0 : i32
    %cond3A_8 = arith.cmpi ne, %convert_element_type3A_6, %cond3A_7 : i32
    scf.if %cond3A_8 {
      "tpu.region"() ({
        %run_scoped3A = tpu.sem_alloc : memref<!tpu.dma_semaphore, #tpu.memory_space<semaphore_mem>>
        %dma_start3A_257 = arith.constant 0 : i32
        %dma_start3A_258 = tpu.memref_slice %arg10[%mul3A_2, %dma_start3A_257] : memref<10240x16xf32, #tpu.memory_space<vmem_shared>> -> memref<640x16xf32, #tpu.memory_space<vmem_shared>>
        %dma_start3A_259 = arith.constant 0 : i32
        %dma_start3A_260 = tpu.memref_slice %arg5[%mul3A_2, %dma_start3A_259] : memref<10240x16xf32, #tpu.memory_space<hbm>> -> memref<640x16xf32, #tpu.memory_space<hbm>>
        tpu.enqueue_dma source(%dma_start3A_260 : memref<640x16xf32, #tpu.memory_space<hbm>>) target(%dma_start3A_258 : memref<640x16xf32, #tpu.memory_space<vmem_shared>>) target_semaphore(%run_scoped3A : memref<!tpu.dma_semaphore, #tpu.memory_space<semaphore_mem>>)
        %dma_wait3A_261 = arith.constant 0 : i32
        %dma_wait3A_262 = tpu.memref_slice %arg10[%mul3A_2, %dma_wait3A_261] : memref<10240x16xf32, #tpu.memory_space<vmem_shared>> -> memref<640x16xf32, #tpu.memory_space<vmem_shared>>
        %dma_wait3A_263 = arith.constant 0 : i32
        %dma_wait3A_264 = tpu.memref_slice %arg5[%mul3A_2, %dma_wait3A_263] : memref<10240x16xf32, #tpu.memory_space<hbm>> -> memref<640x16xf32, #tpu.memory_space<hbm>>
        tpu.wait_dma2 semaphore(%run_scoped3A : memref<!tpu.dma_semaphore, #tpu.memory_space<semaphore_mem>>) src(%dma_wait3A_264 : memref<640x16xf32, #tpu.memory_space<hbm>>) dst(%dma_wait3A_262 : memref<640x16xf32, #tpu.memory_space<vmem_shared>>)
        tpu.yield
      }) : () -> ()
    } else {
    }
    %mul3A_9 = arith.constant 80 : i32
    %mul3A_10 = arith.muli %add3A, %mul3A_9 : i32
    "tpu.region"() ({
      %run_scoped3A = tpu.sem_alloc : memref<!tpu.dma_semaphore, #tpu.memory_space<semaphore_mem>>
      %dma_start3A_257 = arith.constant 0 : i32
      %dma_start3A_258 = tpu.memref_slice %arg3[%mul3A_10, %dma_start3A_257] : memref<2560x128xi32, #tpu.memory_space<hbm>> -> memref<80x128xi32, #tpu.memory_space<hbm>>
      %dma_start3A_259 = arith.constant 0 : i32
      %dma_start3A_260 = tpu.memref_slice %arg3[%mul3A_10, %dma_start3A_259] : memref<2560x128xi32, #tpu.memory_space<hbm>> -> memref<80x128xi32, #tpu.memory_space<hbm>>
      tpu.enqueue_dma source(%dma_start3A_260 : memref<80x128xi32, #tpu.memory_space<hbm>>) target(%arg7 : memref<80x128xi32, #tpu.memory_space<vmem>>) target_semaphore(%run_scoped3A : memref<!tpu.dma_semaphore, #tpu.memory_space<semaphore_mem>>)
      %dma_wait3A_261 = arith.constant 0 : i32
      %dma_wait3A_262 = tpu.memref_slice %arg3[%mul3A_10, %dma_wait3A_261] : memref<2560x128xi32, #tpu.memory_space<hbm>> -> memref<80x128xi32, #tpu.memory_space<hbm>>
      %dma_wait3A_263 = arith.constant 0 : i32
      %dma_wait3A_264 = tpu.memref_slice %arg3[%mul3A_10, %dma_wait3A_263] : memref<2560x128xi32, #tpu.memory_space<hbm>> -> memref<80x128xi32, #tpu.memory_space<hbm>>
      tpu.wait_dma2 semaphore(%run_scoped3A : memref<!tpu.dma_semaphore, #tpu.memory_space<semaphore_mem>>) src(%dma_wait3A_264 : memref<80x128xi32, #tpu.memory_space<hbm>>) dst(%arg7 : memref<80x128xi32, #tpu.memory_space<vmem>>)
      tpu.yield
    }) : () -> ()
    %mul3A_11 = arith.constant 80 : i32
    %mul3A_12 = arith.muli %add3A, %mul3A_11 : i32
    "tpu.region"() ({
      %run_scoped3A = tpu.sem_alloc : memref<!tpu.dma_semaphore, #tpu.memory_space<semaphore_mem>>
      %dma_start3A_257 = arith.constant 0 : i32
      %dma_start3A_258 = tpu.memref_slice %arg4[%mul3A_12, %dma_start3A_257] : memref<2560x128xi32, #tpu.memory_space<hbm>> -> memref<80x128xi32, #tpu.memory_space<hbm>>
      %dma_start3A_259 = arith.constant 0 : i32
      %dma_start3A_260 = tpu.memref_slice %arg4[%mul3A_12, %dma_start3A_259] : memref<2560x128xi32, #tpu.memory_space<hbm>> -> memref<80x128xi32, #tpu.memory_space<hbm>>
      tpu.enqueue_dma source(%dma_start3A_260 : memref<80x128xi32, #tpu.memory_space<hbm>>) target(%arg8 : memref<80x128xi32, #tpu.memory_space<vmem>>) target_semaphore(%run_scoped3A : memref<!tpu.dma_semaphore, #tpu.memory_space<semaphore_mem>>)
      %dma_wait3A_261 = arith.constant 0 : i32
      %dma_wait3A_262 = tpu.memref_slice %arg4[%mul3A_12, %dma_wait3A_261] : memref<2560x128xi32, #tpu.memory_space<hbm>> -> memref<80x128xi32, #tpu.memory_space<hbm>>
      %dma_wait3A_263 = arith.constant 0 : i32
      %dma_wait3A_264 = tpu.memref_slice %arg4[%mul3A_12, %dma_wait3A_263] : memref<2560x128xi32, #tpu.memory_space<hbm>> -> memref<80x128xi32, #tpu.memory_space<hbm>>
      tpu.wait_dma2 semaphore(%run_scoped3A : memref<!tpu.dma_semaphore, #tpu.memory_space<semaphore_mem>>) src(%dma_wait3A_264 : memref<80x128xi32, #tpu.memory_space<hbm>>) dst(%arg8 : memref<80x128xi32, #tpu.memory_space<vmem>>)
      tpu.yield
    }) : () -> ()
    %barrier3A = arith.constant 0 : index
    tpu.barrier barrier_id(%barrier3A)
    %dma_start3A = arith.constant 0 : i32
    %dma_start3A_13 = arith.constant 0 : i32
    %dma_start3A_14 = arith.constant 0 : i32
    %dma_start3A_15 = arith.constant 0 : i32
    %dma_start3A_16 = arith.constant 0 : i32
    %dma_start3A_17 = tpu.memref_slice %arg9[%dma_start3A_13, %dma_start3A_15, %dma_start3A_16] : memref<8x128x16xf32, #tpu.memory_space<vmem>> -> memref<1x128x16xf32, #tpu.memory_space<vmem>>
    %dma_start3A_18 = tpu.memref_squeeze %dma_start3A_17 : memref<1x128x16xf32, #tpu.memory_space<vmem>> -> memref<128x16xf32, #tpu.memory_space<vmem>>
    %dma_start3A_19 = arith.constant 0 : i32
    %dma_start3A_20 = tpu.memref_slice %arg7[%dma_start3A, %dma_start3A_19] : memref<80x128xi32, #tpu.memory_space<vmem>> -> memref<1x128xi32, #tpu.memory_space<vmem>>
    %dma_start3A_21 = tpu.memref_squeeze %dma_start3A_20 : memref<1x128xi32, #tpu.memory_space<vmem>> -> memref<128xi32, #tpu.memory_space<vmem>>
    %dma_start3A_22 = arith.constant 0 : i32
    %dma_start3A_23 = arith.constant 0 : i32
    %dma_start3A_24 = tpu.memref_slice %arg2[%dma_start3A_22, %dma_start3A_23] : memref<10240x16xf32, #tpu.memory_space<hbm>> -> memref<10240x16xf32, #tpu.memory_space<hbm>>
    %dma_start3A_25 = tpu.memref_slice %arg11[%dma_start3A_14] : memref<8x!tpu.dma_semaphore, #tpu.memory_space<semaphore_mem>> -> memref<1x!tpu.dma_semaphore, #tpu.memory_space<semaphore_mem>>
    %dma_start3A_26 = tpu.memref_squeeze %dma_start3A_25 : memref<1x!tpu.dma_semaphore, #tpu.memory_space<semaphore_mem>> -> memref<!tpu.dma_semaphore, #tpu.memory_space<semaphore_mem>>
    tpu.enqueue_indirect_dma source(%dma_start3A_24 : memref<10240x16xf32, #tpu.memory_space<hbm>>) target(%dma_start3A_18 : memref<128x16xf32, #tpu.memory_space<vmem>>) offsets(%dma_start3A_21 : memref<128xi32, #tpu.memory_space<vmem>>) semaphore(%dma_start3A_26 : memref<!tpu.dma_semaphore, #tpu.memory_space<semaphore_mem>>)
    %dma_start3A_27 = arith.constant 1 : i32
    %dma_start3A_28 = arith.constant 1 : i32
    %dma_start3A_29 = arith.constant 1 : i32
    %dma_start3A_30 = arith.constant 0 : i32
    %dma_start3A_31 = arith.constant 0 : i32
    %dma_start3A_32 = tpu.memref_slice %arg9[%dma_start3A_28, %dma_start3A_30, %dma_start3A_31] : memref<8x128x16xf32, #tpu.memory_space<vmem>> -> memref<1x128x16xf32, #tpu.memory_space<vmem>>
    %dma_start3A_33 = tpu.memref_squeeze %dma_start3A_32 : memref<1x128x16xf32, #tpu.memory_space<vmem>> -> memref<128x16xf32, #tpu.memory_space<vmem>>
    %dma_start3A_34 = arith.constant 0 : i32
    %dma_start3A_35 = tpu.memref_slice %arg7[%dma_start3A_27, %dma_start3A_34] : memref<80x128xi32, #tpu.memory_space<vmem>> -> memref<1x128xi32, #tpu.memory_space<vmem>>
    %dma_start3A_36 = tpu.memref_squeeze %dma_start3A_35 : memref<1x128xi32, #tpu.memory_space<vmem>> -> memref<128xi32, #tpu.memory_space<vmem>>
    %dma_start3A_37 = arith.constant 0 : i32
    %dma_start3A_38 = arith.constant 0 : i32
    %dma_start3A_39 = tpu.memref_slice %arg2[%dma_start3A_37, %dma_start3A_38] : memref<10240x16xf32, #tpu.memory_space<hbm>> -> memref<10240x16xf32, #tpu.memory_space<hbm>>
    %dma_start3A_40 = tpu.memref_slice %arg11[%dma_start3A_29] : memref<8x!tpu.dma_semaphore, #tpu.memory_space<semaphore_mem>> -> memref<1x!tpu.dma_semaphore, #tpu.memory_space<semaphore_mem>>
    %dma_start3A_41 = tpu.memref_squeeze %dma_start3A_40 : memref<1x!tpu.dma_semaphore, #tpu.memory_space<semaphore_mem>> -> memref<!tpu.dma_semaphore, #tpu.memory_space<semaphore_mem>>
    tpu.enqueue_indirect_dma source(%dma_start3A_39 : memref<10240x16xf32, #tpu.memory_space<hbm>>) target(%dma_start3A_33 : memref<128x16xf32, #tpu.memory_space<vmem>>) offsets(%dma_start3A_36 : memref<128xi32, #tpu.memory_space<vmem>>) semaphore(%dma_start3A_41 : memref<!tpu.dma_semaphore, #tpu.memory_space<semaphore_mem>>)
    %dma_start3A_42 = arith.constant 2 : i32
    %dma_start3A_43 = arith.constant 2 : i32
    %dma_start3A_44 = arith.constant 2 : i32
    %dma_start3A_45 = arith.constant 0 : i32
    %dma_start3A_46 = arith.constant 0 : i32
    %dma_start3A_47 = tpu.memref_slice %arg9[%dma_start3A_43, %dma_start3A_45, %dma_start3A_46] : memref<8x128x16xf32, #tpu.memory_space<vmem>> -> memref<1x128x16xf32, #tpu.memory_space<vmem>>
    %dma_start3A_48 = tpu.memref_squeeze %dma_start3A_47 : memref<1x128x16xf32, #tpu.memory_space<vmem>> -> memref<128x16xf32, #tpu.memory_space<vmem>>
    %dma_start3A_49 = arith.constant 0 : i32
    %dma_start3A_50 = tpu.memref_slice %arg7[%dma_start3A_42, %dma_start3A_49] : memref<80x128xi32, #tpu.memory_space<vmem>> -> memref<1x128xi32, #tpu.memory_space<vmem>>
    %dma_start3A_51 = tpu.memref_squeeze %dma_start3A_50 : memref<1x128xi32, #tpu.memory_space<vmem>> -> memref<128xi32, #tpu.memory_space<vmem>>
    %dma_start3A_52 = arith.constant 0 : i32
    %dma_start3A_53 = arith.constant 0 : i32
    %dma_start3A_54 = tpu.memref_slice %arg2[%dma_start3A_52, %dma_start3A_53] : memref<10240x16xf32, #tpu.memory_space<hbm>> -> memref<10240x16xf32, #tpu.memory_space<hbm>>
    %dma_start3A_55 = tpu.memref_slice %arg11[%dma_start3A_44] : memref<8x!tpu.dma_semaphore, #tpu.memory_space<semaphore_mem>> -> memref<1x!tpu.dma_semaphore, #tpu.memory_space<semaphore_mem>>
    %dma_start3A_56 = tpu.memref_squeeze %dma_start3A_55 : memref<1x!tpu.dma_semaphore, #tpu.memory_space<semaphore_mem>> -> memref<!tpu.dma_semaphore, #tpu.memory_space<semaphore_mem>>
    tpu.enqueue_indirect_dma source(%dma_start3A_54 : memref<10240x16xf32, #tpu.memory_space<hbm>>) target(%dma_start3A_48 : memref<128x16xf32, #tpu.memory_space<vmem>>) offsets(%dma_start3A_51 : memref<128xi32, #tpu.memory_space<vmem>>) semaphore(%dma_start3A_56 : memref<!tpu.dma_semaphore, #tpu.memory_space<semaphore_mem>>)
    %dma_start3A_57 = arith.constant 3 : i32
    %dma_start3A_58 = arith.constant 3 : i32
    %dma_start3A_59 = arith.constant 3 : i32
    %dma_start3A_60 = arith.constant 0 : i32
    %dma_start3A_61 = arith.constant 0 : i32
    %dma_start3A_62 = tpu.memref_slice %arg9[%dma_start3A_58, %dma_start3A_60, %dma_start3A_61] : memref<8x128x16xf32, #tpu.memory_space<vmem>> -> memref<1x128x16xf32, #tpu.memory_space<vmem>>
    %dma_start3A_63 = tpu.memref_squeeze %dma_start3A_62 : memref<1x128x16xf32, #tpu.memory_space<vmem>> -> memref<128x16xf32, #tpu.memory_space<vmem>>
    %dma_start3A_64 = arith.constant 0 : i32
    %dma_start3A_65 = tpu.memref_slice %arg7[%dma_start3A_57, %dma_start3A_64] : memref<80x128xi32, #tpu.memory_space<vmem>> -> memref<1x128xi32, #tpu.memory_space<vmem>>
    %dma_start3A_66 = tpu.memref_squeeze %dma_start3A_65 : memref<1x128xi32, #tpu.memory_space<vmem>> -> memref<128xi32, #tpu.memory_space<vmem>>
    %dma_start3A_67 = arith.constant 0 : i32
    %dma_start3A_68 = arith.constant 0 : i32
    %dma_start3A_69 = tpu.memref_slice %arg2[%dma_start3A_67, %dma_start3A_68] : memref<10240x16xf32, #tpu.memory_space<hbm>> -> memref<10240x16xf32, #tpu.memory_space<hbm>>
    %dma_start3A_70 = tpu.memref_slice %arg11[%dma_start3A_59] : memref<8x!tpu.dma_semaphore, #tpu.memory_space<semaphore_mem>> -> memref<1x!tpu.dma_semaphore, #tpu.memory_space<semaphore_mem>>
    %dma_start3A_71 = tpu.memref_squeeze %dma_start3A_70 : memref<1x!tpu.dma_semaphore, #tpu.memory_space<semaphore_mem>> -> memref<!tpu.dma_semaphore, #tpu.memory_space<semaphore_mem>>
    tpu.enqueue_indirect_dma source(%dma_start3A_69 : memref<10240x16xf32, #tpu.memory_space<hbm>>) target(%dma_start3A_63 : memref<128x16xf32, #tpu.memory_space<vmem>>) offsets(%dma_start3A_66 : memref<128xi32, #tpu.memory_space<vmem>>) semaphore(%dma_start3A_71 : memref<!tpu.dma_semaphore, #tpu.memory_space<semaphore_mem>>)
    %dma_start3A_72 = arith.constant 4 : i32
    %dma_start3A_73 = arith.constant 4 : i32
    %dma_start3A_74 = arith.constant 4 : i32
    %dma_start3A_75 = arith.constant 0 : i32
    %dma_start3A_76 = arith.constant 0 : i32
    %dma_start3A_77 = tpu.memref_slice %arg9[%dma_start3A_73, %dma_start3A_75, %dma_start3A_76] : memref<8x128x16xf32, #tpu.memory_space<vmem>> -> memref<1x128x16xf32, #tpu.memory_space<vmem>>
    %dma_start3A_78 = tpu.memref_squeeze %dma_start3A_77 : memref<1x128x16xf32, #tpu.memory_space<vmem>> -> memref<128x16xf32, #tpu.memory_space<vmem>>
    %dma_start3A_79 = arith.constant 0 : i32
    %dma_start3A_80 = tpu.memref_slice %arg7[%dma_start3A_72, %dma_start3A_79] : memref<80x128xi32, #tpu.memory_space<vmem>> -> memref<1x128xi32, #tpu.memory_space<vmem>>
    %dma_start3A_81 = tpu.memref_squeeze %dma_start3A_80 : memref<1x128xi32, #tpu.memory_space<vmem>> -> memref<128xi32, #tpu.memory_space<vmem>>
    %dma_start3A_82 = arith.constant 0 : i32
    %dma_start3A_83 = arith.constant 0 : i32
    %dma_start3A_84 = tpu.memref_slice %arg2[%dma_start3A_82, %dma_start3A_83] : memref<10240x16xf32, #tpu.memory_space<hbm>> -> memref<10240x16xf32, #tpu.memory_space<hbm>>
    %dma_start3A_85 = tpu.memref_slice %arg11[%dma_start3A_74] : memref<8x!tpu.dma_semaphore, #tpu.memory_space<semaphore_mem>> -> memref<1x!tpu.dma_semaphore, #tpu.memory_space<semaphore_mem>>
    %dma_start3A_86 = tpu.memref_squeeze %dma_start3A_85 : memref<1x!tpu.dma_semaphore, #tpu.memory_space<semaphore_mem>> -> memref<!tpu.dma_semaphore, #tpu.memory_space<semaphore_mem>>
    tpu.enqueue_indirect_dma source(%dma_start3A_84 : memref<10240x16xf32, #tpu.memory_space<hbm>>) target(%dma_start3A_78 : memref<128x16xf32, #tpu.memory_space<vmem>>) offsets(%dma_start3A_81 : memref<128xi32, #tpu.memory_space<vmem>>) semaphore(%dma_start3A_86 : memref<!tpu.dma_semaphore, #tpu.memory_space<semaphore_mem>>)
    %dma_start3A_87 = arith.constant 5 : i32
    %dma_start3A_88 = arith.constant 5 : i32
    %dma_start3A_89 = arith.constant 5 : i32
    %dma_start3A_90 = arith.constant 0 : i32
    %dma_start3A_91 = arith.constant 0 : i32
    %dma_start3A_92 = tpu.memref_slice %arg9[%dma_start3A_88, %dma_start3A_90, %dma_start3A_91] : memref<8x128x16xf32, #tpu.memory_space<vmem>> -> memref<1x128x16xf32, #tpu.memory_space<vmem>>
    %dma_start3A_93 = tpu.memref_squeeze %dma_start3A_92 : memref<1x128x16xf32, #tpu.memory_space<vmem>> -> memref<128x16xf32, #tpu.memory_space<vmem>>
    %dma_start3A_94 = arith.constant 0 : i32
    %dma_start3A_95 = tpu.memref_slice %arg7[%dma_start3A_87, %dma_start3A_94] : memref<80x128xi32, #tpu.memory_space<vmem>> -> memref<1x128xi32, #tpu.memory_space<vmem>>
    %dma_start3A_96 = tpu.memref_squeeze %dma_start3A_95 : memref<1x128xi32, #tpu.memory_space<vmem>> -> memref<128xi32, #tpu.memory_space<vmem>>
    %dma_start3A_97 = arith.constant 0 : i32
    %dma_start3A_98 = arith.constant 0 : i32
    %dma_start3A_99 = tpu.memref_slice %arg2[%dma_start3A_97, %dma_start3A_98] : memref<10240x16xf32, #tpu.memory_space<hbm>> -> memref<10240x16xf32, #tpu.memory_space<hbm>>
    %dma_start3A_100 = tpu.memref_slice %arg11[%dma_start3A_89] : memref<8x!tpu.dma_semaphore, #tpu.memory_space<semaphore_mem>> -> memref<1x!tpu.dma_semaphore, #tpu.memory_space<semaphore_mem>>
    %dma_start3A_101 = tpu.memref_squeeze %dma_start3A_100 : memref<1x!tpu.dma_semaphore, #tpu.memory_space<semaphore_mem>> -> memref<!tpu.dma_semaphore, #tpu.memory_space<semaphore_mem>>
    tpu.enqueue_indirect_dma source(%dma_start3A_99 : memref<10240x16xf32, #tpu.memory_space<hbm>>) target(%dma_start3A_93 : memref<128x16xf32, #tpu.memory_space<vmem>>) offsets(%dma_start3A_96 : memref<128xi32, #tpu.memory_space<vmem>>) semaphore(%dma_start3A_101 : memref<!tpu.dma_semaphore, #tpu.memory_space<semaphore_mem>>)
    %dma_start3A_102 = arith.constant 6 : i32
    %dma_start3A_103 = arith.constant 6 : i32
    %dma_start3A_104 = arith.constant 6 : i32
    %dma_start3A_105 = arith.constant 0 : i32
    %dma_start3A_106 = arith.constant 0 : i32
    %dma_start3A_107 = tpu.memref_slice %arg9[%dma_start3A_103, %dma_start3A_105, %dma_start3A_106] : memref<8x128x16xf32, #tpu.memory_space<vmem>> -> memref<1x128x16xf32, #tpu.memory_space<vmem>>
    %dma_start3A_108 = tpu.memref_squeeze %dma_start3A_107 : memref<1x128x16xf32, #tpu.memory_space<vmem>> -> memref<128x16xf32, #tpu.memory_space<vmem>>
    %dma_start3A_109 = arith.constant 0 : i32
    %dma_start3A_110 = tpu.memref_slice %arg7[%dma_start3A_102, %dma_start3A_109] : memref<80x128xi32, #tpu.memory_space<vmem>> -> memref<1x128xi32, #tpu.memory_space<vmem>>
    %dma_start3A_111 = tpu.memref_squeeze %dma_start3A_110 : memref<1x128xi32, #tpu.memory_space<vmem>> -> memref<128xi32, #tpu.memory_space<vmem>>
    %dma_start3A_112 = arith.constant 0 : i32
    %dma_start3A_113 = arith.constant 0 : i32
    %dma_start3A_114 = tpu.memref_slice %arg2[%dma_start3A_112, %dma_start3A_113] : memref<10240x16xf32, #tpu.memory_space<hbm>> -> memref<10240x16xf32, #tpu.memory_space<hbm>>
    %dma_start3A_115 = tpu.memref_slice %arg11[%dma_start3A_104] : memref<8x!tpu.dma_semaphore, #tpu.memory_space<semaphore_mem>> -> memref<1x!tpu.dma_semaphore, #tpu.memory_space<semaphore_mem>>
    %dma_start3A_116 = tpu.memref_squeeze %dma_start3A_115 : memref<1x!tpu.dma_semaphore, #tpu.memory_space<semaphore_mem>> -> memref<!tpu.dma_semaphore, #tpu.memory_space<semaphore_mem>>
    tpu.enqueue_indirect_dma source(%dma_start3A_114 : memref<10240x16xf32, #tpu.memory_space<hbm>>) target(%dma_start3A_108 : memref<128x16xf32, #tpu.memory_space<vmem>>) offsets(%dma_start3A_111 : memref<128xi32, #tpu.memory_space<vmem>>) semaphore(%dma_start3A_116 : memref<!tpu.dma_semaphore, #tpu.memory_space<semaphore_mem>>)
    %dma_start3A_117 = arith.constant 7 : i32
    %dma_start3A_118 = arith.constant 7 : i32
    %dma_start3A_119 = arith.constant 7 : i32
    %dma_start3A_120 = arith.constant 0 : i32
    %dma_start3A_121 = arith.constant 0 : i32
    %dma_start3A_122 = tpu.memref_slice %arg9[%dma_start3A_118, %dma_start3A_120, %dma_start3A_121] : memref<8x128x16xf32, #tpu.memory_space<vmem>> -> memref<1x128x16xf32, #tpu.memory_space<vmem>>
    %dma_start3A_123 = tpu.memref_squeeze %dma_start3A_122 : memref<1x128x16xf32, #tpu.memory_space<vmem>> -> memref<128x16xf32, #tpu.memory_space<vmem>>
    %dma_start3A_124 = arith.constant 0 : i32
    %dma_start3A_125 = tpu.memref_slice %arg7[%dma_start3A_117, %dma_start3A_124] : memref<80x128xi32, #tpu.memory_space<vmem>> -> memref<1x128xi32, #tpu.memory_space<vmem>>
    %dma_start3A_126 = tpu.memref_squeeze %dma_start3A_125 : memref<1x128xi32, #tpu.memory_space<vmem>> -> memref<128xi32, #tpu.memory_space<vmem>>
    %dma_start3A_127 = arith.constant 0 : i32
    %dma_start3A_128 = arith.constant 0 : i32
    %dma_start3A_129 = tpu.memref_slice %arg2[%dma_start3A_127, %dma_start3A_128] : memref<10240x16xf32, #tpu.memory_space<hbm>> -> memref<10240x16xf32, #tpu.memory_space<hbm>>
    %dma_start3A_130 = tpu.memref_slice %arg11[%dma_start3A_119] : memref<8x!tpu.dma_semaphore, #tpu.memory_space<semaphore_mem>> -> memref<1x!tpu.dma_semaphore, #tpu.memory_space<semaphore_mem>>
    %dma_start3A_131 = tpu.memref_squeeze %dma_start3A_130 : memref<1x!tpu.dma_semaphore, #tpu.memory_space<semaphore_mem>> -> memref<!tpu.dma_semaphore, #tpu.memory_space<semaphore_mem>>
    tpu.enqueue_indirect_dma source(%dma_start3A_129 : memref<10240x16xf32, #tpu.memory_space<hbm>>) target(%dma_start3A_123 : memref<128x16xf32, #tpu.memory_space<vmem>>) offsets(%dma_start3A_126 : memref<128xi32, #tpu.memory_space<vmem>>) semaphore(%dma_start3A_131 : memref<!tpu.dma_semaphore, #tpu.memory_space<semaphore_mem>>)
    %scan3A = arith.constant 0 : i32
    %scan3A_132 = arith.constant 0 : i32
    %scan3A_133 = arith.constant 10 : i32
    %scan3A_134 = arith.addi %scan3A_132, %scan3A_133 : i32
    %scan3A_135 = arith.constant 1 : i32
    scf.for %scan3A_257 = %scan3A_132 to %scan3A_134 step %scan3A_135  : i32 {
      %mul3A_258 = arith.constant 8 : i32
      %mul3A_259 = arith.muli %scan3A_257, %mul3A_258 : i32
      %dma_wait3A_260 = arith.constant 0 : i32
      %dma_wait3A_261 = arith.constant 0 : i32
      %dma_wait3A_262 = arith.constant 0 : i32
      %dma_wait3A_263 = arith.constant 0 : i32
      %dma_wait3A_264 = arith.constant 0 : i32
      %dma_wait3A_265 = tpu.memref_slice %arg9[%dma_wait3A_261, %dma_wait3A_263, %dma_wait3A_264] : memref<8x128x16xf32, #tpu.memory_space<vmem>> -> memref<1x128x16xf32, #tpu.memory_space<vmem>>
      %dma_wait3A_266 = tpu.memref_squeeze %dma_wait3A_265 : memref<1x128x16xf32, #tpu.memory_space<vmem>> -> memref<128x16xf32, #tpu.memory_space<vmem>>
      %dma_wait3A_267 = arith.constant 0 : i32
      %dma_wait3A_268 = tpu.memref_slice %arg7[%dma_wait3A_260, %dma_wait3A_267] : memref<80x128xi32, #tpu.memory_space<vmem>> -> memref<1x128xi32, #tpu.memory_space<vmem>>
      %dma_wait3A_269 = tpu.memref_squeeze %dma_wait3A_268 : memref<1x128xi32, #tpu.memory_space<vmem>> -> memref<128xi32, #tpu.memory_space<vmem>>
      %dma_wait3A_270 = arith.constant 0 : i32
      %dma_wait3A_271 = arith.constant 0 : i32
      %dma_wait3A_272 = tpu.memref_slice %arg2[%dma_wait3A_270, %dma_wait3A_271] : memref<10240x16xf32, #tpu.memory_space<hbm>> -> memref<10240x16xf32, #tpu.memory_space<hbm>>
      %dma_wait3A_273 = tpu.memref_slice %arg11[%dma_wait3A_262] : memref<8x!tpu.dma_semaphore, #tpu.memory_space<semaphore_mem>> -> memref<1x!tpu.dma_semaphore, #tpu.memory_space<semaphore_mem>>
      %dma_wait3A_274 = tpu.memref_squeeze %dma_wait3A_273 : memref<1x!tpu.dma_semaphore, #tpu.memory_space<semaphore_mem>> -> memref<!tpu.dma_semaphore, #tpu.memory_space<semaphore_mem>>
      tpu.wait_indirect_dma semaphore(%dma_wait3A_274 : memref<!tpu.dma_semaphore, #tpu.memory_space<semaphore_mem>>) src(%dma_wait3A_272 : memref<10240x16xf32, #tpu.memory_space<hbm>>) dst(%dma_wait3A_266 : memref<128x16xf32, #tpu.memory_space<vmem>>)
      %add3A_275 = arith.constant 0 : i32
      %add3A_276 = arith.addi %mul3A_259, %add3A_275 : i32
      %dma_start3A_277 = arith.constant 0 : i32
      %dma_start3A_278 = arith.constant 0 : i32
      %dma_start3A_279 = arith.constant 0 : i32
      %dma_start3A_280 = arith.constant 0 : i32
      %dma_start3A_281 = tpu.memref_slice %arg9[%dma_start3A_277, %dma_start3A_279, %dma_start3A_280] : memref<8x128x16xf32, #tpu.memory_space<vmem>> -> memref<1x128x16xf32, #tpu.memory_space<vmem>>
      %dma_start3A_282 = tpu.memref_squeeze %dma_start3A_281 : memref<1x128x16xf32, #tpu.memory_space<vmem>> -> memref<128x16xf32, #tpu.memory_space<vmem>>
      %dma_start3A_283 = arith.constant 0 : i32
      %dma_start3A_284 = tpu.memref_slice %arg8[%add3A_276, %dma_start3A_283] : memref<80x128xi32, #tpu.memory_space<vmem>> -> memref<1x128xi32, #tpu.memory_space<vmem>>
      %dma_start3A_285 = tpu.memref_squeeze %dma_start3A_284 : memref<1x128xi32, #tpu.memory_space<vmem>> -> memref<128xi32, #tpu.memory_space<vmem>>
      %dma_start3A_286 = arith.constant 0 : i32
      %dma_start3A_287 = arith.constant 0 : i32
      %dma_start3A_288 = tpu.memref_slice %arg10[%dma_start3A_286, %dma_start3A_287] : memref<10240x16xf32, #tpu.memory_space<vmem_shared>> -> memref<10240x16xf32, #tpu.memory_space<vmem_shared>>
      %dma_start3A_289 = tpu.memref_slice %arg12[%dma_start3A_278] : memref<8x!tpu.dma_semaphore, #tpu.memory_space<semaphore_mem>> -> memref<1x!tpu.dma_semaphore, #tpu.memory_space<semaphore_mem>>
      %dma_start3A_290 = tpu.memref_squeeze %dma_start3A_289 : memref<1x!tpu.dma_semaphore, #tpu.memory_space<semaphore_mem>> -> memref<!tpu.dma_semaphore, #tpu.memory_space<semaphore_mem>>
      tpu.enqueue_indirect_dma source(%dma_start3A_282 : memref<128x16xf32, #tpu.memory_space<vmem>>) target(%dma_start3A_288 : memref<10240x16xf32, #tpu.memory_space<vmem_shared>>) offsets(%dma_start3A_285 : memref<128xi32, #tpu.memory_space<vmem>>) semaphore(%dma_start3A_290 : memref<!tpu.dma_semaphore, #tpu.memory_space<semaphore_mem>>) {add = true}
      %dma_wait3A_291 = arith.constant 0 : i32
      %dma_wait3A_292 = arith.constant 1 : i32
      %dma_wait3A_293 = arith.constant 1 : i32
      %dma_wait3A_294 = arith.constant 0 : i32
      %dma_wait3A_295 = arith.constant 0 : i32
      %dma_wait3A_296 = tpu.memref_slice %arg9[%dma_wait3A_292, %dma_wait3A_294, %dma_wait3A_295] : memref<8x128x16xf32, #tpu.memory_space<vmem>> -> memref<1x128x16xf32, #tpu.memory_space<vmem>>
      %dma_wait3A_297 = tpu.memref_squeeze %dma_wait3A_296 : memref<1x128x16xf32, #tpu.memory_space<vmem>> -> memref<128x16xf32, #tpu.memory_space<vmem>>
      %dma_wait3A_298 = arith.constant 0 : i32
      %dma_wait3A_299 = tpu.memref_slice %arg7[%dma_wait3A_291, %dma_wait3A_298] : memref<80x128xi32, #tpu.memory_space<vmem>> -> memref<1x128xi32, #tpu.memory_space<vmem>>
      %dma_wait3A_300 = tpu.memref_squeeze %dma_wait3A_299 : memref<1x128xi32, #tpu.memory_space<vmem>> -> memref<128xi32, #tpu.memory_space<vmem>>
      %dma_wait3A_301 = arith.constant 0 : i32
      %dma_wait3A_302 = arith.constant 0 : i32
      %dma_wait3A_303 = tpu.memref_slice %arg2[%dma_wait3A_301, %dma_wait3A_302] : memref<10240x16xf32, #tpu.memory_space<hbm>> -> memref<10240x16xf32, #tpu.memory_space<hbm>>
      %dma_wait3A_304 = tpu.memref_slice %arg11[%dma_wait3A_293] : memref<8x!tpu.dma_semaphore, #tpu.memory_space<semaphore_mem>> -> memref<1x!tpu.dma_semaphore, #tpu.memory_space<semaphore_mem>>
      %dma_wait3A_305 = tpu.memref_squeeze %dma_wait3A_304 : memref<1x!tpu.dma_semaphore, #tpu.memory_space<semaphore_mem>> -> memref<!tpu.dma_semaphore, #tpu.memory_space<semaphore_mem>>
      tpu.wait_indirect_dma semaphore(%dma_wait3A_305 : memref<!tpu.dma_semaphore, #tpu.memory_space<semaphore_mem>>) src(%dma_wait3A_303 : memref<10240x16xf32, #tpu.memory_space<hbm>>) dst(%dma_wait3A_297 : memref<128x16xf32, #tpu.memory_space<vmem>>)
      %add3A_306 = arith.constant 1 : i32
      %add3A_307 = arith.addi %mul3A_259, %add3A_306 : i32
      %dma_start3A_308 = arith.constant 1 : i32
      %dma_start3A_309 = arith.constant 1 : i32
      %dma_start3A_310 = arith.constant 0 : i32
      %dma_start3A_311 = arith.constant 0 : i32
      %dma_start3A_312 = tpu.memref_slice %arg9[%dma_start3A_308, %dma_start3A_310, %dma_start3A_311] : memref<8x128x16xf32, #tpu.memory_space<vmem>> -> memref<1x128x16xf32, #tpu.memory_space<vmem>>
      %dma_start3A_313 = tpu.memref_squeeze %dma_start3A_312 : memref<1x128x16xf32, #tpu.memory_space<vmem>> -> memref<128x16xf32, #tpu.memory_space<vmem>>
      %dma_start3A_314 = arith.constant 0 : i32
      %dma_start3A_315 = tpu.memref_slice %arg8[%add3A_307, %dma_start3A_314] : memref<80x128xi32, #tpu.memory_space<vmem>> -> memref<1x128xi32, #tpu.memory_space<vmem>>
      %dma_start3A_316 = tpu.memref_squeeze %dma_start3A_315 : memref<1x128xi32, #tpu.memory_space<vmem>> -> memref<128xi32, #tpu.memory_space<vmem>>
      %dma_start3A_317 = arith.constant 0 : i32
      %dma_start3A_318 = arith.constant 0 : i32
      %dma_start3A_319 = tpu.memref_slice %arg10[%dma_start3A_317, %dma_start3A_318] : memref<10240x16xf32, #tpu.memory_space<vmem_shared>> -> memref<10240x16xf32, #tpu.memory_space<vmem_shared>>
      %dma_start3A_320 = tpu.memref_slice %arg12[%dma_start3A_309] : memref<8x!tpu.dma_semaphore, #tpu.memory_space<semaphore_mem>> -> memref<1x!tpu.dma_semaphore, #tpu.memory_space<semaphore_mem>>
      %dma_start3A_321 = tpu.memref_squeeze %dma_start3A_320 : memref<1x!tpu.dma_semaphore, #tpu.memory_space<semaphore_mem>> -> memref<!tpu.dma_semaphore, #tpu.memory_space<semaphore_mem>>
      tpu.enqueue_indirect_dma source(%dma_start3A_313 : memref<128x16xf32, #tpu.memory_space<vmem>>) target(%dma_start3A_319 : memref<10240x16xf32, #tpu.memory_space<vmem_shared>>) offsets(%dma_start3A_316 : memref<128xi32, #tpu.memory_space<vmem>>) semaphore(%dma_start3A_321 : memref<!tpu.dma_semaphore, #tpu.memory_space<semaphore_mem>>) {add = true}
      %dma_wait3A_322 = arith.constant 0 : i32
      %dma_wait3A_323 = arith.constant 2 : i32
      %dma_wait3A_324 = arith.constant 2 : i32
      %dma_wait3A_325 = arith.constant 0 : i32
      %dma_wait3A_326 = arith.constant 0 : i32
      %dma_wait3A_327 = tpu.memref_slice %arg9[%dma_wait3A_323, %dma_wait3A_325, %dma_wait3A_326] : memref<8x128x16xf32, #tpu.memory_space<vmem>> -> memref<1x128x16xf32, #tpu.memory_space<vmem>>
      %dma_wait3A_328 = tpu.memref_squeeze %dma_wait3A_327 : memref<1x128x16xf32, #tpu.memory_space<vmem>> -> memref<128x16xf32, #tpu.memory_space<vmem>>
      %dma_wait3A_329 = arith.constant 0 : i32
      %dma_wait3A_330 = tpu.memref_slice %arg7[%dma_wait3A_322, %dma_wait3A_329] : memref<80x128xi32, #tpu.memory_space<vmem>> -> memref<1x128xi32, #tpu.memory_space<vmem>>
      %dma_wait3A_331 = tpu.memref_squeeze %dma_wait3A_330 : memref<1x128xi32, #tpu.memory_space<vmem>> -> memref<128xi32, #tpu.memory_space<vmem>>
      %dma_wait3A_332 = arith.constant 0 : i32
      %dma_wait3A_333 = arith.constant 0 : i32
      %dma_wait3A_334 = tpu.memref_slice %arg2[%dma_wait3A_332, %dma_wait3A_333] : memref<10240x16xf32, #tpu.memory_space<hbm>> -> memref<10240x16xf32, #tpu.memory_space<hbm>>
      %dma_wait3A_335 = tpu.memref_slice %arg11[%dma_wait3A_324] : memref<8x!tpu.dma_semaphore, #tpu.memory_space<semaphore_mem>> -> memref<1x!tpu.dma_semaphore, #tpu.memory_space<semaphore_mem>>
      %dma_wait3A_336 = tpu.memref_squeeze %dma_wait3A_335 : memref<1x!tpu.dma_semaphore, #tpu.memory_space<semaphore_mem>> -> memref<!tpu.dma_semaphore, #tpu.memory_space<semaphore_mem>>
      tpu.wait_indirect_dma semaphore(%dma_wait3A_336 : memref<!tpu.dma_semaphore, #tpu.memory_space<semaphore_mem>>) src(%dma_wait3A_334 : memref<10240x16xf32, #tpu.memory_space<hbm>>) dst(%dma_wait3A_328 : memref<128x16xf32, #tpu.memory_space<vmem>>)
      %add3A_337 = arith.constant 2 : i32
      %add3A_338 = arith.addi %mul3A_259, %add3A_337 : i32
      %dma_start3A_339 = arith.constant 2 : i32
      %dma_start3A_340 = arith.constant 2 : i32
      %dma_start3A_341 = arith.constant 0 : i32
      %dma_start3A_342 = arith.constant 0 : i32
      %dma_start3A_343 = tpu.memref_slice %arg9[%dma_start3A_339, %dma_start3A_341, %dma_start3A_342] : memref<8x128x16xf32, #tpu.memory_space<vmem>> -> memref<1x128x16xf32, #tpu.memory_space<vmem>>
      %dma_start3A_344 = tpu.memref_squeeze %dma_start3A_343 : memref<1x128x16xf32, #tpu.memory_space<vmem>> -> memref<128x16xf32, #tpu.memory_space<vmem>>
      %dma_start3A_345 = arith.constant 0 : i32
      %dma_start3A_346 = tpu.memref_slice %arg8[%add3A_338, %dma_start3A_345] : memref<80x128xi32, #tpu.memory_space<vmem>> -> memref<1x128xi32, #tpu.memory_space<vmem>>
      %dma_start3A_347 = tpu.memref_squeeze %dma_start3A_346 : memref<1x128xi32, #tpu.memory_space<vmem>> -> memref<128xi32, #tpu.memory_space<vmem>>
      %dma_start3A_348 = arith.constant 0 : i32
      %dma_start3A_349 = arith.constant 0 : i32
      %dma_start3A_350 = tpu.memref_slice %arg10[%dma_start3A_348, %dma_start3A_349] : memref<10240x16xf32, #tpu.memory_space<vmem_shared>> -> memref<10240x16xf32, #tpu.memory_space<vmem_shared>>
      %dma_start3A_351 = tpu.memref_slice %arg12[%dma_start3A_340] : memref<8x!tpu.dma_semaphore, #tpu.memory_space<semaphore_mem>> -> memref<1x!tpu.dma_semaphore, #tpu.memory_space<semaphore_mem>>
      %dma_start3A_352 = tpu.memref_squeeze %dma_start3A_351 : memref<1x!tpu.dma_semaphore, #tpu.memory_space<semaphore_mem>> -> memref<!tpu.dma_semaphore, #tpu.memory_space<semaphore_mem>>
      tpu.enqueue_indirect_dma source(%dma_start3A_344 : memref<128x16xf32, #tpu.memory_space<vmem>>) target(%dma_start3A_350 : memref<10240x16xf32, #tpu.memory_space<vmem_shared>>) offsets(%dma_start3A_347 : memref<128xi32, #tpu.memory_space<vmem>>) semaphore(%dma_start3A_352 : memref<!tpu.dma_semaphore, #tpu.memory_space<semaphore_mem>>) {add = true}
      %dma_wait3A_353 = arith.constant 0 : i32
      %dma_wait3A_354 = arith.constant 3 : i32
      %dma_wait3A_355 = arith.constant 3 : i32
      %dma_wait3A_356 = arith.constant 0 : i32
      %dma_wait3A_357 = arith.constant 0 : i32
      %dma_wait3A_358 = tpu.memref_slice %arg9[%dma_wait3A_354, %dma_wait3A_356, %dma_wait3A_357] : memref<8x128x16xf32, #tpu.memory_space<vmem>> -> memref<1x128x16xf32, #tpu.memory_space<vmem>>
      %dma_wait3A_359 = tpu.memref_squeeze %dma_wait3A_358 : memref<1x128x16xf32, #tpu.memory_space<vmem>> -> memref<128x16xf32, #tpu.memory_space<vmem>>
      %dma_wait3A_360 = arith.constant 0 : i32
      %dma_wait3A_361 = tpu.memref_slice %arg7[%dma_wait3A_353, %dma_wait3A_360] : memref<80x128xi32, #tpu.memory_space<vmem>> -> memref<1x128xi32, #tpu.memory_space<vmem>>
      %dma_wait3A_362 = tpu.memref_squeeze %dma_wait3A_361 : memref<1x128xi32, #tpu.memory_space<vmem>> -> memref<128xi32, #tpu.memory_space<vmem>>
      %dma_wait3A_363 = arith.constant 0 : i32
      %dma_wait3A_364 = arith.constant 0 : i32
      %dma_wait3A_365 = tpu.memref_slice %arg2[%dma_wait3A_363, %dma_wait3A_364] : memref<10240x16xf32, #tpu.memory_space<hbm>> -> memref<10240x16xf32, #tpu.memory_space<hbm>>
      %dma_wait3A_366 = tpu.memref_slice %arg11[%dma_wait3A_355] : memref<8x!tpu.dma_semaphore, #tpu.memory_space<semaphore_mem>> -> memref<1x!tpu.dma_semaphore, #tpu.memory_space<semaphore_mem>>
      %dma_wait3A_367 = tpu.memref_squeeze %dma_wait3A_366 : memref<1x!tpu.dma_semaphore, #tpu.memory_space<semaphore_mem>> -> memref<!tpu.dma_semaphore, #tpu.memory_space<semaphore_mem>>
      tpu.wait_indirect_dma semaphore(%dma_wait3A_367 : memref<!tpu.dma_semaphore, #tpu.memory_space<semaphore_mem>>) src(%dma_wait3A_365 : memref<10240x16xf32, #tpu.memory_space<hbm>>) dst(%dma_wait3A_359 : memref<128x16xf32, #tpu.memory_space<vmem>>)
      %add3A_368 = arith.constant 3 : i32
      %add3A_369 = arith.addi %mul3A_259, %add3A_368 : i32
      %dma_start3A_370 = arith.constant 3 : i32
      %dma_start3A_371 = arith.constant 3 : i32
      %dma_start3A_372 = arith.constant 0 : i32
      %dma_start3A_373 = arith.constant 0 : i32
      %dma_start3A_374 = tpu.memref_slice %arg9[%dma_start3A_370, %dma_start3A_372, %dma_start3A_373] : memref<8x128x16xf32, #tpu.memory_space<vmem>> -> memref<1x128x16xf32, #tpu.memory_space<vmem>>
      %dma_start3A_375 = tpu.memref_squeeze %dma_start3A_374 : memref<1x128x16xf32, #tpu.memory_space<vmem>> -> memref<128x16xf32, #tpu.memory_space<vmem>>
      %dma_start3A_376 = arith.constant 0 : i32
      %dma_start3A_377 = tpu.memref_slice %arg8[%add3A_369, %dma_start3A_376] : memref<80x128xi32, #tpu.memory_space<vmem>> -> memref<1x128xi32, #tpu.memory_space<vmem>>
      %dma_start3A_378 = tpu.memref_squeeze %dma_start3A_377 : memref<1x128xi32, #tpu.memory_space<vmem>> -> memref<128xi32, #tpu.memory_space<vmem>>
      %dma_start3A_379 = arith.constant 0 : i32
      %dma_start3A_380 = arith.constant 0 : i32
      %dma_start3A_381 = tpu.memref_slice %arg10[%dma_start3A_379, %dma_start3A_380] : memref<10240x16xf32, #tpu.memory_space<vmem_shared>> -> memref<10240x16xf32, #tpu.memory_space<vmem_shared>>
      %dma_start3A_382 = tpu.memref_slice %arg12[%dma_start3A_371] : memref<8x!tpu.dma_semaphore, #tpu.memory_space<semaphore_mem>> -> memref<1x!tpu.dma_semaphore, #tpu.memory_space<semaphore_mem>>
      %dma_start3A_383 = tpu.memref_squeeze %dma_start3A_382 : memref<1x!tpu.dma_semaphore, #tpu.memory_space<semaphore_mem>> -> memref<!tpu.dma_semaphore, #tpu.memory_space<semaphore_mem>>
      tpu.enqueue_indirect_dma source(%dma_start3A_375 : memref<128x16xf32, #tpu.memory_space<vmem>>) target(%dma_start3A_381 : memref<10240x16xf32, #tpu.memory_space<vmem_shared>>) offsets(%dma_start3A_378 : memref<128xi32, #tpu.memory_space<vmem>>) semaphore(%dma_start3A_383 : memref<!tpu.dma_semaphore, #tpu.memory_space<semaphore_mem>>) {add = true}
      %dma_wait3A_384 = arith.constant 0 : i32
      %dma_wait3A_385 = arith.constant 4 : i32
      %dma_wait3A_386 = arith.constant 4 : i32
      %dma_wait3A_387 = arith.constant 0 : i32
      %dma_wait3A_388 = arith.constant 0 : i32
      %dma_wait3A_389 = tpu.memref_slice %arg9[%dma_wait3A_385, %dma_wait3A_387, %dma_wait3A_388] : memref<8x128x16xf32, #tpu.memory_space<vmem>> -> memref<1x128x16xf32, #tpu.memory_space<vmem>>
      %dma_wait3A_390 = tpu.memref_squeeze %dma_wait3A_389 : memref<1x128x16xf32, #tpu.memory_space<vmem>> -> memref<128x16xf32, #tpu.memory_space<vmem>>
      %dma_wait3A_391 = arith.constant 0 : i32
      %dma_wait3A_392 = tpu.memref_slice %arg7[%dma_wait3A_384, %dma_wait3A_391] : memref<80x128xi32, #tpu.memory_space<vmem>> -> memref<1x128xi32, #tpu.memory_space<vmem>>
      %dma_wait3A_393 = tpu.memref_squeeze %dma_wait3A_392 : memref<1x128xi32, #tpu.memory_space<vmem>> -> memref<128xi32, #tpu.memory_space<vmem>>
      %dma_wait3A_394 = arith.constant 0 : i32
      %dma_wait3A_395 = arith.constant 0 : i32
      %dma_wait3A_396 = tpu.memref_slice %arg2[%dma_wait3A_394, %dma_wait3A_395] : memref<10240x16xf32, #tpu.memory_space<hbm>> -> memref<10240x16xf32, #tpu.memory_space<hbm>>
      %dma_wait3A_397 = tpu.memref_slice %arg11[%dma_wait3A_386] : memref<8x!tpu.dma_semaphore, #tpu.memory_space<semaphore_mem>> -> memref<1x!tpu.dma_semaphore, #tpu.memory_space<semaphore_mem>>
      %dma_wait3A_398 = tpu.memref_squeeze %dma_wait3A_397 : memref<1x!tpu.dma_semaphore, #tpu.memory_space<semaphore_mem>> -> memref<!tpu.dma_semaphore, #tpu.memory_space<semaphore_mem>>
      tpu.wait_indirect_dma semaphore(%dma_wait3A_398 : memref<!tpu.dma_semaphore, #tpu.memory_space<semaphore_mem>>) src(%dma_wait3A_396 : memref<10240x16xf32, #tpu.memory_space<hbm>>) dst(%dma_wait3A_390 : memref<128x16xf32, #tpu.memory_space<vmem>>)
      %add3A_399 = arith.constant 4 : i32
      %add3A_400 = arith.addi %mul3A_259, %add3A_399 : i32
      %dma_start3A_401 = arith.constant 4 : i32
      %dma_start3A_402 = arith.constant 4 : i32
      %dma_start3A_403 = arith.constant 0 : i32
      %dma_start3A_404 = arith.constant 0 : i32
      %dma_start3A_405 = tpu.memref_slice %arg9[%dma_start3A_401, %dma_start3A_403, %dma_start3A_404] : memref<8x128x16xf32, #tpu.memory_space<vmem>> -> memref<1x128x16xf32, #tpu.memory_space<vmem>>
      %dma_start3A_406 = tpu.memref_squeeze %dma_start3A_405 : memref<1x128x16xf32, #tpu.memory_space<vmem>> -> memref<128x16xf32, #tpu.memory_space<vmem>>
      %dma_start3A_407 = arith.constant 0 : i32
      %dma_start3A_408 = tpu.memref_slice %arg8[%add3A_400, %dma_start3A_407] : memref<80x128xi32, #tpu.memory_space<vmem>> -> memref<1x128xi32, #tpu.memory_space<vmem>>
      %dma_start3A_409 = tpu.memref_squeeze %dma_start3A_408 : memref<1x128xi32, #tpu.memory_space<vmem>> -> memref<128xi32, #tpu.memory_space<vmem>>
      %dma_start3A_410 = arith.constant 0 : i32
      %dma_start3A_411 = arith.constant 0 : i32
      %dma_start3A_412 = tpu.memref_slice %arg10[%dma_start3A_410, %dma_start3A_411] : memref<10240x16xf32, #tpu.memory_space<vmem_shared>> -> memref<10240x16xf32, #tpu.memory_space<vmem_shared>>
      %dma_start3A_413 = tpu.memref_slice %arg12[%dma_start3A_402] : memref<8x!tpu.dma_semaphore, #tpu.memory_space<semaphore_mem>> -> memref<1x!tpu.dma_semaphore, #tpu.memory_space<semaphore_mem>>
      %dma_start3A_414 = tpu.memref_squeeze %dma_start3A_413 : memref<1x!tpu.dma_semaphore, #tpu.memory_space<semaphore_mem>> -> memref<!tpu.dma_semaphore, #tpu.memory_space<semaphore_mem>>
      tpu.enqueue_indirect_dma source(%dma_start3A_406 : memref<128x16xf32, #tpu.memory_space<vmem>>) target(%dma_start3A_412 : memref<10240x16xf32, #tpu.memory_space<vmem_shared>>) offsets(%dma_start3A_409 : memref<128xi32, #tpu.memory_space<vmem>>) semaphore(%dma_start3A_414 : memref<!tpu.dma_semaphore, #tpu.memory_space<semaphore_mem>>) {add = true}
      %dma_wait3A_415 = arith.constant 0 : i32
      %dma_wait3A_416 = arith.constant 5 : i32
      %dma_wait3A_417 = arith.constant 5 : i32
      %dma_wait3A_418 = arith.constant 0 : i32
      %dma_wait3A_419 = arith.constant 0 : i32
      %dma_wait3A_420 = tpu.memref_slice %arg9[%dma_wait3A_416, %dma_wait3A_418, %dma_wait3A_419] : memref<8x128x16xf32, #tpu.memory_space<vmem>> -> memref<1x128x16xf32, #tpu.memory_space<vmem>>
      %dma_wait3A_421 = tpu.memref_squeeze %dma_wait3A_420 : memref<1x128x16xf32, #tpu.memory_space<vmem>> -> memref<128x16xf32, #tpu.memory_space<vmem>>
      %dma_wait3A_422 = arith.constant 0 : i32
      %dma_wait3A_423 = tpu.memref_slice %arg7[%dma_wait3A_415, %dma_wait3A_422] : memref<80x128xi32, #tpu.memory_space<vmem>> -> memref<1x128xi32, #tpu.memory_space<vmem>>
      %dma_wait3A_424 = tpu.memref_squeeze %dma_wait3A_423 : memref<1x128xi32, #tpu.memory_space<vmem>> -> memref<128xi32, #tpu.memory_space<vmem>>
      %dma_wait3A_425 = arith.constant 0 : i32
      %dma_wait3A_426 = arith.constant 0 : i32
      %dma_wait3A_427 = tpu.memref_slice %arg2[%dma_wait3A_425, %dma_wait3A_426] : memref<10240x16xf32, #tpu.memory_space<hbm>> -> memref<10240x16xf32, #tpu.memory_space<hbm>>
      %dma_wait3A_428 = tpu.memref_slice %arg11[%dma_wait3A_417] : memref<8x!tpu.dma_semaphore, #tpu.memory_space<semaphore_mem>> -> memref<1x!tpu.dma_semaphore, #tpu.memory_space<semaphore_mem>>
      %dma_wait3A_429 = tpu.memref_squeeze %dma_wait3A_428 : memref<1x!tpu.dma_semaphore, #tpu.memory_space<semaphore_mem>> -> memref<!tpu.dma_semaphore, #tpu.memory_space<semaphore_mem>>
      tpu.wait_indirect_dma semaphore(%dma_wait3A_429 : memref<!tpu.dma_semaphore, #tpu.memory_space<semaphore_mem>>) src(%dma_wait3A_427 : memref<10240x16xf32, #tpu.memory_space<hbm>>) dst(%dma_wait3A_421 : memref<128x16xf32, #tpu.memory_space<vmem>>)
      %add3A_430 = arith.constant 5 : i32
      %add3A_431 = arith.addi %mul3A_259, %add3A_430 : i32
      %dma_start3A_432 = arith.constant 5 : i32
      %dma_start3A_433 = arith.constant 5 : i32
      %dma_start3A_434 = arith.constant 0 : i32
      %dma_start3A_435 = arith.constant 0 : i32
      %dma_start3A_436 = tpu.memref_slice %arg9[%dma_start3A_432, %dma_start3A_434, %dma_start3A_435] : memref<8x128x16xf32, #tpu.memory_space<vmem>> -> memref<1x128x16xf32, #tpu.memory_space<vmem>>
      %dma_start3A_437 = tpu.memref_squeeze %dma_start3A_436 : memref<1x128x16xf32, #tpu.memory_space<vmem>> -> memref<128x16xf32, #tpu.memory_space<vmem>>
      %dma_start3A_438 = arith.constant 0 : i32
      %dma_start3A_439 = tpu.memref_slice %arg8[%add3A_431, %dma_start3A_438] : memref<80x128xi32, #tpu.memory_space<vmem>> -> memref<1x128xi32, #tpu.memory_space<vmem>>
      %dma_start3A_440 = tpu.memref_squeeze %dma_start3A_439 : memref<1x128xi32, #tpu.memory_space<vmem>> -> memref<128xi32, #tpu.memory_space<vmem>>
      %dma_start3A_441 = arith.constant 0 : i32
      %dma_start3A_442 = arith.constant 0 : i32
      %dma_start3A_443 = tpu.memref_slice %arg10[%dma_start3A_441, %dma_start3A_442] : memref<10240x16xf32, #tpu.memory_space<vmem_shared>> -> memref<10240x16xf32, #tpu.memory_space<vmem_shared>>
      %dma_start3A_444 = tpu.memref_slice %arg12[%dma_start3A_433] : memref<8x!tpu.dma_semaphore, #tpu.memory_space<semaphore_mem>> -> memref<1x!tpu.dma_semaphore, #tpu.memory_space<semaphore_mem>>
      %dma_start3A_445 = tpu.memref_squeeze %dma_start3A_444 : memref<1x!tpu.dma_semaphore, #tpu.memory_space<semaphore_mem>> -> memref<!tpu.dma_semaphore, #tpu.memory_space<semaphore_mem>>
      tpu.enqueue_indirect_dma source(%dma_start3A_437 : memref<128x16xf32, #tpu.memory_space<vmem>>) target(%dma_start3A_443 : memref<10240x16xf32, #tpu.memory_space<vmem_shared>>) offsets(%dma_start3A_440 : memref<128xi32, #tpu.memory_space<vmem>>) semaphore(%dma_start3A_445 : memref<!tpu.dma_semaphore, #tpu.memory_space<semaphore_mem>>) {add = true}
      %dma_wait3A_446 = arith.constant 0 : i32
      %dma_wait3A_447 = arith.constant 6 : i32
      %dma_wait3A_448 = arith.constant 6 : i32
      %dma_wait3A_449 = arith.constant 0 : i32
      %dma_wait3A_450 = arith.constant 0 : i32
      %dma_wait3A_451 = tpu.memref_slice %arg9[%dma_wait3A_447, %dma_wait3A_449, %dma_wait3A_450] : memref<8x128x16xf32, #tpu.memory_space<vmem>> -> memref<1x128x16xf32, #tpu.memory_space<vmem>>
      %dma_wait3A_452 = tpu.memref_squeeze %dma_wait3A_451 : memref<1x128x16xf32, #tpu.memory_space<vmem>> -> memref<128x16xf32, #tpu.memory_space<vmem>>
      %dma_wait3A_453 = arith.constant 0 : i32
      %dma_wait3A_454 = tpu.memref_slice %arg7[%dma_wait3A_446, %dma_wait3A_453] : memref<80x128xi32, #tpu.memory_space<vmem>> -> memref<1x128xi32, #tpu.memory_space<vmem>>
      %dma_wait3A_455 = tpu.memref_squeeze %dma_wait3A_454 : memref<1x128xi32, #tpu.memory_space<vmem>> -> memref<128xi32, #tpu.memory_space<vmem>>
      %dma_wait3A_456 = arith.constant 0 : i32
      %dma_wait3A_457 = arith.constant 0 : i32
      %dma_wait3A_458 = tpu.memref_slice %arg2[%dma_wait3A_456, %dma_wait3A_457] : memref<10240x16xf32, #tpu.memory_space<hbm>> -> memref<10240x16xf32, #tpu.memory_space<hbm>>
      %dma_wait3A_459 = tpu.memref_slice %arg11[%dma_wait3A_448] : memref<8x!tpu.dma_semaphore, #tpu.memory_space<semaphore_mem>> -> memref<1x!tpu.dma_semaphore, #tpu.memory_space<semaphore_mem>>
      %dma_wait3A_460 = tpu.memref_squeeze %dma_wait3A_459 : memref<1x!tpu.dma_semaphore, #tpu.memory_space<semaphore_mem>> -> memref<!tpu.dma_semaphore, #tpu.memory_space<semaphore_mem>>
      tpu.wait_indirect_dma semaphore(%dma_wait3A_460 : memref<!tpu.dma_semaphore, #tpu.memory_space<semaphore_mem>>) src(%dma_wait3A_458 : memref<10240x16xf32, #tpu.memory_space<hbm>>) dst(%dma_wait3A_452 : memref<128x16xf32, #tpu.memory_space<vmem>>)
      %add3A_461 = arith.constant 6 : i32
      %add3A_462 = arith.addi %mul3A_259, %add3A_461 : i32
      %dma_start3A_463 = arith.constant 6 : i32
      %dma_start3A_464 = arith.constant 6 : i32
      %dma_start3A_465 = arith.constant 0 : i32
      %dma_start3A_466 = arith.constant 0 : i32
      %dma_start3A_467 = tpu.memref_slice %arg9[%dma_start3A_463, %dma_start3A_465, %dma_start3A_466] : memref<8x128x16xf32, #tpu.memory_space<vmem>> -> memref<1x128x16xf32, #tpu.memory_space<vmem>>
      %dma_start3A_468 = tpu.memref_squeeze %dma_start3A_467 : memref<1x128x16xf32, #tpu.memory_space<vmem>> -> memref<128x16xf32, #tpu.memory_space<vmem>>
      %dma_start3A_469 = arith.constant 0 : i32
      %dma_start3A_470 = tpu.memref_slice %arg8[%add3A_462, %dma_start3A_469] : memref<80x128xi32, #tpu.memory_space<vmem>> -> memref<1x128xi32, #tpu.memory_space<vmem>>
      %dma_start3A_471 = tpu.memref_squeeze %dma_start3A_470 : memref<1x128xi32, #tpu.memory_space<vmem>> -> memref<128xi32, #tpu.memory_space<vmem>>
      %dma_start3A_472 = arith.constant 0 : i32
      %dma_start3A_473 = arith.constant 0 : i32
      %dma_start3A_474 = tpu.memref_slice %arg10[%dma_start3A_472, %dma_start3A_473] : memref<10240x16xf32, #tpu.memory_space<vmem_shared>> -> memref<10240x16xf32, #tpu.memory_space<vmem_shared>>
      %dma_start3A_475 = tpu.memref_slice %arg12[%dma_start3A_464] : memref<8x!tpu.dma_semaphore, #tpu.memory_space<semaphore_mem>> -> memref<1x!tpu.dma_semaphore, #tpu.memory_space<semaphore_mem>>
      %dma_start3A_476 = tpu.memref_squeeze %dma_start3A_475 : memref<1x!tpu.dma_semaphore, #tpu.memory_space<semaphore_mem>> -> memref<!tpu.dma_semaphore, #tpu.memory_space<semaphore_mem>>
      tpu.enqueue_indirect_dma source(%dma_start3A_468 : memref<128x16xf32, #tpu.memory_space<vmem>>) target(%dma_start3A_474 : memref<10240x16xf32, #tpu.memory_space<vmem_shared>>) offsets(%dma_start3A_471 : memref<128xi32, #tpu.memory_space<vmem>>) semaphore(%dma_start3A_476 : memref<!tpu.dma_semaphore, #tpu.memory_space<semaphore_mem>>) {add = true}
      %dma_wait3A_477 = arith.constant 0 : i32
      %dma_wait3A_478 = arith.constant 7 : i32
      %dma_wait3A_479 = arith.constant 7 : i32
      %dma_wait3A_480 = arith.constant 0 : i32
      %dma_wait3A_481 = arith.constant 0 : i32
      %dma_wait3A_482 = tpu.memref_slice %arg9[%dma_wait3A_478, %dma_wait3A_480, %dma_wait3A_481] : memref<8x128x16xf32, #tpu.memory_space<vmem>> -> memref<1x128x16xf32, #tpu.memory_space<vmem>>
      %dma_wait3A_483 = tpu.memref_squeeze %dma_wait3A_482 : memref<1x128x16xf32, #tpu.memory_space<vmem>> -> memref<128x16xf32, #tpu.memory_space<vmem>>
      %dma_wait3A_484 = arith.constant 0 : i32
      %dma_wait3A_485 = tpu.memref_slice %arg7[%dma_wait3A_477, %dma_wait3A_484] : memref<80x128xi32, #tpu.memory_space<vmem>> -> memref<1x128xi32, #tpu.memory_space<vmem>>
      %dma_wait3A_486 = tpu.memref_squeeze %dma_wait3A_485 : memref<1x128xi32, #tpu.memory_space<vmem>> -> memref<128xi32, #tpu.memory_space<vmem>>
      %dma_wait3A_487 = arith.constant 0 : i32
      %dma_wait3A_488 = arith.constant 0 : i32
      %dma_wait3A_489 = tpu.memref_slice %arg2[%dma_wait3A_487, %dma_wait3A_488] : memref<10240x16xf32, #tpu.memory_space<hbm>> -> memref<10240x16xf32, #tpu.memory_space<hbm>>
      %dma_wait3A_490 = tpu.memref_slice %arg11[%dma_wait3A_479] : memref<8x!tpu.dma_semaphore, #tpu.memory_space<semaphore_mem>> -> memref<1x!tpu.dma_semaphore, #tpu.memory_space<semaphore_mem>>
      %dma_wait3A_491 = tpu.memref_squeeze %dma_wait3A_490 : memref<1x!tpu.dma_semaphore, #tpu.memory_space<semaphore_mem>> -> memref<!tpu.dma_semaphore, #tpu.memory_space<semaphore_mem>>
      tpu.wait_indirect_dma semaphore(%dma_wait3A_491 : memref<!tpu.dma_semaphore, #tpu.memory_space<semaphore_mem>>) src(%dma_wait3A_489 : memref<10240x16xf32, #tpu.memory_space<hbm>>) dst(%dma_wait3A_483 : memref<128x16xf32, #tpu.memory_space<vmem>>)
      %add3A_492 = arith.constant 7 : i32
      %add3A_493 = arith.addi %mul3A_259, %add3A_492 : i32
      %dma_start3A_494 = arith.constant 7 : i32
      %dma_start3A_495 = arith.constant 7 : i32
      %dma_start3A_496 = arith.constant 0 : i32
      %dma_start3A_497 = arith.constant 0 : i32
      %dma_start3A_498 = tpu.memref_slice %arg9[%dma_start3A_494, %dma_start3A_496, %dma_start3A_497] : memref<8x128x16xf32, #tpu.memory_space<vmem>> -> memref<1x128x16xf32, #tpu.memory_space<vmem>>
      %dma_start3A_499 = tpu.memref_squeeze %dma_start3A_498 : memref<1x128x16xf32, #tpu.memory_space<vmem>> -> memref<128x16xf32, #tpu.memory_space<vmem>>
      %dma_start3A_500 = arith.constant 0 : i32
      %dma_start3A_501 = tpu.memref_slice %arg8[%add3A_493, %dma_start3A_500] : memref<80x128xi32, #tpu.memory_space<vmem>> -> memref<1x128xi32, #tpu.memory_space<vmem>>
      %dma_start3A_502 = tpu.memref_squeeze %dma_start3A_501 : memref<1x128xi32, #tpu.memory_space<vmem>> -> memref<128xi32, #tpu.memory_space<vmem>>
      %dma_start3A_503 = arith.constant 0 : i32
      %dma_start3A_504 = arith.constant 0 : i32
      %dma_start3A_505 = tpu.memref_slice %arg10[%dma_start3A_503, %dma_start3A_504] : memref<10240x16xf32, #tpu.memory_space<vmem_shared>> -> memref<10240x16xf32, #tpu.memory_space<vmem_shared>>
      %dma_start3A_506 = tpu.memref_slice %arg12[%dma_start3A_495] : memref<8x!tpu.dma_semaphore, #tpu.memory_space<semaphore_mem>> -> memref<1x!tpu.dma_semaphore, #tpu.memory_space<semaphore_mem>>
      %dma_start3A_507 = tpu.memref_squeeze %dma_start3A_506 : memref<1x!tpu.dma_semaphore, #tpu.memory_space<semaphore_mem>> -> memref<!tpu.dma_semaphore, #tpu.memory_space<semaphore_mem>>
      tpu.enqueue_indirect_dma source(%dma_start3A_499 : memref<128x16xf32, #tpu.memory_space<vmem>>) target(%dma_start3A_505 : memref<10240x16xf32, #tpu.memory_space<vmem_shared>>) offsets(%dma_start3A_502 : memref<128xi32, #tpu.memory_space<vmem>>) semaphore(%dma_start3A_507 : memref<!tpu.dma_semaphore, #tpu.memory_space<semaphore_mem>>) {add = true}
      %dma_wait3A_508 = arith.constant 0 : i32
      %dma_wait3A_509 = arith.constant 0 : i32
      %dma_wait3A_510 = arith.constant 0 : i32
      %dma_wait3A_511 = arith.constant 0 : i32
      %dma_wait3A_512 = arith.constant 0 : i32
      %dma_wait3A_513 = tpu.memref_slice %arg9[%dma_wait3A_508, %dma_wait3A_511, %dma_wait3A_512] : memref<8x128x16xf32, #tpu.memory_space<vmem>> -> memref<1x128x16xf32, #tpu.memory_space<vmem>>
      %dma_wait3A_514 = tpu.memref_squeeze %dma_wait3A_513 : memref<1x128x16xf32, #tpu.memory_space<vmem>> -> memref<128x16xf32, #tpu.memory_space<vmem>>
      %dma_wait3A_515 = arith.constant 0 : i32
      %dma_wait3A_516 = tpu.memref_slice %arg8[%dma_wait3A_509, %dma_wait3A_515] : memref<80x128xi32, #tpu.memory_space<vmem>> -> memref<1x128xi32, #tpu.memory_space<vmem>>
      %dma_wait3A_517 = tpu.memref_squeeze %dma_wait3A_516 : memref<1x128xi32, #tpu.memory_space<vmem>> -> memref<128xi32, #tpu.memory_space<vmem>>
      %dma_wait3A_518 = arith.constant 0 : i32
      %dma_wait3A_519 = arith.constant 0 : i32
      %dma_wait3A_520 = tpu.memref_slice %arg10[%dma_wait3A_518, %dma_wait3A_519] : memref<10240x16xf32, #tpu.memory_space<vmem_shared>> -> memref<10240x16xf32, #tpu.memory_space<vmem_shared>>
      %dma_wait3A_521 = tpu.memref_slice %arg12[%dma_wait3A_510] : memref<8x!tpu.dma_semaphore, #tpu.memory_space<semaphore_mem>> -> memref<1x!tpu.dma_semaphore, #tpu.memory_space<semaphore_mem>>
      %dma_wait3A_522 = tpu.memref_squeeze %dma_wait3A_521 : memref<1x!tpu.dma_semaphore, #tpu.memory_space<semaphore_mem>> -> memref<!tpu.dma_semaphore, #tpu.memory_space<semaphore_mem>>
      tpu.wait_indirect_dma semaphore(%dma_wait3A_522 : memref<!tpu.dma_semaphore, #tpu.memory_space<semaphore_mem>>) src(%dma_wait3A_514 : memref<128x16xf32, #tpu.memory_space<vmem>>) dst(%dma_wait3A_520 : memref<10240x16xf32, #tpu.memory_space<vmem_shared>>)
      %add3A_523 = arith.constant 8 : i32
      %add3A_524 = arith.addi %mul3A_259, %add3A_523 : i32
      %add3A_525 = arith.constant 0 : i32
      %add3A_526 = arith.addi %add3A_524, %add3A_525 : i32
      %min3A = arith.constant 79 : i32
      %min3A_527 = arith.minsi %add3A_526, %min3A : i32
      %dma_start3A_528 = arith.constant 0 : i32
      %dma_start3A_529 = arith.constant 0 : i32
      %dma_start3A_530 = arith.constant 0 : i32
      %dma_start3A_531 = arith.constant 0 : i32
      %dma_start3A_532 = tpu.memref_slice %arg9[%dma_start3A_528, %dma_start3A_530, %dma_start3A_531] : memref<8x128x16xf32, #tpu.memory_space<vmem>> -> memref<1x128x16xf32, #tpu.memory_space<vmem>>
      %dma_start3A_533 = tpu.memref_squeeze %dma_start3A_532 : memref<1x128x16xf32, #tpu.memory_space<vmem>> -> memref<128x16xf32, #tpu.memory_space<vmem>>
      %dma_start3A_534 = arith.constant 0 : i32
      %dma_start3A_535 = tpu.memref_slice %arg7[%min3A_527, %dma_start3A_534] : memref<80x128xi32, #tpu.memory_space<vmem>> -> memref<1x128xi32, #tpu.memory_space<vmem>>
      %dma_start3A_536 = tpu.memref_squeeze %dma_start3A_535 : memref<1x128xi32, #tpu.memory_space<vmem>> -> memref<128xi32, #tpu.memory_space<vmem>>
      %dma_start3A_537 = arith.constant 0 : i32
      %dma_start3A_538 = arith.constant 0 : i32
      %dma_start3A_539 = tpu.memref_slice %arg2[%dma_start3A_537, %dma_start3A_538] : memref<10240x16xf32, #tpu.memory_space<hbm>> -> memref<10240x16xf32, #tpu.memory_space<hbm>>
      %dma_start3A_540 = tpu.memref_slice %arg11[%dma_start3A_529] : memref<8x!tpu.dma_semaphore, #tpu.memory_space<semaphore_mem>> -> memref<1x!tpu.dma_semaphore, #tpu.memory_space<semaphore_mem>>
      %dma_start3A_541 = tpu.memref_squeeze %dma_start3A_540 : memref<1x!tpu.dma_semaphore, #tpu.memory_space<semaphore_mem>> -> memref<!tpu.dma_semaphore, #tpu.memory_space<semaphore_mem>>
      tpu.enqueue_indirect_dma source(%dma_start3A_539 : memref<10240x16xf32, #tpu.memory_space<hbm>>) target(%dma_start3A_533 : memref<128x16xf32, #tpu.memory_space<vmem>>) offsets(%dma_start3A_536 : memref<128xi32, #tpu.memory_space<vmem>>) semaphore(%dma_start3A_541 : memref<!tpu.dma_semaphore, #tpu.memory_space<semaphore_mem>>)
      %dma_wait3A_542 = arith.constant 1 : i32
      %dma_wait3A_543 = arith.constant 0 : i32
      %dma_wait3A_544 = arith.constant 1 : i32
      %dma_wait3A_545 = arith.constant 0 : i32
      %dma_wait3A_546 = arith.constant 0 : i32
      %dma_wait3A_547 = tpu.memref_slice %arg9[%dma_wait3A_542, %dma_wait3A_545, %dma_wait3A_546] : memref<8x128x16xf32, #tpu.memory_space<vmem>> -> memref<1x128x16xf32, #tpu.memory_space<vmem>>
      %dma_wait3A_548 = tpu.memref_squeeze %dma_wait3A_547 : memref<1x128x16xf32, #tpu.memory_space<vmem>> -> memref<128x16xf32, #tpu.memory_space<vmem>>
      %dma_wait3A_549 = arith.constant 0 : i32
      %dma_wait3A_550 = tpu.memref_slice %arg8[%dma_wait3A_543, %dma_wait3A_549] : memref<80x128xi32, #tpu.memory_space<vmem>> -> memref<1x128xi32, #tpu.memory_space<vmem>>
      %dma_wait3A_551 = tpu.memref_squeeze %dma_wait3A_550 : memref<1x128xi32, #tpu.memory_space<vmem>> -> memref<128xi32, #tpu.memory_space<vmem>>
      %dma_wait3A_552 = arith.constant 0 : i32
      %dma_wait3A_553 = arith.constant 0 : i32
      %dma_wait3A_554 = tpu.memref_slice %arg10[%dma_wait3A_552, %dma_wait3A_553] : memref<10240x16xf32, #tpu.memory_space<vmem_shared>> -> memref<10240x16xf32, #tpu.memory_space<vmem_shared>>
      %dma_wait3A_555 = tpu.memref_slice %arg12[%dma_wait3A_544] : memref<8x!tpu.dma_semaphore, #tpu.memory_space<semaphore_mem>> -> memref<1x!tpu.dma_semaphore, #tpu.memory_space<semaphore_mem>>
      %dma_wait3A_556 = tpu.memref_squeeze %dma_wait3A_555 : memref<1x!tpu.dma_semaphore, #tpu.memory_space<semaphore_mem>> -> memref<!tpu.dma_semaphore, #tpu.memory_space<semaphore_mem>>
      tpu.wait_indirect_dma semaphore(%dma_wait3A_556 : memref<!tpu.dma_semaphore, #tpu.memory_space<semaphore_mem>>) src(%dma_wait3A_548 : memref<128x16xf32, #tpu.memory_space<vmem>>) dst(%dma_wait3A_554 : memref<10240x16xf32, #tpu.memory_space<vmem_shared>>)
      %add3A_557 = arith.constant 8 : i32
      %add3A_558 = arith.addi %mul3A_259, %add3A_557 : i32
      %add3A_559 = arith.constant 1 : i32
      %add3A_560 = arith.addi %add3A_558, %add3A_559 : i32
      %min3A_561 = arith.constant 79 : i32
      %min3A_562 = arith.minsi %add3A_560, %min3A_561 : i32
      %dma_start3A_563 = arith.constant 1 : i32
      %dma_start3A_564 = arith.constant 1 : i32
      %dma_start3A_565 = arith.constant 0 : i32
      %dma_start3A_566 = arith.constant 0 : i32
      %dma_start3A_567 = tpu.memref_slice %arg9[%dma_start3A_563, %dma_start3A_565, %dma_start3A_566] : memref<8x128x16xf32, #tpu.memory_space<vmem>> -> memref<1x128x16xf32, #tpu.memory_space<vmem>>
      %dma_start3A_568 = tpu.memref_squeeze %dma_start3A_567 : memref<1x128x16xf32, #tpu.memory_space<vmem>> -> memref<128x16xf32, #tpu.memory_space<vmem>>
      %dma_start3A_569 = arith.constant 0 : i32
      %dma_start3A_570 = tpu.memref_slice %arg7[%min3A_562, %dma_start3A_569] : memref<80x128xi32, #tpu.memory_space<vmem>> -> memref<1x128xi32, #tpu.memory_space<vmem>>
      %dma_start3A_571 = tpu.memref_squeeze %dma_start3A_570 : memref<1x128xi32, #tpu.memory_space<vmem>> -> memref<128xi32, #tpu.memory_space<vmem>>
      %dma_start3A_572 = arith.constant 0 : i32
      %dma_start3A_573 = arith.constant 0 : i32
      %dma_start3A_574 = tpu.memref_slice %arg2[%dma_start3A_572, %dma_start3A_573] : memref<10240x16xf32, #tpu.memory_space<hbm>> -> memref<10240x16xf32, #tpu.memory_space<hbm>>
      %dma_start3A_575 = tpu.memref_slice %arg11[%dma_start3A_564] : memref<8x!tpu.dma_semaphore, #tpu.memory_space<semaphore_mem>> -> memref<1x!tpu.dma_semaphore, #tpu.memory_space<semaphore_mem>>
      %dma_start3A_576 = tpu.memref_squeeze %dma_start3A_575 : memref<1x!tpu.dma_semaphore, #tpu.memory_space<semaphore_mem>> -> memref<!tpu.dma_semaphore, #tpu.memory_space<semaphore_mem>>
      tpu.enqueue_indirect_dma source(%dma_start3A_574 : memref<10240x16xf32, #tpu.memory_space<hbm>>) target(%dma_start3A_568 : memref<128x16xf32, #tpu.memory_space<vmem>>) offsets(%dma_start3A_571 : memref<128xi32, #tpu.memory_space<vmem>>) semaphore(%dma_start3A_576 : memref<!tpu.dma_semaphore, #tpu.memory_space<semaphore_mem>>)
      %dma_wait3A_577 = arith.constant 2 : i32
      %dma_wait3A_578 = arith.constant 0 : i32
      %dma_wait3A_579 = arith.constant 2 : i32
      %dma_wait3A_580 = arith.constant 0 : i32
      %dma_wait3A_581 = arith.constant 0 : i32
      %dma_wait3A_582 = tpu.memref_slice %arg9[%dma_wait3A_577, %dma_wait3A_580, %dma_wait3A_581] : memref<8x128x16xf32, #tpu.memory_space<vmem>> -> memref<1x128x16xf32, #tpu.memory_space<vmem>>
      %dma_wait3A_583 = tpu.memref_squeeze %dma_wait3A_582 : memref<1x128x16xf32, #tpu.memory_space<vmem>> -> memref<128x16xf32, #tpu.memory_space<vmem>>
      %dma_wait3A_584 = arith.constant 0 : i32
      %dma_wait3A_585 = tpu.memref_slice %arg8[%dma_wait3A_578, %dma_wait3A_584] : memref<80x128xi32, #tpu.memory_space<vmem>> -> memref<1x128xi32, #tpu.memory_space<vmem>>
      %dma_wait3A_586 = tpu.memref_squeeze %dma_wait3A_585 : memref<1x128xi32, #tpu.memory_space<vmem>> -> memref<128xi32, #tpu.memory_space<vmem>>
      %dma_wait3A_587 = arith.constant 0 : i32
      %dma_wait3A_588 = arith.constant 0 : i32
      %dma_wait3A_589 = tpu.memref_slice %arg10[%dma_wait3A_587, %dma_wait3A_588] : memref<10240x16xf32, #tpu.memory_space<vmem_shared>> -> memref<10240x16xf32, #tpu.memory_space<vmem_shared>>
      %dma_wait3A_590 = tpu.memref_slice %arg12[%dma_wait3A_579] : memref<8x!tpu.dma_semaphore, #tpu.memory_space<semaphore_mem>> -> memref<1x!tpu.dma_semaphore, #tpu.memory_space<semaphore_mem>>
      %dma_wait3A_591 = tpu.memref_squeeze %dma_wait3A_590 : memref<1x!tpu.dma_semaphore, #tpu.memory_space<semaphore_mem>> -> memref<!tpu.dma_semaphore, #tpu.memory_space<semaphore_mem>>
      tpu.wait_indirect_dma semaphore(%dma_wait3A_591 : memref<!tpu.dma_semaphore, #tpu.memory_space<semaphore_mem>>) src(%dma_wait3A_583 : memref<128x16xf32, #tpu.memory_space<vmem>>) dst(%dma_wait3A_589 : memref<10240x16xf32, #tpu.memory_space<vmem_shared>>)
      %add3A_592 = arith.constant 8 : i32
      %add3A_593 = arith.addi %mul3A_259, %add3A_592 : i32
      %add3A_594 = arith.constant 2 : i32
      %add3A_595 = arith.addi %add3A_593, %add3A_594 : i32
      %min3A_596 = arith.constant 79 : i32
      %min3A_597 = arith.minsi %add3A_595, %min3A_596 : i32
      %dma_start3A_598 = arith.constant 2 : i32
      %dma_start3A_599 = arith.constant 2 : i32
      %dma_start3A_600 = arith.constant 0 : i32
      %dma_start3A_601 = arith.constant 0 : i32
      %dma_start3A_602 = tpu.memref_slice %arg9[%dma_start3A_598, %dma_start3A_600, %dma_start3A_601] : memref<8x128x16xf32, #tpu.memory_space<vmem>> -> memref<1x128x16xf32, #tpu.memory_space<vmem>>
      %dma_start3A_603 = tpu.memref_squeeze %dma_start3A_602 : memref<1x128x16xf32, #tpu.memory_space<vmem>> -> memref<128x16xf32, #tpu.memory_space<vmem>>
      %dma_start3A_604 = arith.constant 0 : i32
      %dma_start3A_605 = tpu.memref_slice %arg7[%min3A_597, %dma_start3A_604] : memref<80x128xi32, #tpu.memory_space<vmem>> -> memref<1x128xi32, #tpu.memory_space<vmem>>
      %dma_start3A_606 = tpu.memref_squeeze %dma_start3A_605 : memref<1x128xi32, #tpu.memory_space<vmem>> -> memref<128xi32, #tpu.memory_space<vmem>>
      %dma_start3A_607 = arith.constant 0 : i32
      %dma_start3A_608 = arith.constant 0 : i32
      %dma_start3A_609 = tpu.memref_slice %arg2[%dma_start3A_607, %dma_start3A_608] : memref<10240x16xf32, #tpu.memory_space<hbm>> -> memref<10240x16xf32, #tpu.memory_space<hbm>>
      %dma_start3A_610 = tpu.memref_slice %arg11[%dma_start3A_599] : memref<8x!tpu.dma_semaphore, #tpu.memory_space<semaphore_mem>> -> memref<1x!tpu.dma_semaphore, #tpu.memory_space<semaphore_mem>>
      %dma_start3A_611 = tpu.memref_squeeze %dma_start3A_610 : memref<1x!tpu.dma_semaphore, #tpu.memory_space<semaphore_mem>> -> memref<!tpu.dma_semaphore, #tpu.memory_space<semaphore_mem>>
      tpu.enqueue_indirect_dma source(%dma_start3A_609 : memref<10240x16xf32, #tpu.memory_space<hbm>>) target(%dma_start3A_603 : memref<128x16xf32, #tpu.memory_space<vmem>>) offsets(%dma_start3A_606 : memref<128xi32, #tpu.memory_space<vmem>>) semaphore(%dma_start3A_611 : memref<!tpu.dma_semaphore, #tpu.memory_space<semaphore_mem>>)
      %dma_wait3A_612 = arith.constant 3 : i32
      %dma_wait3A_613 = arith.constant 0 : i32
      %dma_wait3A_614 = arith.constant 3 : i32
      %dma_wait3A_615 = arith.constant 0 : i32
      %dma_wait3A_616 = arith.constant 0 : i32
      %dma_wait3A_617 = tpu.memref_slice %arg9[%dma_wait3A_612, %dma_wait3A_615, %dma_wait3A_616] : memref<8x128x16xf32, #tpu.memory_space<vmem>> -> memref<1x128x16xf32, #tpu.memory_space<vmem>>
      %dma_wait3A_618 = tpu.memref_squeeze %dma_wait3A_617 : memref<1x128x16xf32, #tpu.memory_space<vmem>> -> memref<128x16xf32, #tpu.memory_space<vmem>>
      %dma_wait3A_619 = arith.constant 0 : i32
      %dma_wait3A_620 = tpu.memref_slice %arg8[%dma_wait3A_613, %dma_wait3A_619] : memref<80x128xi32, #tpu.memory_space<vmem>> -> memref<1x128xi32, #tpu.memory_space<vmem>>
      %dma_wait3A_621 = tpu.memref_squeeze %dma_wait3A_620 : memref<1x128xi32, #tpu.memory_space<vmem>> -> memref<128xi32, #tpu.memory_space<vmem>>
      %dma_wait3A_622 = arith.constant 0 : i32
      %dma_wait3A_623 = arith.constant 0 : i32
      %dma_wait3A_624 = tpu.memref_slice %arg10[%dma_wait3A_622, %dma_wait3A_623] : memref<10240x16xf32, #tpu.memory_space<vmem_shared>> -> memref<10240x16xf32, #tpu.memory_space<vmem_shared>>
      %dma_wait3A_625 = tpu.memref_slice %arg12[%dma_wait3A_614] : memref<8x!tpu.dma_semaphore, #tpu.memory_space<semaphore_mem>> -> memref<1x!tpu.dma_semaphore, #tpu.memory_space<semaphore_mem>>
      %dma_wait3A_626 = tpu.memref_squeeze %dma_wait3A_625 : memref<1x!tpu.dma_semaphore, #tpu.memory_space<semaphore_mem>> -> memref<!tpu.dma_semaphore, #tpu.memory_space<semaphore_mem>>
      tpu.wait_indirect_dma semaphore(%dma_wait3A_626 : memref<!tpu.dma_semaphore, #tpu.memory_space<semaphore_mem>>) src(%dma_wait3A_618 : memref<128x16xf32, #tpu.memory_space<vmem>>) dst(%dma_wait3A_624 : memref<10240x16xf32, #tpu.memory_space<vmem_shared>>)
      %add3A_627 = arith.constant 8 : i32
      %add3A_628 = arith.addi %mul3A_259, %add3A_627 : i32
      %add3A_629 = arith.constant 3 : i32
      %add3A_630 = arith.addi %add3A_628, %add3A_629 : i32
      %min3A_631 = arith.constant 79 : i32
      %min3A_632 = arith.minsi %add3A_630, %min3A_631 : i32
      %dma_start3A_633 = arith.constant 3 : i32
      %dma_start3A_634 = arith.constant 3 : i32
      %dma_start3A_635 = arith.constant 0 : i32
      %dma_start3A_636 = arith.constant 0 : i32
      %dma_start3A_637 = tpu.memref_slice %arg9[%dma_start3A_633, %dma_start3A_635, %dma_start3A_636] : memref<8x128x16xf32, #tpu.memory_space<vmem>> -> memref<1x128x16xf32, #tpu.memory_space<vmem>>
      %dma_start3A_638 = tpu.memref_squeeze %dma_start3A_637 : memref<1x128x16xf32, #tpu.memory_space<vmem>> -> memref<128x16xf32, #tpu.memory_space<vmem>>
      %dma_start3A_639 = arith.constant 0 : i32
      %dma_start3A_640 = tpu.memref_slice %arg7[%min3A_632, %dma_start3A_639] : memref<80x128xi32, #tpu.memory_space<vmem>> -> memref<1x128xi32, #tpu.memory_space<vmem>>
      %dma_start3A_641 = tpu.memref_squeeze %dma_start3A_640 : memref<1x128xi32, #tpu.memory_space<vmem>> -> memref<128xi32, #tpu.memory_space<vmem>>
      %dma_start3A_642 = arith.constant 0 : i32
      %dma_start3A_643 = arith.constant 0 : i32
      %dma_start3A_644 = tpu.memref_slice %arg2[%dma_start3A_642, %dma_start3A_643] : memref<10240x16xf32, #tpu.memory_space<hbm>> -> memref<10240x16xf32, #tpu.memory_space<hbm>>
      %dma_start3A_645 = tpu.memref_slice %arg11[%dma_start3A_634] : memref<8x!tpu.dma_semaphore, #tpu.memory_space<semaphore_mem>> -> memref<1x!tpu.dma_semaphore, #tpu.memory_space<semaphore_mem>>
      %dma_start3A_646 = tpu.memref_squeeze %dma_start3A_645 : memref<1x!tpu.dma_semaphore, #tpu.memory_space<semaphore_mem>> -> memref<!tpu.dma_semaphore, #tpu.memory_space<semaphore_mem>>
      tpu.enqueue_indirect_dma source(%dma_start3A_644 : memref<10240x16xf32, #tpu.memory_space<hbm>>) target(%dma_start3A_638 : memref<128x16xf32, #tpu.memory_space<vmem>>) offsets(%dma_start3A_641 : memref<128xi32, #tpu.memory_space<vmem>>) semaphore(%dma_start3A_646 : memref<!tpu.dma_semaphore, #tpu.memory_space<semaphore_mem>>)
      %dma_wait3A_647 = arith.constant 4 : i32
      %dma_wait3A_648 = arith.constant 0 : i32
      %dma_wait3A_649 = arith.constant 4 : i32
      %dma_wait3A_650 = arith.constant 0 : i32
      %dma_wait3A_651 = arith.constant 0 : i32
      %dma_wait3A_652 = tpu.memref_slice %arg9[%dma_wait3A_647, %dma_wait3A_650, %dma_wait3A_651] : memref<8x128x16xf32, #tpu.memory_space<vmem>> -> memref<1x128x16xf32, #tpu.memory_space<vmem>>
      %dma_wait3A_653 = tpu.memref_squeeze %dma_wait3A_652 : memref<1x128x16xf32, #tpu.memory_space<vmem>> -> memref<128x16xf32, #tpu.memory_space<vmem>>
      %dma_wait3A_654 = arith.constant 0 : i32
      %dma_wait3A_655 = tpu.memref_slice %arg8[%dma_wait3A_648, %dma_wait3A_654] : memref<80x128xi32, #tpu.memory_space<vmem>> -> memref<1x128xi32, #tpu.memory_space<vmem>>
      %dma_wait3A_656 = tpu.memref_squeeze %dma_wait3A_655 : memref<1x128xi32, #tpu.memory_space<vmem>> -> memref<128xi32, #tpu.memory_space<vmem>>
      %dma_wait3A_657 = arith.constant 0 : i32
      %dma_wait3A_658 = arith.constant 0 : i32
      %dma_wait3A_659 = tpu.memref_slice %arg10[%dma_wait3A_657, %dma_wait3A_658] : memref<10240x16xf32, #tpu.memory_space<vmem_shared>> -> memref<10240x16xf32, #tpu.memory_space<vmem_shared>>
      %dma_wait3A_660 = tpu.memref_slice %arg12[%dma_wait3A_649] : memref<8x!tpu.dma_semaphore, #tpu.memory_space<semaphore_mem>> -> memref<1x!tpu.dma_semaphore, #tpu.memory_space<semaphore_mem>>
      %dma_wait3A_661 = tpu.memref_squeeze %dma_wait3A_660 : memref<1x!tpu.dma_semaphore, #tpu.memory_space<semaphore_mem>> -> memref<!tpu.dma_semaphore, #tpu.memory_space<semaphore_mem>>
      tpu.wait_indirect_dma semaphore(%dma_wait3A_661 : memref<!tpu.dma_semaphore, #tpu.memory_space<semaphore_mem>>) src(%dma_wait3A_653 : memref<128x16xf32, #tpu.memory_space<vmem>>) dst(%dma_wait3A_659 : memref<10240x16xf32, #tpu.memory_space<vmem_shared>>)
      %add3A_662 = arith.constant 8 : i32
      %add3A_663 = arith.addi %mul3A_259, %add3A_662 : i32
      %add3A_664 = arith.constant 4 : i32
      %add3A_665 = arith.addi %add3A_663, %add3A_664 : i32
      %min3A_666 = arith.constant 79 : i32
      %min3A_667 = arith.minsi %add3A_665, %min3A_666 : i32
      %dma_start3A_668 = arith.constant 4 : i32
      %dma_start3A_669 = arith.constant 4 : i32
      %dma_start3A_670 = arith.constant 0 : i32
      %dma_start3A_671 = arith.constant 0 : i32
      %dma_start3A_672 = tpu.memref_slice %arg9[%dma_start3A_668, %dma_start3A_670, %dma_start3A_671] : memref<8x128x16xf32, #tpu.memory_space<vmem>> -> memref<1x128x16xf32, #tpu.memory_space<vmem>>
      %dma_start3A_673 = tpu.memref_squeeze %dma_start3A_672 : memref<1x128x16xf32, #tpu.memory_space<vmem>> -> memref<128x16xf32, #tpu.memory_space<vmem>>
      %dma_start3A_674 = arith.constant 0 : i32
      %dma_start3A_675 = tpu.memref_slice %arg7[%min3A_667, %dma_start3A_674] : memref<80x128xi32, #tpu.memory_space<vmem>> -> memref<1x128xi32, #tpu.memory_space<vmem>>
      %dma_start3A_676 = tpu.memref_squeeze %dma_start3A_675 : memref<1x128xi32, #tpu.memory_space<vmem>> -> memref<128xi32, #tpu.memory_space<vmem>>
      %dma_start3A_677 = arith.constant 0 : i32
      %dma_start3A_678 = arith.constant 0 : i32
      %dma_start3A_679 = tpu.memref_slice %arg2[%dma_start3A_677, %dma_start3A_678] : memref<10240x16xf32, #tpu.memory_space<hbm>> -> memref<10240x16xf32, #tpu.memory_space<hbm>>
      %dma_start3A_680 = tpu.memref_slice %arg11[%dma_start3A_669] : memref<8x!tpu.dma_semaphore, #tpu.memory_space<semaphore_mem>> -> memref<1x!tpu.dma_semaphore, #tpu.memory_space<semaphore_mem>>
      %dma_start3A_681 = tpu.memref_squeeze %dma_start3A_680 : memref<1x!tpu.dma_semaphore, #tpu.memory_space<semaphore_mem>> -> memref<!tpu.dma_semaphore, #tpu.memory_space<semaphore_mem>>
      tpu.enqueue_indirect_dma source(%dma_start3A_679 : memref<10240x16xf32, #tpu.memory_space<hbm>>) target(%dma_start3A_673 : memref<128x16xf32, #tpu.memory_space<vmem>>) offsets(%dma_start3A_676 : memref<128xi32, #tpu.memory_space<vmem>>) semaphore(%dma_start3A_681 : memref<!tpu.dma_semaphore, #tpu.memory_space<semaphore_mem>>)
      %dma_wait3A_682 = arith.constant 5 : i32
      %dma_wait3A_683 = arith.constant 0 : i32
      %dma_wait3A_684 = arith.constant 5 : i32
      %dma_wait3A_685 = arith.constant 0 : i32
      %dma_wait3A_686 = arith.constant 0 : i32
      %dma_wait3A_687 = tpu.memref_slice %arg9[%dma_wait3A_682, %dma_wait3A_685, %dma_wait3A_686] : memref<8x128x16xf32, #tpu.memory_space<vmem>> -> memref<1x128x16xf32, #tpu.memory_space<vmem>>
      %dma_wait3A_688 = tpu.memref_squeeze %dma_wait3A_687 : memref<1x128x16xf32, #tpu.memory_space<vmem>> -> memref<128x16xf32, #tpu.memory_space<vmem>>
      %dma_wait3A_689 = arith.constant 0 : i32
      %dma_wait3A_690 = tpu.memref_slice %arg8[%dma_wait3A_683, %dma_wait3A_689] : memref<80x128xi32, #tpu.memory_space<vmem>> -> memref<1x128xi32, #tpu.memory_space<vmem>>
      %dma_wait3A_691 = tpu.memref_squeeze %dma_wait3A_690 : memref<1x128xi32, #tpu.memory_space<vmem>> -> memref<128xi32, #tpu.memory_space<vmem>>
      %dma_wait3A_692 = arith.constant 0 : i32
      %dma_wait3A_693 = arith.constant 0 : i32
      %dma_wait3A_694 = tpu.memref_slice %arg10[%dma_wait3A_692, %dma_wait3A_693] : memref<10240x16xf32, #tpu.memory_space<vmem_shared>> -> memref<10240x16xf32, #tpu.memory_space<vmem_shared>>
      %dma_wait3A_695 = tpu.memref_slice %arg12[%dma_wait3A_684] : memref<8x!tpu.dma_semaphore, #tpu.memory_space<semaphore_mem>> -> memref<1x!tpu.dma_semaphore, #tpu.memory_space<semaphore_mem>>
      %dma_wait3A_696 = tpu.memref_squeeze %dma_wait3A_695 : memref<1x!tpu.dma_semaphore, #tpu.memory_space<semaphore_mem>> -> memref<!tpu.dma_semaphore, #tpu.memory_space<semaphore_mem>>
      tpu.wait_indirect_dma semaphore(%dma_wait3A_696 : memref<!tpu.dma_semaphore, #tpu.memory_space<semaphore_mem>>) src(%dma_wait3A_688 : memref<128x16xf32, #tpu.memory_space<vmem>>) dst(%dma_wait3A_694 : memref<10240x16xf32, #tpu.memory_space<vmem_shared>>)
      %add3A_697 = arith.constant 8 : i32
      %add3A_698 = arith.addi %mul3A_259, %add3A_697 : i32
      %add3A_699 = arith.constant 5 : i32
      %add3A_700 = arith.addi %add3A_698, %add3A_699 : i32
      %min3A_701 = arith.constant 79 : i32
      %min3A_702 = arith.minsi %add3A_700, %min3A_701 : i32
      %dma_start3A_703 = arith.constant 5 : i32
      %dma_start3A_704 = arith.constant 5 : i32
      %dma_start3A_705 = arith.constant 0 : i32
      %dma_start3A_706 = arith.constant 0 : i32
      %dma_start3A_707 = tpu.memref_slice %arg9[%dma_start3A_703, %dma_start3A_705, %dma_start3A_706] : memref<8x128x16xf32, #tpu.memory_space<vmem>> -> memref<1x128x16xf32, #tpu.memory_space<vmem>>
      %dma_start3A_708 = tpu.memref_squeeze %dma_start3A_707 : memref<1x128x16xf32, #tpu.memory_space<vmem>> -> memref<128x16xf32, #tpu.memory_space<vmem>>
      %dma_start3A_709 = arith.constant 0 : i32
      %dma_start3A_710 = tpu.memref_slice %arg7[%min3A_702, %dma_start3A_709] : memref<80x128xi32, #tpu.memory_space<vmem>> -> memref<1x128xi32, #tpu.memory_space<vmem>>
      %dma_start3A_711 = tpu.memref_squeeze %dma_start3A_710 : memref<1x128xi32, #tpu.memory_space<vmem>> -> memref<128xi32, #tpu.memory_space<vmem>>
      %dma_start3A_712 = arith.constant 0 : i32
      %dma_start3A_713 = arith.constant 0 : i32
      %dma_start3A_714 = tpu.memref_slice %arg2[%dma_start3A_712, %dma_start3A_713] : memref<10240x16xf32, #tpu.memory_space<hbm>> -> memref<10240x16xf32, #tpu.memory_space<hbm>>
      %dma_start3A_715 = tpu.memref_slice %arg11[%dma_start3A_704] : memref<8x!tpu.dma_semaphore, #tpu.memory_space<semaphore_mem>> -> memref<1x!tpu.dma_semaphore, #tpu.memory_space<semaphore_mem>>
      %dma_start3A_716 = tpu.memref_squeeze %dma_start3A_715 : memref<1x!tpu.dma_semaphore, #tpu.memory_space<semaphore_mem>> -> memref<!tpu.dma_semaphore, #tpu.memory_space<semaphore_mem>>
      tpu.enqueue_indirect_dma source(%dma_start3A_714 : memref<10240x16xf32, #tpu.memory_space<hbm>>) target(%dma_start3A_708 : memref<128x16xf32, #tpu.memory_space<vmem>>) offsets(%dma_start3A_711 : memref<128xi32, #tpu.memory_space<vmem>>) semaphore(%dma_start3A_716 : memref<!tpu.dma_semaphore, #tpu.memory_space<semaphore_mem>>)
      %dma_wait3A_717 = arith.constant 6 : i32
      %dma_wait3A_718 = arith.constant 0 : i32
      %dma_wait3A_719 = arith.constant 6 : i32
      %dma_wait3A_720 = arith.constant 0 : i32
      %dma_wait3A_721 = arith.constant 0 : i32
      %dma_wait3A_722 = tpu.memref_slice %arg9[%dma_wait3A_717, %dma_wait3A_720, %dma_wait3A_721] : memref<8x128x16xf32, #tpu.memory_space<vmem>> -> memref<1x128x16xf32, #tpu.memory_space<vmem>>
      %dma_wait3A_723 = tpu.memref_squeeze %dma_wait3A_722 : memref<1x128x16xf32, #tpu.memory_space<vmem>> -> memref<128x16xf32, #tpu.memory_space<vmem>>
      %dma_wait3A_724 = arith.constant 0 : i32
      %dma_wait3A_725 = tpu.memref_slice %arg8[%dma_wait3A_718, %dma_wait3A_724] : memref<80x128xi32, #tpu.memory_space<vmem>> -> memref<1x128xi32, #tpu.memory_space<vmem>>
      %dma_wait3A_726 = tpu.memref_squeeze %dma_wait3A_725 : memref<1x128xi32, #tpu.memory_space<vmem>> -> memref<128xi32, #tpu.memory_space<vmem>>
      %dma_wait3A_727 = arith.constant 0 : i32
      %dma_wait3A_728 = arith.constant 0 : i32
      %dma_wait3A_729 = tpu.memref_slice %arg10[%dma_wait3A_727, %dma_wait3A_728] : memref<10240x16xf32, #tpu.memory_space<vmem_shared>> -> memref<10240x16xf32, #tpu.memory_space<vmem_shared>>
      %dma_wait3A_730 = tpu.memref_slice %arg12[%dma_wait3A_719] : memref<8x!tpu.dma_semaphore, #tpu.memory_space<semaphore_mem>> -> memref<1x!tpu.dma_semaphore, #tpu.memory_space<semaphore_mem>>
      %dma_wait3A_731 = tpu.memref_squeeze %dma_wait3A_730 : memref<1x!tpu.dma_semaphore, #tpu.memory_space<semaphore_mem>> -> memref<!tpu.dma_semaphore, #tpu.memory_space<semaphore_mem>>
      tpu.wait_indirect_dma semaphore(%dma_wait3A_731 : memref<!tpu.dma_semaphore, #tpu.memory_space<semaphore_mem>>) src(%dma_wait3A_723 : memref<128x16xf32, #tpu.memory_space<vmem>>) dst(%dma_wait3A_729 : memref<10240x16xf32, #tpu.memory_space<vmem_shared>>)
      %add3A_732 = arith.constant 8 : i32
      %add3A_733 = arith.addi %mul3A_259, %add3A_732 : i32
      %add3A_734 = arith.constant 6 : i32
      %add3A_735 = arith.addi %add3A_733, %add3A_734 : i32
      %min3A_736 = arith.constant 79 : i32
      %min3A_737 = arith.minsi %add3A_735, %min3A_736 : i32
      %dma_start3A_738 = arith.constant 6 : i32
      %dma_start3A_739 = arith.constant 6 : i32
      %dma_start3A_740 = arith.constant 0 : i32
      %dma_start3A_741 = arith.constant 0 : i32
      %dma_start3A_742 = tpu.memref_slice %arg9[%dma_start3A_738, %dma_start3A_740, %dma_start3A_741] : memref<8x128x16xf32, #tpu.memory_space<vmem>> -> memref<1x128x16xf32, #tpu.memory_space<vmem>>
      %dma_start3A_743 = tpu.memref_squeeze %dma_start3A_742 : memref<1x128x16xf32, #tpu.memory_space<vmem>> -> memref<128x16xf32, #tpu.memory_space<vmem>>
      %dma_start3A_744 = arith.constant 0 : i32
      %dma_start3A_745 = tpu.memref_slice %arg7[%min3A_737, %dma_start3A_744] : memref<80x128xi32, #tpu.memory_space<vmem>> -> memref<1x128xi32, #tpu.memory_space<vmem>>
      %dma_start3A_746 = tpu.memref_squeeze %dma_start3A_745 : memref<1x128xi32, #tpu.memory_space<vmem>> -> memref<128xi32, #tpu.memory_space<vmem>>
      %dma_start3A_747 = arith.constant 0 : i32
      %dma_start3A_748 = arith.constant 0 : i32
      %dma_start3A_749 = tpu.memref_slice %arg2[%dma_start3A_747, %dma_start3A_748] : memref<10240x16xf32, #tpu.memory_space<hbm>> -> memref<10240x16xf32, #tpu.memory_space<hbm>>
      %dma_start3A_750 = tpu.memref_slice %arg11[%dma_start3A_739] : memref<8x!tpu.dma_semaphore, #tpu.memory_space<semaphore_mem>> -> memref<1x!tpu.dma_semaphore, #tpu.memory_space<semaphore_mem>>
      %dma_start3A_751 = tpu.memref_squeeze %dma_start3A_750 : memref<1x!tpu.dma_semaphore, #tpu.memory_space<semaphore_mem>> -> memref<!tpu.dma_semaphore, #tpu.memory_space<semaphore_mem>>
      tpu.enqueue_indirect_dma source(%dma_start3A_749 : memref<10240x16xf32, #tpu.memory_space<hbm>>) target(%dma_start3A_743 : memref<128x16xf32, #tpu.memory_space<vmem>>) offsets(%dma_start3A_746 : memref<128xi32, #tpu.memory_space<vmem>>) semaphore(%dma_start3A_751 : memref<!tpu.dma_semaphore, #tpu.memory_space<semaphore_mem>>)
      %dma_wait3A_752 = arith.constant 7 : i32
      %dma_wait3A_753 = arith.constant 0 : i32
      %dma_wait3A_754 = arith.constant 7 : i32
      %dma_wait3A_755 = arith.constant 0 : i32
      %dma_wait3A_756 = arith.constant 0 : i32
      %dma_wait3A_757 = tpu.memref_slice %arg9[%dma_wait3A_752, %dma_wait3A_755, %dma_wait3A_756] : memref<8x128x16xf32, #tpu.memory_space<vmem>> -> memref<1x128x16xf32, #tpu.memory_space<vmem>>
      %dma_wait3A_758 = tpu.memref_squeeze %dma_wait3A_757 : memref<1x128x16xf32, #tpu.memory_space<vmem>> -> memref<128x16xf32, #tpu.memory_space<vmem>>
      %dma_wait3A_759 = arith.constant 0 : i32
      %dma_wait3A_760 = tpu.memref_slice %arg8[%dma_wait3A_753, %dma_wait3A_759] : memref<80x128xi32, #tpu.memory_space<vmem>> -> memref<1x128xi32, #tpu.memory_space<vmem>>
      %dma_wait3A_761 = tpu.memref_squeeze %dma_wait3A_760 : memref<1x128xi32, #tpu.memory_space<vmem>> -> memref<128xi32, #tpu.memory_space<vmem>>
      %dma_wait3A_762 = arith.constant 0 : i32
      %dma_wait3A_763 = arith.constant 0 : i32
      %dma_wait3A_764 = tpu.memref_slice %arg10[%dma_wait3A_762, %dma_wait3A_763] : memref<10240x16xf32, #tpu.memory_space<vmem_shared>> -> memref<10240x16xf32, #tpu.memory_space<vmem_shared>>
      %dma_wait3A_765 = tpu.memref_slice %arg12[%dma_wait3A_754] : memref<8x!tpu.dma_semaphore, #tpu.memory_space<semaphore_mem>> -> memref<1x!tpu.dma_semaphore, #tpu.memory_space<semaphore_mem>>
      %dma_wait3A_766 = tpu.memref_squeeze %dma_wait3A_765 : memref<1x!tpu.dma_semaphore, #tpu.memory_space<semaphore_mem>> -> memref<!tpu.dma_semaphore, #tpu.memory_space<semaphore_mem>>
      tpu.wait_indirect_dma semaphore(%dma_wait3A_766 : memref<!tpu.dma_semaphore, #tpu.memory_space<semaphore_mem>>) src(%dma_wait3A_758 : memref<128x16xf32, #tpu.memory_space<vmem>>) dst(%dma_wait3A_764 : memref<10240x16xf32, #tpu.memory_space<vmem_shared>>)
      %add3A_767 = arith.constant 8 : i32
      %add3A_768 = arith.addi %mul3A_259, %add3A_767 : i32
      %add3A_769 = arith.constant 7 : i32
      %add3A_770 = arith.addi %add3A_768, %add3A_769 : i32
      %min3A_771 = arith.constant 79 : i32
      %min3A_772 = arith.minsi %add3A_770, %min3A_771 : i32
      %dma_start3A_773 = arith.constant 7 : i32
      %dma_start3A_774 = arith.constant 7 : i32
      %dma_start3A_775 = arith.constant 0 : i32
      %dma_start3A_776 = arith.constant 0 : i32
      %dma_start3A_777 = tpu.memref_slice %arg9[%dma_start3A_773, %dma_start3A_775, %dma_start3A_776] : memref<8x128x16xf32, #tpu.memory_space<vmem>> -> memref<1x128x16xf32, #tpu.memory_space<vmem>>
      %dma_start3A_778 = tpu.memref_squeeze %dma_start3A_777 : memref<1x128x16xf32, #tpu.memory_space<vmem>> -> memref<128x16xf32, #tpu.memory_space<vmem>>
      %dma_start3A_779 = arith.constant 0 : i32
      %dma_start3A_780 = tpu.memref_slice %arg7[%min3A_772, %dma_start3A_779] : memref<80x128xi32, #tpu.memory_space<vmem>> -> memref<1x128xi32, #tpu.memory_space<vmem>>
      %dma_start3A_781 = tpu.memref_squeeze %dma_start3A_780 : memref<1x128xi32, #tpu.memory_space<vmem>> -> memref<128xi32, #tpu.memory_space<vmem>>
      %dma_start3A_782 = arith.constant 0 : i32
      %dma_start3A_783 = arith.constant 0 : i32
      %dma_start3A_784 = tpu.memref_slice %arg2[%dma_start3A_782, %dma_start3A_783] : memref<10240x16xf32, #tpu.memory_space<hbm>> -> memref<10240x16xf32, #tpu.memory_space<hbm>>
      %dma_start3A_785 = tpu.memref_slice %arg11[%dma_start3A_774] : memref<8x!tpu.dma_semaphore, #tpu.memory_space<semaphore_mem>> -> memref<1x!tpu.dma_semaphore, #tpu.memory_space<semaphore_mem>>
      %dma_start3A_786 = tpu.memref_squeeze %dma_start3A_785 : memref<1x!tpu.dma_semaphore, #tpu.memory_space<semaphore_mem>> -> memref<!tpu.dma_semaphore, #tpu.memory_space<semaphore_mem>>
      tpu.enqueue_indirect_dma source(%dma_start3A_784 : memref<10240x16xf32, #tpu.memory_space<hbm>>) target(%dma_start3A_778 : memref<128x16xf32, #tpu.memory_space<vmem>>) offsets(%dma_start3A_781 : memref<128xi32, #tpu.memory_space<vmem>>) semaphore(%dma_start3A_786 : memref<!tpu.dma_semaphore, #tpu.memory_space<semaphore_mem>>)
    }
    %scan3A_136 = arith.constant 10 : i32
    %dma_wait3A = arith.constant 0 : i32
    %dma_wait3A_137 = arith.constant 0 : i32
    %dma_wait3A_138 = arith.constant 0 : i32
    %dma_wait3A_139 = arith.constant 0 : i32
    %dma_wait3A_140 = arith.constant 0 : i32
    %dma_wait3A_141 = tpu.memref_slice %arg9[%dma_wait3A_137, %dma_wait3A_139, %dma_wait3A_140] : memref<8x128x16xf32, #tpu.memory_space<vmem>> -> memref<1x128x16xf32, #tpu.memory_space<vmem>>
    %dma_wait3A_142 = tpu.memref_squeeze %dma_wait3A_141 : memref<1x128x16xf32, #tpu.memory_space<vmem>> -> memref<128x16xf32, #tpu.memory_space<vmem>>
    %dma_wait3A_143 = arith.constant 0 : i32
    %dma_wait3A_144 = tpu.memref_slice %arg7[%dma_wait3A, %dma_wait3A_143] : memref<80x128xi32, #tpu.memory_space<vmem>> -> memref<1x128xi32, #tpu.memory_space<vmem>>
    %dma_wait3A_145 = tpu.memref_squeeze %dma_wait3A_144 : memref<1x128xi32, #tpu.memory_space<vmem>> -> memref<128xi32, #tpu.memory_space<vmem>>
    %dma_wait3A_146 = arith.constant 0 : i32
    %dma_wait3A_147 = arith.constant 0 : i32
    %dma_wait3A_148 = tpu.memref_slice %arg2[%dma_wait3A_146, %dma_wait3A_147] : memref<10240x16xf32, #tpu.memory_space<hbm>> -> memref<10240x16xf32, #tpu.memory_space<hbm>>
    %dma_wait3A_149 = tpu.memref_slice %arg11[%dma_wait3A_138] : memref<8x!tpu.dma_semaphore, #tpu.memory_space<semaphore_mem>> -> memref<1x!tpu.dma_semaphore, #tpu.memory_space<semaphore_mem>>
    %dma_wait3A_150 = tpu.memref_squeeze %dma_wait3A_149 : memref<1x!tpu.dma_semaphore, #tpu.memory_space<semaphore_mem>> -> memref<!tpu.dma_semaphore, #tpu.memory_space<semaphore_mem>>
    tpu.wait_indirect_dma semaphore(%dma_wait3A_150 : memref<!tpu.dma_semaphore, #tpu.memory_space<semaphore_mem>>) src(%dma_wait3A_148 : memref<10240x16xf32, #tpu.memory_space<hbm>>) dst(%dma_wait3A_142 : memref<128x16xf32, #tpu.memory_space<vmem>>)
    %dma_wait3A_151 = arith.constant 0 : i32
    %dma_wait3A_152 = arith.constant 1 : i32
    %dma_wait3A_153 = arith.constant 1 : i32
    %dma_wait3A_154 = arith.constant 0 : i32
    %dma_wait3A_155 = arith.constant 0 : i32
    %dma_wait3A_156 = tpu.memref_slice %arg9[%dma_wait3A_152, %dma_wait3A_154, %dma_wait3A_155] : memref<8x128x16xf32, #tpu.memory_space<vmem>> -> memref<1x128x16xf32, #tpu.memory_space<vmem>>
    %dma_wait3A_157 = tpu.memref_squeeze %dma_wait3A_156 : memref<1x128x16xf32, #tpu.memory_space<vmem>> -> memref<128x16xf32, #tpu.memory_space<vmem>>
    %dma_wait3A_158 = arith.constant 0 : i32
    %dma_wait3A_159 = tpu.memref_slice %arg7[%dma_wait3A_151, %dma_wait3A_158] : memref<80x128xi32, #tpu.memory_space<vmem>> -> memref<1x128xi32, #tpu.memory_space<vmem>>
    %dma_wait3A_160 = tpu.memref_squeeze %dma_wait3A_159 : memref<1x128xi32, #tpu.memory_space<vmem>> -> memref<128xi32, #tpu.memory_space<vmem>>
    %dma_wait3A_161 = arith.constant 0 : i32
    %dma_wait3A_162 = arith.constant 0 : i32
    %dma_wait3A_163 = tpu.memref_slice %arg2[%dma_wait3A_161, %dma_wait3A_162] : memref<10240x16xf32, #tpu.memory_space<hbm>> -> memref<10240x16xf32, #tpu.memory_space<hbm>>
    %dma_wait3A_164 = tpu.memref_slice %arg11[%dma_wait3A_153] : memref<8x!tpu.dma_semaphore, #tpu.memory_space<semaphore_mem>> -> memref<1x!tpu.dma_semaphore, #tpu.memory_space<semaphore_mem>>
    %dma_wait3A_165 = tpu.memref_squeeze %dma_wait3A_164 : memref<1x!tpu.dma_semaphore, #tpu.memory_space<semaphore_mem>> -> memref<!tpu.dma_semaphore, #tpu.memory_space<semaphore_mem>>
    tpu.wait_indirect_dma semaphore(%dma_wait3A_165 : memref<!tpu.dma_semaphore, #tpu.memory_space<semaphore_mem>>) src(%dma_wait3A_163 : memref<10240x16xf32, #tpu.memory_space<hbm>>) dst(%dma_wait3A_157 : memref<128x16xf32, #tpu.memory_space<vmem>>)
    %dma_wait3A_166 = arith.constant 0 : i32
    %dma_wait3A_167 = arith.constant 2 : i32
    %dma_wait3A_168 = arith.constant 2 : i32
    %dma_wait3A_169 = arith.constant 0 : i32
    %dma_wait3A_170 = arith.constant 0 : i32
    %dma_wait3A_171 = tpu.memref_slice %arg9[%dma_wait3A_167, %dma_wait3A_169, %dma_wait3A_170] : memref<8x128x16xf32, #tpu.memory_space<vmem>> -> memref<1x128x16xf32, #tpu.memory_space<vmem>>
    %dma_wait3A_172 = tpu.memref_squeeze %dma_wait3A_171 : memref<1x128x16xf32, #tpu.memory_space<vmem>> -> memref<128x16xf32, #tpu.memory_space<vmem>>
    %dma_wait3A_173 = arith.constant 0 : i32
    %dma_wait3A_174 = tpu.memref_slice %arg7[%dma_wait3A_166, %dma_wait3A_173] : memref<80x128xi32, #tpu.memory_space<vmem>> -> memref<1x128xi32, #tpu.memory_space<vmem>>
    %dma_wait3A_175 = tpu.memref_squeeze %dma_wait3A_174 : memref<1x128xi32, #tpu.memory_space<vmem>> -> memref<128xi32, #tpu.memory_space<vmem>>
    %dma_wait3A_176 = arith.constant 0 : i32
    %dma_wait3A_177 = arith.constant 0 : i32
    %dma_wait3A_178 = tpu.memref_slice %arg2[%dma_wait3A_176, %dma_wait3A_177] : memref<10240x16xf32, #tpu.memory_space<hbm>> -> memref<10240x16xf32, #tpu.memory_space<hbm>>
    %dma_wait3A_179 = tpu.memref_slice %arg11[%dma_wait3A_168] : memref<8x!tpu.dma_semaphore, #tpu.memory_space<semaphore_mem>> -> memref<1x!tpu.dma_semaphore, #tpu.memory_space<semaphore_mem>>
    %dma_wait3A_180 = tpu.memref_squeeze %dma_wait3A_179 : memref<1x!tpu.dma_semaphore, #tpu.memory_space<semaphore_mem>> -> memref<!tpu.dma_semaphore, #tpu.memory_space<semaphore_mem>>
    tpu.wait_indirect_dma semaphore(%dma_wait3A_180 : memref<!tpu.dma_semaphore, #tpu.memory_space<semaphore_mem>>) src(%dma_wait3A_178 : memref<10240x16xf32, #tpu.memory_space<hbm>>) dst(%dma_wait3A_172 : memref<128x16xf32, #tpu.memory_space<vmem>>)
    %dma_wait3A_181 = arith.constant 0 : i32
    %dma_wait3A_182 = arith.constant 3 : i32
    %dma_wait3A_183 = arith.constant 3 : i32
    %dma_wait3A_184 = arith.constant 0 : i32
    %dma_wait3A_185 = arith.constant 0 : i32
    %dma_wait3A_186 = tpu.memref_slice %arg9[%dma_wait3A_182, %dma_wait3A_184, %dma_wait3A_185] : memref<8x128x16xf32, #tpu.memory_space<vmem>> -> memref<1x128x16xf32, #tpu.memory_space<vmem>>
    %dma_wait3A_187 = tpu.memref_squeeze %dma_wait3A_186 : memref<1x128x16xf32, #tpu.memory_space<vmem>> -> memref<128x16xf32, #tpu.memory_space<vmem>>
    %dma_wait3A_188 = arith.constant 0 : i32
    %dma_wait3A_189 = tpu.memref_slice %arg7[%dma_wait3A_181, %dma_wait3A_188] : memref<80x128xi32, #tpu.memory_space<vmem>> -> memref<1x128xi32, #tpu.memory_space<vmem>>
    %dma_wait3A_190 = tpu.memref_squeeze %dma_wait3A_189 : memref<1x128xi32, #tpu.memory_space<vmem>> -> memref<128xi32, #tpu.memory_space<vmem>>
    %dma_wait3A_191 = arith.constant 0 : i32
    %dma_wait3A_192 = arith.constant 0 : i32
    %dma_wait3A_193 = tpu.memref_slice %arg2[%dma_wait3A_191, %dma_wait3A_192] : memref<10240x16xf32, #tpu.memory_space<hbm>> -> memref<10240x16xf32, #tpu.memory_space<hbm>>
    %dma_wait3A_194 = tpu.memref_slice %arg11[%dma_wait3A_183] : memref<8x!tpu.dma_semaphore, #tpu.memory_space<semaphore_mem>> -> memref<1x!tpu.dma_semaphore, #tpu.memory_space<semaphore_mem>>
    %dma_wait3A_195 = tpu.memref_squeeze %dma_wait3A_194 : memref<1x!tpu.dma_semaphore, #tpu.memory_space<semaphore_mem>> -> memref<!tpu.dma_semaphore, #tpu.memory_space<semaphore_mem>>
    tpu.wait_indirect_dma semaphore(%dma_wait3A_195 : memref<!tpu.dma_semaphore, #tpu.memory_space<semaphore_mem>>) src(%dma_wait3A_193 : memref<10240x16xf32, #tpu.memory_space<hbm>>) dst(%dma_wait3A_187 : memref<128x16xf32, #tpu.memory_space<vmem>>)
    %dma_wait3A_196 = arith.constant 0 : i32
    %dma_wait3A_197 = arith.constant 4 : i32
    %dma_wait3A_198 = arith.constant 4 : i32
    %dma_wait3A_199 = arith.constant 0 : i32
    %dma_wait3A_200 = arith.constant 0 : i32
    %dma_wait3A_201 = tpu.memref_slice %arg9[%dma_wait3A_197, %dma_wait3A_199, %dma_wait3A_200] : memref<8x128x16xf32, #tpu.memory_space<vmem>> -> memref<1x128x16xf32, #tpu.memory_space<vmem>>
    %dma_wait3A_202 = tpu.memref_squeeze %dma_wait3A_201 : memref<1x128x16xf32, #tpu.memory_space<vmem>> -> memref<128x16xf32, #tpu.memory_space<vmem>>
    %dma_wait3A_203 = arith.constant 0 : i32
    %dma_wait3A_204 = tpu.memref_slice %arg7[%dma_wait3A_196, %dma_wait3A_203] : memref<80x128xi32, #tpu.memory_space<vmem>> -> memref<1x128xi32, #tpu.memory_space<vmem>>
    %dma_wait3A_205 = tpu.memref_squeeze %dma_wait3A_204 : memref<1x128xi32, #tpu.memory_space<vmem>> -> memref<128xi32, #tpu.memory_space<vmem>>
    %dma_wait3A_206 = arith.constant 0 : i32
    %dma_wait3A_207 = arith.constant 0 : i32
    %dma_wait3A_208 = tpu.memref_slice %arg2[%dma_wait3A_206, %dma_wait3A_207] : memref<10240x16xf32, #tpu.memory_space<hbm>> -> memref<10240x16xf32, #tpu.memory_space<hbm>>
    %dma_wait3A_209 = tpu.memref_slice %arg11[%dma_wait3A_198] : memref<8x!tpu.dma_semaphore, #tpu.memory_space<semaphore_mem>> -> memref<1x!tpu.dma_semaphore, #tpu.memory_space<semaphore_mem>>
    %dma_wait3A_210 = tpu.memref_squeeze %dma_wait3A_209 : memref<1x!tpu.dma_semaphore, #tpu.memory_space<semaphore_mem>> -> memref<!tpu.dma_semaphore, #tpu.memory_space<semaphore_mem>>
    tpu.wait_indirect_dma semaphore(%dma_wait3A_210 : memref<!tpu.dma_semaphore, #tpu.memory_space<semaphore_mem>>) src(%dma_wait3A_208 : memref<10240x16xf32, #tpu.memory_space<hbm>>) dst(%dma_wait3A_202 : memref<128x16xf32, #tpu.memory_space<vmem>>)
    %dma_wait3A_211 = arith.constant 0 : i32
    %dma_wait3A_212 = arith.constant 5 : i32
    %dma_wait3A_213 = arith.constant 5 : i32
    %dma_wait3A_214 = arith.constant 0 : i32
    %dma_wait3A_215 = arith.constant 0 : i32
    %dma_wait3A_216 = tpu.memref_slice %arg9[%dma_wait3A_212, %dma_wait3A_214, %dma_wait3A_215] : memref<8x128x16xf32, #tpu.memory_space<vmem>> -> memref<1x128x16xf32, #tpu.memory_space<vmem>>
    %dma_wait3A_217 = tpu.memref_squeeze %dma_wait3A_216 : memref<1x128x16xf32, #tpu.memory_space<vmem>> -> memref<128x16xf32, #tpu.memory_space<vmem>>
    %dma_wait3A_218 = arith.constant 0 : i32
    %dma_wait3A_219 = tpu.memref_slice %arg7[%dma_wait3A_211, %dma_wait3A_218] : memref<80x128xi32, #tpu.memory_space<vmem>> -> memref<1x128xi32, #tpu.memory_space<vmem>>
    %dma_wait3A_220 = tpu.memref_squeeze %dma_wait3A_219 : memref<1x128xi32, #tpu.memory_space<vmem>> -> memref<128xi32, #tpu.memory_space<vmem>>
    %dma_wait3A_221 = arith.constant 0 : i32
    %dma_wait3A_222 = arith.constant 0 : i32
    %dma_wait3A_223 = tpu.memref_slice %arg2[%dma_wait3A_221, %dma_wait3A_222] : memref<10240x16xf32, #tpu.memory_space<hbm>> -> memref<10240x16xf32, #tpu.memory_space<hbm>>
    %dma_wait3A_224 = tpu.memref_slice %arg11[%dma_wait3A_213] : memref<8x!tpu.dma_semaphore, #tpu.memory_space<semaphore_mem>> -> memref<1x!tpu.dma_semaphore, #tpu.memory_space<semaphore_mem>>
    %dma_wait3A_225 = tpu.memref_squeeze %dma_wait3A_224 : memref<1x!tpu.dma_semaphore, #tpu.memory_space<semaphore_mem>> -> memref<!tpu.dma_semaphore, #tpu.memory_space<semaphore_mem>>
    tpu.wait_indirect_dma semaphore(%dma_wait3A_225 : memref<!tpu.dma_semaphore, #tpu.memory_space<semaphore_mem>>) src(%dma_wait3A_223 : memref<10240x16xf32, #tpu.memory_space<hbm>>) dst(%dma_wait3A_217 : memref<128x16xf32, #tpu.memory_space<vmem>>)
    %dma_wait3A_226 = arith.constant 0 : i32
    %dma_wait3A_227 = arith.constant 6 : i32
    %dma_wait3A_228 = arith.constant 6 : i32
    %dma_wait3A_229 = arith.constant 0 : i32
    %dma_wait3A_230 = arith.constant 0 : i32
    %dma_wait3A_231 = tpu.memref_slice %arg9[%dma_wait3A_227, %dma_wait3A_229, %dma_wait3A_230] : memref<8x128x16xf32, #tpu.memory_space<vmem>> -> memref<1x128x16xf32, #tpu.memory_space<vmem>>
    %dma_wait3A_232 = tpu.memref_squeeze %dma_wait3A_231 : memref<1x128x16xf32, #tpu.memory_space<vmem>> -> memref<128x16xf32, #tpu.memory_space<vmem>>
    %dma_wait3A_233 = arith.constant 0 : i32
    %dma_wait3A_234 = tpu.memref_slice %arg7[%dma_wait3A_226, %dma_wait3A_233] : memref<80x128xi32, #tpu.memory_space<vmem>> -> memref<1x128xi32, #tpu.memory_space<vmem>>
    %dma_wait3A_235 = tpu.memref_squeeze %dma_wait3A_234 : memref<1x128xi32, #tpu.memory_space<vmem>> -> memref<128xi32, #tpu.memory_space<vmem>>
    %dma_wait3A_236 = arith.constant 0 : i32
    %dma_wait3A_237 = arith.constant 0 : i32
    %dma_wait3A_238 = tpu.memref_slice %arg2[%dma_wait3A_236, %dma_wait3A_237] : memref<10240x16xf32, #tpu.memory_space<hbm>> -> memref<10240x16xf32, #tpu.memory_space<hbm>>
    %dma_wait3A_239 = tpu.memref_slice %arg11[%dma_wait3A_228] : memref<8x!tpu.dma_semaphore, #tpu.memory_space<semaphore_mem>> -> memref<1x!tpu.dma_semaphore, #tpu.memory_space<semaphore_mem>>
    %dma_wait3A_240 = tpu.memref_squeeze %dma_wait3A_239 : memref<1x!tpu.dma_semaphore, #tpu.memory_space<semaphore_mem>> -> memref<!tpu.dma_semaphore, #tpu.memory_space<semaphore_mem>>
    tpu.wait_indirect_dma semaphore(%dma_wait3A_240 : memref<!tpu.dma_semaphore, #tpu.memory_space<semaphore_mem>>) src(%dma_wait3A_238 : memref<10240x16xf32, #tpu.memory_space<hbm>>) dst(%dma_wait3A_232 : memref<128x16xf32, #tpu.memory_space<vmem>>)
    %dma_wait3A_241 = arith.constant 0 : i32
    %dma_wait3A_242 = arith.constant 7 : i32
    %dma_wait3A_243 = arith.constant 7 : i32
    %dma_wait3A_244 = arith.constant 0 : i32
    %dma_wait3A_245 = arith.constant 0 : i32
    %dma_wait3A_246 = tpu.memref_slice %arg9[%dma_wait3A_242, %dma_wait3A_244, %dma_wait3A_245] : memref<8x128x16xf32, #tpu.memory_space<vmem>> -> memref<1x128x16xf32, #tpu.memory_space<vmem>>
    %dma_wait3A_247 = tpu.memref_squeeze %dma_wait3A_246 : memref<1x128x16xf32, #tpu.memory_space<vmem>> -> memref<128x16xf32, #tpu.memory_space<vmem>>
    %dma_wait3A_248 = arith.constant 0 : i32
    %dma_wait3A_249 = tpu.memref_slice %arg7[%dma_wait3A_241, %dma_wait3A_248] : memref<80x128xi32, #tpu.memory_space<vmem>> -> memref<1x128xi32, #tpu.memory_space<vmem>>
    %dma_wait3A_250 = tpu.memref_squeeze %dma_wait3A_249 : memref<1x128xi32, #tpu.memory_space<vmem>> -> memref<128xi32, #tpu.memory_space<vmem>>
    %dma_wait3A_251 = arith.constant 0 : i32
    %dma_wait3A_252 = arith.constant 0 : i32
    %dma_wait3A_253 = tpu.memref_slice %arg2[%dma_wait3A_251, %dma_wait3A_252] : memref<10240x16xf32, #tpu.memory_space<hbm>> -> memref<10240x16xf32, #tpu.memory_space<hbm>>
    %dma_wait3A_254 = tpu.memref_slice %arg11[%dma_wait3A_243] : memref<8x!tpu.dma_semaphore, #tpu.memory_space<semaphore_mem>> -> memref<1x!tpu.dma_semaphore, #tpu.memory_space<semaphore_mem>>
    %dma_wait3A_255 = tpu.memref_squeeze %dma_wait3A_254 : memref<1x!tpu.dma_semaphore, #tpu.memory_space<semaphore_mem>> -> memref<!tpu.dma_semaphore, #tpu.memory_space<semaphore_mem>>
    tpu.wait_indirect_dma semaphore(%dma_wait3A_255 : memref<!tpu.dma_semaphore, #tpu.memory_space<semaphore_mem>>) src(%dma_wait3A_253 : memref<10240x16xf32, #tpu.memory_space<hbm>>) dst(%dma_wait3A_247 : memref<128x16xf32, #tpu.memory_space<vmem>>)
    %barrier3A_256 = arith.constant 0 : index
    tpu.barrier barrier_id(%barrier3A_256)
    "tpu.region"() ({
      %run_scoped3A = tpu.sem_alloc : memref<!tpu.dma_semaphore, #tpu.memory_space<semaphore_mem>>
      %dma_start3A_257 = arith.constant 0 : i32
      %dma_start3A_258 = tpu.memref_slice %arg6[%arg0, %mul3A_2, %dma_start3A_257] : memref<2x10240x16xf32, #tpu.memory_space<hbm>> -> memref<1x640x16xf32, #tpu.memory_space<hbm>>
      %dma_start3A_259 = tpu.memref_squeeze %dma_start3A_258 : memref<1x640x16xf32, #tpu.memory_space<hbm>> -> memref<640x16xf32, #tpu.memory_space<hbm>>
      %dma_start3A_260 = arith.constant 0 : i32
      %dma_start3A_261 = tpu.memref_slice %arg10[%mul3A_2, %dma_start3A_260] : memref<10240x16xf32, #tpu.memory_space<vmem_shared>> -> memref<640x16xf32, #tpu.memory_space<vmem_shared>>
      tpu.enqueue_dma source(%dma_start3A_261 : memref<640x16xf32, #tpu.memory_space<vmem_shared>>) target(%dma_start3A_259 : memref<640x16xf32, #tpu.memory_space<hbm>>) target_semaphore(%run_scoped3A : memref<!tpu.dma_semaphore, #tpu.memory_space<semaphore_mem>>)
      %dma_wait3A_262 = arith.constant 0 : i32
      %dma_wait3A_263 = tpu.memref_slice %arg6[%arg0, %mul3A_2, %dma_wait3A_262] : memref<2x10240x16xf32, #tpu.memory_space<hbm>> -> memref<1x640x16xf32, #tpu.memory_space<hbm>>
      %dma_wait3A_264 = tpu.memref_squeeze %dma_wait3A_263 : memref<1x640x16xf32, #tpu.memory_space<hbm>> -> memref<640x16xf32, #tpu.memory_space<hbm>>
      %dma_wait3A_265 = arith.constant 0 : i32
      %dma_wait3A_266 = tpu.memref_slice %arg10[%mul3A_2, %dma_wait3A_265] : memref<10240x16xf32, #tpu.memory_space<vmem_shared>> -> memref<640x16xf32, #tpu.memory_space<vmem_shared>>
      tpu.wait_dma2 semaphore(%run_scoped3A : memref<!tpu.dma_semaphore, #tpu.memory_space<semaphore_mem>>) src(%dma_wait3A_266 : memref<640x16xf32, #tpu.memory_space<vmem_shared>>) dst(%dma_wait3A_264 : memref<640x16xf32, #tpu.memory_space<hbm>>)
      tpu.yield
    }) : () -> ()
    return
  }
}

#map = affine_map<(d0, d1) -> (0, 0)>
#map1 = affine_map<(d0, d1) -> (0, 0, 0)>
module attributes {stable_mosaic.version = 14 : i64} {
  func.func @agg_kernel(%arg0: i32, %arg1: i32, %arg2: memref<10240x64xf32, #tpu.memory_space<hbm>>, %arg3: memref<2560x128xi32, #tpu.memory_space<hbm>>, %arg4: memref<2560x128xi32, #tpu.memory_space<hbm>>, %arg5: memref<10240x64xf32, #tpu.memory_space<hbm>>, %arg6: memref<2x10240x64xf32, #tpu.memory_space<hbm>>, %arg7: memref<80x128xi32, #tpu.memory_space<vmem>>, %arg8: memref<80x128xi32, #tpu.memory_space<vmem>>, %arg9: memref<8x128x64xf32, #tpu.memory_space<vmem>>, %arg10: memref<10240x64xf32, #tpu.memory_space<vmem_shared>>, %arg11: memref<8x!tpu.dma_semaphore, #tpu.memory_space<semaphore_mem>>, %arg12: memref<8x!tpu.dma_semaphore, #tpu.memory_space<semaphore_mem>>) attributes {dimension_semantics = [#tpu.dimension_semantics<core_parallel>, #tpu.dimension_semantics<subcore_parallel>], iteration_bounds = array<i64: 2, 16>, scalar_prefetch = 0 : i64, scratch_operands = 6 : i64, tpu.core_type = #tpu.core_type<sc_vector_subcore>, window_params = [{transform_indices = #map}, {transform_indices = #map}, {transform_indices = #map}, {transform_indices = #map}, {transform_indices = #map1}]} {
    %mul3A = arith.constant 2 : i32
    %mul3A_0 = arith.muli %arg1, %mul3A : i32
    %add3A = arith.addi %mul3A_0, %arg0 : i32
    %mul3A_1 = arith.constant 640 : i32
    %mul3A_2 = arith.muli %arg1, %mul3A_1 : i32
    %eq3A = arith.constant 0 : i32
    %eq3A_3 = arith.cmpi eq, %arg0, %eq3A : i32
    %convert_element_type3A = arith.extui %eq3A_3 : i1 to i32
    %cond3A = arith.constant 0 : i32
    %cond3A_4 = arith.cmpi ne, %convert_element_type3A, %cond3A : i32
    scf.if %cond3A_4 {
      "tpu.region"() ({
        %run_scoped3A = tpu.sem_alloc : memref<!tpu.dma_semaphore, #tpu.memory_space<semaphore_mem>>
        %dma_start3A_257 = arith.constant 0 : i32
        %dma_start3A_258 = tpu.memref_slice %arg10[%mul3A_2, %dma_start3A_257] : memref<10240x64xf32, #tpu.memory_space<vmem_shared>> -> memref<640x64xf32, #tpu.memory_space<vmem_shared>>
        %dma_start3A_259 = arith.constant 0 : i32
        %dma_start3A_260 = tpu.memref_slice %arg2[%mul3A_2, %dma_start3A_259] : memref<10240x64xf32, #tpu.memory_space<hbm>> -> memref<640x64xf32, #tpu.memory_space<hbm>>
        tpu.enqueue_dma source(%dma_start3A_260 : memref<640x64xf32, #tpu.memory_space<hbm>>) target(%dma_start3A_258 : memref<640x64xf32, #tpu.memory_space<vmem_shared>>) target_semaphore(%run_scoped3A : memref<!tpu.dma_semaphore, #tpu.memory_space<semaphore_mem>>)
        %dma_wait3A_261 = arith.constant 0 : i32
        %dma_wait3A_262 = tpu.memref_slice %arg10[%mul3A_2, %dma_wait3A_261] : memref<10240x64xf32, #tpu.memory_space<vmem_shared>> -> memref<640x64xf32, #tpu.memory_space<vmem_shared>>
        %dma_wait3A_263 = arith.constant 0 : i32
        %dma_wait3A_264 = tpu.memref_slice %arg2[%mul3A_2, %dma_wait3A_263] : memref<10240x64xf32, #tpu.memory_space<hbm>> -> memref<640x64xf32, #tpu.memory_space<hbm>>
        tpu.wait_dma2 semaphore(%run_scoped3A : memref<!tpu.dma_semaphore, #tpu.memory_space<semaphore_mem>>) src(%dma_wait3A_264 : memref<640x64xf32, #tpu.memory_space<hbm>>) dst(%dma_wait3A_262 : memref<640x64xf32, #tpu.memory_space<vmem_shared>>)
        tpu.yield
      }) : () -> ()
    } else {
    }
    %ne3A = arith.constant 0 : i32
    %ne3A_5 = arith.cmpi ne, %arg0, %ne3A : i32
    %convert_element_type3A_6 = arith.extui %ne3A_5 : i1 to i32
    %cond3A_7 = arith.constant 0 : i32
    %cond3A_8 = arith.cmpi ne, %convert_element_type3A_6, %cond3A_7 : i32
    scf.if %cond3A_8 {
      "tpu.region"() ({
        %run_scoped3A = tpu.sem_alloc : memref<!tpu.dma_semaphore, #tpu.memory_space<semaphore_mem>>
        %dma_start3A_257 = arith.constant 0 : i32
        %dma_start3A_258 = tpu.memref_slice %arg10[%mul3A_2, %dma_start3A_257] : memref<10240x64xf32, #tpu.memory_space<vmem_shared>> -> memref<640x64xf32, #tpu.memory_space<vmem_shared>>
        %dma_start3A_259 = arith.constant 0 : i32
        %dma_start3A_260 = tpu.memref_slice %arg5[%mul3A_2, %dma_start3A_259] : memref<10240x64xf32, #tpu.memory_space<hbm>> -> memref<640x64xf32, #tpu.memory_space<hbm>>
        tpu.enqueue_dma source(%dma_start3A_260 : memref<640x64xf32, #tpu.memory_space<hbm>>) target(%dma_start3A_258 : memref<640x64xf32, #tpu.memory_space<vmem_shared>>) target_semaphore(%run_scoped3A : memref<!tpu.dma_semaphore, #tpu.memory_space<semaphore_mem>>)
        %dma_wait3A_261 = arith.constant 0 : i32
        %dma_wait3A_262 = tpu.memref_slice %arg10[%mul3A_2, %dma_wait3A_261] : memref<10240x64xf32, #tpu.memory_space<vmem_shared>> -> memref<640x64xf32, #tpu.memory_space<vmem_shared>>
        %dma_wait3A_263 = arith.constant 0 : i32
        %dma_wait3A_264 = tpu.memref_slice %arg5[%mul3A_2, %dma_wait3A_263] : memref<10240x64xf32, #tpu.memory_space<hbm>> -> memref<640x64xf32, #tpu.memory_space<hbm>>
        tpu.wait_dma2 semaphore(%run_scoped3A : memref<!tpu.dma_semaphore, #tpu.memory_space<semaphore_mem>>) src(%dma_wait3A_264 : memref<640x64xf32, #tpu.memory_space<hbm>>) dst(%dma_wait3A_262 : memref<640x64xf32, #tpu.memory_space<vmem_shared>>)
        tpu.yield
      }) : () -> ()
    } else {
    }
    %mul3A_9 = arith.constant 80 : i32
    %mul3A_10 = arith.muli %add3A, %mul3A_9 : i32
    "tpu.region"() ({
      %run_scoped3A = tpu.sem_alloc : memref<!tpu.dma_semaphore, #tpu.memory_space<semaphore_mem>>
      %dma_start3A_257 = arith.constant 0 : i32
      %dma_start3A_258 = tpu.memref_slice %arg3[%mul3A_10, %dma_start3A_257] : memref<2560x128xi32, #tpu.memory_space<hbm>> -> memref<80x128xi32, #tpu.memory_space<hbm>>
      %dma_start3A_259 = arith.constant 0 : i32
      %dma_start3A_260 = tpu.memref_slice %arg3[%mul3A_10, %dma_start3A_259] : memref<2560x128xi32, #tpu.memory_space<hbm>> -> memref<80x128xi32, #tpu.memory_space<hbm>>
      tpu.enqueue_dma source(%dma_start3A_260 : memref<80x128xi32, #tpu.memory_space<hbm>>) target(%arg7 : memref<80x128xi32, #tpu.memory_space<vmem>>) target_semaphore(%run_scoped3A : memref<!tpu.dma_semaphore, #tpu.memory_space<semaphore_mem>>)
      %dma_wait3A_261 = arith.constant 0 : i32
      %dma_wait3A_262 = tpu.memref_slice %arg3[%mul3A_10, %dma_wait3A_261] : memref<2560x128xi32, #tpu.memory_space<hbm>> -> memref<80x128xi32, #tpu.memory_space<hbm>>
      %dma_wait3A_263 = arith.constant 0 : i32
      %dma_wait3A_264 = tpu.memref_slice %arg3[%mul3A_10, %dma_wait3A_263] : memref<2560x128xi32, #tpu.memory_space<hbm>> -> memref<80x128xi32, #tpu.memory_space<hbm>>
      tpu.wait_dma2 semaphore(%run_scoped3A : memref<!tpu.dma_semaphore, #tpu.memory_space<semaphore_mem>>) src(%dma_wait3A_264 : memref<80x128xi32, #tpu.memory_space<hbm>>) dst(%arg7 : memref<80x128xi32, #tpu.memory_space<vmem>>)
      tpu.yield
    }) : () -> ()
    %mul3A_11 = arith.constant 80 : i32
    %mul3A_12 = arith.muli %add3A, %mul3A_11 : i32
    "tpu.region"() ({
      %run_scoped3A = tpu.sem_alloc : memref<!tpu.dma_semaphore, #tpu.memory_space<semaphore_mem>>
      %dma_start3A_257 = arith.constant 0 : i32
      %dma_start3A_258 = tpu.memref_slice %arg4[%mul3A_12, %dma_start3A_257] : memref<2560x128xi32, #tpu.memory_space<hbm>> -> memref<80x128xi32, #tpu.memory_space<hbm>>
      %dma_start3A_259 = arith.constant 0 : i32
      %dma_start3A_260 = tpu.memref_slice %arg4[%mul3A_12, %dma_start3A_259] : memref<2560x128xi32, #tpu.memory_space<hbm>> -> memref<80x128xi32, #tpu.memory_space<hbm>>
      tpu.enqueue_dma source(%dma_start3A_260 : memref<80x128xi32, #tpu.memory_space<hbm>>) target(%arg8 : memref<80x128xi32, #tpu.memory_space<vmem>>) target_semaphore(%run_scoped3A : memref<!tpu.dma_semaphore, #tpu.memory_space<semaphore_mem>>)
      %dma_wait3A_261 = arith.constant 0 : i32
      %dma_wait3A_262 = tpu.memref_slice %arg4[%mul3A_12, %dma_wait3A_261] : memref<2560x128xi32, #tpu.memory_space<hbm>> -> memref<80x128xi32, #tpu.memory_space<hbm>>
      %dma_wait3A_263 = arith.constant 0 : i32
      %dma_wait3A_264 = tpu.memref_slice %arg4[%mul3A_12, %dma_wait3A_263] : memref<2560x128xi32, #tpu.memory_space<hbm>> -> memref<80x128xi32, #tpu.memory_space<hbm>>
      tpu.wait_dma2 semaphore(%run_scoped3A : memref<!tpu.dma_semaphore, #tpu.memory_space<semaphore_mem>>) src(%dma_wait3A_264 : memref<80x128xi32, #tpu.memory_space<hbm>>) dst(%arg8 : memref<80x128xi32, #tpu.memory_space<vmem>>)
      tpu.yield
    }) : () -> ()
    %barrier3A = arith.constant 0 : index
    tpu.barrier barrier_id(%barrier3A)
    %dma_start3A = arith.constant 0 : i32
    %dma_start3A_13 = arith.constant 0 : i32
    %dma_start3A_14 = arith.constant 0 : i32
    %dma_start3A_15 = arith.constant 0 : i32
    %dma_start3A_16 = arith.constant 0 : i32
    %dma_start3A_17 = tpu.memref_slice %arg9[%dma_start3A_13, %dma_start3A_15, %dma_start3A_16] : memref<8x128x64xf32, #tpu.memory_space<vmem>> -> memref<1x128x64xf32, #tpu.memory_space<vmem>>
    %dma_start3A_18 = tpu.memref_squeeze %dma_start3A_17 : memref<1x128x64xf32, #tpu.memory_space<vmem>> -> memref<128x64xf32, #tpu.memory_space<vmem>>
    %dma_start3A_19 = arith.constant 0 : i32
    %dma_start3A_20 = tpu.memref_slice %arg7[%dma_start3A, %dma_start3A_19] : memref<80x128xi32, #tpu.memory_space<vmem>> -> memref<1x128xi32, #tpu.memory_space<vmem>>
    %dma_start3A_21 = tpu.memref_squeeze %dma_start3A_20 : memref<1x128xi32, #tpu.memory_space<vmem>> -> memref<128xi32, #tpu.memory_space<vmem>>
    %dma_start3A_22 = arith.constant 0 : i32
    %dma_start3A_23 = arith.constant 0 : i32
    %dma_start3A_24 = tpu.memref_slice %arg2[%dma_start3A_22, %dma_start3A_23] : memref<10240x64xf32, #tpu.memory_space<hbm>> -> memref<10240x64xf32, #tpu.memory_space<hbm>>
    %dma_start3A_25 = tpu.memref_slice %arg11[%dma_start3A_14] : memref<8x!tpu.dma_semaphore, #tpu.memory_space<semaphore_mem>> -> memref<1x!tpu.dma_semaphore, #tpu.memory_space<semaphore_mem>>
    %dma_start3A_26 = tpu.memref_squeeze %dma_start3A_25 : memref<1x!tpu.dma_semaphore, #tpu.memory_space<semaphore_mem>> -> memref<!tpu.dma_semaphore, #tpu.memory_space<semaphore_mem>>
    tpu.enqueue_indirect_dma source(%dma_start3A_24 : memref<10240x64xf32, #tpu.memory_space<hbm>>) target(%dma_start3A_18 : memref<128x64xf32, #tpu.memory_space<vmem>>) offsets(%dma_start3A_21 : memref<128xi32, #tpu.memory_space<vmem>>) semaphore(%dma_start3A_26 : memref<!tpu.dma_semaphore, #tpu.memory_space<semaphore_mem>>)
    %dma_start3A_27 = arith.constant 1 : i32
    %dma_start3A_28 = arith.constant 1 : i32
    %dma_start3A_29 = arith.constant 1 : i32
    %dma_start3A_30 = arith.constant 0 : i32
    %dma_start3A_31 = arith.constant 0 : i32
    %dma_start3A_32 = tpu.memref_slice %arg9[%dma_start3A_28, %dma_start3A_30, %dma_start3A_31] : memref<8x128x64xf32, #tpu.memory_space<vmem>> -> memref<1x128x64xf32, #tpu.memory_space<vmem>>
    %dma_start3A_33 = tpu.memref_squeeze %dma_start3A_32 : memref<1x128x64xf32, #tpu.memory_space<vmem>> -> memref<128x64xf32, #tpu.memory_space<vmem>>
    %dma_start3A_34 = arith.constant 0 : i32
    %dma_start3A_35 = tpu.memref_slice %arg7[%dma_start3A_27, %dma_start3A_34] : memref<80x128xi32, #tpu.memory_space<vmem>> -> memref<1x128xi32, #tpu.memory_space<vmem>>
    %dma_start3A_36 = tpu.memref_squeeze %dma_start3A_35 : memref<1x128xi32, #tpu.memory_space<vmem>> -> memref<128xi32, #tpu.memory_space<vmem>>
    %dma_start3A_37 = arith.constant 0 : i32
    %dma_start3A_38 = arith.constant 0 : i32
    %dma_start3A_39 = tpu.memref_slice %arg2[%dma_start3A_37, %dma_start3A_38] : memref<10240x64xf32, #tpu.memory_space<hbm>> -> memref<10240x64xf32, #tpu.memory_space<hbm>>
    %dma_start3A_40 = tpu.memref_slice %arg11[%dma_start3A_29] : memref<8x!tpu.dma_semaphore, #tpu.memory_space<semaphore_mem>> -> memref<1x!tpu.dma_semaphore, #tpu.memory_space<semaphore_mem>>
    %dma_start3A_41 = tpu.memref_squeeze %dma_start3A_40 : memref<1x!tpu.dma_semaphore, #tpu.memory_space<semaphore_mem>> -> memref<!tpu.dma_semaphore, #tpu.memory_space<semaphore_mem>>
    tpu.enqueue_indirect_dma source(%dma_start3A_39 : memref<10240x64xf32, #tpu.memory_space<hbm>>) target(%dma_start3A_33 : memref<128x64xf32, #tpu.memory_space<vmem>>) offsets(%dma_start3A_36 : memref<128xi32, #tpu.memory_space<vmem>>) semaphore(%dma_start3A_41 : memref<!tpu.dma_semaphore, #tpu.memory_space<semaphore_mem>>)
    %dma_start3A_42 = arith.constant 2 : i32
    %dma_start3A_43 = arith.constant 2 : i32
    %dma_start3A_44 = arith.constant 2 : i32
    %dma_start3A_45 = arith.constant 0 : i32
    %dma_start3A_46 = arith.constant 0 : i32
    %dma_start3A_47 = tpu.memref_slice %arg9[%dma_start3A_43, %dma_start3A_45, %dma_start3A_46] : memref<8x128x64xf32, #tpu.memory_space<vmem>> -> memref<1x128x64xf32, #tpu.memory_space<vmem>>
    %dma_start3A_48 = tpu.memref_squeeze %dma_start3A_47 : memref<1x128x64xf32, #tpu.memory_space<vmem>> -> memref<128x64xf32, #tpu.memory_space<vmem>>
    %dma_start3A_49 = arith.constant 0 : i32
    %dma_start3A_50 = tpu.memref_slice %arg7[%dma_start3A_42, %dma_start3A_49] : memref<80x128xi32, #tpu.memory_space<vmem>> -> memref<1x128xi32, #tpu.memory_space<vmem>>
    %dma_start3A_51 = tpu.memref_squeeze %dma_start3A_50 : memref<1x128xi32, #tpu.memory_space<vmem>> -> memref<128xi32, #tpu.memory_space<vmem>>
    %dma_start3A_52 = arith.constant 0 : i32
    %dma_start3A_53 = arith.constant 0 : i32
    %dma_start3A_54 = tpu.memref_slice %arg2[%dma_start3A_52, %dma_start3A_53] : memref<10240x64xf32, #tpu.memory_space<hbm>> -> memref<10240x64xf32, #tpu.memory_space<hbm>>
    %dma_start3A_55 = tpu.memref_slice %arg11[%dma_start3A_44] : memref<8x!tpu.dma_semaphore, #tpu.memory_space<semaphore_mem>> -> memref<1x!tpu.dma_semaphore, #tpu.memory_space<semaphore_mem>>
    %dma_start3A_56 = tpu.memref_squeeze %dma_start3A_55 : memref<1x!tpu.dma_semaphore, #tpu.memory_space<semaphore_mem>> -> memref<!tpu.dma_semaphore, #tpu.memory_space<semaphore_mem>>
    tpu.enqueue_indirect_dma source(%dma_start3A_54 : memref<10240x64xf32, #tpu.memory_space<hbm>>) target(%dma_start3A_48 : memref<128x64xf32, #tpu.memory_space<vmem>>) offsets(%dma_start3A_51 : memref<128xi32, #tpu.memory_space<vmem>>) semaphore(%dma_start3A_56 : memref<!tpu.dma_semaphore, #tpu.memory_space<semaphore_mem>>)
    %dma_start3A_57 = arith.constant 3 : i32
    %dma_start3A_58 = arith.constant 3 : i32
    %dma_start3A_59 = arith.constant 3 : i32
    %dma_start3A_60 = arith.constant 0 : i32
    %dma_start3A_61 = arith.constant 0 : i32
    %dma_start3A_62 = tpu.memref_slice %arg9[%dma_start3A_58, %dma_start3A_60, %dma_start3A_61] : memref<8x128x64xf32, #tpu.memory_space<vmem>> -> memref<1x128x64xf32, #tpu.memory_space<vmem>>
    %dma_start3A_63 = tpu.memref_squeeze %dma_start3A_62 : memref<1x128x64xf32, #tpu.memory_space<vmem>> -> memref<128x64xf32, #tpu.memory_space<vmem>>
    %dma_start3A_64 = arith.constant 0 : i32
    %dma_start3A_65 = tpu.memref_slice %arg7[%dma_start3A_57, %dma_start3A_64] : memref<80x128xi32, #tpu.memory_space<vmem>> -> memref<1x128xi32, #tpu.memory_space<vmem>>
    %dma_start3A_66 = tpu.memref_squeeze %dma_start3A_65 : memref<1x128xi32, #tpu.memory_space<vmem>> -> memref<128xi32, #tpu.memory_space<vmem>>
    %dma_start3A_67 = arith.constant 0 : i32
    %dma_start3A_68 = arith.constant 0 : i32
    %dma_start3A_69 = tpu.memref_slice %arg2[%dma_start3A_67, %dma_start3A_68] : memref<10240x64xf32, #tpu.memory_space<hbm>> -> memref<10240x64xf32, #tpu.memory_space<hbm>>
    %dma_start3A_70 = tpu.memref_slice %arg11[%dma_start3A_59] : memref<8x!tpu.dma_semaphore, #tpu.memory_space<semaphore_mem>> -> memref<1x!tpu.dma_semaphore, #tpu.memory_space<semaphore_mem>>
    %dma_start3A_71 = tpu.memref_squeeze %dma_start3A_70 : memref<1x!tpu.dma_semaphore, #tpu.memory_space<semaphore_mem>> -> memref<!tpu.dma_semaphore, #tpu.memory_space<semaphore_mem>>
    tpu.enqueue_indirect_dma source(%dma_start3A_69 : memref<10240x64xf32, #tpu.memory_space<hbm>>) target(%dma_start3A_63 : memref<128x64xf32, #tpu.memory_space<vmem>>) offsets(%dma_start3A_66 : memref<128xi32, #tpu.memory_space<vmem>>) semaphore(%dma_start3A_71 : memref<!tpu.dma_semaphore, #tpu.memory_space<semaphore_mem>>)
    %dma_start3A_72 = arith.constant 4 : i32
    %dma_start3A_73 = arith.constant 4 : i32
    %dma_start3A_74 = arith.constant 4 : i32
    %dma_start3A_75 = arith.constant 0 : i32
    %dma_start3A_76 = arith.constant 0 : i32
    %dma_start3A_77 = tpu.memref_slice %arg9[%dma_start3A_73, %dma_start3A_75, %dma_start3A_76] : memref<8x128x64xf32, #tpu.memory_space<vmem>> -> memref<1x128x64xf32, #tpu.memory_space<vmem>>
    %dma_start3A_78 = tpu.memref_squeeze %dma_start3A_77 : memref<1x128x64xf32, #tpu.memory_space<vmem>> -> memref<128x64xf32, #tpu.memory_space<vmem>>
    %dma_start3A_79 = arith.constant 0 : i32
    %dma_start3A_80 = tpu.memref_slice %arg7[%dma_start3A_72, %dma_start3A_79] : memref<80x128xi32, #tpu.memory_space<vmem>> -> memref<1x128xi32, #tpu.memory_space<vmem>>
    %dma_start3A_81 = tpu.memref_squeeze %dma_start3A_80 : memref<1x128xi32, #tpu.memory_space<vmem>> -> memref<128xi32, #tpu.memory_space<vmem>>
    %dma_start3A_82 = arith.constant 0 : i32
    %dma_start3A_83 = arith.constant 0 : i32
    %dma_start3A_84 = tpu.memref_slice %arg2[%dma_start3A_82, %dma_start3A_83] : memref<10240x64xf32, #tpu.memory_space<hbm>> -> memref<10240x64xf32, #tpu.memory_space<hbm>>
    %dma_start3A_85 = tpu.memref_slice %arg11[%dma_start3A_74] : memref<8x!tpu.dma_semaphore, #tpu.memory_space<semaphore_mem>> -> memref<1x!tpu.dma_semaphore, #tpu.memory_space<semaphore_mem>>
    %dma_start3A_86 = tpu.memref_squeeze %dma_start3A_85 : memref<1x!tpu.dma_semaphore, #tpu.memory_space<semaphore_mem>> -> memref<!tpu.dma_semaphore, #tpu.memory_space<semaphore_mem>>
    tpu.enqueue_indirect_dma source(%dma_start3A_84 : memref<10240x64xf32, #tpu.memory_space<hbm>>) target(%dma_start3A_78 : memref<128x64xf32, #tpu.memory_space<vmem>>) offsets(%dma_start3A_81 : memref<128xi32, #tpu.memory_space<vmem>>) semaphore(%dma_start3A_86 : memref<!tpu.dma_semaphore, #tpu.memory_space<semaphore_mem>>)
    %dma_start3A_87 = arith.constant 5 : i32
    %dma_start3A_88 = arith.constant 5 : i32
    %dma_start3A_89 = arith.constant 5 : i32
    %dma_start3A_90 = arith.constant 0 : i32
    %dma_start3A_91 = arith.constant 0 : i32
    %dma_start3A_92 = tpu.memref_slice %arg9[%dma_start3A_88, %dma_start3A_90, %dma_start3A_91] : memref<8x128x64xf32, #tpu.memory_space<vmem>> -> memref<1x128x64xf32, #tpu.memory_space<vmem>>
    %dma_start3A_93 = tpu.memref_squeeze %dma_start3A_92 : memref<1x128x64xf32, #tpu.memory_space<vmem>> -> memref<128x64xf32, #tpu.memory_space<vmem>>
    %dma_start3A_94 = arith.constant 0 : i32
    %dma_start3A_95 = tpu.memref_slice %arg7[%dma_start3A_87, %dma_start3A_94] : memref<80x128xi32, #tpu.memory_space<vmem>> -> memref<1x128xi32, #tpu.memory_space<vmem>>
    %dma_start3A_96 = tpu.memref_squeeze %dma_start3A_95 : memref<1x128xi32, #tpu.memory_space<vmem>> -> memref<128xi32, #tpu.memory_space<vmem>>
    %dma_start3A_97 = arith.constant 0 : i32
    %dma_start3A_98 = arith.constant 0 : i32
    %dma_start3A_99 = tpu.memref_slice %arg2[%dma_start3A_97, %dma_start3A_98] : memref<10240x64xf32, #tpu.memory_space<hbm>> -> memref<10240x64xf32, #tpu.memory_space<hbm>>
    %dma_start3A_100 = tpu.memref_slice %arg11[%dma_start3A_89] : memref<8x!tpu.dma_semaphore, #tpu.memory_space<semaphore_mem>> -> memref<1x!tpu.dma_semaphore, #tpu.memory_space<semaphore_mem>>
    %dma_start3A_101 = tpu.memref_squeeze %dma_start3A_100 : memref<1x!tpu.dma_semaphore, #tpu.memory_space<semaphore_mem>> -> memref<!tpu.dma_semaphore, #tpu.memory_space<semaphore_mem>>
    tpu.enqueue_indirect_dma source(%dma_start3A_99 : memref<10240x64xf32, #tpu.memory_space<hbm>>) target(%dma_start3A_93 : memref<128x64xf32, #tpu.memory_space<vmem>>) offsets(%dma_start3A_96 : memref<128xi32, #tpu.memory_space<vmem>>) semaphore(%dma_start3A_101 : memref<!tpu.dma_semaphore, #tpu.memory_space<semaphore_mem>>)
    %dma_start3A_102 = arith.constant 6 : i32
    %dma_start3A_103 = arith.constant 6 : i32
    %dma_start3A_104 = arith.constant 6 : i32
    %dma_start3A_105 = arith.constant 0 : i32
    %dma_start3A_106 = arith.constant 0 : i32
    %dma_start3A_107 = tpu.memref_slice %arg9[%dma_start3A_103, %dma_start3A_105, %dma_start3A_106] : memref<8x128x64xf32, #tpu.memory_space<vmem>> -> memref<1x128x64xf32, #tpu.memory_space<vmem>>
    %dma_start3A_108 = tpu.memref_squeeze %dma_start3A_107 : memref<1x128x64xf32, #tpu.memory_space<vmem>> -> memref<128x64xf32, #tpu.memory_space<vmem>>
    %dma_start3A_109 = arith.constant 0 : i32
    %dma_start3A_110 = tpu.memref_slice %arg7[%dma_start3A_102, %dma_start3A_109] : memref<80x128xi32, #tpu.memory_space<vmem>> -> memref<1x128xi32, #tpu.memory_space<vmem>>
    %dma_start3A_111 = tpu.memref_squeeze %dma_start3A_110 : memref<1x128xi32, #tpu.memory_space<vmem>> -> memref<128xi32, #tpu.memory_space<vmem>>
    %dma_start3A_112 = arith.constant 0 : i32
    %dma_start3A_113 = arith.constant 0 : i32
    %dma_start3A_114 = tpu.memref_slice %arg2[%dma_start3A_112, %dma_start3A_113] : memref<10240x64xf32, #tpu.memory_space<hbm>> -> memref<10240x64xf32, #tpu.memory_space<hbm>>
    %dma_start3A_115 = tpu.memref_slice %arg11[%dma_start3A_104] : memref<8x!tpu.dma_semaphore, #tpu.memory_space<semaphore_mem>> -> memref<1x!tpu.dma_semaphore, #tpu.memory_space<semaphore_mem>>
    %dma_start3A_116 = tpu.memref_squeeze %dma_start3A_115 : memref<1x!tpu.dma_semaphore, #tpu.memory_space<semaphore_mem>> -> memref<!tpu.dma_semaphore, #tpu.memory_space<semaphore_mem>>
    tpu.enqueue_indirect_dma source(%dma_start3A_114 : memref<10240x64xf32, #tpu.memory_space<hbm>>) target(%dma_start3A_108 : memref<128x64xf32, #tpu.memory_space<vmem>>) offsets(%dma_start3A_111 : memref<128xi32, #tpu.memory_space<vmem>>) semaphore(%dma_start3A_116 : memref<!tpu.dma_semaphore, #tpu.memory_space<semaphore_mem>>)
    %dma_start3A_117 = arith.constant 7 : i32
    %dma_start3A_118 = arith.constant 7 : i32
    %dma_start3A_119 = arith.constant 7 : i32
    %dma_start3A_120 = arith.constant 0 : i32
    %dma_start3A_121 = arith.constant 0 : i32
    %dma_start3A_122 = tpu.memref_slice %arg9[%dma_start3A_118, %dma_start3A_120, %dma_start3A_121] : memref<8x128x64xf32, #tpu.memory_space<vmem>> -> memref<1x128x64xf32, #tpu.memory_space<vmem>>
    %dma_start3A_123 = tpu.memref_squeeze %dma_start3A_122 : memref<1x128x64xf32, #tpu.memory_space<vmem>> -> memref<128x64xf32, #tpu.memory_space<vmem>>
    %dma_start3A_124 = arith.constant 0 : i32
    %dma_start3A_125 = tpu.memref_slice %arg7[%dma_start3A_117, %dma_start3A_124] : memref<80x128xi32, #tpu.memory_space<vmem>> -> memref<1x128xi32, #tpu.memory_space<vmem>>
    %dma_start3A_126 = tpu.memref_squeeze %dma_start3A_125 : memref<1x128xi32, #tpu.memory_space<vmem>> -> memref<128xi32, #tpu.memory_space<vmem>>
    %dma_start3A_127 = arith.constant 0 : i32
    %dma_start3A_128 = arith.constant 0 : i32
    %dma_start3A_129 = tpu.memref_slice %arg2[%dma_start3A_127, %dma_start3A_128] : memref<10240x64xf32, #tpu.memory_space<hbm>> -> memref<10240x64xf32, #tpu.memory_space<hbm>>
    %dma_start3A_130 = tpu.memref_slice %arg11[%dma_start3A_119] : memref<8x!tpu.dma_semaphore, #tpu.memory_space<semaphore_mem>> -> memref<1x!tpu.dma_semaphore, #tpu.memory_space<semaphore_mem>>
    %dma_start3A_131 = tpu.memref_squeeze %dma_start3A_130 : memref<1x!tpu.dma_semaphore, #tpu.memory_space<semaphore_mem>> -> memref<!tpu.dma_semaphore, #tpu.memory_space<semaphore_mem>>
    tpu.enqueue_indirect_dma source(%dma_start3A_129 : memref<10240x64xf32, #tpu.memory_space<hbm>>) target(%dma_start3A_123 : memref<128x64xf32, #tpu.memory_space<vmem>>) offsets(%dma_start3A_126 : memref<128xi32, #tpu.memory_space<vmem>>) semaphore(%dma_start3A_131 : memref<!tpu.dma_semaphore, #tpu.memory_space<semaphore_mem>>)
    %scan3A = arith.constant 0 : i32
    %scan3A_132 = arith.constant 0 : i32
    %scan3A_133 = arith.constant 10 : i32
    %scan3A_134 = arith.addi %scan3A_132, %scan3A_133 : i32
    %scan3A_135 = arith.constant 1 : i32
    scf.for %scan3A_257 = %scan3A_132 to %scan3A_134 step %scan3A_135  : i32 {
      %mul3A_258 = arith.constant 8 : i32
      %mul3A_259 = arith.muli %scan3A_257, %mul3A_258 : i32
      %dma_wait3A_260 = arith.constant 0 : i32
      %dma_wait3A_261 = arith.constant 0 : i32
      %dma_wait3A_262 = arith.constant 0 : i32
      %dma_wait3A_263 = arith.constant 0 : i32
      %dma_wait3A_264 = arith.constant 0 : i32
      %dma_wait3A_265 = tpu.memref_slice %arg9[%dma_wait3A_261, %dma_wait3A_263, %dma_wait3A_264] : memref<8x128x64xf32, #tpu.memory_space<vmem>> -> memref<1x128x64xf32, #tpu.memory_space<vmem>>
      %dma_wait3A_266 = tpu.memref_squeeze %dma_wait3A_265 : memref<1x128x64xf32, #tpu.memory_space<vmem>> -> memref<128x64xf32, #tpu.memory_space<vmem>>
      %dma_wait3A_267 = arith.constant 0 : i32
      %dma_wait3A_268 = tpu.memref_slice %arg7[%dma_wait3A_260, %dma_wait3A_267] : memref<80x128xi32, #tpu.memory_space<vmem>> -> memref<1x128xi32, #tpu.memory_space<vmem>>
      %dma_wait3A_269 = tpu.memref_squeeze %dma_wait3A_268 : memref<1x128xi32, #tpu.memory_space<vmem>> -> memref<128xi32, #tpu.memory_space<vmem>>
      %dma_wait3A_270 = arith.constant 0 : i32
      %dma_wait3A_271 = arith.constant 0 : i32
      %dma_wait3A_272 = tpu.memref_slice %arg2[%dma_wait3A_270, %dma_wait3A_271] : memref<10240x64xf32, #tpu.memory_space<hbm>> -> memref<10240x64xf32, #tpu.memory_space<hbm>>
      %dma_wait3A_273 = tpu.memref_slice %arg11[%dma_wait3A_262] : memref<8x!tpu.dma_semaphore, #tpu.memory_space<semaphore_mem>> -> memref<1x!tpu.dma_semaphore, #tpu.memory_space<semaphore_mem>>
      %dma_wait3A_274 = tpu.memref_squeeze %dma_wait3A_273 : memref<1x!tpu.dma_semaphore, #tpu.memory_space<semaphore_mem>> -> memref<!tpu.dma_semaphore, #tpu.memory_space<semaphore_mem>>
      tpu.wait_indirect_dma semaphore(%dma_wait3A_274 : memref<!tpu.dma_semaphore, #tpu.memory_space<semaphore_mem>>) src(%dma_wait3A_272 : memref<10240x64xf32, #tpu.memory_space<hbm>>) dst(%dma_wait3A_266 : memref<128x64xf32, #tpu.memory_space<vmem>>)
      %add3A_275 = arith.constant 0 : i32
      %add3A_276 = arith.addi %mul3A_259, %add3A_275 : i32
      %dma_start3A_277 = arith.constant 0 : i32
      %dma_start3A_278 = arith.constant 0 : i32
      %dma_start3A_279 = arith.constant 0 : i32
      %dma_start3A_280 = arith.constant 0 : i32
      %dma_start3A_281 = tpu.memref_slice %arg9[%dma_start3A_277, %dma_start3A_279, %dma_start3A_280] : memref<8x128x64xf32, #tpu.memory_space<vmem>> -> memref<1x128x64xf32, #tpu.memory_space<vmem>>
      %dma_start3A_282 = tpu.memref_squeeze %dma_start3A_281 : memref<1x128x64xf32, #tpu.memory_space<vmem>> -> memref<128x64xf32, #tpu.memory_space<vmem>>
      %dma_start3A_283 = arith.constant 0 : i32
      %dma_start3A_284 = tpu.memref_slice %arg8[%add3A_276, %dma_start3A_283] : memref<80x128xi32, #tpu.memory_space<vmem>> -> memref<1x128xi32, #tpu.memory_space<vmem>>
      %dma_start3A_285 = tpu.memref_squeeze %dma_start3A_284 : memref<1x128xi32, #tpu.memory_space<vmem>> -> memref<128xi32, #tpu.memory_space<vmem>>
      %dma_start3A_286 = arith.constant 0 : i32
      %dma_start3A_287 = arith.constant 0 : i32
      %dma_start3A_288 = tpu.memref_slice %arg10[%dma_start3A_286, %dma_start3A_287] : memref<10240x64xf32, #tpu.memory_space<vmem_shared>> -> memref<10240x64xf32, #tpu.memory_space<vmem_shared>>
      %dma_start3A_289 = tpu.memref_slice %arg12[%dma_start3A_278] : memref<8x!tpu.dma_semaphore, #tpu.memory_space<semaphore_mem>> -> memref<1x!tpu.dma_semaphore, #tpu.memory_space<semaphore_mem>>
      %dma_start3A_290 = tpu.memref_squeeze %dma_start3A_289 : memref<1x!tpu.dma_semaphore, #tpu.memory_space<semaphore_mem>> -> memref<!tpu.dma_semaphore, #tpu.memory_space<semaphore_mem>>
      tpu.enqueue_indirect_dma source(%dma_start3A_282 : memref<128x64xf32, #tpu.memory_space<vmem>>) target(%dma_start3A_288 : memref<10240x64xf32, #tpu.memory_space<vmem_shared>>) offsets(%dma_start3A_285 : memref<128xi32, #tpu.memory_space<vmem>>) semaphore(%dma_start3A_290 : memref<!tpu.dma_semaphore, #tpu.memory_space<semaphore_mem>>) {add = true}
      %dma_wait3A_291 = arith.constant 0 : i32
      %dma_wait3A_292 = arith.constant 1 : i32
      %dma_wait3A_293 = arith.constant 1 : i32
      %dma_wait3A_294 = arith.constant 0 : i32
      %dma_wait3A_295 = arith.constant 0 : i32
      %dma_wait3A_296 = tpu.memref_slice %arg9[%dma_wait3A_292, %dma_wait3A_294, %dma_wait3A_295] : memref<8x128x64xf32, #tpu.memory_space<vmem>> -> memref<1x128x64xf32, #tpu.memory_space<vmem>>
      %dma_wait3A_297 = tpu.memref_squeeze %dma_wait3A_296 : memref<1x128x64xf32, #tpu.memory_space<vmem>> -> memref<128x64xf32, #tpu.memory_space<vmem>>
      %dma_wait3A_298 = arith.constant 0 : i32
      %dma_wait3A_299 = tpu.memref_slice %arg7[%dma_wait3A_291, %dma_wait3A_298] : memref<80x128xi32, #tpu.memory_space<vmem>> -> memref<1x128xi32, #tpu.memory_space<vmem>>
      %dma_wait3A_300 = tpu.memref_squeeze %dma_wait3A_299 : memref<1x128xi32, #tpu.memory_space<vmem>> -> memref<128xi32, #tpu.memory_space<vmem>>
      %dma_wait3A_301 = arith.constant 0 : i32
      %dma_wait3A_302 = arith.constant 0 : i32
      %dma_wait3A_303 = tpu.memref_slice %arg2[%dma_wait3A_301, %dma_wait3A_302] : memref<10240x64xf32, #tpu.memory_space<hbm>> -> memref<10240x64xf32, #tpu.memory_space<hbm>>
      %dma_wait3A_304 = tpu.memref_slice %arg11[%dma_wait3A_293] : memref<8x!tpu.dma_semaphore, #tpu.memory_space<semaphore_mem>> -> memref<1x!tpu.dma_semaphore, #tpu.memory_space<semaphore_mem>>
      %dma_wait3A_305 = tpu.memref_squeeze %dma_wait3A_304 : memref<1x!tpu.dma_semaphore, #tpu.memory_space<semaphore_mem>> -> memref<!tpu.dma_semaphore, #tpu.memory_space<semaphore_mem>>
      tpu.wait_indirect_dma semaphore(%dma_wait3A_305 : memref<!tpu.dma_semaphore, #tpu.memory_space<semaphore_mem>>) src(%dma_wait3A_303 : memref<10240x64xf32, #tpu.memory_space<hbm>>) dst(%dma_wait3A_297 : memref<128x64xf32, #tpu.memory_space<vmem>>)
      %add3A_306 = arith.constant 1 : i32
      %add3A_307 = arith.addi %mul3A_259, %add3A_306 : i32
      %dma_start3A_308 = arith.constant 1 : i32
      %dma_start3A_309 = arith.constant 1 : i32
      %dma_start3A_310 = arith.constant 0 : i32
      %dma_start3A_311 = arith.constant 0 : i32
      %dma_start3A_312 = tpu.memref_slice %arg9[%dma_start3A_308, %dma_start3A_310, %dma_start3A_311] : memref<8x128x64xf32, #tpu.memory_space<vmem>> -> memref<1x128x64xf32, #tpu.memory_space<vmem>>
      %dma_start3A_313 = tpu.memref_squeeze %dma_start3A_312 : memref<1x128x64xf32, #tpu.memory_space<vmem>> -> memref<128x64xf32, #tpu.memory_space<vmem>>
      %dma_start3A_314 = arith.constant 0 : i32
      %dma_start3A_315 = tpu.memref_slice %arg8[%add3A_307, %dma_start3A_314] : memref<80x128xi32, #tpu.memory_space<vmem>> -> memref<1x128xi32, #tpu.memory_space<vmem>>
      %dma_start3A_316 = tpu.memref_squeeze %dma_start3A_315 : memref<1x128xi32, #tpu.memory_space<vmem>> -> memref<128xi32, #tpu.memory_space<vmem>>
      %dma_start3A_317 = arith.constant 0 : i32
      %dma_start3A_318 = arith.constant 0 : i32
      %dma_start3A_319 = tpu.memref_slice %arg10[%dma_start3A_317, %dma_start3A_318] : memref<10240x64xf32, #tpu.memory_space<vmem_shared>> -> memref<10240x64xf32, #tpu.memory_space<vmem_shared>>
      %dma_start3A_320 = tpu.memref_slice %arg12[%dma_start3A_309] : memref<8x!tpu.dma_semaphore, #tpu.memory_space<semaphore_mem>> -> memref<1x!tpu.dma_semaphore, #tpu.memory_space<semaphore_mem>>
      %dma_start3A_321 = tpu.memref_squeeze %dma_start3A_320 : memref<1x!tpu.dma_semaphore, #tpu.memory_space<semaphore_mem>> -> memref<!tpu.dma_semaphore, #tpu.memory_space<semaphore_mem>>
      tpu.enqueue_indirect_dma source(%dma_start3A_313 : memref<128x64xf32, #tpu.memory_space<vmem>>) target(%dma_start3A_319 : memref<10240x64xf32, #tpu.memory_space<vmem_shared>>) offsets(%dma_start3A_316 : memref<128xi32, #tpu.memory_space<vmem>>) semaphore(%dma_start3A_321 : memref<!tpu.dma_semaphore, #tpu.memory_space<semaphore_mem>>) {add = true}
      %dma_wait3A_322 = arith.constant 0 : i32
      %dma_wait3A_323 = arith.constant 2 : i32
      %dma_wait3A_324 = arith.constant 2 : i32
      %dma_wait3A_325 = arith.constant 0 : i32
      %dma_wait3A_326 = arith.constant 0 : i32
      %dma_wait3A_327 = tpu.memref_slice %arg9[%dma_wait3A_323, %dma_wait3A_325, %dma_wait3A_326] : memref<8x128x64xf32, #tpu.memory_space<vmem>> -> memref<1x128x64xf32, #tpu.memory_space<vmem>>
      %dma_wait3A_328 = tpu.memref_squeeze %dma_wait3A_327 : memref<1x128x64xf32, #tpu.memory_space<vmem>> -> memref<128x64xf32, #tpu.memory_space<vmem>>
      %dma_wait3A_329 = arith.constant 0 : i32
      %dma_wait3A_330 = tpu.memref_slice %arg7[%dma_wait3A_322, %dma_wait3A_329] : memref<80x128xi32, #tpu.memory_space<vmem>> -> memref<1x128xi32, #tpu.memory_space<vmem>>
      %dma_wait3A_331 = tpu.memref_squeeze %dma_wait3A_330 : memref<1x128xi32, #tpu.memory_space<vmem>> -> memref<128xi32, #tpu.memory_space<vmem>>
      %dma_wait3A_332 = arith.constant 0 : i32
      %dma_wait3A_333 = arith.constant 0 : i32
      %dma_wait3A_334 = tpu.memref_slice %arg2[%dma_wait3A_332, %dma_wait3A_333] : memref<10240x64xf32, #tpu.memory_space<hbm>> -> memref<10240x64xf32, #tpu.memory_space<hbm>>
      %dma_wait3A_335 = tpu.memref_slice %arg11[%dma_wait3A_324] : memref<8x!tpu.dma_semaphore, #tpu.memory_space<semaphore_mem>> -> memref<1x!tpu.dma_semaphore, #tpu.memory_space<semaphore_mem>>
      %dma_wait3A_336 = tpu.memref_squeeze %dma_wait3A_335 : memref<1x!tpu.dma_semaphore, #tpu.memory_space<semaphore_mem>> -> memref<!tpu.dma_semaphore, #tpu.memory_space<semaphore_mem>>
      tpu.wait_indirect_dma semaphore(%dma_wait3A_336 : memref<!tpu.dma_semaphore, #tpu.memory_space<semaphore_mem>>) src(%dma_wait3A_334 : memref<10240x64xf32, #tpu.memory_space<hbm>>) dst(%dma_wait3A_328 : memref<128x64xf32, #tpu.memory_space<vmem>>)
      %add3A_337 = arith.constant 2 : i32
      %add3A_338 = arith.addi %mul3A_259, %add3A_337 : i32
      %dma_start3A_339 = arith.constant 2 : i32
      %dma_start3A_340 = arith.constant 2 : i32
      %dma_start3A_341 = arith.constant 0 : i32
      %dma_start3A_342 = arith.constant 0 : i32
      %dma_start3A_343 = tpu.memref_slice %arg9[%dma_start3A_339, %dma_start3A_341, %dma_start3A_342] : memref<8x128x64xf32, #tpu.memory_space<vmem>> -> memref<1x128x64xf32, #tpu.memory_space<vmem>>
      %dma_start3A_344 = tpu.memref_squeeze %dma_start3A_343 : memref<1x128x64xf32, #tpu.memory_space<vmem>> -> memref<128x64xf32, #tpu.memory_space<vmem>>
      %dma_start3A_345 = arith.constant 0 : i32
      %dma_start3A_346 = tpu.memref_slice %arg8[%add3A_338, %dma_start3A_345] : memref<80x128xi32, #tpu.memory_space<vmem>> -> memref<1x128xi32, #tpu.memory_space<vmem>>
      %dma_start3A_347 = tpu.memref_squeeze %dma_start3A_346 : memref<1x128xi32, #tpu.memory_space<vmem>> -> memref<128xi32, #tpu.memory_space<vmem>>
      %dma_start3A_348 = arith.constant 0 : i32
      %dma_start3A_349 = arith.constant 0 : i32
      %dma_start3A_350 = tpu.memref_slice %arg10[%dma_start3A_348, %dma_start3A_349] : memref<10240x64xf32, #tpu.memory_space<vmem_shared>> -> memref<10240x64xf32, #tpu.memory_space<vmem_shared>>
      %dma_start3A_351 = tpu.memref_slice %arg12[%dma_start3A_340] : memref<8x!tpu.dma_semaphore, #tpu.memory_space<semaphore_mem>> -> memref<1x!tpu.dma_semaphore, #tpu.memory_space<semaphore_mem>>
      %dma_start3A_352 = tpu.memref_squeeze %dma_start3A_351 : memref<1x!tpu.dma_semaphore, #tpu.memory_space<semaphore_mem>> -> memref<!tpu.dma_semaphore, #tpu.memory_space<semaphore_mem>>
      tpu.enqueue_indirect_dma source(%dma_start3A_344 : memref<128x64xf32, #tpu.memory_space<vmem>>) target(%dma_start3A_350 : memref<10240x64xf32, #tpu.memory_space<vmem_shared>>) offsets(%dma_start3A_347 : memref<128xi32, #tpu.memory_space<vmem>>) semaphore(%dma_start3A_352 : memref<!tpu.dma_semaphore, #tpu.memory_space<semaphore_mem>>) {add = true}
      %dma_wait3A_353 = arith.constant 0 : i32
      %dma_wait3A_354 = arith.constant 3 : i32
      %dma_wait3A_355 = arith.constant 3 : i32
      %dma_wait3A_356 = arith.constant 0 : i32
      %dma_wait3A_357 = arith.constant 0 : i32
      %dma_wait3A_358 = tpu.memref_slice %arg9[%dma_wait3A_354, %dma_wait3A_356, %dma_wait3A_357] : memref<8x128x64xf32, #tpu.memory_space<vmem>> -> memref<1x128x64xf32, #tpu.memory_space<vmem>>
      %dma_wait3A_359 = tpu.memref_squeeze %dma_wait3A_358 : memref<1x128x64xf32, #tpu.memory_space<vmem>> -> memref<128x64xf32, #tpu.memory_space<vmem>>
      %dma_wait3A_360 = arith.constant 0 : i32
      %dma_wait3A_361 = tpu.memref_slice %arg7[%dma_wait3A_353, %dma_wait3A_360] : memref<80x128xi32, #tpu.memory_space<vmem>> -> memref<1x128xi32, #tpu.memory_space<vmem>>
      %dma_wait3A_362 = tpu.memref_squeeze %dma_wait3A_361 : memref<1x128xi32, #tpu.memory_space<vmem>> -> memref<128xi32, #tpu.memory_space<vmem>>
      %dma_wait3A_363 = arith.constant 0 : i32
      %dma_wait3A_364 = arith.constant 0 : i32
      %dma_wait3A_365 = tpu.memref_slice %arg2[%dma_wait3A_363, %dma_wait3A_364] : memref<10240x64xf32, #tpu.memory_space<hbm>> -> memref<10240x64xf32, #tpu.memory_space<hbm>>
      %dma_wait3A_366 = tpu.memref_slice %arg11[%dma_wait3A_355] : memref<8x!tpu.dma_semaphore, #tpu.memory_space<semaphore_mem>> -> memref<1x!tpu.dma_semaphore, #tpu.memory_space<semaphore_mem>>
      %dma_wait3A_367 = tpu.memref_squeeze %dma_wait3A_366 : memref<1x!tpu.dma_semaphore, #tpu.memory_space<semaphore_mem>> -> memref<!tpu.dma_semaphore, #tpu.memory_space<semaphore_mem>>
      tpu.wait_indirect_dma semaphore(%dma_wait3A_367 : memref<!tpu.dma_semaphore, #tpu.memory_space<semaphore_mem>>) src(%dma_wait3A_365 : memref<10240x64xf32, #tpu.memory_space<hbm>>) dst(%dma_wait3A_359 : memref<128x64xf32, #tpu.memory_space<vmem>>)
      %add3A_368 = arith.constant 3 : i32
      %add3A_369 = arith.addi %mul3A_259, %add3A_368 : i32
      %dma_start3A_370 = arith.constant 3 : i32
      %dma_start3A_371 = arith.constant 3 : i32
      %dma_start3A_372 = arith.constant 0 : i32
      %dma_start3A_373 = arith.constant 0 : i32
      %dma_start3A_374 = tpu.memref_slice %arg9[%dma_start3A_370, %dma_start3A_372, %dma_start3A_373] : memref<8x128x64xf32, #tpu.memory_space<vmem>> -> memref<1x128x64xf32, #tpu.memory_space<vmem>>
      %dma_start3A_375 = tpu.memref_squeeze %dma_start3A_374 : memref<1x128x64xf32, #tpu.memory_space<vmem>> -> memref<128x64xf32, #tpu.memory_space<vmem>>
      %dma_start3A_376 = arith.constant 0 : i32
      %dma_start3A_377 = tpu.memref_slice %arg8[%add3A_369, %dma_start3A_376] : memref<80x128xi32, #tpu.memory_space<vmem>> -> memref<1x128xi32, #tpu.memory_space<vmem>>
      %dma_start3A_378 = tpu.memref_squeeze %dma_start3A_377 : memref<1x128xi32, #tpu.memory_space<vmem>> -> memref<128xi32, #tpu.memory_space<vmem>>
      %dma_start3A_379 = arith.constant 0 : i32
      %dma_start3A_380 = arith.constant 0 : i32
      %dma_start3A_381 = tpu.memref_slice %arg10[%dma_start3A_379, %dma_start3A_380] : memref<10240x64xf32, #tpu.memory_space<vmem_shared>> -> memref<10240x64xf32, #tpu.memory_space<vmem_shared>>
      %dma_start3A_382 = tpu.memref_slice %arg12[%dma_start3A_371] : memref<8x!tpu.dma_semaphore, #tpu.memory_space<semaphore_mem>> -> memref<1x!tpu.dma_semaphore, #tpu.memory_space<semaphore_mem>>
      %dma_start3A_383 = tpu.memref_squeeze %dma_start3A_382 : memref<1x!tpu.dma_semaphore, #tpu.memory_space<semaphore_mem>> -> memref<!tpu.dma_semaphore, #tpu.memory_space<semaphore_mem>>
      tpu.enqueue_indirect_dma source(%dma_start3A_375 : memref<128x64xf32, #tpu.memory_space<vmem>>) target(%dma_start3A_381 : memref<10240x64xf32, #tpu.memory_space<vmem_shared>>) offsets(%dma_start3A_378 : memref<128xi32, #tpu.memory_space<vmem>>) semaphore(%dma_start3A_383 : memref<!tpu.dma_semaphore, #tpu.memory_space<semaphore_mem>>) {add = true}
      %dma_wait3A_384 = arith.constant 0 : i32
      %dma_wait3A_385 = arith.constant 4 : i32
      %dma_wait3A_386 = arith.constant 4 : i32
      %dma_wait3A_387 = arith.constant 0 : i32
      %dma_wait3A_388 = arith.constant 0 : i32
      %dma_wait3A_389 = tpu.memref_slice %arg9[%dma_wait3A_385, %dma_wait3A_387, %dma_wait3A_388] : memref<8x128x64xf32, #tpu.memory_space<vmem>> -> memref<1x128x64xf32, #tpu.memory_space<vmem>>
      %dma_wait3A_390 = tpu.memref_squeeze %dma_wait3A_389 : memref<1x128x64xf32, #tpu.memory_space<vmem>> -> memref<128x64xf32, #tpu.memory_space<vmem>>
      %dma_wait3A_391 = arith.constant 0 : i32
      %dma_wait3A_392 = tpu.memref_slice %arg7[%dma_wait3A_384, %dma_wait3A_391] : memref<80x128xi32, #tpu.memory_space<vmem>> -> memref<1x128xi32, #tpu.memory_space<vmem>>
      %dma_wait3A_393 = tpu.memref_squeeze %dma_wait3A_392 : memref<1x128xi32, #tpu.memory_space<vmem>> -> memref<128xi32, #tpu.memory_space<vmem>>
      %dma_wait3A_394 = arith.constant 0 : i32
      %dma_wait3A_395 = arith.constant 0 : i32
      %dma_wait3A_396 = tpu.memref_slice %arg2[%dma_wait3A_394, %dma_wait3A_395] : memref<10240x64xf32, #tpu.memory_space<hbm>> -> memref<10240x64xf32, #tpu.memory_space<hbm>>
      %dma_wait3A_397 = tpu.memref_slice %arg11[%dma_wait3A_386] : memref<8x!tpu.dma_semaphore, #tpu.memory_space<semaphore_mem>> -> memref<1x!tpu.dma_semaphore, #tpu.memory_space<semaphore_mem>>
      %dma_wait3A_398 = tpu.memref_squeeze %dma_wait3A_397 : memref<1x!tpu.dma_semaphore, #tpu.memory_space<semaphore_mem>> -> memref<!tpu.dma_semaphore, #tpu.memory_space<semaphore_mem>>
      tpu.wait_indirect_dma semaphore(%dma_wait3A_398 : memref<!tpu.dma_semaphore, #tpu.memory_space<semaphore_mem>>) src(%dma_wait3A_396 : memref<10240x64xf32, #tpu.memory_space<hbm>>) dst(%dma_wait3A_390 : memref<128x64xf32, #tpu.memory_space<vmem>>)
      %add3A_399 = arith.constant 4 : i32
      %add3A_400 = arith.addi %mul3A_259, %add3A_399 : i32
      %dma_start3A_401 = arith.constant 4 : i32
      %dma_start3A_402 = arith.constant 4 : i32
      %dma_start3A_403 = arith.constant 0 : i32
      %dma_start3A_404 = arith.constant 0 : i32
      %dma_start3A_405 = tpu.memref_slice %arg9[%dma_start3A_401, %dma_start3A_403, %dma_start3A_404] : memref<8x128x64xf32, #tpu.memory_space<vmem>> -> memref<1x128x64xf32, #tpu.memory_space<vmem>>
      %dma_start3A_406 = tpu.memref_squeeze %dma_start3A_405 : memref<1x128x64xf32, #tpu.memory_space<vmem>> -> memref<128x64xf32, #tpu.memory_space<vmem>>
      %dma_start3A_407 = arith.constant 0 : i32
      %dma_start3A_408 = tpu.memref_slice %arg8[%add3A_400, %dma_start3A_407] : memref<80x128xi32, #tpu.memory_space<vmem>> -> memref<1x128xi32, #tpu.memory_space<vmem>>
      %dma_start3A_409 = tpu.memref_squeeze %dma_start3A_408 : memref<1x128xi32, #tpu.memory_space<vmem>> -> memref<128xi32, #tpu.memory_space<vmem>>
      %dma_start3A_410 = arith.constant 0 : i32
      %dma_start3A_411 = arith.constant 0 : i32
      %dma_start3A_412 = tpu.memref_slice %arg10[%dma_start3A_410, %dma_start3A_411] : memref<10240x64xf32, #tpu.memory_space<vmem_shared>> -> memref<10240x64xf32, #tpu.memory_space<vmem_shared>>
      %dma_start3A_413 = tpu.memref_slice %arg12[%dma_start3A_402] : memref<8x!tpu.dma_semaphore, #tpu.memory_space<semaphore_mem>> -> memref<1x!tpu.dma_semaphore, #tpu.memory_space<semaphore_mem>>
      %dma_start3A_414 = tpu.memref_squeeze %dma_start3A_413 : memref<1x!tpu.dma_semaphore, #tpu.memory_space<semaphore_mem>> -> memref<!tpu.dma_semaphore, #tpu.memory_space<semaphore_mem>>
      tpu.enqueue_indirect_dma source(%dma_start3A_406 : memref<128x64xf32, #tpu.memory_space<vmem>>) target(%dma_start3A_412 : memref<10240x64xf32, #tpu.memory_space<vmem_shared>>) offsets(%dma_start3A_409 : memref<128xi32, #tpu.memory_space<vmem>>) semaphore(%dma_start3A_414 : memref<!tpu.dma_semaphore, #tpu.memory_space<semaphore_mem>>) {add = true}
      %dma_wait3A_415 = arith.constant 0 : i32
      %dma_wait3A_416 = arith.constant 5 : i32
      %dma_wait3A_417 = arith.constant 5 : i32
      %dma_wait3A_418 = arith.constant 0 : i32
      %dma_wait3A_419 = arith.constant 0 : i32
      %dma_wait3A_420 = tpu.memref_slice %arg9[%dma_wait3A_416, %dma_wait3A_418, %dma_wait3A_419] : memref<8x128x64xf32, #tpu.memory_space<vmem>> -> memref<1x128x64xf32, #tpu.memory_space<vmem>>
      %dma_wait3A_421 = tpu.memref_squeeze %dma_wait3A_420 : memref<1x128x64xf32, #tpu.memory_space<vmem>> -> memref<128x64xf32, #tpu.memory_space<vmem>>
      %dma_wait3A_422 = arith.constant 0 : i32
      %dma_wait3A_423 = tpu.memref_slice %arg7[%dma_wait3A_415, %dma_wait3A_422] : memref<80x128xi32, #tpu.memory_space<vmem>> -> memref<1x128xi32, #tpu.memory_space<vmem>>
      %dma_wait3A_424 = tpu.memref_squeeze %dma_wait3A_423 : memref<1x128xi32, #tpu.memory_space<vmem>> -> memref<128xi32, #tpu.memory_space<vmem>>
      %dma_wait3A_425 = arith.constant 0 : i32
      %dma_wait3A_426 = arith.constant 0 : i32
      %dma_wait3A_427 = tpu.memref_slice %arg2[%dma_wait3A_425, %dma_wait3A_426] : memref<10240x64xf32, #tpu.memory_space<hbm>> -> memref<10240x64xf32, #tpu.memory_space<hbm>>
      %dma_wait3A_428 = tpu.memref_slice %arg11[%dma_wait3A_417] : memref<8x!tpu.dma_semaphore, #tpu.memory_space<semaphore_mem>> -> memref<1x!tpu.dma_semaphore, #tpu.memory_space<semaphore_mem>>
      %dma_wait3A_429 = tpu.memref_squeeze %dma_wait3A_428 : memref<1x!tpu.dma_semaphore, #tpu.memory_space<semaphore_mem>> -> memref<!tpu.dma_semaphore, #tpu.memory_space<semaphore_mem>>
      tpu.wait_indirect_dma semaphore(%dma_wait3A_429 : memref<!tpu.dma_semaphore, #tpu.memory_space<semaphore_mem>>) src(%dma_wait3A_427 : memref<10240x64xf32, #tpu.memory_space<hbm>>) dst(%dma_wait3A_421 : memref<128x64xf32, #tpu.memory_space<vmem>>)
      %add3A_430 = arith.constant 5 : i32
      %add3A_431 = arith.addi %mul3A_259, %add3A_430 : i32
      %dma_start3A_432 = arith.constant 5 : i32
      %dma_start3A_433 = arith.constant 5 : i32
      %dma_start3A_434 = arith.constant 0 : i32
      %dma_start3A_435 = arith.constant 0 : i32
      %dma_start3A_436 = tpu.memref_slice %arg9[%dma_start3A_432, %dma_start3A_434, %dma_start3A_435] : memref<8x128x64xf32, #tpu.memory_space<vmem>> -> memref<1x128x64xf32, #tpu.memory_space<vmem>>
      %dma_start3A_437 = tpu.memref_squeeze %dma_start3A_436 : memref<1x128x64xf32, #tpu.memory_space<vmem>> -> memref<128x64xf32, #tpu.memory_space<vmem>>
      %dma_start3A_438 = arith.constant 0 : i32
      %dma_start3A_439 = tpu.memref_slice %arg8[%add3A_431, %dma_start3A_438] : memref<80x128xi32, #tpu.memory_space<vmem>> -> memref<1x128xi32, #tpu.memory_space<vmem>>
      %dma_start3A_440 = tpu.memref_squeeze %dma_start3A_439 : memref<1x128xi32, #tpu.memory_space<vmem>> -> memref<128xi32, #tpu.memory_space<vmem>>
      %dma_start3A_441 = arith.constant 0 : i32
      %dma_start3A_442 = arith.constant 0 : i32
      %dma_start3A_443 = tpu.memref_slice %arg10[%dma_start3A_441, %dma_start3A_442] : memref<10240x64xf32, #tpu.memory_space<vmem_shared>> -> memref<10240x64xf32, #tpu.memory_space<vmem_shared>>
      %dma_start3A_444 = tpu.memref_slice %arg12[%dma_start3A_433] : memref<8x!tpu.dma_semaphore, #tpu.memory_space<semaphore_mem>> -> memref<1x!tpu.dma_semaphore, #tpu.memory_space<semaphore_mem>>
      %dma_start3A_445 = tpu.memref_squeeze %dma_start3A_444 : memref<1x!tpu.dma_semaphore, #tpu.memory_space<semaphore_mem>> -> memref<!tpu.dma_semaphore, #tpu.memory_space<semaphore_mem>>
      tpu.enqueue_indirect_dma source(%dma_start3A_437 : memref<128x64xf32, #tpu.memory_space<vmem>>) target(%dma_start3A_443 : memref<10240x64xf32, #tpu.memory_space<vmem_shared>>) offsets(%dma_start3A_440 : memref<128xi32, #tpu.memory_space<vmem>>) semaphore(%dma_start3A_445 : memref<!tpu.dma_semaphore, #tpu.memory_space<semaphore_mem>>) {add = true}
      %dma_wait3A_446 = arith.constant 0 : i32
      %dma_wait3A_447 = arith.constant 6 : i32
      %dma_wait3A_448 = arith.constant 6 : i32
      %dma_wait3A_449 = arith.constant 0 : i32
      %dma_wait3A_450 = arith.constant 0 : i32
      %dma_wait3A_451 = tpu.memref_slice %arg9[%dma_wait3A_447, %dma_wait3A_449, %dma_wait3A_450] : memref<8x128x64xf32, #tpu.memory_space<vmem>> -> memref<1x128x64xf32, #tpu.memory_space<vmem>>
      %dma_wait3A_452 = tpu.memref_squeeze %dma_wait3A_451 : memref<1x128x64xf32, #tpu.memory_space<vmem>> -> memref<128x64xf32, #tpu.memory_space<vmem>>
      %dma_wait3A_453 = arith.constant 0 : i32
      %dma_wait3A_454 = tpu.memref_slice %arg7[%dma_wait3A_446, %dma_wait3A_453] : memref<80x128xi32, #tpu.memory_space<vmem>> -> memref<1x128xi32, #tpu.memory_space<vmem>>
      %dma_wait3A_455 = tpu.memref_squeeze %dma_wait3A_454 : memref<1x128xi32, #tpu.memory_space<vmem>> -> memref<128xi32, #tpu.memory_space<vmem>>
      %dma_wait3A_456 = arith.constant 0 : i32
      %dma_wait3A_457 = arith.constant 0 : i32
      %dma_wait3A_458 = tpu.memref_slice %arg2[%dma_wait3A_456, %dma_wait3A_457] : memref<10240x64xf32, #tpu.memory_space<hbm>> -> memref<10240x64xf32, #tpu.memory_space<hbm>>
      %dma_wait3A_459 = tpu.memref_slice %arg11[%dma_wait3A_448] : memref<8x!tpu.dma_semaphore, #tpu.memory_space<semaphore_mem>> -> memref<1x!tpu.dma_semaphore, #tpu.memory_space<semaphore_mem>>
      %dma_wait3A_460 = tpu.memref_squeeze %dma_wait3A_459 : memref<1x!tpu.dma_semaphore, #tpu.memory_space<semaphore_mem>> -> memref<!tpu.dma_semaphore, #tpu.memory_space<semaphore_mem>>
      tpu.wait_indirect_dma semaphore(%dma_wait3A_460 : memref<!tpu.dma_semaphore, #tpu.memory_space<semaphore_mem>>) src(%dma_wait3A_458 : memref<10240x64xf32, #tpu.memory_space<hbm>>) dst(%dma_wait3A_452 : memref<128x64xf32, #tpu.memory_space<vmem>>)
      %add3A_461 = arith.constant 6 : i32
      %add3A_462 = arith.addi %mul3A_259, %add3A_461 : i32
      %dma_start3A_463 = arith.constant 6 : i32
      %dma_start3A_464 = arith.constant 6 : i32
      %dma_start3A_465 = arith.constant 0 : i32
      %dma_start3A_466 = arith.constant 0 : i32
      %dma_start3A_467 = tpu.memref_slice %arg9[%dma_start3A_463, %dma_start3A_465, %dma_start3A_466] : memref<8x128x64xf32, #tpu.memory_space<vmem>> -> memref<1x128x64xf32, #tpu.memory_space<vmem>>
      %dma_start3A_468 = tpu.memref_squeeze %dma_start3A_467 : memref<1x128x64xf32, #tpu.memory_space<vmem>> -> memref<128x64xf32, #tpu.memory_space<vmem>>
      %dma_start3A_469 = arith.constant 0 : i32
      %dma_start3A_470 = tpu.memref_slice %arg8[%add3A_462, %dma_start3A_469] : memref<80x128xi32, #tpu.memory_space<vmem>> -> memref<1x128xi32, #tpu.memory_space<vmem>>
      %dma_start3A_471 = tpu.memref_squeeze %dma_start3A_470 : memref<1x128xi32, #tpu.memory_space<vmem>> -> memref<128xi32, #tpu.memory_space<vmem>>
      %dma_start3A_472 = arith.constant 0 : i32
      %dma_start3A_473 = arith.constant 0 : i32
      %dma_start3A_474 = tpu.memref_slice %arg10[%dma_start3A_472, %dma_start3A_473] : memref<10240x64xf32, #tpu.memory_space<vmem_shared>> -> memref<10240x64xf32, #tpu.memory_space<vmem_shared>>
      %dma_start3A_475 = tpu.memref_slice %arg12[%dma_start3A_464] : memref<8x!tpu.dma_semaphore, #tpu.memory_space<semaphore_mem>> -> memref<1x!tpu.dma_semaphore, #tpu.memory_space<semaphore_mem>>
      %dma_start3A_476 = tpu.memref_squeeze %dma_start3A_475 : memref<1x!tpu.dma_semaphore, #tpu.memory_space<semaphore_mem>> -> memref<!tpu.dma_semaphore, #tpu.memory_space<semaphore_mem>>
      tpu.enqueue_indirect_dma source(%dma_start3A_468 : memref<128x64xf32, #tpu.memory_space<vmem>>) target(%dma_start3A_474 : memref<10240x64xf32, #tpu.memory_space<vmem_shared>>) offsets(%dma_start3A_471 : memref<128xi32, #tpu.memory_space<vmem>>) semaphore(%dma_start3A_476 : memref<!tpu.dma_semaphore, #tpu.memory_space<semaphore_mem>>) {add = true}
      %dma_wait3A_477 = arith.constant 0 : i32
      %dma_wait3A_478 = arith.constant 7 : i32
      %dma_wait3A_479 = arith.constant 7 : i32
      %dma_wait3A_480 = arith.constant 0 : i32
      %dma_wait3A_481 = arith.constant 0 : i32
      %dma_wait3A_482 = tpu.memref_slice %arg9[%dma_wait3A_478, %dma_wait3A_480, %dma_wait3A_481] : memref<8x128x64xf32, #tpu.memory_space<vmem>> -> memref<1x128x64xf32, #tpu.memory_space<vmem>>
      %dma_wait3A_483 = tpu.memref_squeeze %dma_wait3A_482 : memref<1x128x64xf32, #tpu.memory_space<vmem>> -> memref<128x64xf32, #tpu.memory_space<vmem>>
      %dma_wait3A_484 = arith.constant 0 : i32
      %dma_wait3A_485 = tpu.memref_slice %arg7[%dma_wait3A_477, %dma_wait3A_484] : memref<80x128xi32, #tpu.memory_space<vmem>> -> memref<1x128xi32, #tpu.memory_space<vmem>>
      %dma_wait3A_486 = tpu.memref_squeeze %dma_wait3A_485 : memref<1x128xi32, #tpu.memory_space<vmem>> -> memref<128xi32, #tpu.memory_space<vmem>>
      %dma_wait3A_487 = arith.constant 0 : i32
      %dma_wait3A_488 = arith.constant 0 : i32
      %dma_wait3A_489 = tpu.memref_slice %arg2[%dma_wait3A_487, %dma_wait3A_488] : memref<10240x64xf32, #tpu.memory_space<hbm>> -> memref<10240x64xf32, #tpu.memory_space<hbm>>
      %dma_wait3A_490 = tpu.memref_slice %arg11[%dma_wait3A_479] : memref<8x!tpu.dma_semaphore, #tpu.memory_space<semaphore_mem>> -> memref<1x!tpu.dma_semaphore, #tpu.memory_space<semaphore_mem>>
      %dma_wait3A_491 = tpu.memref_squeeze %dma_wait3A_490 : memref<1x!tpu.dma_semaphore, #tpu.memory_space<semaphore_mem>> -> memref<!tpu.dma_semaphore, #tpu.memory_space<semaphore_mem>>
      tpu.wait_indirect_dma semaphore(%dma_wait3A_491 : memref<!tpu.dma_semaphore, #tpu.memory_space<semaphore_mem>>) src(%dma_wait3A_489 : memref<10240x64xf32, #tpu.memory_space<hbm>>) dst(%dma_wait3A_483 : memref<128x64xf32, #tpu.memory_space<vmem>>)
      %add3A_492 = arith.constant 7 : i32
      %add3A_493 = arith.addi %mul3A_259, %add3A_492 : i32
      %dma_start3A_494 = arith.constant 7 : i32
      %dma_start3A_495 = arith.constant 7 : i32
      %dma_start3A_496 = arith.constant 0 : i32
      %dma_start3A_497 = arith.constant 0 : i32
      %dma_start3A_498 = tpu.memref_slice %arg9[%dma_start3A_494, %dma_start3A_496, %dma_start3A_497] : memref<8x128x64xf32, #tpu.memory_space<vmem>> -> memref<1x128x64xf32, #tpu.memory_space<vmem>>
      %dma_start3A_499 = tpu.memref_squeeze %dma_start3A_498 : memref<1x128x64xf32, #tpu.memory_space<vmem>> -> memref<128x64xf32, #tpu.memory_space<vmem>>
      %dma_start3A_500 = arith.constant 0 : i32
      %dma_start3A_501 = tpu.memref_slice %arg8[%add3A_493, %dma_start3A_500] : memref<80x128xi32, #tpu.memory_space<vmem>> -> memref<1x128xi32, #tpu.memory_space<vmem>>
      %dma_start3A_502 = tpu.memref_squeeze %dma_start3A_501 : memref<1x128xi32, #tpu.memory_space<vmem>> -> memref<128xi32, #tpu.memory_space<vmem>>
      %dma_start3A_503 = arith.constant 0 : i32
      %dma_start3A_504 = arith.constant 0 : i32
      %dma_start3A_505 = tpu.memref_slice %arg10[%dma_start3A_503, %dma_start3A_504] : memref<10240x64xf32, #tpu.memory_space<vmem_shared>> -> memref<10240x64xf32, #tpu.memory_space<vmem_shared>>
      %dma_start3A_506 = tpu.memref_slice %arg12[%dma_start3A_495] : memref<8x!tpu.dma_semaphore, #tpu.memory_space<semaphore_mem>> -> memref<1x!tpu.dma_semaphore, #tpu.memory_space<semaphore_mem>>
      %dma_start3A_507 = tpu.memref_squeeze %dma_start3A_506 : memref<1x!tpu.dma_semaphore, #tpu.memory_space<semaphore_mem>> -> memref<!tpu.dma_semaphore, #tpu.memory_space<semaphore_mem>>
      tpu.enqueue_indirect_dma source(%dma_start3A_499 : memref<128x64xf32, #tpu.memory_space<vmem>>) target(%dma_start3A_505 : memref<10240x64xf32, #tpu.memory_space<vmem_shared>>) offsets(%dma_start3A_502 : memref<128xi32, #tpu.memory_space<vmem>>) semaphore(%dma_start3A_507 : memref<!tpu.dma_semaphore, #tpu.memory_space<semaphore_mem>>) {add = true}
      %dma_wait3A_508 = arith.constant 0 : i32
      %dma_wait3A_509 = arith.constant 0 : i32
      %dma_wait3A_510 = arith.constant 0 : i32
      %dma_wait3A_511 = arith.constant 0 : i32
      %dma_wait3A_512 = arith.constant 0 : i32
      %dma_wait3A_513 = tpu.memref_slice %arg9[%dma_wait3A_508, %dma_wait3A_511, %dma_wait3A_512] : memref<8x128x64xf32, #tpu.memory_space<vmem>> -> memref<1x128x64xf32, #tpu.memory_space<vmem>>
      %dma_wait3A_514 = tpu.memref_squeeze %dma_wait3A_513 : memref<1x128x64xf32, #tpu.memory_space<vmem>> -> memref<128x64xf32, #tpu.memory_space<vmem>>
      %dma_wait3A_515 = arith.constant 0 : i32
      %dma_wait3A_516 = tpu.memref_slice %arg8[%dma_wait3A_509, %dma_wait3A_515] : memref<80x128xi32, #tpu.memory_space<vmem>> -> memref<1x128xi32, #tpu.memory_space<vmem>>
      %dma_wait3A_517 = tpu.memref_squeeze %dma_wait3A_516 : memref<1x128xi32, #tpu.memory_space<vmem>> -> memref<128xi32, #tpu.memory_space<vmem>>
      %dma_wait3A_518 = arith.constant 0 : i32
      %dma_wait3A_519 = arith.constant 0 : i32
      %dma_wait3A_520 = tpu.memref_slice %arg10[%dma_wait3A_518, %dma_wait3A_519] : memref<10240x64xf32, #tpu.memory_space<vmem_shared>> -> memref<10240x64xf32, #tpu.memory_space<vmem_shared>>
      %dma_wait3A_521 = tpu.memref_slice %arg12[%dma_wait3A_510] : memref<8x!tpu.dma_semaphore, #tpu.memory_space<semaphore_mem>> -> memref<1x!tpu.dma_semaphore, #tpu.memory_space<semaphore_mem>>
      %dma_wait3A_522 = tpu.memref_squeeze %dma_wait3A_521 : memref<1x!tpu.dma_semaphore, #tpu.memory_space<semaphore_mem>> -> memref<!tpu.dma_semaphore, #tpu.memory_space<semaphore_mem>>
      tpu.wait_indirect_dma semaphore(%dma_wait3A_522 : memref<!tpu.dma_semaphore, #tpu.memory_space<semaphore_mem>>) src(%dma_wait3A_514 : memref<128x64xf32, #tpu.memory_space<vmem>>) dst(%dma_wait3A_520 : memref<10240x64xf32, #tpu.memory_space<vmem_shared>>)
      %add3A_523 = arith.constant 8 : i32
      %add3A_524 = arith.addi %mul3A_259, %add3A_523 : i32
      %add3A_525 = arith.constant 0 : i32
      %add3A_526 = arith.addi %add3A_524, %add3A_525 : i32
      %min3A = arith.constant 79 : i32
      %min3A_527 = arith.minsi %add3A_526, %min3A : i32
      %dma_start3A_528 = arith.constant 0 : i32
      %dma_start3A_529 = arith.constant 0 : i32
      %dma_start3A_530 = arith.constant 0 : i32
      %dma_start3A_531 = arith.constant 0 : i32
      %dma_start3A_532 = tpu.memref_slice %arg9[%dma_start3A_528, %dma_start3A_530, %dma_start3A_531] : memref<8x128x64xf32, #tpu.memory_space<vmem>> -> memref<1x128x64xf32, #tpu.memory_space<vmem>>
      %dma_start3A_533 = tpu.memref_squeeze %dma_start3A_532 : memref<1x128x64xf32, #tpu.memory_space<vmem>> -> memref<128x64xf32, #tpu.memory_space<vmem>>
      %dma_start3A_534 = arith.constant 0 : i32
      %dma_start3A_535 = tpu.memref_slice %arg7[%min3A_527, %dma_start3A_534] : memref<80x128xi32, #tpu.memory_space<vmem>> -> memref<1x128xi32, #tpu.memory_space<vmem>>
      %dma_start3A_536 = tpu.memref_squeeze %dma_start3A_535 : memref<1x128xi32, #tpu.memory_space<vmem>> -> memref<128xi32, #tpu.memory_space<vmem>>
      %dma_start3A_537 = arith.constant 0 : i32
      %dma_start3A_538 = arith.constant 0 : i32
      %dma_start3A_539 = tpu.memref_slice %arg2[%dma_start3A_537, %dma_start3A_538] : memref<10240x64xf32, #tpu.memory_space<hbm>> -> memref<10240x64xf32, #tpu.memory_space<hbm>>
      %dma_start3A_540 = tpu.memref_slice %arg11[%dma_start3A_529] : memref<8x!tpu.dma_semaphore, #tpu.memory_space<semaphore_mem>> -> memref<1x!tpu.dma_semaphore, #tpu.memory_space<semaphore_mem>>
      %dma_start3A_541 = tpu.memref_squeeze %dma_start3A_540 : memref<1x!tpu.dma_semaphore, #tpu.memory_space<semaphore_mem>> -> memref<!tpu.dma_semaphore, #tpu.memory_space<semaphore_mem>>
      tpu.enqueue_indirect_dma source(%dma_start3A_539 : memref<10240x64xf32, #tpu.memory_space<hbm>>) target(%dma_start3A_533 : memref<128x64xf32, #tpu.memory_space<vmem>>) offsets(%dma_start3A_536 : memref<128xi32, #tpu.memory_space<vmem>>) semaphore(%dma_start3A_541 : memref<!tpu.dma_semaphore, #tpu.memory_space<semaphore_mem>>)
      %dma_wait3A_542 = arith.constant 1 : i32
      %dma_wait3A_543 = arith.constant 0 : i32
      %dma_wait3A_544 = arith.constant 1 : i32
      %dma_wait3A_545 = arith.constant 0 : i32
      %dma_wait3A_546 = arith.constant 0 : i32
      %dma_wait3A_547 = tpu.memref_slice %arg9[%dma_wait3A_542, %dma_wait3A_545, %dma_wait3A_546] : memref<8x128x64xf32, #tpu.memory_space<vmem>> -> memref<1x128x64xf32, #tpu.memory_space<vmem>>
      %dma_wait3A_548 = tpu.memref_squeeze %dma_wait3A_547 : memref<1x128x64xf32, #tpu.memory_space<vmem>> -> memref<128x64xf32, #tpu.memory_space<vmem>>
      %dma_wait3A_549 = arith.constant 0 : i32
      %dma_wait3A_550 = tpu.memref_slice %arg8[%dma_wait3A_543, %dma_wait3A_549] : memref<80x128xi32, #tpu.memory_space<vmem>> -> memref<1x128xi32, #tpu.memory_space<vmem>>
      %dma_wait3A_551 = tpu.memref_squeeze %dma_wait3A_550 : memref<1x128xi32, #tpu.memory_space<vmem>> -> memref<128xi32, #tpu.memory_space<vmem>>
      %dma_wait3A_552 = arith.constant 0 : i32
      %dma_wait3A_553 = arith.constant 0 : i32
      %dma_wait3A_554 = tpu.memref_slice %arg10[%dma_wait3A_552, %dma_wait3A_553] : memref<10240x64xf32, #tpu.memory_space<vmem_shared>> -> memref<10240x64xf32, #tpu.memory_space<vmem_shared>>
      %dma_wait3A_555 = tpu.memref_slice %arg12[%dma_wait3A_544] : memref<8x!tpu.dma_semaphore, #tpu.memory_space<semaphore_mem>> -> memref<1x!tpu.dma_semaphore, #tpu.memory_space<semaphore_mem>>
      %dma_wait3A_556 = tpu.memref_squeeze %dma_wait3A_555 : memref<1x!tpu.dma_semaphore, #tpu.memory_space<semaphore_mem>> -> memref<!tpu.dma_semaphore, #tpu.memory_space<semaphore_mem>>
      tpu.wait_indirect_dma semaphore(%dma_wait3A_556 : memref<!tpu.dma_semaphore, #tpu.memory_space<semaphore_mem>>) src(%dma_wait3A_548 : memref<128x64xf32, #tpu.memory_space<vmem>>) dst(%dma_wait3A_554 : memref<10240x64xf32, #tpu.memory_space<vmem_shared>>)
      %add3A_557 = arith.constant 8 : i32
      %add3A_558 = arith.addi %mul3A_259, %add3A_557 : i32
      %add3A_559 = arith.constant 1 : i32
      %add3A_560 = arith.addi %add3A_558, %add3A_559 : i32
      %min3A_561 = arith.constant 79 : i32
      %min3A_562 = arith.minsi %add3A_560, %min3A_561 : i32
      %dma_start3A_563 = arith.constant 1 : i32
      %dma_start3A_564 = arith.constant 1 : i32
      %dma_start3A_565 = arith.constant 0 : i32
      %dma_start3A_566 = arith.constant 0 : i32
      %dma_start3A_567 = tpu.memref_slice %arg9[%dma_start3A_563, %dma_start3A_565, %dma_start3A_566] : memref<8x128x64xf32, #tpu.memory_space<vmem>> -> memref<1x128x64xf32, #tpu.memory_space<vmem>>
      %dma_start3A_568 = tpu.memref_squeeze %dma_start3A_567 : memref<1x128x64xf32, #tpu.memory_space<vmem>> -> memref<128x64xf32, #tpu.memory_space<vmem>>
      %dma_start3A_569 = arith.constant 0 : i32
      %dma_start3A_570 = tpu.memref_slice %arg7[%min3A_562, %dma_start3A_569] : memref<80x128xi32, #tpu.memory_space<vmem>> -> memref<1x128xi32, #tpu.memory_space<vmem>>
      %dma_start3A_571 = tpu.memref_squeeze %dma_start3A_570 : memref<1x128xi32, #tpu.memory_space<vmem>> -> memref<128xi32, #tpu.memory_space<vmem>>
      %dma_start3A_572 = arith.constant 0 : i32
      %dma_start3A_573 = arith.constant 0 : i32
      %dma_start3A_574 = tpu.memref_slice %arg2[%dma_start3A_572, %dma_start3A_573] : memref<10240x64xf32, #tpu.memory_space<hbm>> -> memref<10240x64xf32, #tpu.memory_space<hbm>>
      %dma_start3A_575 = tpu.memref_slice %arg11[%dma_start3A_564] : memref<8x!tpu.dma_semaphore, #tpu.memory_space<semaphore_mem>> -> memref<1x!tpu.dma_semaphore, #tpu.memory_space<semaphore_mem>>
      %dma_start3A_576 = tpu.memref_squeeze %dma_start3A_575 : memref<1x!tpu.dma_semaphore, #tpu.memory_space<semaphore_mem>> -> memref<!tpu.dma_semaphore, #tpu.memory_space<semaphore_mem>>
      tpu.enqueue_indirect_dma source(%dma_start3A_574 : memref<10240x64xf32, #tpu.memory_space<hbm>>) target(%dma_start3A_568 : memref<128x64xf32, #tpu.memory_space<vmem>>) offsets(%dma_start3A_571 : memref<128xi32, #tpu.memory_space<vmem>>) semaphore(%dma_start3A_576 : memref<!tpu.dma_semaphore, #tpu.memory_space<semaphore_mem>>)
      %dma_wait3A_577 = arith.constant 2 : i32
      %dma_wait3A_578 = arith.constant 0 : i32
      %dma_wait3A_579 = arith.constant 2 : i32
      %dma_wait3A_580 = arith.constant 0 : i32
      %dma_wait3A_581 = arith.constant 0 : i32
      %dma_wait3A_582 = tpu.memref_slice %arg9[%dma_wait3A_577, %dma_wait3A_580, %dma_wait3A_581] : memref<8x128x64xf32, #tpu.memory_space<vmem>> -> memref<1x128x64xf32, #tpu.memory_space<vmem>>
      %dma_wait3A_583 = tpu.memref_squeeze %dma_wait3A_582 : memref<1x128x64xf32, #tpu.memory_space<vmem>> -> memref<128x64xf32, #tpu.memory_space<vmem>>
      %dma_wait3A_584 = arith.constant 0 : i32
      %dma_wait3A_585 = tpu.memref_slice %arg8[%dma_wait3A_578, %dma_wait3A_584] : memref<80x128xi32, #tpu.memory_space<vmem>> -> memref<1x128xi32, #tpu.memory_space<vmem>>
      %dma_wait3A_586 = tpu.memref_squeeze %dma_wait3A_585 : memref<1x128xi32, #tpu.memory_space<vmem>> -> memref<128xi32, #tpu.memory_space<vmem>>
      %dma_wait3A_587 = arith.constant 0 : i32
      %dma_wait3A_588 = arith.constant 0 : i32
      %dma_wait3A_589 = tpu.memref_slice %arg10[%dma_wait3A_587, %dma_wait3A_588] : memref<10240x64xf32, #tpu.memory_space<vmem_shared>> -> memref<10240x64xf32, #tpu.memory_space<vmem_shared>>
      %dma_wait3A_590 = tpu.memref_slice %arg12[%dma_wait3A_579] : memref<8x!tpu.dma_semaphore, #tpu.memory_space<semaphore_mem>> -> memref<1x!tpu.dma_semaphore, #tpu.memory_space<semaphore_mem>>
      %dma_wait3A_591 = tpu.memref_squeeze %dma_wait3A_590 : memref<1x!tpu.dma_semaphore, #tpu.memory_space<semaphore_mem>> -> memref<!tpu.dma_semaphore, #tpu.memory_space<semaphore_mem>>
      tpu.wait_indirect_dma semaphore(%dma_wait3A_591 : memref<!tpu.dma_semaphore, #tpu.memory_space<semaphore_mem>>) src(%dma_wait3A_583 : memref<128x64xf32, #tpu.memory_space<vmem>>) dst(%dma_wait3A_589 : memref<10240x64xf32, #tpu.memory_space<vmem_shared>>)
      %add3A_592 = arith.constant 8 : i32
      %add3A_593 = arith.addi %mul3A_259, %add3A_592 : i32
      %add3A_594 = arith.constant 2 : i32
      %add3A_595 = arith.addi %add3A_593, %add3A_594 : i32
      %min3A_596 = arith.constant 79 : i32
      %min3A_597 = arith.minsi %add3A_595, %min3A_596 : i32
      %dma_start3A_598 = arith.constant 2 : i32
      %dma_start3A_599 = arith.constant 2 : i32
      %dma_start3A_600 = arith.constant 0 : i32
      %dma_start3A_601 = arith.constant 0 : i32
      %dma_start3A_602 = tpu.memref_slice %arg9[%dma_start3A_598, %dma_start3A_600, %dma_start3A_601] : memref<8x128x64xf32, #tpu.memory_space<vmem>> -> memref<1x128x64xf32, #tpu.memory_space<vmem>>
      %dma_start3A_603 = tpu.memref_squeeze %dma_start3A_602 : memref<1x128x64xf32, #tpu.memory_space<vmem>> -> memref<128x64xf32, #tpu.memory_space<vmem>>
      %dma_start3A_604 = arith.constant 0 : i32
      %dma_start3A_605 = tpu.memref_slice %arg7[%min3A_597, %dma_start3A_604] : memref<80x128xi32, #tpu.memory_space<vmem>> -> memref<1x128xi32, #tpu.memory_space<vmem>>
      %dma_start3A_606 = tpu.memref_squeeze %dma_start3A_605 : memref<1x128xi32, #tpu.memory_space<vmem>> -> memref<128xi32, #tpu.memory_space<vmem>>
      %dma_start3A_607 = arith.constant 0 : i32
      %dma_start3A_608 = arith.constant 0 : i32
      %dma_start3A_609 = tpu.memref_slice %arg2[%dma_start3A_607, %dma_start3A_608] : memref<10240x64xf32, #tpu.memory_space<hbm>> -> memref<10240x64xf32, #tpu.memory_space<hbm>>
      %dma_start3A_610 = tpu.memref_slice %arg11[%dma_start3A_599] : memref<8x!tpu.dma_semaphore, #tpu.memory_space<semaphore_mem>> -> memref<1x!tpu.dma_semaphore, #tpu.memory_space<semaphore_mem>>
      %dma_start3A_611 = tpu.memref_squeeze %dma_start3A_610 : memref<1x!tpu.dma_semaphore, #tpu.memory_space<semaphore_mem>> -> memref<!tpu.dma_semaphore, #tpu.memory_space<semaphore_mem>>
      tpu.enqueue_indirect_dma source(%dma_start3A_609 : memref<10240x64xf32, #tpu.memory_space<hbm>>) target(%dma_start3A_603 : memref<128x64xf32, #tpu.memory_space<vmem>>) offsets(%dma_start3A_606 : memref<128xi32, #tpu.memory_space<vmem>>) semaphore(%dma_start3A_611 : memref<!tpu.dma_semaphore, #tpu.memory_space<semaphore_mem>>)
      %dma_wait3A_612 = arith.constant 3 : i32
      %dma_wait3A_613 = arith.constant 0 : i32
      %dma_wait3A_614 = arith.constant 3 : i32
      %dma_wait3A_615 = arith.constant 0 : i32
      %dma_wait3A_616 = arith.constant 0 : i32
      %dma_wait3A_617 = tpu.memref_slice %arg9[%dma_wait3A_612, %dma_wait3A_615, %dma_wait3A_616] : memref<8x128x64xf32, #tpu.memory_space<vmem>> -> memref<1x128x64xf32, #tpu.memory_space<vmem>>
      %dma_wait3A_618 = tpu.memref_squeeze %dma_wait3A_617 : memref<1x128x64xf32, #tpu.memory_space<vmem>> -> memref<128x64xf32, #tpu.memory_space<vmem>>
      %dma_wait3A_619 = arith.constant 0 : i32
      %dma_wait3A_620 = tpu.memref_slice %arg8[%dma_wait3A_613, %dma_wait3A_619] : memref<80x128xi32, #tpu.memory_space<vmem>> -> memref<1x128xi32, #tpu.memory_space<vmem>>
      %dma_wait3A_621 = tpu.memref_squeeze %dma_wait3A_620 : memref<1x128xi32, #tpu.memory_space<vmem>> -> memref<128xi32, #tpu.memory_space<vmem>>
      %dma_wait3A_622 = arith.constant 0 : i32
      %dma_wait3A_623 = arith.constant 0 : i32
      %dma_wait3A_624 = tpu.memref_slice %arg10[%dma_wait3A_622, %dma_wait3A_623] : memref<10240x64xf32, #tpu.memory_space<vmem_shared>> -> memref<10240x64xf32, #tpu.memory_space<vmem_shared>>
      %dma_wait3A_625 = tpu.memref_slice %arg12[%dma_wait3A_614] : memref<8x!tpu.dma_semaphore, #tpu.memory_space<semaphore_mem>> -> memref<1x!tpu.dma_semaphore, #tpu.memory_space<semaphore_mem>>
      %dma_wait3A_626 = tpu.memref_squeeze %dma_wait3A_625 : memref<1x!tpu.dma_semaphore, #tpu.memory_space<semaphore_mem>> -> memref<!tpu.dma_semaphore, #tpu.memory_space<semaphore_mem>>
      tpu.wait_indirect_dma semaphore(%dma_wait3A_626 : memref<!tpu.dma_semaphore, #tpu.memory_space<semaphore_mem>>) src(%dma_wait3A_618 : memref<128x64xf32, #tpu.memory_space<vmem>>) dst(%dma_wait3A_624 : memref<10240x64xf32, #tpu.memory_space<vmem_shared>>)
      %add3A_627 = arith.constant 8 : i32
      %add3A_628 = arith.addi %mul3A_259, %add3A_627 : i32
      %add3A_629 = arith.constant 3 : i32
      %add3A_630 = arith.addi %add3A_628, %add3A_629 : i32
      %min3A_631 = arith.constant 79 : i32
      %min3A_632 = arith.minsi %add3A_630, %min3A_631 : i32
      %dma_start3A_633 = arith.constant 3 : i32
      %dma_start3A_634 = arith.constant 3 : i32
      %dma_start3A_635 = arith.constant 0 : i32
      %dma_start3A_636 = arith.constant 0 : i32
      %dma_start3A_637 = tpu.memref_slice %arg9[%dma_start3A_633, %dma_start3A_635, %dma_start3A_636] : memref<8x128x64xf32, #tpu.memory_space<vmem>> -> memref<1x128x64xf32, #tpu.memory_space<vmem>>
      %dma_start3A_638 = tpu.memref_squeeze %dma_start3A_637 : memref<1x128x64xf32, #tpu.memory_space<vmem>> -> memref<128x64xf32, #tpu.memory_space<vmem>>
      %dma_start3A_639 = arith.constant 0 : i32
      %dma_start3A_640 = tpu.memref_slice %arg7[%min3A_632, %dma_start3A_639] : memref<80x128xi32, #tpu.memory_space<vmem>> -> memref<1x128xi32, #tpu.memory_space<vmem>>
      %dma_start3A_641 = tpu.memref_squeeze %dma_start3A_640 : memref<1x128xi32, #tpu.memory_space<vmem>> -> memref<128xi32, #tpu.memory_space<vmem>>
      %dma_start3A_642 = arith.constant 0 : i32
      %dma_start3A_643 = arith.constant 0 : i32
      %dma_start3A_644 = tpu.memref_slice %arg2[%dma_start3A_642, %dma_start3A_643] : memref<10240x64xf32, #tpu.memory_space<hbm>> -> memref<10240x64xf32, #tpu.memory_space<hbm>>
      %dma_start3A_645 = tpu.memref_slice %arg11[%dma_start3A_634] : memref<8x!tpu.dma_semaphore, #tpu.memory_space<semaphore_mem>> -> memref<1x!tpu.dma_semaphore, #tpu.memory_space<semaphore_mem>>
      %dma_start3A_646 = tpu.memref_squeeze %dma_start3A_645 : memref<1x!tpu.dma_semaphore, #tpu.memory_space<semaphore_mem>> -> memref<!tpu.dma_semaphore, #tpu.memory_space<semaphore_mem>>
      tpu.enqueue_indirect_dma source(%dma_start3A_644 : memref<10240x64xf32, #tpu.memory_space<hbm>>) target(%dma_start3A_638 : memref<128x64xf32, #tpu.memory_space<vmem>>) offsets(%dma_start3A_641 : memref<128xi32, #tpu.memory_space<vmem>>) semaphore(%dma_start3A_646 : memref<!tpu.dma_semaphore, #tpu.memory_space<semaphore_mem>>)
      %dma_wait3A_647 = arith.constant 4 : i32
      %dma_wait3A_648 = arith.constant 0 : i32
      %dma_wait3A_649 = arith.constant 4 : i32
      %dma_wait3A_650 = arith.constant 0 : i32
      %dma_wait3A_651 = arith.constant 0 : i32
      %dma_wait3A_652 = tpu.memref_slice %arg9[%dma_wait3A_647, %dma_wait3A_650, %dma_wait3A_651] : memref<8x128x64xf32, #tpu.memory_space<vmem>> -> memref<1x128x64xf32, #tpu.memory_space<vmem>>
      %dma_wait3A_653 = tpu.memref_squeeze %dma_wait3A_652 : memref<1x128x64xf32, #tpu.memory_space<vmem>> -> memref<128x64xf32, #tpu.memory_space<vmem>>
      %dma_wait3A_654 = arith.constant 0 : i32
      %dma_wait3A_655 = tpu.memref_slice %arg8[%dma_wait3A_648, %dma_wait3A_654] : memref<80x128xi32, #tpu.memory_space<vmem>> -> memref<1x128xi32, #tpu.memory_space<vmem>>
      %dma_wait3A_656 = tpu.memref_squeeze %dma_wait3A_655 : memref<1x128xi32, #tpu.memory_space<vmem>> -> memref<128xi32, #tpu.memory_space<vmem>>
      %dma_wait3A_657 = arith.constant 0 : i32
      %dma_wait3A_658 = arith.constant 0 : i32
      %dma_wait3A_659 = tpu.memref_slice %arg10[%dma_wait3A_657, %dma_wait3A_658] : memref<10240x64xf32, #tpu.memory_space<vmem_shared>> -> memref<10240x64xf32, #tpu.memory_space<vmem_shared>>
      %dma_wait3A_660 = tpu.memref_slice %arg12[%dma_wait3A_649] : memref<8x!tpu.dma_semaphore, #tpu.memory_space<semaphore_mem>> -> memref<1x!tpu.dma_semaphore, #tpu.memory_space<semaphore_mem>>
      %dma_wait3A_661 = tpu.memref_squeeze %dma_wait3A_660 : memref<1x!tpu.dma_semaphore, #tpu.memory_space<semaphore_mem>> -> memref<!tpu.dma_semaphore, #tpu.memory_space<semaphore_mem>>
      tpu.wait_indirect_dma semaphore(%dma_wait3A_661 : memref<!tpu.dma_semaphore, #tpu.memory_space<semaphore_mem>>) src(%dma_wait3A_653 : memref<128x64xf32, #tpu.memory_space<vmem>>) dst(%dma_wait3A_659 : memref<10240x64xf32, #tpu.memory_space<vmem_shared>>)
      %add3A_662 = arith.constant 8 : i32
      %add3A_663 = arith.addi %mul3A_259, %add3A_662 : i32
      %add3A_664 = arith.constant 4 : i32
      %add3A_665 = arith.addi %add3A_663, %add3A_664 : i32
      %min3A_666 = arith.constant 79 : i32
      %min3A_667 = arith.minsi %add3A_665, %min3A_666 : i32
      %dma_start3A_668 = arith.constant 4 : i32
      %dma_start3A_669 = arith.constant 4 : i32
      %dma_start3A_670 = arith.constant 0 : i32
      %dma_start3A_671 = arith.constant 0 : i32
      %dma_start3A_672 = tpu.memref_slice %arg9[%dma_start3A_668, %dma_start3A_670, %dma_start3A_671] : memref<8x128x64xf32, #tpu.memory_space<vmem>> -> memref<1x128x64xf32, #tpu.memory_space<vmem>>
      %dma_start3A_673 = tpu.memref_squeeze %dma_start3A_672 : memref<1x128x64xf32, #tpu.memory_space<vmem>> -> memref<128x64xf32, #tpu.memory_space<vmem>>
      %dma_start3A_674 = arith.constant 0 : i32
      %dma_start3A_675 = tpu.memref_slice %arg7[%min3A_667, %dma_start3A_674] : memref<80x128xi32, #tpu.memory_space<vmem>> -> memref<1x128xi32, #tpu.memory_space<vmem>>
      %dma_start3A_676 = tpu.memref_squeeze %dma_start3A_675 : memref<1x128xi32, #tpu.memory_space<vmem>> -> memref<128xi32, #tpu.memory_space<vmem>>
      %dma_start3A_677 = arith.constant 0 : i32
      %dma_start3A_678 = arith.constant 0 : i32
      %dma_start3A_679 = tpu.memref_slice %arg2[%dma_start3A_677, %dma_start3A_678] : memref<10240x64xf32, #tpu.memory_space<hbm>> -> memref<10240x64xf32, #tpu.memory_space<hbm>>
      %dma_start3A_680 = tpu.memref_slice %arg11[%dma_start3A_669] : memref<8x!tpu.dma_semaphore, #tpu.memory_space<semaphore_mem>> -> memref<1x!tpu.dma_semaphore, #tpu.memory_space<semaphore_mem>>
      %dma_start3A_681 = tpu.memref_squeeze %dma_start3A_680 : memref<1x!tpu.dma_semaphore, #tpu.memory_space<semaphore_mem>> -> memref<!tpu.dma_semaphore, #tpu.memory_space<semaphore_mem>>
      tpu.enqueue_indirect_dma source(%dma_start3A_679 : memref<10240x64xf32, #tpu.memory_space<hbm>>) target(%dma_start3A_673 : memref<128x64xf32, #tpu.memory_space<vmem>>) offsets(%dma_start3A_676 : memref<128xi32, #tpu.memory_space<vmem>>) semaphore(%dma_start3A_681 : memref<!tpu.dma_semaphore, #tpu.memory_space<semaphore_mem>>)
      %dma_wait3A_682 = arith.constant 5 : i32
      %dma_wait3A_683 = arith.constant 0 : i32
      %dma_wait3A_684 = arith.constant 5 : i32
      %dma_wait3A_685 = arith.constant 0 : i32
      %dma_wait3A_686 = arith.constant 0 : i32
      %dma_wait3A_687 = tpu.memref_slice %arg9[%dma_wait3A_682, %dma_wait3A_685, %dma_wait3A_686] : memref<8x128x64xf32, #tpu.memory_space<vmem>> -> memref<1x128x64xf32, #tpu.memory_space<vmem>>
      %dma_wait3A_688 = tpu.memref_squeeze %dma_wait3A_687 : memref<1x128x64xf32, #tpu.memory_space<vmem>> -> memref<128x64xf32, #tpu.memory_space<vmem>>
      %dma_wait3A_689 = arith.constant 0 : i32
      %dma_wait3A_690 = tpu.memref_slice %arg8[%dma_wait3A_683, %dma_wait3A_689] : memref<80x128xi32, #tpu.memory_space<vmem>> -> memref<1x128xi32, #tpu.memory_space<vmem>>
      %dma_wait3A_691 = tpu.memref_squeeze %dma_wait3A_690 : memref<1x128xi32, #tpu.memory_space<vmem>> -> memref<128xi32, #tpu.memory_space<vmem>>
      %dma_wait3A_692 = arith.constant 0 : i32
      %dma_wait3A_693 = arith.constant 0 : i32
      %dma_wait3A_694 = tpu.memref_slice %arg10[%dma_wait3A_692, %dma_wait3A_693] : memref<10240x64xf32, #tpu.memory_space<vmem_shared>> -> memref<10240x64xf32, #tpu.memory_space<vmem_shared>>
      %dma_wait3A_695 = tpu.memref_slice %arg12[%dma_wait3A_684] : memref<8x!tpu.dma_semaphore, #tpu.memory_space<semaphore_mem>> -> memref<1x!tpu.dma_semaphore, #tpu.memory_space<semaphore_mem>>
      %dma_wait3A_696 = tpu.memref_squeeze %dma_wait3A_695 : memref<1x!tpu.dma_semaphore, #tpu.memory_space<semaphore_mem>> -> memref<!tpu.dma_semaphore, #tpu.memory_space<semaphore_mem>>
      tpu.wait_indirect_dma semaphore(%dma_wait3A_696 : memref<!tpu.dma_semaphore, #tpu.memory_space<semaphore_mem>>) src(%dma_wait3A_688 : memref<128x64xf32, #tpu.memory_space<vmem>>) dst(%dma_wait3A_694 : memref<10240x64xf32, #tpu.memory_space<vmem_shared>>)
      %add3A_697 = arith.constant 8 : i32
      %add3A_698 = arith.addi %mul3A_259, %add3A_697 : i32
      %add3A_699 = arith.constant 5 : i32
      %add3A_700 = arith.addi %add3A_698, %add3A_699 : i32
      %min3A_701 = arith.constant 79 : i32
      %min3A_702 = arith.minsi %add3A_700, %min3A_701 : i32
      %dma_start3A_703 = arith.constant 5 : i32
      %dma_start3A_704 = arith.constant 5 : i32
      %dma_start3A_705 = arith.constant 0 : i32
      %dma_start3A_706 = arith.constant 0 : i32
      %dma_start3A_707 = tpu.memref_slice %arg9[%dma_start3A_703, %dma_start3A_705, %dma_start3A_706] : memref<8x128x64xf32, #tpu.memory_space<vmem>> -> memref<1x128x64xf32, #tpu.memory_space<vmem>>
      %dma_start3A_708 = tpu.memref_squeeze %dma_start3A_707 : memref<1x128x64xf32, #tpu.memory_space<vmem>> -> memref<128x64xf32, #tpu.memory_space<vmem>>
      %dma_start3A_709 = arith.constant 0 : i32
      %dma_start3A_710 = tpu.memref_slice %arg7[%min3A_702, %dma_start3A_709] : memref<80x128xi32, #tpu.memory_space<vmem>> -> memref<1x128xi32, #tpu.memory_space<vmem>>
      %dma_start3A_711 = tpu.memref_squeeze %dma_start3A_710 : memref<1x128xi32, #tpu.memory_space<vmem>> -> memref<128xi32, #tpu.memory_space<vmem>>
      %dma_start3A_712 = arith.constant 0 : i32
      %dma_start3A_713 = arith.constant 0 : i32
      %dma_start3A_714 = tpu.memref_slice %arg2[%dma_start3A_712, %dma_start3A_713] : memref<10240x64xf32, #tpu.memory_space<hbm>> -> memref<10240x64xf32, #tpu.memory_space<hbm>>
      %dma_start3A_715 = tpu.memref_slice %arg11[%dma_start3A_704] : memref<8x!tpu.dma_semaphore, #tpu.memory_space<semaphore_mem>> -> memref<1x!tpu.dma_semaphore, #tpu.memory_space<semaphore_mem>>
      %dma_start3A_716 = tpu.memref_squeeze %dma_start3A_715 : memref<1x!tpu.dma_semaphore, #tpu.memory_space<semaphore_mem>> -> memref<!tpu.dma_semaphore, #tpu.memory_space<semaphore_mem>>
      tpu.enqueue_indirect_dma source(%dma_start3A_714 : memref<10240x64xf32, #tpu.memory_space<hbm>>) target(%dma_start3A_708 : memref<128x64xf32, #tpu.memory_space<vmem>>) offsets(%dma_start3A_711 : memref<128xi32, #tpu.memory_space<vmem>>) semaphore(%dma_start3A_716 : memref<!tpu.dma_semaphore, #tpu.memory_space<semaphore_mem>>)
      %dma_wait3A_717 = arith.constant 6 : i32
      %dma_wait3A_718 = arith.constant 0 : i32
      %dma_wait3A_719 = arith.constant 6 : i32
      %dma_wait3A_720 = arith.constant 0 : i32
      %dma_wait3A_721 = arith.constant 0 : i32
      %dma_wait3A_722 = tpu.memref_slice %arg9[%dma_wait3A_717, %dma_wait3A_720, %dma_wait3A_721] : memref<8x128x64xf32, #tpu.memory_space<vmem>> -> memref<1x128x64xf32, #tpu.memory_space<vmem>>
      %dma_wait3A_723 = tpu.memref_squeeze %dma_wait3A_722 : memref<1x128x64xf32, #tpu.memory_space<vmem>> -> memref<128x64xf32, #tpu.memory_space<vmem>>
      %dma_wait3A_724 = arith.constant 0 : i32
      %dma_wait3A_725 = tpu.memref_slice %arg8[%dma_wait3A_718, %dma_wait3A_724] : memref<80x128xi32, #tpu.memory_space<vmem>> -> memref<1x128xi32, #tpu.memory_space<vmem>>
      %dma_wait3A_726 = tpu.memref_squeeze %dma_wait3A_725 : memref<1x128xi32, #tpu.memory_space<vmem>> -> memref<128xi32, #tpu.memory_space<vmem>>
      %dma_wait3A_727 = arith.constant 0 : i32
      %dma_wait3A_728 = arith.constant 0 : i32
      %dma_wait3A_729 = tpu.memref_slice %arg10[%dma_wait3A_727, %dma_wait3A_728] : memref<10240x64xf32, #tpu.memory_space<vmem_shared>> -> memref<10240x64xf32, #tpu.memory_space<vmem_shared>>
      %dma_wait3A_730 = tpu.memref_slice %arg12[%dma_wait3A_719] : memref<8x!tpu.dma_semaphore, #tpu.memory_space<semaphore_mem>> -> memref<1x!tpu.dma_semaphore, #tpu.memory_space<semaphore_mem>>
      %dma_wait3A_731 = tpu.memref_squeeze %dma_wait3A_730 : memref<1x!tpu.dma_semaphore, #tpu.memory_space<semaphore_mem>> -> memref<!tpu.dma_semaphore, #tpu.memory_space<semaphore_mem>>
      tpu.wait_indirect_dma semaphore(%dma_wait3A_731 : memref<!tpu.dma_semaphore, #tpu.memory_space<semaphore_mem>>) src(%dma_wait3A_723 : memref<128x64xf32, #tpu.memory_space<vmem>>) dst(%dma_wait3A_729 : memref<10240x64xf32, #tpu.memory_space<vmem_shared>>)
      %add3A_732 = arith.constant 8 : i32
      %add3A_733 = arith.addi %mul3A_259, %add3A_732 : i32
      %add3A_734 = arith.constant 6 : i32
      %add3A_735 = arith.addi %add3A_733, %add3A_734 : i32
      %min3A_736 = arith.constant 79 : i32
      %min3A_737 = arith.minsi %add3A_735, %min3A_736 : i32
      %dma_start3A_738 = arith.constant 6 : i32
      %dma_start3A_739 = arith.constant 6 : i32
      %dma_start3A_740 = arith.constant 0 : i32
      %dma_start3A_741 = arith.constant 0 : i32
      %dma_start3A_742 = tpu.memref_slice %arg9[%dma_start3A_738, %dma_start3A_740, %dma_start3A_741] : memref<8x128x64xf32, #tpu.memory_space<vmem>> -> memref<1x128x64xf32, #tpu.memory_space<vmem>>
      %dma_start3A_743 = tpu.memref_squeeze %dma_start3A_742 : memref<1x128x64xf32, #tpu.memory_space<vmem>> -> memref<128x64xf32, #tpu.memory_space<vmem>>
      %dma_start3A_744 = arith.constant 0 : i32
      %dma_start3A_745 = tpu.memref_slice %arg7[%min3A_737, %dma_start3A_744] : memref<80x128xi32, #tpu.memory_space<vmem>> -> memref<1x128xi32, #tpu.memory_space<vmem>>
      %dma_start3A_746 = tpu.memref_squeeze %dma_start3A_745 : memref<1x128xi32, #tpu.memory_space<vmem>> -> memref<128xi32, #tpu.memory_space<vmem>>
      %dma_start3A_747 = arith.constant 0 : i32
      %dma_start3A_748 = arith.constant 0 : i32
      %dma_start3A_749 = tpu.memref_slice %arg2[%dma_start3A_747, %dma_start3A_748] : memref<10240x64xf32, #tpu.memory_space<hbm>> -> memref<10240x64xf32, #tpu.memory_space<hbm>>
      %dma_start3A_750 = tpu.memref_slice %arg11[%dma_start3A_739] : memref<8x!tpu.dma_semaphore, #tpu.memory_space<semaphore_mem>> -> memref<1x!tpu.dma_semaphore, #tpu.memory_space<semaphore_mem>>
      %dma_start3A_751 = tpu.memref_squeeze %dma_start3A_750 : memref<1x!tpu.dma_semaphore, #tpu.memory_space<semaphore_mem>> -> memref<!tpu.dma_semaphore, #tpu.memory_space<semaphore_mem>>
      tpu.enqueue_indirect_dma source(%dma_start3A_749 : memref<10240x64xf32, #tpu.memory_space<hbm>>) target(%dma_start3A_743 : memref<128x64xf32, #tpu.memory_space<vmem>>) offsets(%dma_start3A_746 : memref<128xi32, #tpu.memory_space<vmem>>) semaphore(%dma_start3A_751 : memref<!tpu.dma_semaphore, #tpu.memory_space<semaphore_mem>>)
      %dma_wait3A_752 = arith.constant 7 : i32
      %dma_wait3A_753 = arith.constant 0 : i32
      %dma_wait3A_754 = arith.constant 7 : i32
      %dma_wait3A_755 = arith.constant 0 : i32
      %dma_wait3A_756 = arith.constant 0 : i32
      %dma_wait3A_757 = tpu.memref_slice %arg9[%dma_wait3A_752, %dma_wait3A_755, %dma_wait3A_756] : memref<8x128x64xf32, #tpu.memory_space<vmem>> -> memref<1x128x64xf32, #tpu.memory_space<vmem>>
      %dma_wait3A_758 = tpu.memref_squeeze %dma_wait3A_757 : memref<1x128x64xf32, #tpu.memory_space<vmem>> -> memref<128x64xf32, #tpu.memory_space<vmem>>
      %dma_wait3A_759 = arith.constant 0 : i32
      %dma_wait3A_760 = tpu.memref_slice %arg8[%dma_wait3A_753, %dma_wait3A_759] : memref<80x128xi32, #tpu.memory_space<vmem>> -> memref<1x128xi32, #tpu.memory_space<vmem>>
      %dma_wait3A_761 = tpu.memref_squeeze %dma_wait3A_760 : memref<1x128xi32, #tpu.memory_space<vmem>> -> memref<128xi32, #tpu.memory_space<vmem>>
      %dma_wait3A_762 = arith.constant 0 : i32
      %dma_wait3A_763 = arith.constant 0 : i32
      %dma_wait3A_764 = tpu.memref_slice %arg10[%dma_wait3A_762, %dma_wait3A_763] : memref<10240x64xf32, #tpu.memory_space<vmem_shared>> -> memref<10240x64xf32, #tpu.memory_space<vmem_shared>>
      %dma_wait3A_765 = tpu.memref_slice %arg12[%dma_wait3A_754] : memref<8x!tpu.dma_semaphore, #tpu.memory_space<semaphore_mem>> -> memref<1x!tpu.dma_semaphore, #tpu.memory_space<semaphore_mem>>
      %dma_wait3A_766 = tpu.memref_squeeze %dma_wait3A_765 : memref<1x!tpu.dma_semaphore, #tpu.memory_space<semaphore_mem>> -> memref<!tpu.dma_semaphore, #tpu.memory_space<semaphore_mem>>
      tpu.wait_indirect_dma semaphore(%dma_wait3A_766 : memref<!tpu.dma_semaphore, #tpu.memory_space<semaphore_mem>>) src(%dma_wait3A_758 : memref<128x64xf32, #tpu.memory_space<vmem>>) dst(%dma_wait3A_764 : memref<10240x64xf32, #tpu.memory_space<vmem_shared>>)
      %add3A_767 = arith.constant 8 : i32
      %add3A_768 = arith.addi %mul3A_259, %add3A_767 : i32
      %add3A_769 = arith.constant 7 : i32
      %add3A_770 = arith.addi %add3A_768, %add3A_769 : i32
      %min3A_771 = arith.constant 79 : i32
      %min3A_772 = arith.minsi %add3A_770, %min3A_771 : i32
      %dma_start3A_773 = arith.constant 7 : i32
      %dma_start3A_774 = arith.constant 7 : i32
      %dma_start3A_775 = arith.constant 0 : i32
      %dma_start3A_776 = arith.constant 0 : i32
      %dma_start3A_777 = tpu.memref_slice %arg9[%dma_start3A_773, %dma_start3A_775, %dma_start3A_776] : memref<8x128x64xf32, #tpu.memory_space<vmem>> -> memref<1x128x64xf32, #tpu.memory_space<vmem>>
      %dma_start3A_778 = tpu.memref_squeeze %dma_start3A_777 : memref<1x128x64xf32, #tpu.memory_space<vmem>> -> memref<128x64xf32, #tpu.memory_space<vmem>>
      %dma_start3A_779 = arith.constant 0 : i32
      %dma_start3A_780 = tpu.memref_slice %arg7[%min3A_772, %dma_start3A_779] : memref<80x128xi32, #tpu.memory_space<vmem>> -> memref<1x128xi32, #tpu.memory_space<vmem>>
      %dma_start3A_781 = tpu.memref_squeeze %dma_start3A_780 : memref<1x128xi32, #tpu.memory_space<vmem>> -> memref<128xi32, #tpu.memory_space<vmem>>
      %dma_start3A_782 = arith.constant 0 : i32
      %dma_start3A_783 = arith.constant 0 : i32
      %dma_start3A_784 = tpu.memref_slice %arg2[%dma_start3A_782, %dma_start3A_783] : memref<10240x64xf32, #tpu.memory_space<hbm>> -> memref<10240x64xf32, #tpu.memory_space<hbm>>
      %dma_start3A_785 = tpu.memref_slice %arg11[%dma_start3A_774] : memref<8x!tpu.dma_semaphore, #tpu.memory_space<semaphore_mem>> -> memref<1x!tpu.dma_semaphore, #tpu.memory_space<semaphore_mem>>
      %dma_start3A_786 = tpu.memref_squeeze %dma_start3A_785 : memref<1x!tpu.dma_semaphore, #tpu.memory_space<semaphore_mem>> -> memref<!tpu.dma_semaphore, #tpu.memory_space<semaphore_mem>>
      tpu.enqueue_indirect_dma source(%dma_start3A_784 : memref<10240x64xf32, #tpu.memory_space<hbm>>) target(%dma_start3A_778 : memref<128x64xf32, #tpu.memory_space<vmem>>) offsets(%dma_start3A_781 : memref<128xi32, #tpu.memory_space<vmem>>) semaphore(%dma_start3A_786 : memref<!tpu.dma_semaphore, #tpu.memory_space<semaphore_mem>>)
    }
    %scan3A_136 = arith.constant 10 : i32
    %dma_wait3A = arith.constant 0 : i32
    %dma_wait3A_137 = arith.constant 0 : i32
    %dma_wait3A_138 = arith.constant 0 : i32
    %dma_wait3A_139 = arith.constant 0 : i32
    %dma_wait3A_140 = arith.constant 0 : i32
    %dma_wait3A_141 = tpu.memref_slice %arg9[%dma_wait3A_137, %dma_wait3A_139, %dma_wait3A_140] : memref<8x128x64xf32, #tpu.memory_space<vmem>> -> memref<1x128x64xf32, #tpu.memory_space<vmem>>
    %dma_wait3A_142 = tpu.memref_squeeze %dma_wait3A_141 : memref<1x128x64xf32, #tpu.memory_space<vmem>> -> memref<128x64xf32, #tpu.memory_space<vmem>>
    %dma_wait3A_143 = arith.constant 0 : i32
    %dma_wait3A_144 = tpu.memref_slice %arg7[%dma_wait3A, %dma_wait3A_143] : memref<80x128xi32, #tpu.memory_space<vmem>> -> memref<1x128xi32, #tpu.memory_space<vmem>>
    %dma_wait3A_145 = tpu.memref_squeeze %dma_wait3A_144 : memref<1x128xi32, #tpu.memory_space<vmem>> -> memref<128xi32, #tpu.memory_space<vmem>>
    %dma_wait3A_146 = arith.constant 0 : i32
    %dma_wait3A_147 = arith.constant 0 : i32
    %dma_wait3A_148 = tpu.memref_slice %arg2[%dma_wait3A_146, %dma_wait3A_147] : memref<10240x64xf32, #tpu.memory_space<hbm>> -> memref<10240x64xf32, #tpu.memory_space<hbm>>
    %dma_wait3A_149 = tpu.memref_slice %arg11[%dma_wait3A_138] : memref<8x!tpu.dma_semaphore, #tpu.memory_space<semaphore_mem>> -> memref<1x!tpu.dma_semaphore, #tpu.memory_space<semaphore_mem>>
    %dma_wait3A_150 = tpu.memref_squeeze %dma_wait3A_149 : memref<1x!tpu.dma_semaphore, #tpu.memory_space<semaphore_mem>> -> memref<!tpu.dma_semaphore, #tpu.memory_space<semaphore_mem>>
    tpu.wait_indirect_dma semaphore(%dma_wait3A_150 : memref<!tpu.dma_semaphore, #tpu.memory_space<semaphore_mem>>) src(%dma_wait3A_148 : memref<10240x64xf32, #tpu.memory_space<hbm>>) dst(%dma_wait3A_142 : memref<128x64xf32, #tpu.memory_space<vmem>>)
    %dma_wait3A_151 = arith.constant 0 : i32
    %dma_wait3A_152 = arith.constant 1 : i32
    %dma_wait3A_153 = arith.constant 1 : i32
    %dma_wait3A_154 = arith.constant 0 : i32
    %dma_wait3A_155 = arith.constant 0 : i32
    %dma_wait3A_156 = tpu.memref_slice %arg9[%dma_wait3A_152, %dma_wait3A_154, %dma_wait3A_155] : memref<8x128x64xf32, #tpu.memory_space<vmem>> -> memref<1x128x64xf32, #tpu.memory_space<vmem>>
    %dma_wait3A_157 = tpu.memref_squeeze %dma_wait3A_156 : memref<1x128x64xf32, #tpu.memory_space<vmem>> -> memref<128x64xf32, #tpu.memory_space<vmem>>
    %dma_wait3A_158 = arith.constant 0 : i32
    %dma_wait3A_159 = tpu.memref_slice %arg7[%dma_wait3A_151, %dma_wait3A_158] : memref<80x128xi32, #tpu.memory_space<vmem>> -> memref<1x128xi32, #tpu.memory_space<vmem>>
    %dma_wait3A_160 = tpu.memref_squeeze %dma_wait3A_159 : memref<1x128xi32, #tpu.memory_space<vmem>> -> memref<128xi32, #tpu.memory_space<vmem>>
    %dma_wait3A_161 = arith.constant 0 : i32
    %dma_wait3A_162 = arith.constant 0 : i32
    %dma_wait3A_163 = tpu.memref_slice %arg2[%dma_wait3A_161, %dma_wait3A_162] : memref<10240x64xf32, #tpu.memory_space<hbm>> -> memref<10240x64xf32, #tpu.memory_space<hbm>>
    %dma_wait3A_164 = tpu.memref_slice %arg11[%dma_wait3A_153] : memref<8x!tpu.dma_semaphore, #tpu.memory_space<semaphore_mem>> -> memref<1x!tpu.dma_semaphore, #tpu.memory_space<semaphore_mem>>
    %dma_wait3A_165 = tpu.memref_squeeze %dma_wait3A_164 : memref<1x!tpu.dma_semaphore, #tpu.memory_space<semaphore_mem>> -> memref<!tpu.dma_semaphore, #tpu.memory_space<semaphore_mem>>
    tpu.wait_indirect_dma semaphore(%dma_wait3A_165 : memref<!tpu.dma_semaphore, #tpu.memory_space<semaphore_mem>>) src(%dma_wait3A_163 : memref<10240x64xf32, #tpu.memory_space<hbm>>) dst(%dma_wait3A_157 : memref<128x64xf32, #tpu.memory_space<vmem>>)
    %dma_wait3A_166 = arith.constant 0 : i32
    %dma_wait3A_167 = arith.constant 2 : i32
    %dma_wait3A_168 = arith.constant 2 : i32
    %dma_wait3A_169 = arith.constant 0 : i32
    %dma_wait3A_170 = arith.constant 0 : i32
    %dma_wait3A_171 = tpu.memref_slice %arg9[%dma_wait3A_167, %dma_wait3A_169, %dma_wait3A_170] : memref<8x128x64xf32, #tpu.memory_space<vmem>> -> memref<1x128x64xf32, #tpu.memory_space<vmem>>
    %dma_wait3A_172 = tpu.memref_squeeze %dma_wait3A_171 : memref<1x128x64xf32, #tpu.memory_space<vmem>> -> memref<128x64xf32, #tpu.memory_space<vmem>>
    %dma_wait3A_173 = arith.constant 0 : i32
    %dma_wait3A_174 = tpu.memref_slice %arg7[%dma_wait3A_166, %dma_wait3A_173] : memref<80x128xi32, #tpu.memory_space<vmem>> -> memref<1x128xi32, #tpu.memory_space<vmem>>
    %dma_wait3A_175 = tpu.memref_squeeze %dma_wait3A_174 : memref<1x128xi32, #tpu.memory_space<vmem>> -> memref<128xi32, #tpu.memory_space<vmem>>
    %dma_wait3A_176 = arith.constant 0 : i32
    %dma_wait3A_177 = arith.constant 0 : i32
    %dma_wait3A_178 = tpu.memref_slice %arg2[%dma_wait3A_176, %dma_wait3A_177] : memref<10240x64xf32, #tpu.memory_space<hbm>> -> memref<10240x64xf32, #tpu.memory_space<hbm>>
    %dma_wait3A_179 = tpu.memref_slice %arg11[%dma_wait3A_168] : memref<8x!tpu.dma_semaphore, #tpu.memory_space<semaphore_mem>> -> memref<1x!tpu.dma_semaphore, #tpu.memory_space<semaphore_mem>>
    %dma_wait3A_180 = tpu.memref_squeeze %dma_wait3A_179 : memref<1x!tpu.dma_semaphore, #tpu.memory_space<semaphore_mem>> -> memref<!tpu.dma_semaphore, #tpu.memory_space<semaphore_mem>>
    tpu.wait_indirect_dma semaphore(%dma_wait3A_180 : memref<!tpu.dma_semaphore, #tpu.memory_space<semaphore_mem>>) src(%dma_wait3A_178 : memref<10240x64xf32, #tpu.memory_space<hbm>>) dst(%dma_wait3A_172 : memref<128x64xf32, #tpu.memory_space<vmem>>)
    %dma_wait3A_181 = arith.constant 0 : i32
    %dma_wait3A_182 = arith.constant 3 : i32
    %dma_wait3A_183 = arith.constant 3 : i32
    %dma_wait3A_184 = arith.constant 0 : i32
    %dma_wait3A_185 = arith.constant 0 : i32
    %dma_wait3A_186 = tpu.memref_slice %arg9[%dma_wait3A_182, %dma_wait3A_184, %dma_wait3A_185] : memref<8x128x64xf32, #tpu.memory_space<vmem>> -> memref<1x128x64xf32, #tpu.memory_space<vmem>>
    %dma_wait3A_187 = tpu.memref_squeeze %dma_wait3A_186 : memref<1x128x64xf32, #tpu.memory_space<vmem>> -> memref<128x64xf32, #tpu.memory_space<vmem>>
    %dma_wait3A_188 = arith.constant 0 : i32
    %dma_wait3A_189 = tpu.memref_slice %arg7[%dma_wait3A_181, %dma_wait3A_188] : memref<80x128xi32, #tpu.memory_space<vmem>> -> memref<1x128xi32, #tpu.memory_space<vmem>>
    %dma_wait3A_190 = tpu.memref_squeeze %dma_wait3A_189 : memref<1x128xi32, #tpu.memory_space<vmem>> -> memref<128xi32, #tpu.memory_space<vmem>>
    %dma_wait3A_191 = arith.constant 0 : i32
    %dma_wait3A_192 = arith.constant 0 : i32
    %dma_wait3A_193 = tpu.memref_slice %arg2[%dma_wait3A_191, %dma_wait3A_192] : memref<10240x64xf32, #tpu.memory_space<hbm>> -> memref<10240x64xf32, #tpu.memory_space<hbm>>
    %dma_wait3A_194 = tpu.memref_slice %arg11[%dma_wait3A_183] : memref<8x!tpu.dma_semaphore, #tpu.memory_space<semaphore_mem>> -> memref<1x!tpu.dma_semaphore, #tpu.memory_space<semaphore_mem>>
    %dma_wait3A_195 = tpu.memref_squeeze %dma_wait3A_194 : memref<1x!tpu.dma_semaphore, #tpu.memory_space<semaphore_mem>> -> memref<!tpu.dma_semaphore, #tpu.memory_space<semaphore_mem>>
    tpu.wait_indirect_dma semaphore(%dma_wait3A_195 : memref<!tpu.dma_semaphore, #tpu.memory_space<semaphore_mem>>) src(%dma_wait3A_193 : memref<10240x64xf32, #tpu.memory_space<hbm>>) dst(%dma_wait3A_187 : memref<128x64xf32, #tpu.memory_space<vmem>>)
    %dma_wait3A_196 = arith.constant 0 : i32
    %dma_wait3A_197 = arith.constant 4 : i32
    %dma_wait3A_198 = arith.constant 4 : i32
    %dma_wait3A_199 = arith.constant 0 : i32
    %dma_wait3A_200 = arith.constant 0 : i32
    %dma_wait3A_201 = tpu.memref_slice %arg9[%dma_wait3A_197, %dma_wait3A_199, %dma_wait3A_200] : memref<8x128x64xf32, #tpu.memory_space<vmem>> -> memref<1x128x64xf32, #tpu.memory_space<vmem>>
    %dma_wait3A_202 = tpu.memref_squeeze %dma_wait3A_201 : memref<1x128x64xf32, #tpu.memory_space<vmem>> -> memref<128x64xf32, #tpu.memory_space<vmem>>
    %dma_wait3A_203 = arith.constant 0 : i32
    %dma_wait3A_204 = tpu.memref_slice %arg7[%dma_wait3A_196, %dma_wait3A_203] : memref<80x128xi32, #tpu.memory_space<vmem>> -> memref<1x128xi32, #tpu.memory_space<vmem>>
    %dma_wait3A_205 = tpu.memref_squeeze %dma_wait3A_204 : memref<1x128xi32, #tpu.memory_space<vmem>> -> memref<128xi32, #tpu.memory_space<vmem>>
    %dma_wait3A_206 = arith.constant 0 : i32
    %dma_wait3A_207 = arith.constant 0 : i32
    %dma_wait3A_208 = tpu.memref_slice %arg2[%dma_wait3A_206, %dma_wait3A_207] : memref<10240x64xf32, #tpu.memory_space<hbm>> -> memref<10240x64xf32, #tpu.memory_space<hbm>>
    %dma_wait3A_209 = tpu.memref_slice %arg11[%dma_wait3A_198] : memref<8x!tpu.dma_semaphore, #tpu.memory_space<semaphore_mem>> -> memref<1x!tpu.dma_semaphore, #tpu.memory_space<semaphore_mem>>
    %dma_wait3A_210 = tpu.memref_squeeze %dma_wait3A_209 : memref<1x!tpu.dma_semaphore, #tpu.memory_space<semaphore_mem>> -> memref<!tpu.dma_semaphore, #tpu.memory_space<semaphore_mem>>
    tpu.wait_indirect_dma semaphore(%dma_wait3A_210 : memref<!tpu.dma_semaphore, #tpu.memory_space<semaphore_mem>>) src(%dma_wait3A_208 : memref<10240x64xf32, #tpu.memory_space<hbm>>) dst(%dma_wait3A_202 : memref<128x64xf32, #tpu.memory_space<vmem>>)
    %dma_wait3A_211 = arith.constant 0 : i32
    %dma_wait3A_212 = arith.constant 5 : i32
    %dma_wait3A_213 = arith.constant 5 : i32
    %dma_wait3A_214 = arith.constant 0 : i32
    %dma_wait3A_215 = arith.constant 0 : i32
    %dma_wait3A_216 = tpu.memref_slice %arg9[%dma_wait3A_212, %dma_wait3A_214, %dma_wait3A_215] : memref<8x128x64xf32, #tpu.memory_space<vmem>> -> memref<1x128x64xf32, #tpu.memory_space<vmem>>
    %dma_wait3A_217 = tpu.memref_squeeze %dma_wait3A_216 : memref<1x128x64xf32, #tpu.memory_space<vmem>> -> memref<128x64xf32, #tpu.memory_space<vmem>>
    %dma_wait3A_218 = arith.constant 0 : i32
    %dma_wait3A_219 = tpu.memref_slice %arg7[%dma_wait3A_211, %dma_wait3A_218] : memref<80x128xi32, #tpu.memory_space<vmem>> -> memref<1x128xi32, #tpu.memory_space<vmem>>
    %dma_wait3A_220 = tpu.memref_squeeze %dma_wait3A_219 : memref<1x128xi32, #tpu.memory_space<vmem>> -> memref<128xi32, #tpu.memory_space<vmem>>
    %dma_wait3A_221 = arith.constant 0 : i32
    %dma_wait3A_222 = arith.constant 0 : i32
    %dma_wait3A_223 = tpu.memref_slice %arg2[%dma_wait3A_221, %dma_wait3A_222] : memref<10240x64xf32, #tpu.memory_space<hbm>> -> memref<10240x64xf32, #tpu.memory_space<hbm>>
    %dma_wait3A_224 = tpu.memref_slice %arg11[%dma_wait3A_213] : memref<8x!tpu.dma_semaphore, #tpu.memory_space<semaphore_mem>> -> memref<1x!tpu.dma_semaphore, #tpu.memory_space<semaphore_mem>>
    %dma_wait3A_225 = tpu.memref_squeeze %dma_wait3A_224 : memref<1x!tpu.dma_semaphore, #tpu.memory_space<semaphore_mem>> -> memref<!tpu.dma_semaphore, #tpu.memory_space<semaphore_mem>>
    tpu.wait_indirect_dma semaphore(%dma_wait3A_225 : memref<!tpu.dma_semaphore, #tpu.memory_space<semaphore_mem>>) src(%dma_wait3A_223 : memref<10240x64xf32, #tpu.memory_space<hbm>>) dst(%dma_wait3A_217 : memref<128x64xf32, #tpu.memory_space<vmem>>)
    %dma_wait3A_226 = arith.constant 0 : i32
    %dma_wait3A_227 = arith.constant 6 : i32
    %dma_wait3A_228 = arith.constant 6 : i32
    %dma_wait3A_229 = arith.constant 0 : i32
    %dma_wait3A_230 = arith.constant 0 : i32
    %dma_wait3A_231 = tpu.memref_slice %arg9[%dma_wait3A_227, %dma_wait3A_229, %dma_wait3A_230] : memref<8x128x64xf32, #tpu.memory_space<vmem>> -> memref<1x128x64xf32, #tpu.memory_space<vmem>>
    %dma_wait3A_232 = tpu.memref_squeeze %dma_wait3A_231 : memref<1x128x64xf32, #tpu.memory_space<vmem>> -> memref<128x64xf32, #tpu.memory_space<vmem>>
    %dma_wait3A_233 = arith.constant 0 : i32
    %dma_wait3A_234 = tpu.memref_slice %arg7[%dma_wait3A_226, %dma_wait3A_233] : memref<80x128xi32, #tpu.memory_space<vmem>> -> memref<1x128xi32, #tpu.memory_space<vmem>>
    %dma_wait3A_235 = tpu.memref_squeeze %dma_wait3A_234 : memref<1x128xi32, #tpu.memory_space<vmem>> -> memref<128xi32, #tpu.memory_space<vmem>>
    %dma_wait3A_236 = arith.constant 0 : i32
    %dma_wait3A_237 = arith.constant 0 : i32
    %dma_wait3A_238 = tpu.memref_slice %arg2[%dma_wait3A_236, %dma_wait3A_237] : memref<10240x64xf32, #tpu.memory_space<hbm>> -> memref<10240x64xf32, #tpu.memory_space<hbm>>
    %dma_wait3A_239 = tpu.memref_slice %arg11[%dma_wait3A_228] : memref<8x!tpu.dma_semaphore, #tpu.memory_space<semaphore_mem>> -> memref<1x!tpu.dma_semaphore, #tpu.memory_space<semaphore_mem>>
    %dma_wait3A_240 = tpu.memref_squeeze %dma_wait3A_239 : memref<1x!tpu.dma_semaphore, #tpu.memory_space<semaphore_mem>> -> memref<!tpu.dma_semaphore, #tpu.memory_space<semaphore_mem>>
    tpu.wait_indirect_dma semaphore(%dma_wait3A_240 : memref<!tpu.dma_semaphore, #tpu.memory_space<semaphore_mem>>) src(%dma_wait3A_238 : memref<10240x64xf32, #tpu.memory_space<hbm>>) dst(%dma_wait3A_232 : memref<128x64xf32, #tpu.memory_space<vmem>>)
    %dma_wait3A_241 = arith.constant 0 : i32
    %dma_wait3A_242 = arith.constant 7 : i32
    %dma_wait3A_243 = arith.constant 7 : i32
    %dma_wait3A_244 = arith.constant 0 : i32
    %dma_wait3A_245 = arith.constant 0 : i32
    %dma_wait3A_246 = tpu.memref_slice %arg9[%dma_wait3A_242, %dma_wait3A_244, %dma_wait3A_245] : memref<8x128x64xf32, #tpu.memory_space<vmem>> -> memref<1x128x64xf32, #tpu.memory_space<vmem>>
    %dma_wait3A_247 = tpu.memref_squeeze %dma_wait3A_246 : memref<1x128x64xf32, #tpu.memory_space<vmem>> -> memref<128x64xf32, #tpu.memory_space<vmem>>
    %dma_wait3A_248 = arith.constant 0 : i32
    %dma_wait3A_249 = tpu.memref_slice %arg7[%dma_wait3A_241, %dma_wait3A_248] : memref<80x128xi32, #tpu.memory_space<vmem>> -> memref<1x128xi32, #tpu.memory_space<vmem>>
    %dma_wait3A_250 = tpu.memref_squeeze %dma_wait3A_249 : memref<1x128xi32, #tpu.memory_space<vmem>> -> memref<128xi32, #tpu.memory_space<vmem>>
    %dma_wait3A_251 = arith.constant 0 : i32
    %dma_wait3A_252 = arith.constant 0 : i32
    %dma_wait3A_253 = tpu.memref_slice %arg2[%dma_wait3A_251, %dma_wait3A_252] : memref<10240x64xf32, #tpu.memory_space<hbm>> -> memref<10240x64xf32, #tpu.memory_space<hbm>>
    %dma_wait3A_254 = tpu.memref_slice %arg11[%dma_wait3A_243] : memref<8x!tpu.dma_semaphore, #tpu.memory_space<semaphore_mem>> -> memref<1x!tpu.dma_semaphore, #tpu.memory_space<semaphore_mem>>
    %dma_wait3A_255 = tpu.memref_squeeze %dma_wait3A_254 : memref<1x!tpu.dma_semaphore, #tpu.memory_space<semaphore_mem>> -> memref<!tpu.dma_semaphore, #tpu.memory_space<semaphore_mem>>
    tpu.wait_indirect_dma semaphore(%dma_wait3A_255 : memref<!tpu.dma_semaphore, #tpu.memory_space<semaphore_mem>>) src(%dma_wait3A_253 : memref<10240x64xf32, #tpu.memory_space<hbm>>) dst(%dma_wait3A_247 : memref<128x64xf32, #tpu.memory_space<vmem>>)
    %barrier3A_256 = arith.constant 0 : index
    tpu.barrier barrier_id(%barrier3A_256)
    "tpu.region"() ({
      %run_scoped3A = tpu.sem_alloc : memref<!tpu.dma_semaphore, #tpu.memory_space<semaphore_mem>>
      %dma_start3A_257 = arith.constant 0 : i32
      %dma_start3A_258 = tpu.memref_slice %arg6[%arg0, %mul3A_2, %dma_start3A_257] : memref<2x10240x64xf32, #tpu.memory_space<hbm>> -> memref<1x640x64xf32, #tpu.memory_space<hbm>>
      %dma_start3A_259 = tpu.memref_squeeze %dma_start3A_258 : memref<1x640x64xf32, #tpu.memory_space<hbm>> -> memref<640x64xf32, #tpu.memory_space<hbm>>
      %dma_start3A_260 = arith.constant 0 : i32
      %dma_start3A_261 = tpu.memref_slice %arg10[%mul3A_2, %dma_start3A_260] : memref<10240x64xf32, #tpu.memory_space<vmem_shared>> -> memref<640x64xf32, #tpu.memory_space<vmem_shared>>
      tpu.enqueue_dma source(%dma_start3A_261 : memref<640x64xf32, #tpu.memory_space<vmem_shared>>) target(%dma_start3A_259 : memref<640x64xf32, #tpu.memory_space<hbm>>) target_semaphore(%run_scoped3A : memref<!tpu.dma_semaphore, #tpu.memory_space<semaphore_mem>>)
      %dma_wait3A_262 = arith.constant 0 : i32
      %dma_wait3A_263 = tpu.memref_slice %arg6[%arg0, %mul3A_2, %dma_wait3A_262] : memref<2x10240x64xf32, #tpu.memory_space<hbm>> -> memref<1x640x64xf32, #tpu.memory_space<hbm>>
      %dma_wait3A_264 = tpu.memref_squeeze %dma_wait3A_263 : memref<1x640x64xf32, #tpu.memory_space<hbm>> -> memref<640x64xf32, #tpu.memory_space<hbm>>
      %dma_wait3A_265 = arith.constant 0 : i32
      %dma_wait3A_266 = tpu.memref_slice %arg10[%mul3A_2, %dma_wait3A_265] : memref<10240x64xf32, #tpu.memory_space<vmem_shared>> -> memref<640x64xf32, #tpu.memory_space<vmem_shared>>
      tpu.wait_dma2 semaphore(%run_scoped3A : memref<!tpu.dma_semaphore, #tpu.memory_space<semaphore_mem>>) src(%dma_wait3A_266 : memref<640x64xf32, #tpu.memory_space<vmem_shared>>) dst(%dma_wait3A_264 : memref<640x64xf32, #tpu.memory_space<hbm>>)
      tpu.yield
    }) : () -> ()
    return
  }
}

#map = affine_map<(d0, d1) -> (0, 0)>
#map1 = affine_map<(d0, d1) -> (0, 0, 0)>
module attributes {stable_mosaic.version = 14 : i64} {
  func.func @deg_kernel(%arg0: i32, %arg1: i32, %arg2: memref<2560x128xi32, #tpu.memory_space<hbm>>, %arg3: memref<128x8xf32, #tpu.memory_space<hbm>>, %arg4: memref<10240x8xf32, #tpu.memory_space<hbm>>, %arg5: memref<2x10240x8xf32, #tpu.memory_space<hbm>>, %arg6: memref<80x128xi32, #tpu.memory_space<vmem>>, %arg7: memref<128x8xf32, #tpu.memory_space<vmem>>, %arg8: memref<10240x8xf32, #tpu.memory_space<vmem_shared>>, %arg9: memref<8x!tpu.dma_semaphore, #tpu.memory_space<semaphore_mem>>) attributes {dimension_semantics = [#tpu.dimension_semantics<core_parallel>, #tpu.dimension_semantics<subcore_parallel>], iteration_bounds = array<i64: 2, 16>, scalar_prefetch = 0 : i64, scratch_operands = 4 : i64, tpu.core_type = #tpu.core_type<sc_vector_subcore>, window_params = [{transform_indices = #map}, {transform_indices = #map}, {transform_indices = #map}, {transform_indices = #map1}]} {
    %mul3A = arith.constant 2 : i32
    %mul3A_0 = arith.muli %arg1, %mul3A : i32
    %add3A = arith.addi %mul3A_0, %arg0 : i32
    %mul3A_1 = arith.constant 640 : i32
    %mul3A_2 = arith.muli %arg1, %mul3A_1 : i32
    "tpu.region"() ({
      %run_scoped3A = tpu.sem_alloc : memref<!tpu.dma_semaphore, #tpu.memory_space<semaphore_mem>>
      %dma_start3A = arith.constant 0 : i32
      %dma_start3A_11 = tpu.memref_slice %arg8[%mul3A_2, %dma_start3A] : memref<10240x8xf32, #tpu.memory_space<vmem_shared>> -> memref<640x8xf32, #tpu.memory_space<vmem_shared>>
      %dma_start3A_12 = arith.constant 0 : i32
      %dma_start3A_13 = tpu.memref_slice %arg4[%mul3A_2, %dma_start3A_12] : memref<10240x8xf32, #tpu.memory_space<hbm>> -> memref<640x8xf32, #tpu.memory_space<hbm>>
      tpu.enqueue_dma source(%dma_start3A_13 : memref<640x8xf32, #tpu.memory_space<hbm>>) target(%dma_start3A_11 : memref<640x8xf32, #tpu.memory_space<vmem_shared>>) target_semaphore(%run_scoped3A : memref<!tpu.dma_semaphore, #tpu.memory_space<semaphore_mem>>)
      %dma_wait3A = arith.constant 0 : i32
      %dma_wait3A_14 = tpu.memref_slice %arg8[%mul3A_2, %dma_wait3A] : memref<10240x8xf32, #tpu.memory_space<vmem_shared>> -> memref<640x8xf32, #tpu.memory_space<vmem_shared>>
      %dma_wait3A_15 = arith.constant 0 : i32
      %dma_wait3A_16 = tpu.memref_slice %arg4[%mul3A_2, %dma_wait3A_15] : memref<10240x8xf32, #tpu.memory_space<hbm>> -> memref<640x8xf32, #tpu.memory_space<hbm>>
      tpu.wait_dma2 semaphore(%run_scoped3A : memref<!tpu.dma_semaphore, #tpu.memory_space<semaphore_mem>>) src(%dma_wait3A_16 : memref<640x8xf32, #tpu.memory_space<hbm>>) dst(%dma_wait3A_14 : memref<640x8xf32, #tpu.memory_space<vmem_shared>>)
      tpu.yield
    }) : () -> ()
    "tpu.region"() ({
      %run_scoped3A = tpu.sem_alloc : memref<!tpu.dma_semaphore, #tpu.memory_space<semaphore_mem>>
      tpu.enqueue_dma source(%arg3 : memref<128x8xf32, #tpu.memory_space<hbm>>) target(%arg7 : memref<128x8xf32, #tpu.memory_space<vmem>>) target_semaphore(%run_scoped3A : memref<!tpu.dma_semaphore, #tpu.memory_space<semaphore_mem>>)
      tpu.wait_dma2 semaphore(%run_scoped3A : memref<!tpu.dma_semaphore, #tpu.memory_space<semaphore_mem>>) src(%arg3 : memref<128x8xf32, #tpu.memory_space<hbm>>) dst(%arg7 : memref<128x8xf32, #tpu.memory_space<vmem>>)
      tpu.yield
    }) : () -> ()
    %mul3A_3 = arith.constant 80 : i32
    %mul3A_4 = arith.muli %add3A, %mul3A_3 : i32
    "tpu.region"() ({
      %run_scoped3A = tpu.sem_alloc : memref<!tpu.dma_semaphore, #tpu.memory_space<semaphore_mem>>
      %dma_start3A = arith.constant 0 : i32
      %dma_start3A_11 = tpu.memref_slice %arg2[%mul3A_4, %dma_start3A] : memref<2560x128xi32, #tpu.memory_space<hbm>> -> memref<80x128xi32, #tpu.memory_space<hbm>>
      %dma_start3A_12 = arith.constant 0 : i32
      %dma_start3A_13 = tpu.memref_slice %arg2[%mul3A_4, %dma_start3A_12] : memref<2560x128xi32, #tpu.memory_space<hbm>> -> memref<80x128xi32, #tpu.memory_space<hbm>>
      tpu.enqueue_dma source(%dma_start3A_13 : memref<80x128xi32, #tpu.memory_space<hbm>>) target(%arg6 : memref<80x128xi32, #tpu.memory_space<vmem>>) target_semaphore(%run_scoped3A : memref<!tpu.dma_semaphore, #tpu.memory_space<semaphore_mem>>)
      %dma_wait3A = arith.constant 0 : i32
      %dma_wait3A_14 = tpu.memref_slice %arg2[%mul3A_4, %dma_wait3A] : memref<2560x128xi32, #tpu.memory_space<hbm>> -> memref<80x128xi32, #tpu.memory_space<hbm>>
      %dma_wait3A_15 = arith.constant 0 : i32
      %dma_wait3A_16 = tpu.memref_slice %arg2[%mul3A_4, %dma_wait3A_15] : memref<2560x128xi32, #tpu.memory_space<hbm>> -> memref<80x128xi32, #tpu.memory_space<hbm>>
      tpu.wait_dma2 semaphore(%run_scoped3A : memref<!tpu.dma_semaphore, #tpu.memory_space<semaphore_mem>>) src(%dma_wait3A_16 : memref<80x128xi32, #tpu.memory_space<hbm>>) dst(%arg6 : memref<80x128xi32, #tpu.memory_space<vmem>>)
      tpu.yield
    }) : () -> ()
    %barrier3A = arith.constant 0 : index
    tpu.barrier barrier_id(%barrier3A)
    %scan3A = arith.constant 0 : i32
    %scan3A_5 = arith.constant 0 : i32
    %scan3A_6 = arith.constant 10 : i32
    %scan3A_7 = arith.addi %scan3A_5, %scan3A_6 : i32
    %scan3A_8 = arith.constant 1 : i32
    scf.for %scan3A_11 = %scan3A_5 to %scan3A_7 step %scan3A_8  : i32 {
      %mul3A_12 = arith.constant 8 : i32
      %mul3A_13 = arith.muli %scan3A_11, %mul3A_12 : i32
      %add3A_14 = arith.constant 0 : i32
      %add3A_15 = arith.addi %mul3A_13, %add3A_14 : i32
      %dma_start3A = arith.constant 0 : i32
      %dma_start3A_16 = arith.constant 0 : i32
      %dma_start3A_17 = tpu.memref_slice %arg6[%add3A_15, %dma_start3A_16] : memref<80x128xi32, #tpu.memory_space<vmem>> -> memref<1x128xi32, #tpu.memory_space<vmem>>
      %dma_start3A_18 = tpu.memref_squeeze %dma_start3A_17 : memref<1x128xi32, #tpu.memory_space<vmem>> -> memref<128xi32, #tpu.memory_space<vmem>>
      %dma_start3A_19 = arith.constant 0 : i32
      %dma_start3A_20 = arith.constant 0 : i32
      %dma_start3A_21 = tpu.memref_slice %arg8[%dma_start3A_19, %dma_start3A_20] : memref<10240x8xf32, #tpu.memory_space<vmem_shared>> -> memref<10240x8xf32, #tpu.memory_space<vmem_shared>>
      %dma_start3A_22 = tpu.memref_slice %arg9[%dma_start3A] : memref<8x!tpu.dma_semaphore, #tpu.memory_space<semaphore_mem>> -> memref<1x!tpu.dma_semaphore, #tpu.memory_space<semaphore_mem>>
      %dma_start3A_23 = tpu.memref_squeeze %dma_start3A_22 : memref<1x!tpu.dma_semaphore, #tpu.memory_space<semaphore_mem>> -> memref<!tpu.dma_semaphore, #tpu.memory_space<semaphore_mem>>
      tpu.enqueue_indirect_dma source(%arg7 : memref<128x8xf32, #tpu.memory_space<vmem>>) target(%dma_start3A_21 : memref<10240x8xf32, #tpu.memory_space<vmem_shared>>) offsets(%dma_start3A_18 : memref<128xi32, #tpu.memory_space<vmem>>) semaphore(%dma_start3A_23 : memref<!tpu.dma_semaphore, #tpu.memory_space<semaphore_mem>>) {add = true}
      %mul3A_24 = arith.constant 8 : i32
      %mul3A_25 = arith.muli %scan3A_11, %mul3A_24 : i32
      %add3A_26 = arith.constant 1 : i32
      %add3A_27 = arith.addi %mul3A_25, %add3A_26 : i32
      %dma_start3A_28 = arith.constant 1 : i32
      %dma_start3A_29 = arith.constant 0 : i32
      %dma_start3A_30 = tpu.memref_slice %arg6[%add3A_27, %dma_start3A_29] : memref<80x128xi32, #tpu.memory_space<vmem>> -> memref<1x128xi32, #tpu.memory_space<vmem>>
      %dma_start3A_31 = tpu.memref_squeeze %dma_start3A_30 : memref<1x128xi32, #tpu.memory_space<vmem>> -> memref<128xi32, #tpu.memory_space<vmem>>
      %dma_start3A_32 = arith.constant 0 : i32
      %dma_start3A_33 = arith.constant 0 : i32
      %dma_start3A_34 = tpu.memref_slice %arg8[%dma_start3A_32, %dma_start3A_33] : memref<10240x8xf32, #tpu.memory_space<vmem_shared>> -> memref<10240x8xf32, #tpu.memory_space<vmem_shared>>
      %dma_start3A_35 = tpu.memref_slice %arg9[%dma_start3A_28] : memref<8x!tpu.dma_semaphore, #tpu.memory_space<semaphore_mem>> -> memref<1x!tpu.dma_semaphore, #tpu.memory_space<semaphore_mem>>
      %dma_start3A_36 = tpu.memref_squeeze %dma_start3A_35 : memref<1x!tpu.dma_semaphore, #tpu.memory_space<semaphore_mem>> -> memref<!tpu.dma_semaphore, #tpu.memory_space<semaphore_mem>>
      tpu.enqueue_indirect_dma source(%arg7 : memref<128x8xf32, #tpu.memory_space<vmem>>) target(%dma_start3A_34 : memref<10240x8xf32, #tpu.memory_space<vmem_shared>>) offsets(%dma_start3A_31 : memref<128xi32, #tpu.memory_space<vmem>>) semaphore(%dma_start3A_36 : memref<!tpu.dma_semaphore, #tpu.memory_space<semaphore_mem>>) {add = true}
      %mul3A_37 = arith.constant 8 : i32
      %mul3A_38 = arith.muli %scan3A_11, %mul3A_37 : i32
      %add3A_39 = arith.constant 2 : i32
      %add3A_40 = arith.addi %mul3A_38, %add3A_39 : i32
      %dma_start3A_41 = arith.constant 2 : i32
      %dma_start3A_42 = arith.constant 0 : i32
      %dma_start3A_43 = tpu.memref_slice %arg6[%add3A_40, %dma_start3A_42] : memref<80x128xi32, #tpu.memory_space<vmem>> -> memref<1x128xi32, #tpu.memory_space<vmem>>
      %dma_start3A_44 = tpu.memref_squeeze %dma_start3A_43 : memref<1x128xi32, #tpu.memory_space<vmem>> -> memref<128xi32, #tpu.memory_space<vmem>>
      %dma_start3A_45 = arith.constant 0 : i32
      %dma_start3A_46 = arith.constant 0 : i32
      %dma_start3A_47 = tpu.memref_slice %arg8[%dma_start3A_45, %dma_start3A_46] : memref<10240x8xf32, #tpu.memory_space<vmem_shared>> -> memref<10240x8xf32, #tpu.memory_space<vmem_shared>>
      %dma_start3A_48 = tpu.memref_slice %arg9[%dma_start3A_41] : memref<8x!tpu.dma_semaphore, #tpu.memory_space<semaphore_mem>> -> memref<1x!tpu.dma_semaphore, #tpu.memory_space<semaphore_mem>>
      %dma_start3A_49 = tpu.memref_squeeze %dma_start3A_48 : memref<1x!tpu.dma_semaphore, #tpu.memory_space<semaphore_mem>> -> memref<!tpu.dma_semaphore, #tpu.memory_space<semaphore_mem>>
      tpu.enqueue_indirect_dma source(%arg7 : memref<128x8xf32, #tpu.memory_space<vmem>>) target(%dma_start3A_47 : memref<10240x8xf32, #tpu.memory_space<vmem_shared>>) offsets(%dma_start3A_44 : memref<128xi32, #tpu.memory_space<vmem>>) semaphore(%dma_start3A_49 : memref<!tpu.dma_semaphore, #tpu.memory_space<semaphore_mem>>) {add = true}
      %mul3A_50 = arith.constant 8 : i32
      %mul3A_51 = arith.muli %scan3A_11, %mul3A_50 : i32
      %add3A_52 = arith.constant 3 : i32
      %add3A_53 = arith.addi %mul3A_51, %add3A_52 : i32
      %dma_start3A_54 = arith.constant 3 : i32
      %dma_start3A_55 = arith.constant 0 : i32
      %dma_start3A_56 = tpu.memref_slice %arg6[%add3A_53, %dma_start3A_55] : memref<80x128xi32, #tpu.memory_space<vmem>> -> memref<1x128xi32, #tpu.memory_space<vmem>>
      %dma_start3A_57 = tpu.memref_squeeze %dma_start3A_56 : memref<1x128xi32, #tpu.memory_space<vmem>> -> memref<128xi32, #tpu.memory_space<vmem>>
      %dma_start3A_58 = arith.constant 0 : i32
      %dma_start3A_59 = arith.constant 0 : i32
      %dma_start3A_60 = tpu.memref_slice %arg8[%dma_start3A_58, %dma_start3A_59] : memref<10240x8xf32, #tpu.memory_space<vmem_shared>> -> memref<10240x8xf32, #tpu.memory_space<vmem_shared>>
      %dma_start3A_61 = tpu.memref_slice %arg9[%dma_start3A_54] : memref<8x!tpu.dma_semaphore, #tpu.memory_space<semaphore_mem>> -> memref<1x!tpu.dma_semaphore, #tpu.memory_space<semaphore_mem>>
      %dma_start3A_62 = tpu.memref_squeeze %dma_start3A_61 : memref<1x!tpu.dma_semaphore, #tpu.memory_space<semaphore_mem>> -> memref<!tpu.dma_semaphore, #tpu.memory_space<semaphore_mem>>
      tpu.enqueue_indirect_dma source(%arg7 : memref<128x8xf32, #tpu.memory_space<vmem>>) target(%dma_start3A_60 : memref<10240x8xf32, #tpu.memory_space<vmem_shared>>) offsets(%dma_start3A_57 : memref<128xi32, #tpu.memory_space<vmem>>) semaphore(%dma_start3A_62 : memref<!tpu.dma_semaphore, #tpu.memory_space<semaphore_mem>>) {add = true}
      %mul3A_63 = arith.constant 8 : i32
      %mul3A_64 = arith.muli %scan3A_11, %mul3A_63 : i32
      %add3A_65 = arith.constant 4 : i32
      %add3A_66 = arith.addi %mul3A_64, %add3A_65 : i32
      %dma_start3A_67 = arith.constant 4 : i32
      %dma_start3A_68 = arith.constant 0 : i32
      %dma_start3A_69 = tpu.memref_slice %arg6[%add3A_66, %dma_start3A_68] : memref<80x128xi32, #tpu.memory_space<vmem>> -> memref<1x128xi32, #tpu.memory_space<vmem>>
      %dma_start3A_70 = tpu.memref_squeeze %dma_start3A_69 : memref<1x128xi32, #tpu.memory_space<vmem>> -> memref<128xi32, #tpu.memory_space<vmem>>
      %dma_start3A_71 = arith.constant 0 : i32
      %dma_start3A_72 = arith.constant 0 : i32
      %dma_start3A_73 = tpu.memref_slice %arg8[%dma_start3A_71, %dma_start3A_72] : memref<10240x8xf32, #tpu.memory_space<vmem_shared>> -> memref<10240x8xf32, #tpu.memory_space<vmem_shared>>
      %dma_start3A_74 = tpu.memref_slice %arg9[%dma_start3A_67] : memref<8x!tpu.dma_semaphore, #tpu.memory_space<semaphore_mem>> -> memref<1x!tpu.dma_semaphore, #tpu.memory_space<semaphore_mem>>
      %dma_start3A_75 = tpu.memref_squeeze %dma_start3A_74 : memref<1x!tpu.dma_semaphore, #tpu.memory_space<semaphore_mem>> -> memref<!tpu.dma_semaphore, #tpu.memory_space<semaphore_mem>>
      tpu.enqueue_indirect_dma source(%arg7 : memref<128x8xf32, #tpu.memory_space<vmem>>) target(%dma_start3A_73 : memref<10240x8xf32, #tpu.memory_space<vmem_shared>>) offsets(%dma_start3A_70 : memref<128xi32, #tpu.memory_space<vmem>>) semaphore(%dma_start3A_75 : memref<!tpu.dma_semaphore, #tpu.memory_space<semaphore_mem>>) {add = true}
      %mul3A_76 = arith.constant 8 : i32
      %mul3A_77 = arith.muli %scan3A_11, %mul3A_76 : i32
      %add3A_78 = arith.constant 5 : i32
      %add3A_79 = arith.addi %mul3A_77, %add3A_78 : i32
      %dma_start3A_80 = arith.constant 5 : i32
      %dma_start3A_81 = arith.constant 0 : i32
      %dma_start3A_82 = tpu.memref_slice %arg6[%add3A_79, %dma_start3A_81] : memref<80x128xi32, #tpu.memory_space<vmem>> -> memref<1x128xi32, #tpu.memory_space<vmem>>
      %dma_start3A_83 = tpu.memref_squeeze %dma_start3A_82 : memref<1x128xi32, #tpu.memory_space<vmem>> -> memref<128xi32, #tpu.memory_space<vmem>>
      %dma_start3A_84 = arith.constant 0 : i32
      %dma_start3A_85 = arith.constant 0 : i32
      %dma_start3A_86 = tpu.memref_slice %arg8[%dma_start3A_84, %dma_start3A_85] : memref<10240x8xf32, #tpu.memory_space<vmem_shared>> -> memref<10240x8xf32, #tpu.memory_space<vmem_shared>>
      %dma_start3A_87 = tpu.memref_slice %arg9[%dma_start3A_80] : memref<8x!tpu.dma_semaphore, #tpu.memory_space<semaphore_mem>> -> memref<1x!tpu.dma_semaphore, #tpu.memory_space<semaphore_mem>>
      %dma_start3A_88 = tpu.memref_squeeze %dma_start3A_87 : memref<1x!tpu.dma_semaphore, #tpu.memory_space<semaphore_mem>> -> memref<!tpu.dma_semaphore, #tpu.memory_space<semaphore_mem>>
      tpu.enqueue_indirect_dma source(%arg7 : memref<128x8xf32, #tpu.memory_space<vmem>>) target(%dma_start3A_86 : memref<10240x8xf32, #tpu.memory_space<vmem_shared>>) offsets(%dma_start3A_83 : memref<128xi32, #tpu.memory_space<vmem>>) semaphore(%dma_start3A_88 : memref<!tpu.dma_semaphore, #tpu.memory_space<semaphore_mem>>) {add = true}
      %mul3A_89 = arith.constant 8 : i32
      %mul3A_90 = arith.muli %scan3A_11, %mul3A_89 : i32
      %add3A_91 = arith.constant 6 : i32
      %add3A_92 = arith.addi %mul3A_90, %add3A_91 : i32
      %dma_start3A_93 = arith.constant 6 : i32
      %dma_start3A_94 = arith.constant 0 : i32
      %dma_start3A_95 = tpu.memref_slice %arg6[%add3A_92, %dma_start3A_94] : memref<80x128xi32, #tpu.memory_space<vmem>> -> memref<1x128xi32, #tpu.memory_space<vmem>>
      %dma_start3A_96 = tpu.memref_squeeze %dma_start3A_95 : memref<1x128xi32, #tpu.memory_space<vmem>> -> memref<128xi32, #tpu.memory_space<vmem>>
      %dma_start3A_97 = arith.constant 0 : i32
      %dma_start3A_98 = arith.constant 0 : i32
      %dma_start3A_99 = tpu.memref_slice %arg8[%dma_start3A_97, %dma_start3A_98] : memref<10240x8xf32, #tpu.memory_space<vmem_shared>> -> memref<10240x8xf32, #tpu.memory_space<vmem_shared>>
      %dma_start3A_100 = tpu.memref_slice %arg9[%dma_start3A_93] : memref<8x!tpu.dma_semaphore, #tpu.memory_space<semaphore_mem>> -> memref<1x!tpu.dma_semaphore, #tpu.memory_space<semaphore_mem>>
      %dma_start3A_101 = tpu.memref_squeeze %dma_start3A_100 : memref<1x!tpu.dma_semaphore, #tpu.memory_space<semaphore_mem>> -> memref<!tpu.dma_semaphore, #tpu.memory_space<semaphore_mem>>
      tpu.enqueue_indirect_dma source(%arg7 : memref<128x8xf32, #tpu.memory_space<vmem>>) target(%dma_start3A_99 : memref<10240x8xf32, #tpu.memory_space<vmem_shared>>) offsets(%dma_start3A_96 : memref<128xi32, #tpu.memory_space<vmem>>) semaphore(%dma_start3A_101 : memref<!tpu.dma_semaphore, #tpu.memory_space<semaphore_mem>>) {add = true}
      %mul3A_102 = arith.constant 8 : i32
      %mul3A_103 = arith.muli %scan3A_11, %mul3A_102 : i32
      %add3A_104 = arith.constant 7 : i32
      %add3A_105 = arith.addi %mul3A_103, %add3A_104 : i32
      %dma_start3A_106 = arith.constant 7 : i32
      %dma_start3A_107 = arith.constant 0 : i32
      %dma_start3A_108 = tpu.memref_slice %arg6[%add3A_105, %dma_start3A_107] : memref<80x128xi32, #tpu.memory_space<vmem>> -> memref<1x128xi32, #tpu.memory_space<vmem>>
      %dma_start3A_109 = tpu.memref_squeeze %dma_start3A_108 : memref<1x128xi32, #tpu.memory_space<vmem>> -> memref<128xi32, #tpu.memory_space<vmem>>
      %dma_start3A_110 = arith.constant 0 : i32
      %dma_start3A_111 = arith.constant 0 : i32
      %dma_start3A_112 = tpu.memref_slice %arg8[%dma_start3A_110, %dma_start3A_111] : memref<10240x8xf32, #tpu.memory_space<vmem_shared>> -> memref<10240x8xf32, #tpu.memory_space<vmem_shared>>
      %dma_start3A_113 = tpu.memref_slice %arg9[%dma_start3A_106] : memref<8x!tpu.dma_semaphore, #tpu.memory_space<semaphore_mem>> -> memref<1x!tpu.dma_semaphore, #tpu.memory_space<semaphore_mem>>
      %dma_start3A_114 = tpu.memref_squeeze %dma_start3A_113 : memref<1x!tpu.dma_semaphore, #tpu.memory_space<semaphore_mem>> -> memref<!tpu.dma_semaphore, #tpu.memory_space<semaphore_mem>>
      tpu.enqueue_indirect_dma source(%arg7 : memref<128x8xf32, #tpu.memory_space<vmem>>) target(%dma_start3A_112 : memref<10240x8xf32, #tpu.memory_space<vmem_shared>>) offsets(%dma_start3A_109 : memref<128xi32, #tpu.memory_space<vmem>>) semaphore(%dma_start3A_114 : memref<!tpu.dma_semaphore, #tpu.memory_space<semaphore_mem>>) {add = true}
      %dma_wait3A = arith.constant 0 : i32
      %dma_wait3A_115 = arith.constant 0 : i32
      %dma_wait3A_116 = tpu.memref_slice %arg6[%add3A_15, %dma_wait3A_115] : memref<80x128xi32, #tpu.memory_space<vmem>> -> memref<1x128xi32, #tpu.memory_space<vmem>>
      %dma_wait3A_117 = tpu.memref_squeeze %dma_wait3A_116 : memref<1x128xi32, #tpu.memory_space<vmem>> -> memref<128xi32, #tpu.memory_space<vmem>>
      %dma_wait3A_118 = arith.constant 0 : i32
      %dma_wait3A_119 = arith.constant 0 : i32
      %dma_wait3A_120 = tpu.memref_slice %arg8[%dma_wait3A_118, %dma_wait3A_119] : memref<10240x8xf32, #tpu.memory_space<vmem_shared>> -> memref<10240x8xf32, #tpu.memory_space<vmem_shared>>
      %dma_wait3A_121 = tpu.memref_slice %arg9[%dma_wait3A] : memref<8x!tpu.dma_semaphore, #tpu.memory_space<semaphore_mem>> -> memref<1x!tpu.dma_semaphore, #tpu.memory_space<semaphore_mem>>
      %dma_wait3A_122 = tpu.memref_squeeze %dma_wait3A_121 : memref<1x!tpu.dma_semaphore, #tpu.memory_space<semaphore_mem>> -> memref<!tpu.dma_semaphore, #tpu.memory_space<semaphore_mem>>
      tpu.wait_indirect_dma semaphore(%dma_wait3A_122 : memref<!tpu.dma_semaphore, #tpu.memory_space<semaphore_mem>>) src(%arg7 : memref<128x8xf32, #tpu.memory_space<vmem>>) dst(%dma_wait3A_120 : memref<10240x8xf32, #tpu.memory_space<vmem_shared>>)
      %dma_wait3A_123 = arith.constant 1 : i32
      %dma_wait3A_124 = arith.constant 0 : i32
      %dma_wait3A_125 = tpu.memref_slice %arg6[%add3A_27, %dma_wait3A_124] : memref<80x128xi32, #tpu.memory_space<vmem>> -> memref<1x128xi32, #tpu.memory_space<vmem>>
      %dma_wait3A_126 = tpu.memref_squeeze %dma_wait3A_125 : memref<1x128xi32, #tpu.memory_space<vmem>> -> memref<128xi32, #tpu.memory_space<vmem>>
      %dma_wait3A_127 = arith.constant 0 : i32
      %dma_wait3A_128 = arith.constant 0 : i32
      %dma_wait3A_129 = tpu.memref_slice %arg8[%dma_wait3A_127, %dma_wait3A_128] : memref<10240x8xf32, #tpu.memory_space<vmem_shared>> -> memref<10240x8xf32, #tpu.memory_space<vmem_shared>>
      %dma_wait3A_130 = tpu.memref_slice %arg9[%dma_wait3A_123] : memref<8x!tpu.dma_semaphore, #tpu.memory_space<semaphore_mem>> -> memref<1x!tpu.dma_semaphore, #tpu.memory_space<semaphore_mem>>
      %dma_wait3A_131 = tpu.memref_squeeze %dma_wait3A_130 : memref<1x!tpu.dma_semaphore, #tpu.memory_space<semaphore_mem>> -> memref<!tpu.dma_semaphore, #tpu.memory_space<semaphore_mem>>
      tpu.wait_indirect_dma semaphore(%dma_wait3A_131 : memref<!tpu.dma_semaphore, #tpu.memory_space<semaphore_mem>>) src(%arg7 : memref<128x8xf32, #tpu.memory_space<vmem>>) dst(%dma_wait3A_129 : memref<10240x8xf32, #tpu.memory_space<vmem_shared>>)
      %dma_wait3A_132 = arith.constant 2 : i32
      %dma_wait3A_133 = arith.constant 0 : i32
      %dma_wait3A_134 = tpu.memref_slice %arg6[%add3A_40, %dma_wait3A_133] : memref<80x128xi32, #tpu.memory_space<vmem>> -> memref<1x128xi32, #tpu.memory_space<vmem>>
      %dma_wait3A_135 = tpu.memref_squeeze %dma_wait3A_134 : memref<1x128xi32, #tpu.memory_space<vmem>> -> memref<128xi32, #tpu.memory_space<vmem>>
      %dma_wait3A_136 = arith.constant 0 : i32
      %dma_wait3A_137 = arith.constant 0 : i32
      %dma_wait3A_138 = tpu.memref_slice %arg8[%dma_wait3A_136, %dma_wait3A_137] : memref<10240x8xf32, #tpu.memory_space<vmem_shared>> -> memref<10240x8xf32, #tpu.memory_space<vmem_shared>>
      %dma_wait3A_139 = tpu.memref_slice %arg9[%dma_wait3A_132] : memref<8x!tpu.dma_semaphore, #tpu.memory_space<semaphore_mem>> -> memref<1x!tpu.dma_semaphore, #tpu.memory_space<semaphore_mem>>
      %dma_wait3A_140 = tpu.memref_squeeze %dma_wait3A_139 : memref<1x!tpu.dma_semaphore, #tpu.memory_space<semaphore_mem>> -> memref<!tpu.dma_semaphore, #tpu.memory_space<semaphore_mem>>
      tpu.wait_indirect_dma semaphore(%dma_wait3A_140 : memref<!tpu.dma_semaphore, #tpu.memory_space<semaphore_mem>>) src(%arg7 : memref<128x8xf32, #tpu.memory_space<vmem>>) dst(%dma_wait3A_138 : memref<10240x8xf32, #tpu.memory_space<vmem_shared>>)
      %dma_wait3A_141 = arith.constant 3 : i32
      %dma_wait3A_142 = arith.constant 0 : i32
      %dma_wait3A_143 = tpu.memref_slice %arg6[%add3A_53, %dma_wait3A_142] : memref<80x128xi32, #tpu.memory_space<vmem>> -> memref<1x128xi32, #tpu.memory_space<vmem>>
      %dma_wait3A_144 = tpu.memref_squeeze %dma_wait3A_143 : memref<1x128xi32, #tpu.memory_space<vmem>> -> memref<128xi32, #tpu.memory_space<vmem>>
      %dma_wait3A_145 = arith.constant 0 : i32
      %dma_wait3A_146 = arith.constant 0 : i32
      %dma_wait3A_147 = tpu.memref_slice %arg8[%dma_wait3A_145, %dma_wait3A_146] : memref<10240x8xf32, #tpu.memory_space<vmem_shared>> -> memref<10240x8xf32, #tpu.memory_space<vmem_shared>>
      %dma_wait3A_148 = tpu.memref_slice %arg9[%dma_wait3A_141] : memref<8x!tpu.dma_semaphore, #tpu.memory_space<semaphore_mem>> -> memref<1x!tpu.dma_semaphore, #tpu.memory_space<semaphore_mem>>
      %dma_wait3A_149 = tpu.memref_squeeze %dma_wait3A_148 : memref<1x!tpu.dma_semaphore, #tpu.memory_space<semaphore_mem>> -> memref<!tpu.dma_semaphore, #tpu.memory_space<semaphore_mem>>
      tpu.wait_indirect_dma semaphore(%dma_wait3A_149 : memref<!tpu.dma_semaphore, #tpu.memory_space<semaphore_mem>>) src(%arg7 : memref<128x8xf32, #tpu.memory_space<vmem>>) dst(%dma_wait3A_147 : memref<10240x8xf32, #tpu.memory_space<vmem_shared>>)
      %dma_wait3A_150 = arith.constant 4 : i32
      %dma_wait3A_151 = arith.constant 0 : i32
      %dma_wait3A_152 = tpu.memref_slice %arg6[%add3A_66, %dma_wait3A_151] : memref<80x128xi32, #tpu.memory_space<vmem>> -> memref<1x128xi32, #tpu.memory_space<vmem>>
      %dma_wait3A_153 = tpu.memref_squeeze %dma_wait3A_152 : memref<1x128xi32, #tpu.memory_space<vmem>> -> memref<128xi32, #tpu.memory_space<vmem>>
      %dma_wait3A_154 = arith.constant 0 : i32
      %dma_wait3A_155 = arith.constant 0 : i32
      %dma_wait3A_156 = tpu.memref_slice %arg8[%dma_wait3A_154, %dma_wait3A_155] : memref<10240x8xf32, #tpu.memory_space<vmem_shared>> -> memref<10240x8xf32, #tpu.memory_space<vmem_shared>>
      %dma_wait3A_157 = tpu.memref_slice %arg9[%dma_wait3A_150] : memref<8x!tpu.dma_semaphore, #tpu.memory_space<semaphore_mem>> -> memref<1x!tpu.dma_semaphore, #tpu.memory_space<semaphore_mem>>
      %dma_wait3A_158 = tpu.memref_squeeze %dma_wait3A_157 : memref<1x!tpu.dma_semaphore, #tpu.memory_space<semaphore_mem>> -> memref<!tpu.dma_semaphore, #tpu.memory_space<semaphore_mem>>
      tpu.wait_indirect_dma semaphore(%dma_wait3A_158 : memref<!tpu.dma_semaphore, #tpu.memory_space<semaphore_mem>>) src(%arg7 : memref<128x8xf32, #tpu.memory_space<vmem>>) dst(%dma_wait3A_156 : memref<10240x8xf32, #tpu.memory_space<vmem_shared>>)
      %dma_wait3A_159 = arith.constant 5 : i32
      %dma_wait3A_160 = arith.constant 0 : i32
      %dma_wait3A_161 = tpu.memref_slice %arg6[%add3A_79, %dma_wait3A_160] : memref<80x128xi32, #tpu.memory_space<vmem>> -> memref<1x128xi32, #tpu.memory_space<vmem>>
      %dma_wait3A_162 = tpu.memref_squeeze %dma_wait3A_161 : memref<1x128xi32, #tpu.memory_space<vmem>> -> memref<128xi32, #tpu.memory_space<vmem>>
      %dma_wait3A_163 = arith.constant 0 : i32
      %dma_wait3A_164 = arith.constant 0 : i32
      %dma_wait3A_165 = tpu.memref_slice %arg8[%dma_wait3A_163, %dma_wait3A_164] : memref<10240x8xf32, #tpu.memory_space<vmem_shared>> -> memref<10240x8xf32, #tpu.memory_space<vmem_shared>>
      %dma_wait3A_166 = tpu.memref_slice %arg9[%dma_wait3A_159] : memref<8x!tpu.dma_semaphore, #tpu.memory_space<semaphore_mem>> -> memref<1x!tpu.dma_semaphore, #tpu.memory_space<semaphore_mem>>
      %dma_wait3A_167 = tpu.memref_squeeze %dma_wait3A_166 : memref<1x!tpu.dma_semaphore, #tpu.memory_space<semaphore_mem>> -> memref<!tpu.dma_semaphore, #tpu.memory_space<semaphore_mem>>
      tpu.wait_indirect_dma semaphore(%dma_wait3A_167 : memref<!tpu.dma_semaphore, #tpu.memory_space<semaphore_mem>>) src(%arg7 : memref<128x8xf32, #tpu.memory_space<vmem>>) dst(%dma_wait3A_165 : memref<10240x8xf32, #tpu.memory_space<vmem_shared>>)
      %dma_wait3A_168 = arith.constant 6 : i32
      %dma_wait3A_169 = arith.constant 0 : i32
      %dma_wait3A_170 = tpu.memref_slice %arg6[%add3A_92, %dma_wait3A_169] : memref<80x128xi32, #tpu.memory_space<vmem>> -> memref<1x128xi32, #tpu.memory_space<vmem>>
      %dma_wait3A_171 = tpu.memref_squeeze %dma_wait3A_170 : memref<1x128xi32, #tpu.memory_space<vmem>> -> memref<128xi32, #tpu.memory_space<vmem>>
      %dma_wait3A_172 = arith.constant 0 : i32
      %dma_wait3A_173 = arith.constant 0 : i32
      %dma_wait3A_174 = tpu.memref_slice %arg8[%dma_wait3A_172, %dma_wait3A_173] : memref<10240x8xf32, #tpu.memory_space<vmem_shared>> -> memref<10240x8xf32, #tpu.memory_space<vmem_shared>>
      %dma_wait3A_175 = tpu.memref_slice %arg9[%dma_wait3A_168] : memref<8x!tpu.dma_semaphore, #tpu.memory_space<semaphore_mem>> -> memref<1x!tpu.dma_semaphore, #tpu.memory_space<semaphore_mem>>
      %dma_wait3A_176 = tpu.memref_squeeze %dma_wait3A_175 : memref<1x!tpu.dma_semaphore, #tpu.memory_space<semaphore_mem>> -> memref<!tpu.dma_semaphore, #tpu.memory_space<semaphore_mem>>
      tpu.wait_indirect_dma semaphore(%dma_wait3A_176 : memref<!tpu.dma_semaphore, #tpu.memory_space<semaphore_mem>>) src(%arg7 : memref<128x8xf32, #tpu.memory_space<vmem>>) dst(%dma_wait3A_174 : memref<10240x8xf32, #tpu.memory_space<vmem_shared>>)
      %dma_wait3A_177 = arith.constant 7 : i32
      %dma_wait3A_178 = arith.constant 0 : i32
      %dma_wait3A_179 = tpu.memref_slice %arg6[%add3A_105, %dma_wait3A_178] : memref<80x128xi32, #tpu.memory_space<vmem>> -> memref<1x128xi32, #tpu.memory_space<vmem>>
      %dma_wait3A_180 = tpu.memref_squeeze %dma_wait3A_179 : memref<1x128xi32, #tpu.memory_space<vmem>> -> memref<128xi32, #tpu.memory_space<vmem>>
      %dma_wait3A_181 = arith.constant 0 : i32
      %dma_wait3A_182 = arith.constant 0 : i32
      %dma_wait3A_183 = tpu.memref_slice %arg8[%dma_wait3A_181, %dma_wait3A_182] : memref<10240x8xf32, #tpu.memory_space<vmem_shared>> -> memref<10240x8xf32, #tpu.memory_space<vmem_shared>>
      %dma_wait3A_184 = tpu.memref_slice %arg9[%dma_wait3A_177] : memref<8x!tpu.dma_semaphore, #tpu.memory_space<semaphore_mem>> -> memref<1x!tpu.dma_semaphore, #tpu.memory_space<semaphore_mem>>
      %dma_wait3A_185 = tpu.memref_squeeze %dma_wait3A_184 : memref<1x!tpu.dma_semaphore, #tpu.memory_space<semaphore_mem>> -> memref<!tpu.dma_semaphore, #tpu.memory_space<semaphore_mem>>
      tpu.wait_indirect_dma semaphore(%dma_wait3A_185 : memref<!tpu.dma_semaphore, #tpu.memory_space<semaphore_mem>>) src(%arg7 : memref<128x8xf32, #tpu.memory_space<vmem>>) dst(%dma_wait3A_183 : memref<10240x8xf32, #tpu.memory_space<vmem_shared>>)
    }
    %scan3A_9 = arith.constant 10 : i32
    %barrier3A_10 = arith.constant 0 : index
    tpu.barrier barrier_id(%barrier3A_10)
    "tpu.region"() ({
      %run_scoped3A = tpu.sem_alloc : memref<!tpu.dma_semaphore, #tpu.memory_space<semaphore_mem>>
      %dma_start3A = arith.constant 0 : i32
      %dma_start3A_11 = tpu.memref_slice %arg5[%arg0, %mul3A_2, %dma_start3A] : memref<2x10240x8xf32, #tpu.memory_space<hbm>> -> memref<1x640x8xf32, #tpu.memory_space<hbm>>
      %dma_start3A_12 = tpu.memref_squeeze %dma_start3A_11 : memref<1x640x8xf32, #tpu.memory_space<hbm>> -> memref<640x8xf32, #tpu.memory_space<hbm>>
      %dma_start3A_13 = arith.constant 0 : i32
      %dma_start3A_14 = tpu.memref_slice %arg8[%mul3A_2, %dma_start3A_13] : memref<10240x8xf32, #tpu.memory_space<vmem_shared>> -> memref<640x8xf32, #tpu.memory_space<vmem_shared>>
      tpu.enqueue_dma source(%dma_start3A_14 : memref<640x8xf32, #tpu.memory_space<vmem_shared>>) target(%dma_start3A_12 : memref<640x8xf32, #tpu.memory_space<hbm>>) target_semaphore(%run_scoped3A : memref<!tpu.dma_semaphore, #tpu.memory_space<semaphore_mem>>)
      %dma_wait3A = arith.constant 0 : i32
      %dma_wait3A_15 = tpu.memref_slice %arg5[%arg0, %mul3A_2, %dma_wait3A] : memref<2x10240x8xf32, #tpu.memory_space<hbm>> -> memref<1x640x8xf32, #tpu.memory_space<hbm>>
      %dma_wait3A_16 = tpu.memref_squeeze %dma_wait3A_15 : memref<1x640x8xf32, #tpu.memory_space<hbm>> -> memref<640x8xf32, #tpu.memory_space<hbm>>
      %dma_wait3A_17 = arith.constant 0 : i32
      %dma_wait3A_18 = tpu.memref_slice %arg8[%mul3A_2, %dma_wait3A_17] : memref<10240x8xf32, #tpu.memory_space<vmem_shared>> -> memref<640x8xf32, #tpu.memory_space<vmem_shared>>
      tpu.wait_dma2 semaphore(%run_scoped3A : memref<!tpu.dma_semaphore, #tpu.memory_space<semaphore_mem>>) src(%dma_wait3A_18 : memref<640x8xf32, #tpu.memory_space<vmem_shared>>) dst(%dma_wait3A_16 : memref<640x8xf32, #tpu.memory_space<hbm>>)
      tpu.yield
    }) : () -> ()
    return
  }
}

#map = affine_map<(d0, d1) -> (0, 0)>
#map1 = affine_map<(d0, d1) -> (0, 0, 0)>
module attributes {stable_mosaic.version = 14 : i64} {
  func.func @agg_kernel(%arg0: i32, %arg1: i32, %arg2: memref<10240x32xf32, #tpu.memory_space<hbm>>, %arg3: memref<2560x128xi32, #tpu.memory_space<hbm>>, %arg4: memref<2560x128xi32, #tpu.memory_space<hbm>>, %arg5: memref<10240x32xf32, #tpu.memory_space<hbm>>, %arg6: memref<2x10240x32xf32, #tpu.memory_space<hbm>>, %arg7: memref<80x128xi32, #tpu.memory_space<vmem>>, %arg8: memref<80x128xi32, #tpu.memory_space<vmem>>, %arg9: memref<8x128x32xf32, #tpu.memory_space<vmem>>, %arg10: memref<10240x32xf32, #tpu.memory_space<vmem_shared>>, %arg11: memref<8x!tpu.dma_semaphore, #tpu.memory_space<semaphore_mem>>, %arg12: memref<8x!tpu.dma_semaphore, #tpu.memory_space<semaphore_mem>>) attributes {dimension_semantics = [#tpu.dimension_semantics<core_parallel>, #tpu.dimension_semantics<subcore_parallel>], iteration_bounds = array<i64: 2, 16>, scalar_prefetch = 0 : i64, scratch_operands = 6 : i64, tpu.core_type = #tpu.core_type<sc_vector_subcore>, window_params = [{transform_indices = #map}, {transform_indices = #map}, {transform_indices = #map}, {transform_indices = #map}, {transform_indices = #map1}]} {
    %mul3A = arith.constant 2 : i32
    %mul3A_0 = arith.muli %arg1, %mul3A : i32
    %add3A = arith.addi %mul3A_0, %arg0 : i32
    %mul3A_1 = arith.constant 640 : i32
    %mul3A_2 = arith.muli %arg1, %mul3A_1 : i32
    %eq3A = arith.constant 0 : i32
    %eq3A_3 = arith.cmpi eq, %arg0, %eq3A : i32
    %convert_element_type3A = arith.extui %eq3A_3 : i1 to i32
    %cond3A = arith.constant 0 : i32
    %cond3A_4 = arith.cmpi ne, %convert_element_type3A, %cond3A : i32
    scf.if %cond3A_4 {
      "tpu.region"() ({
        %run_scoped3A = tpu.sem_alloc : memref<!tpu.dma_semaphore, #tpu.memory_space<semaphore_mem>>
        %dma_start3A_257 = arith.constant 0 : i32
        %dma_start3A_258 = tpu.memref_slice %arg10[%mul3A_2, %dma_start3A_257] : memref<10240x32xf32, #tpu.memory_space<vmem_shared>> -> memref<640x32xf32, #tpu.memory_space<vmem_shared>>
        %dma_start3A_259 = arith.constant 0 : i32
        %dma_start3A_260 = tpu.memref_slice %arg2[%mul3A_2, %dma_start3A_259] : memref<10240x32xf32, #tpu.memory_space<hbm>> -> memref<640x32xf32, #tpu.memory_space<hbm>>
        tpu.enqueue_dma source(%dma_start3A_260 : memref<640x32xf32, #tpu.memory_space<hbm>>) target(%dma_start3A_258 : memref<640x32xf32, #tpu.memory_space<vmem_shared>>) target_semaphore(%run_scoped3A : memref<!tpu.dma_semaphore, #tpu.memory_space<semaphore_mem>>)
        %dma_wait3A_261 = arith.constant 0 : i32
        %dma_wait3A_262 = tpu.memref_slice %arg10[%mul3A_2, %dma_wait3A_261] : memref<10240x32xf32, #tpu.memory_space<vmem_shared>> -> memref<640x32xf32, #tpu.memory_space<vmem_shared>>
        %dma_wait3A_263 = arith.constant 0 : i32
        %dma_wait3A_264 = tpu.memref_slice %arg2[%mul3A_2, %dma_wait3A_263] : memref<10240x32xf32, #tpu.memory_space<hbm>> -> memref<640x32xf32, #tpu.memory_space<hbm>>
        tpu.wait_dma2 semaphore(%run_scoped3A : memref<!tpu.dma_semaphore, #tpu.memory_space<semaphore_mem>>) src(%dma_wait3A_264 : memref<640x32xf32, #tpu.memory_space<hbm>>) dst(%dma_wait3A_262 : memref<640x32xf32, #tpu.memory_space<vmem_shared>>)
        tpu.yield
      }) : () -> ()
    } else {
    }
    %ne3A = arith.constant 0 : i32
    %ne3A_5 = arith.cmpi ne, %arg0, %ne3A : i32
    %convert_element_type3A_6 = arith.extui %ne3A_5 : i1 to i32
    %cond3A_7 = arith.constant 0 : i32
    %cond3A_8 = arith.cmpi ne, %convert_element_type3A_6, %cond3A_7 : i32
    scf.if %cond3A_8 {
      "tpu.region"() ({
        %run_scoped3A = tpu.sem_alloc : memref<!tpu.dma_semaphore, #tpu.memory_space<semaphore_mem>>
        %dma_start3A_257 = arith.constant 0 : i32
        %dma_start3A_258 = tpu.memref_slice %arg10[%mul3A_2, %dma_start3A_257] : memref<10240x32xf32, #tpu.memory_space<vmem_shared>> -> memref<640x32xf32, #tpu.memory_space<vmem_shared>>
        %dma_start3A_259 = arith.constant 0 : i32
        %dma_start3A_260 = tpu.memref_slice %arg5[%mul3A_2, %dma_start3A_259] : memref<10240x32xf32, #tpu.memory_space<hbm>> -> memref<640x32xf32, #tpu.memory_space<hbm>>
        tpu.enqueue_dma source(%dma_start3A_260 : memref<640x32xf32, #tpu.memory_space<hbm>>) target(%dma_start3A_258 : memref<640x32xf32, #tpu.memory_space<vmem_shared>>) target_semaphore(%run_scoped3A : memref<!tpu.dma_semaphore, #tpu.memory_space<semaphore_mem>>)
        %dma_wait3A_261 = arith.constant 0 : i32
        %dma_wait3A_262 = tpu.memref_slice %arg10[%mul3A_2, %dma_wait3A_261] : memref<10240x32xf32, #tpu.memory_space<vmem_shared>> -> memref<640x32xf32, #tpu.memory_space<vmem_shared>>
        %dma_wait3A_263 = arith.constant 0 : i32
        %dma_wait3A_264 = tpu.memref_slice %arg5[%mul3A_2, %dma_wait3A_263] : memref<10240x32xf32, #tpu.memory_space<hbm>> -> memref<640x32xf32, #tpu.memory_space<hbm>>
        tpu.wait_dma2 semaphore(%run_scoped3A : memref<!tpu.dma_semaphore, #tpu.memory_space<semaphore_mem>>) src(%dma_wait3A_264 : memref<640x32xf32, #tpu.memory_space<hbm>>) dst(%dma_wait3A_262 : memref<640x32xf32, #tpu.memory_space<vmem_shared>>)
        tpu.yield
      }) : () -> ()
    } else {
    }
    %mul3A_9 = arith.constant 80 : i32
    %mul3A_10 = arith.muli %add3A, %mul3A_9 : i32
    "tpu.region"() ({
      %run_scoped3A = tpu.sem_alloc : memref<!tpu.dma_semaphore, #tpu.memory_space<semaphore_mem>>
      %dma_start3A_257 = arith.constant 0 : i32
      %dma_start3A_258 = tpu.memref_slice %arg3[%mul3A_10, %dma_start3A_257] : memref<2560x128xi32, #tpu.memory_space<hbm>> -> memref<80x128xi32, #tpu.memory_space<hbm>>
      %dma_start3A_259 = arith.constant 0 : i32
      %dma_start3A_260 = tpu.memref_slice %arg3[%mul3A_10, %dma_start3A_259] : memref<2560x128xi32, #tpu.memory_space<hbm>> -> memref<80x128xi32, #tpu.memory_space<hbm>>
      tpu.enqueue_dma source(%dma_start3A_260 : memref<80x128xi32, #tpu.memory_space<hbm>>) target(%arg7 : memref<80x128xi32, #tpu.memory_space<vmem>>) target_semaphore(%run_scoped3A : memref<!tpu.dma_semaphore, #tpu.memory_space<semaphore_mem>>)
      %dma_wait3A_261 = arith.constant 0 : i32
      %dma_wait3A_262 = tpu.memref_slice %arg3[%mul3A_10, %dma_wait3A_261] : memref<2560x128xi32, #tpu.memory_space<hbm>> -> memref<80x128xi32, #tpu.memory_space<hbm>>
      %dma_wait3A_263 = arith.constant 0 : i32
      %dma_wait3A_264 = tpu.memref_slice %arg3[%mul3A_10, %dma_wait3A_263] : memref<2560x128xi32, #tpu.memory_space<hbm>> -> memref<80x128xi32, #tpu.memory_space<hbm>>
      tpu.wait_dma2 semaphore(%run_scoped3A : memref<!tpu.dma_semaphore, #tpu.memory_space<semaphore_mem>>) src(%dma_wait3A_264 : memref<80x128xi32, #tpu.memory_space<hbm>>) dst(%arg7 : memref<80x128xi32, #tpu.memory_space<vmem>>)
      tpu.yield
    }) : () -> ()
    %mul3A_11 = arith.constant 80 : i32
    %mul3A_12 = arith.muli %add3A, %mul3A_11 : i32
    "tpu.region"() ({
      %run_scoped3A = tpu.sem_alloc : memref<!tpu.dma_semaphore, #tpu.memory_space<semaphore_mem>>
      %dma_start3A_257 = arith.constant 0 : i32
      %dma_start3A_258 = tpu.memref_slice %arg4[%mul3A_12, %dma_start3A_257] : memref<2560x128xi32, #tpu.memory_space<hbm>> -> memref<80x128xi32, #tpu.memory_space<hbm>>
      %dma_start3A_259 = arith.constant 0 : i32
      %dma_start3A_260 = tpu.memref_slice %arg4[%mul3A_12, %dma_start3A_259] : memref<2560x128xi32, #tpu.memory_space<hbm>> -> memref<80x128xi32, #tpu.memory_space<hbm>>
      tpu.enqueue_dma source(%dma_start3A_260 : memref<80x128xi32, #tpu.memory_space<hbm>>) target(%arg8 : memref<80x128xi32, #tpu.memory_space<vmem>>) target_semaphore(%run_scoped3A : memref<!tpu.dma_semaphore, #tpu.memory_space<semaphore_mem>>)
      %dma_wait3A_261 = arith.constant 0 : i32
      %dma_wait3A_262 = tpu.memref_slice %arg4[%mul3A_12, %dma_wait3A_261] : memref<2560x128xi32, #tpu.memory_space<hbm>> -> memref<80x128xi32, #tpu.memory_space<hbm>>
      %dma_wait3A_263 = arith.constant 0 : i32
      %dma_wait3A_264 = tpu.memref_slice %arg4[%mul3A_12, %dma_wait3A_263] : memref<2560x128xi32, #tpu.memory_space<hbm>> -> memref<80x128xi32, #tpu.memory_space<hbm>>
      tpu.wait_dma2 semaphore(%run_scoped3A : memref<!tpu.dma_semaphore, #tpu.memory_space<semaphore_mem>>) src(%dma_wait3A_264 : memref<80x128xi32, #tpu.memory_space<hbm>>) dst(%arg8 : memref<80x128xi32, #tpu.memory_space<vmem>>)
      tpu.yield
    }) : () -> ()
    %barrier3A = arith.constant 0 : index
    tpu.barrier barrier_id(%barrier3A)
    %dma_start3A = arith.constant 0 : i32
    %dma_start3A_13 = arith.constant 0 : i32
    %dma_start3A_14 = arith.constant 0 : i32
    %dma_start3A_15 = arith.constant 0 : i32
    %dma_start3A_16 = arith.constant 0 : i32
    %dma_start3A_17 = tpu.memref_slice %arg9[%dma_start3A_13, %dma_start3A_15, %dma_start3A_16] : memref<8x128x32xf32, #tpu.memory_space<vmem>> -> memref<1x128x32xf32, #tpu.memory_space<vmem>>
    %dma_start3A_18 = tpu.memref_squeeze %dma_start3A_17 : memref<1x128x32xf32, #tpu.memory_space<vmem>> -> memref<128x32xf32, #tpu.memory_space<vmem>>
    %dma_start3A_19 = arith.constant 0 : i32
    %dma_start3A_20 = tpu.memref_slice %arg7[%dma_start3A, %dma_start3A_19] : memref<80x128xi32, #tpu.memory_space<vmem>> -> memref<1x128xi32, #tpu.memory_space<vmem>>
    %dma_start3A_21 = tpu.memref_squeeze %dma_start3A_20 : memref<1x128xi32, #tpu.memory_space<vmem>> -> memref<128xi32, #tpu.memory_space<vmem>>
    %dma_start3A_22 = arith.constant 0 : i32
    %dma_start3A_23 = arith.constant 0 : i32
    %dma_start3A_24 = tpu.memref_slice %arg2[%dma_start3A_22, %dma_start3A_23] : memref<10240x32xf32, #tpu.memory_space<hbm>> -> memref<10240x32xf32, #tpu.memory_space<hbm>>
    %dma_start3A_25 = tpu.memref_slice %arg11[%dma_start3A_14] : memref<8x!tpu.dma_semaphore, #tpu.memory_space<semaphore_mem>> -> memref<1x!tpu.dma_semaphore, #tpu.memory_space<semaphore_mem>>
    %dma_start3A_26 = tpu.memref_squeeze %dma_start3A_25 : memref<1x!tpu.dma_semaphore, #tpu.memory_space<semaphore_mem>> -> memref<!tpu.dma_semaphore, #tpu.memory_space<semaphore_mem>>
    tpu.enqueue_indirect_dma source(%dma_start3A_24 : memref<10240x32xf32, #tpu.memory_space<hbm>>) target(%dma_start3A_18 : memref<128x32xf32, #tpu.memory_space<vmem>>) offsets(%dma_start3A_21 : memref<128xi32, #tpu.memory_space<vmem>>) semaphore(%dma_start3A_26 : memref<!tpu.dma_semaphore, #tpu.memory_space<semaphore_mem>>)
    %dma_start3A_27 = arith.constant 1 : i32
    %dma_start3A_28 = arith.constant 1 : i32
    %dma_start3A_29 = arith.constant 1 : i32
    %dma_start3A_30 = arith.constant 0 : i32
    %dma_start3A_31 = arith.constant 0 : i32
    %dma_start3A_32 = tpu.memref_slice %arg9[%dma_start3A_28, %dma_start3A_30, %dma_start3A_31] : memref<8x128x32xf32, #tpu.memory_space<vmem>> -> memref<1x128x32xf32, #tpu.memory_space<vmem>>
    %dma_start3A_33 = tpu.memref_squeeze %dma_start3A_32 : memref<1x128x32xf32, #tpu.memory_space<vmem>> -> memref<128x32xf32, #tpu.memory_space<vmem>>
    %dma_start3A_34 = arith.constant 0 : i32
    %dma_start3A_35 = tpu.memref_slice %arg7[%dma_start3A_27, %dma_start3A_34] : memref<80x128xi32, #tpu.memory_space<vmem>> -> memref<1x128xi32, #tpu.memory_space<vmem>>
    %dma_start3A_36 = tpu.memref_squeeze %dma_start3A_35 : memref<1x128xi32, #tpu.memory_space<vmem>> -> memref<128xi32, #tpu.memory_space<vmem>>
    %dma_start3A_37 = arith.constant 0 : i32
    %dma_start3A_38 = arith.constant 0 : i32
    %dma_start3A_39 = tpu.memref_slice %arg2[%dma_start3A_37, %dma_start3A_38] : memref<10240x32xf32, #tpu.memory_space<hbm>> -> memref<10240x32xf32, #tpu.memory_space<hbm>>
    %dma_start3A_40 = tpu.memref_slice %arg11[%dma_start3A_29] : memref<8x!tpu.dma_semaphore, #tpu.memory_space<semaphore_mem>> -> memref<1x!tpu.dma_semaphore, #tpu.memory_space<semaphore_mem>>
    %dma_start3A_41 = tpu.memref_squeeze %dma_start3A_40 : memref<1x!tpu.dma_semaphore, #tpu.memory_space<semaphore_mem>> -> memref<!tpu.dma_semaphore, #tpu.memory_space<semaphore_mem>>
    tpu.enqueue_indirect_dma source(%dma_start3A_39 : memref<10240x32xf32, #tpu.memory_space<hbm>>) target(%dma_start3A_33 : memref<128x32xf32, #tpu.memory_space<vmem>>) offsets(%dma_start3A_36 : memref<128xi32, #tpu.memory_space<vmem>>) semaphore(%dma_start3A_41 : memref<!tpu.dma_semaphore, #tpu.memory_space<semaphore_mem>>)
    %dma_start3A_42 = arith.constant 2 : i32
    %dma_start3A_43 = arith.constant 2 : i32
    %dma_start3A_44 = arith.constant 2 : i32
    %dma_start3A_45 = arith.constant 0 : i32
    %dma_start3A_46 = arith.constant 0 : i32
    %dma_start3A_47 = tpu.memref_slice %arg9[%dma_start3A_43, %dma_start3A_45, %dma_start3A_46] : memref<8x128x32xf32, #tpu.memory_space<vmem>> -> memref<1x128x32xf32, #tpu.memory_space<vmem>>
    %dma_start3A_48 = tpu.memref_squeeze %dma_start3A_47 : memref<1x128x32xf32, #tpu.memory_space<vmem>> -> memref<128x32xf32, #tpu.memory_space<vmem>>
    %dma_start3A_49 = arith.constant 0 : i32
    %dma_start3A_50 = tpu.memref_slice %arg7[%dma_start3A_42, %dma_start3A_49] : memref<80x128xi32, #tpu.memory_space<vmem>> -> memref<1x128xi32, #tpu.memory_space<vmem>>
    %dma_start3A_51 = tpu.memref_squeeze %dma_start3A_50 : memref<1x128xi32, #tpu.memory_space<vmem>> -> memref<128xi32, #tpu.memory_space<vmem>>
    %dma_start3A_52 = arith.constant 0 : i32
    %dma_start3A_53 = arith.constant 0 : i32
    %dma_start3A_54 = tpu.memref_slice %arg2[%dma_start3A_52, %dma_start3A_53] : memref<10240x32xf32, #tpu.memory_space<hbm>> -> memref<10240x32xf32, #tpu.memory_space<hbm>>
    %dma_start3A_55 = tpu.memref_slice %arg11[%dma_start3A_44] : memref<8x!tpu.dma_semaphore, #tpu.memory_space<semaphore_mem>> -> memref<1x!tpu.dma_semaphore, #tpu.memory_space<semaphore_mem>>
    %dma_start3A_56 = tpu.memref_squeeze %dma_start3A_55 : memref<1x!tpu.dma_semaphore, #tpu.memory_space<semaphore_mem>> -> memref<!tpu.dma_semaphore, #tpu.memory_space<semaphore_mem>>
    tpu.enqueue_indirect_dma source(%dma_start3A_54 : memref<10240x32xf32, #tpu.memory_space<hbm>>) target(%dma_start3A_48 : memref<128x32xf32, #tpu.memory_space<vmem>>) offsets(%dma_start3A_51 : memref<128xi32, #tpu.memory_space<vmem>>) semaphore(%dma_start3A_56 : memref<!tpu.dma_semaphore, #tpu.memory_space<semaphore_mem>>)
    %dma_start3A_57 = arith.constant 3 : i32
    %dma_start3A_58 = arith.constant 3 : i32
    %dma_start3A_59 = arith.constant 3 : i32
    %dma_start3A_60 = arith.constant 0 : i32
    %dma_start3A_61 = arith.constant 0 : i32
    %dma_start3A_62 = tpu.memref_slice %arg9[%dma_start3A_58, %dma_start3A_60, %dma_start3A_61] : memref<8x128x32xf32, #tpu.memory_space<vmem>> -> memref<1x128x32xf32, #tpu.memory_space<vmem>>
    %dma_start3A_63 = tpu.memref_squeeze %dma_start3A_62 : memref<1x128x32xf32, #tpu.memory_space<vmem>> -> memref<128x32xf32, #tpu.memory_space<vmem>>
    %dma_start3A_64 = arith.constant 0 : i32
    %dma_start3A_65 = tpu.memref_slice %arg7[%dma_start3A_57, %dma_start3A_64] : memref<80x128xi32, #tpu.memory_space<vmem>> -> memref<1x128xi32, #tpu.memory_space<vmem>>
    %dma_start3A_66 = tpu.memref_squeeze %dma_start3A_65 : memref<1x128xi32, #tpu.memory_space<vmem>> -> memref<128xi32, #tpu.memory_space<vmem>>
    %dma_start3A_67 = arith.constant 0 : i32
    %dma_start3A_68 = arith.constant 0 : i32
    %dma_start3A_69 = tpu.memref_slice %arg2[%dma_start3A_67, %dma_start3A_68] : memref<10240x32xf32, #tpu.memory_space<hbm>> -> memref<10240x32xf32, #tpu.memory_space<hbm>>
    %dma_start3A_70 = tpu.memref_slice %arg11[%dma_start3A_59] : memref<8x!tpu.dma_semaphore, #tpu.memory_space<semaphore_mem>> -> memref<1x!tpu.dma_semaphore, #tpu.memory_space<semaphore_mem>>
    %dma_start3A_71 = tpu.memref_squeeze %dma_start3A_70 : memref<1x!tpu.dma_semaphore, #tpu.memory_space<semaphore_mem>> -> memref<!tpu.dma_semaphore, #tpu.memory_space<semaphore_mem>>
    tpu.enqueue_indirect_dma source(%dma_start3A_69 : memref<10240x32xf32, #tpu.memory_space<hbm>>) target(%dma_start3A_63 : memref<128x32xf32, #tpu.memory_space<vmem>>) offsets(%dma_start3A_66 : memref<128xi32, #tpu.memory_space<vmem>>) semaphore(%dma_start3A_71 : memref<!tpu.dma_semaphore, #tpu.memory_space<semaphore_mem>>)
    %dma_start3A_72 = arith.constant 4 : i32
    %dma_start3A_73 = arith.constant 4 : i32
    %dma_start3A_74 = arith.constant 4 : i32
    %dma_start3A_75 = arith.constant 0 : i32
    %dma_start3A_76 = arith.constant 0 : i32
    %dma_start3A_77 = tpu.memref_slice %arg9[%dma_start3A_73, %dma_start3A_75, %dma_start3A_76] : memref<8x128x32xf32, #tpu.memory_space<vmem>> -> memref<1x128x32xf32, #tpu.memory_space<vmem>>
    %dma_start3A_78 = tpu.memref_squeeze %dma_start3A_77 : memref<1x128x32xf32, #tpu.memory_space<vmem>> -> memref<128x32xf32, #tpu.memory_space<vmem>>
    %dma_start3A_79 = arith.constant 0 : i32
    %dma_start3A_80 = tpu.memref_slice %arg7[%dma_start3A_72, %dma_start3A_79] : memref<80x128xi32, #tpu.memory_space<vmem>> -> memref<1x128xi32, #tpu.memory_space<vmem>>
    %dma_start3A_81 = tpu.memref_squeeze %dma_start3A_80 : memref<1x128xi32, #tpu.memory_space<vmem>> -> memref<128xi32, #tpu.memory_space<vmem>>
    %dma_start3A_82 = arith.constant 0 : i32
    %dma_start3A_83 = arith.constant 0 : i32
    %dma_start3A_84 = tpu.memref_slice %arg2[%dma_start3A_82, %dma_start3A_83] : memref<10240x32xf32, #tpu.memory_space<hbm>> -> memref<10240x32xf32, #tpu.memory_space<hbm>>
    %dma_start3A_85 = tpu.memref_slice %arg11[%dma_start3A_74] : memref<8x!tpu.dma_semaphore, #tpu.memory_space<semaphore_mem>> -> memref<1x!tpu.dma_semaphore, #tpu.memory_space<semaphore_mem>>
    %dma_start3A_86 = tpu.memref_squeeze %dma_start3A_85 : memref<1x!tpu.dma_semaphore, #tpu.memory_space<semaphore_mem>> -> memref<!tpu.dma_semaphore, #tpu.memory_space<semaphore_mem>>
    tpu.enqueue_indirect_dma source(%dma_start3A_84 : memref<10240x32xf32, #tpu.memory_space<hbm>>) target(%dma_start3A_78 : memref<128x32xf32, #tpu.memory_space<vmem>>) offsets(%dma_start3A_81 : memref<128xi32, #tpu.memory_space<vmem>>) semaphore(%dma_start3A_86 : memref<!tpu.dma_semaphore, #tpu.memory_space<semaphore_mem>>)
    %dma_start3A_87 = arith.constant 5 : i32
    %dma_start3A_88 = arith.constant 5 : i32
    %dma_start3A_89 = arith.constant 5 : i32
    %dma_start3A_90 = arith.constant 0 : i32
    %dma_start3A_91 = arith.constant 0 : i32
    %dma_start3A_92 = tpu.memref_slice %arg9[%dma_start3A_88, %dma_start3A_90, %dma_start3A_91] : memref<8x128x32xf32, #tpu.memory_space<vmem>> -> memref<1x128x32xf32, #tpu.memory_space<vmem>>
    %dma_start3A_93 = tpu.memref_squeeze %dma_start3A_92 : memref<1x128x32xf32, #tpu.memory_space<vmem>> -> memref<128x32xf32, #tpu.memory_space<vmem>>
    %dma_start3A_94 = arith.constant 0 : i32
    %dma_start3A_95 = tpu.memref_slice %arg7[%dma_start3A_87, %dma_start3A_94] : memref<80x128xi32, #tpu.memory_space<vmem>> -> memref<1x128xi32, #tpu.memory_space<vmem>>
    %dma_start3A_96 = tpu.memref_squeeze %dma_start3A_95 : memref<1x128xi32, #tpu.memory_space<vmem>> -> memref<128xi32, #tpu.memory_space<vmem>>
    %dma_start3A_97 = arith.constant 0 : i32
    %dma_start3A_98 = arith.constant 0 : i32
    %dma_start3A_99 = tpu.memref_slice %arg2[%dma_start3A_97, %dma_start3A_98] : memref<10240x32xf32, #tpu.memory_space<hbm>> -> memref<10240x32xf32, #tpu.memory_space<hbm>>
    %dma_start3A_100 = tpu.memref_slice %arg11[%dma_start3A_89] : memref<8x!tpu.dma_semaphore, #tpu.memory_space<semaphore_mem>> -> memref<1x!tpu.dma_semaphore, #tpu.memory_space<semaphore_mem>>
    %dma_start3A_101 = tpu.memref_squeeze %dma_start3A_100 : memref<1x!tpu.dma_semaphore, #tpu.memory_space<semaphore_mem>> -> memref<!tpu.dma_semaphore, #tpu.memory_space<semaphore_mem>>
    tpu.enqueue_indirect_dma source(%dma_start3A_99 : memref<10240x32xf32, #tpu.memory_space<hbm>>) target(%dma_start3A_93 : memref<128x32xf32, #tpu.memory_space<vmem>>) offsets(%dma_start3A_96 : memref<128xi32, #tpu.memory_space<vmem>>) semaphore(%dma_start3A_101 : memref<!tpu.dma_semaphore, #tpu.memory_space<semaphore_mem>>)
    %dma_start3A_102 = arith.constant 6 : i32
    %dma_start3A_103 = arith.constant 6 : i32
    %dma_start3A_104 = arith.constant 6 : i32
    %dma_start3A_105 = arith.constant 0 : i32
    %dma_start3A_106 = arith.constant 0 : i32
    %dma_start3A_107 = tpu.memref_slice %arg9[%dma_start3A_103, %dma_start3A_105, %dma_start3A_106] : memref<8x128x32xf32, #tpu.memory_space<vmem>> -> memref<1x128x32xf32, #tpu.memory_space<vmem>>
    %dma_start3A_108 = tpu.memref_squeeze %dma_start3A_107 : memref<1x128x32xf32, #tpu.memory_space<vmem>> -> memref<128x32xf32, #tpu.memory_space<vmem>>
    %dma_start3A_109 = arith.constant 0 : i32
    %dma_start3A_110 = tpu.memref_slice %arg7[%dma_start3A_102, %dma_start3A_109] : memref<80x128xi32, #tpu.memory_space<vmem>> -> memref<1x128xi32, #tpu.memory_space<vmem>>
    %dma_start3A_111 = tpu.memref_squeeze %dma_start3A_110 : memref<1x128xi32, #tpu.memory_space<vmem>> -> memref<128xi32, #tpu.memory_space<vmem>>
    %dma_start3A_112 = arith.constant 0 : i32
    %dma_start3A_113 = arith.constant 0 : i32
    %dma_start3A_114 = tpu.memref_slice %arg2[%dma_start3A_112, %dma_start3A_113] : memref<10240x32xf32, #tpu.memory_space<hbm>> -> memref<10240x32xf32, #tpu.memory_space<hbm>>
    %dma_start3A_115 = tpu.memref_slice %arg11[%dma_start3A_104] : memref<8x!tpu.dma_semaphore, #tpu.memory_space<semaphore_mem>> -> memref<1x!tpu.dma_semaphore, #tpu.memory_space<semaphore_mem>>
    %dma_start3A_116 = tpu.memref_squeeze %dma_start3A_115 : memref<1x!tpu.dma_semaphore, #tpu.memory_space<semaphore_mem>> -> memref<!tpu.dma_semaphore, #tpu.memory_space<semaphore_mem>>
    tpu.enqueue_indirect_dma source(%dma_start3A_114 : memref<10240x32xf32, #tpu.memory_space<hbm>>) target(%dma_start3A_108 : memref<128x32xf32, #tpu.memory_space<vmem>>) offsets(%dma_start3A_111 : memref<128xi32, #tpu.memory_space<vmem>>) semaphore(%dma_start3A_116 : memref<!tpu.dma_semaphore, #tpu.memory_space<semaphore_mem>>)
    %dma_start3A_117 = arith.constant 7 : i32
    %dma_start3A_118 = arith.constant 7 : i32
    %dma_start3A_119 = arith.constant 7 : i32
    %dma_start3A_120 = arith.constant 0 : i32
    %dma_start3A_121 = arith.constant 0 : i32
    %dma_start3A_122 = tpu.memref_slice %arg9[%dma_start3A_118, %dma_start3A_120, %dma_start3A_121] : memref<8x128x32xf32, #tpu.memory_space<vmem>> -> memref<1x128x32xf32, #tpu.memory_space<vmem>>
    %dma_start3A_123 = tpu.memref_squeeze %dma_start3A_122 : memref<1x128x32xf32, #tpu.memory_space<vmem>> -> memref<128x32xf32, #tpu.memory_space<vmem>>
    %dma_start3A_124 = arith.constant 0 : i32
    %dma_start3A_125 = tpu.memref_slice %arg7[%dma_start3A_117, %dma_start3A_124] : memref<80x128xi32, #tpu.memory_space<vmem>> -> memref<1x128xi32, #tpu.memory_space<vmem>>
    %dma_start3A_126 = tpu.memref_squeeze %dma_start3A_125 : memref<1x128xi32, #tpu.memory_space<vmem>> -> memref<128xi32, #tpu.memory_space<vmem>>
    %dma_start3A_127 = arith.constant 0 : i32
    %dma_start3A_128 = arith.constant 0 : i32
    %dma_start3A_129 = tpu.memref_slice %arg2[%dma_start3A_127, %dma_start3A_128] : memref<10240x32xf32, #tpu.memory_space<hbm>> -> memref<10240x32xf32, #tpu.memory_space<hbm>>
    %dma_start3A_130 = tpu.memref_slice %arg11[%dma_start3A_119] : memref<8x!tpu.dma_semaphore, #tpu.memory_space<semaphore_mem>> -> memref<1x!tpu.dma_semaphore, #tpu.memory_space<semaphore_mem>>
    %dma_start3A_131 = tpu.memref_squeeze %dma_start3A_130 : memref<1x!tpu.dma_semaphore, #tpu.memory_space<semaphore_mem>> -> memref<!tpu.dma_semaphore, #tpu.memory_space<semaphore_mem>>
    tpu.enqueue_indirect_dma source(%dma_start3A_129 : memref<10240x32xf32, #tpu.memory_space<hbm>>) target(%dma_start3A_123 : memref<128x32xf32, #tpu.memory_space<vmem>>) offsets(%dma_start3A_126 : memref<128xi32, #tpu.memory_space<vmem>>) semaphore(%dma_start3A_131 : memref<!tpu.dma_semaphore, #tpu.memory_space<semaphore_mem>>)
    %scan3A = arith.constant 0 : i32
    %scan3A_132 = arith.constant 0 : i32
    %scan3A_133 = arith.constant 10 : i32
    %scan3A_134 = arith.addi %scan3A_132, %scan3A_133 : i32
    %scan3A_135 = arith.constant 1 : i32
    scf.for %scan3A_257 = %scan3A_132 to %scan3A_134 step %scan3A_135  : i32 {
      %mul3A_258 = arith.constant 8 : i32
      %mul3A_259 = arith.muli %scan3A_257, %mul3A_258 : i32
      %dma_wait3A_260 = arith.constant 0 : i32
      %dma_wait3A_261 = arith.constant 0 : i32
      %dma_wait3A_262 = arith.constant 0 : i32
      %dma_wait3A_263 = arith.constant 0 : i32
      %dma_wait3A_264 = arith.constant 0 : i32
      %dma_wait3A_265 = tpu.memref_slice %arg9[%dma_wait3A_261, %dma_wait3A_263, %dma_wait3A_264] : memref<8x128x32xf32, #tpu.memory_space<vmem>> -> memref<1x128x32xf32, #tpu.memory_space<vmem>>
      %dma_wait3A_266 = tpu.memref_squeeze %dma_wait3A_265 : memref<1x128x32xf32, #tpu.memory_space<vmem>> -> memref<128x32xf32, #tpu.memory_space<vmem>>
      %dma_wait3A_267 = arith.constant 0 : i32
      %dma_wait3A_268 = tpu.memref_slice %arg7[%dma_wait3A_260, %dma_wait3A_267] : memref<80x128xi32, #tpu.memory_space<vmem>> -> memref<1x128xi32, #tpu.memory_space<vmem>>
      %dma_wait3A_269 = tpu.memref_squeeze %dma_wait3A_268 : memref<1x128xi32, #tpu.memory_space<vmem>> -> memref<128xi32, #tpu.memory_space<vmem>>
      %dma_wait3A_270 = arith.constant 0 : i32
      %dma_wait3A_271 = arith.constant 0 : i32
      %dma_wait3A_272 = tpu.memref_slice %arg2[%dma_wait3A_270, %dma_wait3A_271] : memref<10240x32xf32, #tpu.memory_space<hbm>> -> memref<10240x32xf32, #tpu.memory_space<hbm>>
      %dma_wait3A_273 = tpu.memref_slice %arg11[%dma_wait3A_262] : memref<8x!tpu.dma_semaphore, #tpu.memory_space<semaphore_mem>> -> memref<1x!tpu.dma_semaphore, #tpu.memory_space<semaphore_mem>>
      %dma_wait3A_274 = tpu.memref_squeeze %dma_wait3A_273 : memref<1x!tpu.dma_semaphore, #tpu.memory_space<semaphore_mem>> -> memref<!tpu.dma_semaphore, #tpu.memory_space<semaphore_mem>>
      tpu.wait_indirect_dma semaphore(%dma_wait3A_274 : memref<!tpu.dma_semaphore, #tpu.memory_space<semaphore_mem>>) src(%dma_wait3A_272 : memref<10240x32xf32, #tpu.memory_space<hbm>>) dst(%dma_wait3A_266 : memref<128x32xf32, #tpu.memory_space<vmem>>)
      %add3A_275 = arith.constant 0 : i32
      %add3A_276 = arith.addi %mul3A_259, %add3A_275 : i32
      %dma_start3A_277 = arith.constant 0 : i32
      %dma_start3A_278 = arith.constant 0 : i32
      %dma_start3A_279 = arith.constant 0 : i32
      %dma_start3A_280 = arith.constant 0 : i32
      %dma_start3A_281 = tpu.memref_slice %arg9[%dma_start3A_277, %dma_start3A_279, %dma_start3A_280] : memref<8x128x32xf32, #tpu.memory_space<vmem>> -> memref<1x128x32xf32, #tpu.memory_space<vmem>>
      %dma_start3A_282 = tpu.memref_squeeze %dma_start3A_281 : memref<1x128x32xf32, #tpu.memory_space<vmem>> -> memref<128x32xf32, #tpu.memory_space<vmem>>
      %dma_start3A_283 = arith.constant 0 : i32
      %dma_start3A_284 = tpu.memref_slice %arg8[%add3A_276, %dma_start3A_283] : memref<80x128xi32, #tpu.memory_space<vmem>> -> memref<1x128xi32, #tpu.memory_space<vmem>>
      %dma_start3A_285 = tpu.memref_squeeze %dma_start3A_284 : memref<1x128xi32, #tpu.memory_space<vmem>> -> memref<128xi32, #tpu.memory_space<vmem>>
      %dma_start3A_286 = arith.constant 0 : i32
      %dma_start3A_287 = arith.constant 0 : i32
      %dma_start3A_288 = tpu.memref_slice %arg10[%dma_start3A_286, %dma_start3A_287] : memref<10240x32xf32, #tpu.memory_space<vmem_shared>> -> memref<10240x32xf32, #tpu.memory_space<vmem_shared>>
      %dma_start3A_289 = tpu.memref_slice %arg12[%dma_start3A_278] : memref<8x!tpu.dma_semaphore, #tpu.memory_space<semaphore_mem>> -> memref<1x!tpu.dma_semaphore, #tpu.memory_space<semaphore_mem>>
      %dma_start3A_290 = tpu.memref_squeeze %dma_start3A_289 : memref<1x!tpu.dma_semaphore, #tpu.memory_space<semaphore_mem>> -> memref<!tpu.dma_semaphore, #tpu.memory_space<semaphore_mem>>
      tpu.enqueue_indirect_dma source(%dma_start3A_282 : memref<128x32xf32, #tpu.memory_space<vmem>>) target(%dma_start3A_288 : memref<10240x32xf32, #tpu.memory_space<vmem_shared>>) offsets(%dma_start3A_285 : memref<128xi32, #tpu.memory_space<vmem>>) semaphore(%dma_start3A_290 : memref<!tpu.dma_semaphore, #tpu.memory_space<semaphore_mem>>) {add = true}
      %dma_wait3A_291 = arith.constant 0 : i32
      %dma_wait3A_292 = arith.constant 1 : i32
      %dma_wait3A_293 = arith.constant 1 : i32
      %dma_wait3A_294 = arith.constant 0 : i32
      %dma_wait3A_295 = arith.constant 0 : i32
      %dma_wait3A_296 = tpu.memref_slice %arg9[%dma_wait3A_292, %dma_wait3A_294, %dma_wait3A_295] : memref<8x128x32xf32, #tpu.memory_space<vmem>> -> memref<1x128x32xf32, #tpu.memory_space<vmem>>
      %dma_wait3A_297 = tpu.memref_squeeze %dma_wait3A_296 : memref<1x128x32xf32, #tpu.memory_space<vmem>> -> memref<128x32xf32, #tpu.memory_space<vmem>>
      %dma_wait3A_298 = arith.constant 0 : i32
      %dma_wait3A_299 = tpu.memref_slice %arg7[%dma_wait3A_291, %dma_wait3A_298] : memref<80x128xi32, #tpu.memory_space<vmem>> -> memref<1x128xi32, #tpu.memory_space<vmem>>
      %dma_wait3A_300 = tpu.memref_squeeze %dma_wait3A_299 : memref<1x128xi32, #tpu.memory_space<vmem>> -> memref<128xi32, #tpu.memory_space<vmem>>
      %dma_wait3A_301 = arith.constant 0 : i32
      %dma_wait3A_302 = arith.constant 0 : i32
      %dma_wait3A_303 = tpu.memref_slice %arg2[%dma_wait3A_301, %dma_wait3A_302] : memref<10240x32xf32, #tpu.memory_space<hbm>> -> memref<10240x32xf32, #tpu.memory_space<hbm>>
      %dma_wait3A_304 = tpu.memref_slice %arg11[%dma_wait3A_293] : memref<8x!tpu.dma_semaphore, #tpu.memory_space<semaphore_mem>> -> memref<1x!tpu.dma_semaphore, #tpu.memory_space<semaphore_mem>>
      %dma_wait3A_305 = tpu.memref_squeeze %dma_wait3A_304 : memref<1x!tpu.dma_semaphore, #tpu.memory_space<semaphore_mem>> -> memref<!tpu.dma_semaphore, #tpu.memory_space<semaphore_mem>>
      tpu.wait_indirect_dma semaphore(%dma_wait3A_305 : memref<!tpu.dma_semaphore, #tpu.memory_space<semaphore_mem>>) src(%dma_wait3A_303 : memref<10240x32xf32, #tpu.memory_space<hbm>>) dst(%dma_wait3A_297 : memref<128x32xf32, #tpu.memory_space<vmem>>)
      %add3A_306 = arith.constant 1 : i32
      %add3A_307 = arith.addi %mul3A_259, %add3A_306 : i32
      %dma_start3A_308 = arith.constant 1 : i32
      %dma_start3A_309 = arith.constant 1 : i32
      %dma_start3A_310 = arith.constant 0 : i32
      %dma_start3A_311 = arith.constant 0 : i32
      %dma_start3A_312 = tpu.memref_slice %arg9[%dma_start3A_308, %dma_start3A_310, %dma_start3A_311] : memref<8x128x32xf32, #tpu.memory_space<vmem>> -> memref<1x128x32xf32, #tpu.memory_space<vmem>>
      %dma_start3A_313 = tpu.memref_squeeze %dma_start3A_312 : memref<1x128x32xf32, #tpu.memory_space<vmem>> -> memref<128x32xf32, #tpu.memory_space<vmem>>
      %dma_start3A_314 = arith.constant 0 : i32
      %dma_start3A_315 = tpu.memref_slice %arg8[%add3A_307, %dma_start3A_314] : memref<80x128xi32, #tpu.memory_space<vmem>> -> memref<1x128xi32, #tpu.memory_space<vmem>>
      %dma_start3A_316 = tpu.memref_squeeze %dma_start3A_315 : memref<1x128xi32, #tpu.memory_space<vmem>> -> memref<128xi32, #tpu.memory_space<vmem>>
      %dma_start3A_317 = arith.constant 0 : i32
      %dma_start3A_318 = arith.constant 0 : i32
      %dma_start3A_319 = tpu.memref_slice %arg10[%dma_start3A_317, %dma_start3A_318] : memref<10240x32xf32, #tpu.memory_space<vmem_shared>> -> memref<10240x32xf32, #tpu.memory_space<vmem_shared>>
      %dma_start3A_320 = tpu.memref_slice %arg12[%dma_start3A_309] : memref<8x!tpu.dma_semaphore, #tpu.memory_space<semaphore_mem>> -> memref<1x!tpu.dma_semaphore, #tpu.memory_space<semaphore_mem>>
      %dma_start3A_321 = tpu.memref_squeeze %dma_start3A_320 : memref<1x!tpu.dma_semaphore, #tpu.memory_space<semaphore_mem>> -> memref<!tpu.dma_semaphore, #tpu.memory_space<semaphore_mem>>
      tpu.enqueue_indirect_dma source(%dma_start3A_313 : memref<128x32xf32, #tpu.memory_space<vmem>>) target(%dma_start3A_319 : memref<10240x32xf32, #tpu.memory_space<vmem_shared>>) offsets(%dma_start3A_316 : memref<128xi32, #tpu.memory_space<vmem>>) semaphore(%dma_start3A_321 : memref<!tpu.dma_semaphore, #tpu.memory_space<semaphore_mem>>) {add = true}
      %dma_wait3A_322 = arith.constant 0 : i32
      %dma_wait3A_323 = arith.constant 2 : i32
      %dma_wait3A_324 = arith.constant 2 : i32
      %dma_wait3A_325 = arith.constant 0 : i32
      %dma_wait3A_326 = arith.constant 0 : i32
      %dma_wait3A_327 = tpu.memref_slice %arg9[%dma_wait3A_323, %dma_wait3A_325, %dma_wait3A_326] : memref<8x128x32xf32, #tpu.memory_space<vmem>> -> memref<1x128x32xf32, #tpu.memory_space<vmem>>
      %dma_wait3A_328 = tpu.memref_squeeze %dma_wait3A_327 : memref<1x128x32xf32, #tpu.memory_space<vmem>> -> memref<128x32xf32, #tpu.memory_space<vmem>>
      %dma_wait3A_329 = arith.constant 0 : i32
      %dma_wait3A_330 = tpu.memref_slice %arg7[%dma_wait3A_322, %dma_wait3A_329] : memref<80x128xi32, #tpu.memory_space<vmem>> -> memref<1x128xi32, #tpu.memory_space<vmem>>
      %dma_wait3A_331 = tpu.memref_squeeze %dma_wait3A_330 : memref<1x128xi32, #tpu.memory_space<vmem>> -> memref<128xi32, #tpu.memory_space<vmem>>
      %dma_wait3A_332 = arith.constant 0 : i32
      %dma_wait3A_333 = arith.constant 0 : i32
      %dma_wait3A_334 = tpu.memref_slice %arg2[%dma_wait3A_332, %dma_wait3A_333] : memref<10240x32xf32, #tpu.memory_space<hbm>> -> memref<10240x32xf32, #tpu.memory_space<hbm>>
      %dma_wait3A_335 = tpu.memref_slice %arg11[%dma_wait3A_324] : memref<8x!tpu.dma_semaphore, #tpu.memory_space<semaphore_mem>> -> memref<1x!tpu.dma_semaphore, #tpu.memory_space<semaphore_mem>>
      %dma_wait3A_336 = tpu.memref_squeeze %dma_wait3A_335 : memref<1x!tpu.dma_semaphore, #tpu.memory_space<semaphore_mem>> -> memref<!tpu.dma_semaphore, #tpu.memory_space<semaphore_mem>>
      tpu.wait_indirect_dma semaphore(%dma_wait3A_336 : memref<!tpu.dma_semaphore, #tpu.memory_space<semaphore_mem>>) src(%dma_wait3A_334 : memref<10240x32xf32, #tpu.memory_space<hbm>>) dst(%dma_wait3A_328 : memref<128x32xf32, #tpu.memory_space<vmem>>)
      %add3A_337 = arith.constant 2 : i32
      %add3A_338 = arith.addi %mul3A_259, %add3A_337 : i32
      %dma_start3A_339 = arith.constant 2 : i32
      %dma_start3A_340 = arith.constant 2 : i32
      %dma_start3A_341 = arith.constant 0 : i32
      %dma_start3A_342 = arith.constant 0 : i32
      %dma_start3A_343 = tpu.memref_slice %arg9[%dma_start3A_339, %dma_start3A_341, %dma_start3A_342] : memref<8x128x32xf32, #tpu.memory_space<vmem>> -> memref<1x128x32xf32, #tpu.memory_space<vmem>>
      %dma_start3A_344 = tpu.memref_squeeze %dma_start3A_343 : memref<1x128x32xf32, #tpu.memory_space<vmem>> -> memref<128x32xf32, #tpu.memory_space<vmem>>
      %dma_start3A_345 = arith.constant 0 : i32
      %dma_start3A_346 = tpu.memref_slice %arg8[%add3A_338, %dma_start3A_345] : memref<80x128xi32, #tpu.memory_space<vmem>> -> memref<1x128xi32, #tpu.memory_space<vmem>>
      %dma_start3A_347 = tpu.memref_squeeze %dma_start3A_346 : memref<1x128xi32, #tpu.memory_space<vmem>> -> memref<128xi32, #tpu.memory_space<vmem>>
      %dma_start3A_348 = arith.constant 0 : i32
      %dma_start3A_349 = arith.constant 0 : i32
      %dma_start3A_350 = tpu.memref_slice %arg10[%dma_start3A_348, %dma_start3A_349] : memref<10240x32xf32, #tpu.memory_space<vmem_shared>> -> memref<10240x32xf32, #tpu.memory_space<vmem_shared>>
      %dma_start3A_351 = tpu.memref_slice %arg12[%dma_start3A_340] : memref<8x!tpu.dma_semaphore, #tpu.memory_space<semaphore_mem>> -> memref<1x!tpu.dma_semaphore, #tpu.memory_space<semaphore_mem>>
      %dma_start3A_352 = tpu.memref_squeeze %dma_start3A_351 : memref<1x!tpu.dma_semaphore, #tpu.memory_space<semaphore_mem>> -> memref<!tpu.dma_semaphore, #tpu.memory_space<semaphore_mem>>
      tpu.enqueue_indirect_dma source(%dma_start3A_344 : memref<128x32xf32, #tpu.memory_space<vmem>>) target(%dma_start3A_350 : memref<10240x32xf32, #tpu.memory_space<vmem_shared>>) offsets(%dma_start3A_347 : memref<128xi32, #tpu.memory_space<vmem>>) semaphore(%dma_start3A_352 : memref<!tpu.dma_semaphore, #tpu.memory_space<semaphore_mem>>) {add = true}
      %dma_wait3A_353 = arith.constant 0 : i32
      %dma_wait3A_354 = arith.constant 3 : i32
      %dma_wait3A_355 = arith.constant 3 : i32
      %dma_wait3A_356 = arith.constant 0 : i32
      %dma_wait3A_357 = arith.constant 0 : i32
      %dma_wait3A_358 = tpu.memref_slice %arg9[%dma_wait3A_354, %dma_wait3A_356, %dma_wait3A_357] : memref<8x128x32xf32, #tpu.memory_space<vmem>> -> memref<1x128x32xf32, #tpu.memory_space<vmem>>
      %dma_wait3A_359 = tpu.memref_squeeze %dma_wait3A_358 : memref<1x128x32xf32, #tpu.memory_space<vmem>> -> memref<128x32xf32, #tpu.memory_space<vmem>>
      %dma_wait3A_360 = arith.constant 0 : i32
      %dma_wait3A_361 = tpu.memref_slice %arg7[%dma_wait3A_353, %dma_wait3A_360] : memref<80x128xi32, #tpu.memory_space<vmem>> -> memref<1x128xi32, #tpu.memory_space<vmem>>
      %dma_wait3A_362 = tpu.memref_squeeze %dma_wait3A_361 : memref<1x128xi32, #tpu.memory_space<vmem>> -> memref<128xi32, #tpu.memory_space<vmem>>
      %dma_wait3A_363 = arith.constant 0 : i32
      %dma_wait3A_364 = arith.constant 0 : i32
      %dma_wait3A_365 = tpu.memref_slice %arg2[%dma_wait3A_363, %dma_wait3A_364] : memref<10240x32xf32, #tpu.memory_space<hbm>> -> memref<10240x32xf32, #tpu.memory_space<hbm>>
      %dma_wait3A_366 = tpu.memref_slice %arg11[%dma_wait3A_355] : memref<8x!tpu.dma_semaphore, #tpu.memory_space<semaphore_mem>> -> memref<1x!tpu.dma_semaphore, #tpu.memory_space<semaphore_mem>>
      %dma_wait3A_367 = tpu.memref_squeeze %dma_wait3A_366 : memref<1x!tpu.dma_semaphore, #tpu.memory_space<semaphore_mem>> -> memref<!tpu.dma_semaphore, #tpu.memory_space<semaphore_mem>>
      tpu.wait_indirect_dma semaphore(%dma_wait3A_367 : memref<!tpu.dma_semaphore, #tpu.memory_space<semaphore_mem>>) src(%dma_wait3A_365 : memref<10240x32xf32, #tpu.memory_space<hbm>>) dst(%dma_wait3A_359 : memref<128x32xf32, #tpu.memory_space<vmem>>)
      %add3A_368 = arith.constant 3 : i32
      %add3A_369 = arith.addi %mul3A_259, %add3A_368 : i32
      %dma_start3A_370 = arith.constant 3 : i32
      %dma_start3A_371 = arith.constant 3 : i32
      %dma_start3A_372 = arith.constant 0 : i32
      %dma_start3A_373 = arith.constant 0 : i32
      %dma_start3A_374 = tpu.memref_slice %arg9[%dma_start3A_370, %dma_start3A_372, %dma_start3A_373] : memref<8x128x32xf32, #tpu.memory_space<vmem>> -> memref<1x128x32xf32, #tpu.memory_space<vmem>>
      %dma_start3A_375 = tpu.memref_squeeze %dma_start3A_374 : memref<1x128x32xf32, #tpu.memory_space<vmem>> -> memref<128x32xf32, #tpu.memory_space<vmem>>
      %dma_start3A_376 = arith.constant 0 : i32
      %dma_start3A_377 = tpu.memref_slice %arg8[%add3A_369, %dma_start3A_376] : memref<80x128xi32, #tpu.memory_space<vmem>> -> memref<1x128xi32, #tpu.memory_space<vmem>>
      %dma_start3A_378 = tpu.memref_squeeze %dma_start3A_377 : memref<1x128xi32, #tpu.memory_space<vmem>> -> memref<128xi32, #tpu.memory_space<vmem>>
      %dma_start3A_379 = arith.constant 0 : i32
      %dma_start3A_380 = arith.constant 0 : i32
      %dma_start3A_381 = tpu.memref_slice %arg10[%dma_start3A_379, %dma_start3A_380] : memref<10240x32xf32, #tpu.memory_space<vmem_shared>> -> memref<10240x32xf32, #tpu.memory_space<vmem_shared>>
      %dma_start3A_382 = tpu.memref_slice %arg12[%dma_start3A_371] : memref<8x!tpu.dma_semaphore, #tpu.memory_space<semaphore_mem>> -> memref<1x!tpu.dma_semaphore, #tpu.memory_space<semaphore_mem>>
      %dma_start3A_383 = tpu.memref_squeeze %dma_start3A_382 : memref<1x!tpu.dma_semaphore, #tpu.memory_space<semaphore_mem>> -> memref<!tpu.dma_semaphore, #tpu.memory_space<semaphore_mem>>
      tpu.enqueue_indirect_dma source(%dma_start3A_375 : memref<128x32xf32, #tpu.memory_space<vmem>>) target(%dma_start3A_381 : memref<10240x32xf32, #tpu.memory_space<vmem_shared>>) offsets(%dma_start3A_378 : memref<128xi32, #tpu.memory_space<vmem>>) semaphore(%dma_start3A_383 : memref<!tpu.dma_semaphore, #tpu.memory_space<semaphore_mem>>) {add = true}
      %dma_wait3A_384 = arith.constant 0 : i32
      %dma_wait3A_385 = arith.constant 4 : i32
      %dma_wait3A_386 = arith.constant 4 : i32
      %dma_wait3A_387 = arith.constant 0 : i32
      %dma_wait3A_388 = arith.constant 0 : i32
      %dma_wait3A_389 = tpu.memref_slice %arg9[%dma_wait3A_385, %dma_wait3A_387, %dma_wait3A_388] : memref<8x128x32xf32, #tpu.memory_space<vmem>> -> memref<1x128x32xf32, #tpu.memory_space<vmem>>
      %dma_wait3A_390 = tpu.memref_squeeze %dma_wait3A_389 : memref<1x128x32xf32, #tpu.memory_space<vmem>> -> memref<128x32xf32, #tpu.memory_space<vmem>>
      %dma_wait3A_391 = arith.constant 0 : i32
      %dma_wait3A_392 = tpu.memref_slice %arg7[%dma_wait3A_384, %dma_wait3A_391] : memref<80x128xi32, #tpu.memory_space<vmem>> -> memref<1x128xi32, #tpu.memory_space<vmem>>
      %dma_wait3A_393 = tpu.memref_squeeze %dma_wait3A_392 : memref<1x128xi32, #tpu.memory_space<vmem>> -> memref<128xi32, #tpu.memory_space<vmem>>
      %dma_wait3A_394 = arith.constant 0 : i32
      %dma_wait3A_395 = arith.constant 0 : i32
      %dma_wait3A_396 = tpu.memref_slice %arg2[%dma_wait3A_394, %dma_wait3A_395] : memref<10240x32xf32, #tpu.memory_space<hbm>> -> memref<10240x32xf32, #tpu.memory_space<hbm>>
      %dma_wait3A_397 = tpu.memref_slice %arg11[%dma_wait3A_386] : memref<8x!tpu.dma_semaphore, #tpu.memory_space<semaphore_mem>> -> memref<1x!tpu.dma_semaphore, #tpu.memory_space<semaphore_mem>>
      %dma_wait3A_398 = tpu.memref_squeeze %dma_wait3A_397 : memref<1x!tpu.dma_semaphore, #tpu.memory_space<semaphore_mem>> -> memref<!tpu.dma_semaphore, #tpu.memory_space<semaphore_mem>>
      tpu.wait_indirect_dma semaphore(%dma_wait3A_398 : memref<!tpu.dma_semaphore, #tpu.memory_space<semaphore_mem>>) src(%dma_wait3A_396 : memref<10240x32xf32, #tpu.memory_space<hbm>>) dst(%dma_wait3A_390 : memref<128x32xf32, #tpu.memory_space<vmem>>)
      %add3A_399 = arith.constant 4 : i32
      %add3A_400 = arith.addi %mul3A_259, %add3A_399 : i32
      %dma_start3A_401 = arith.constant 4 : i32
      %dma_start3A_402 = arith.constant 4 : i32
      %dma_start3A_403 = arith.constant 0 : i32
      %dma_start3A_404 = arith.constant 0 : i32
      %dma_start3A_405 = tpu.memref_slice %arg9[%dma_start3A_401, %dma_start3A_403, %dma_start3A_404] : memref<8x128x32xf32, #tpu.memory_space<vmem>> -> memref<1x128x32xf32, #tpu.memory_space<vmem>>
      %dma_start3A_406 = tpu.memref_squeeze %dma_start3A_405 : memref<1x128x32xf32, #tpu.memory_space<vmem>> -> memref<128x32xf32, #tpu.memory_space<vmem>>
      %dma_start3A_407 = arith.constant 0 : i32
      %dma_start3A_408 = tpu.memref_slice %arg8[%add3A_400, %dma_start3A_407] : memref<80x128xi32, #tpu.memory_space<vmem>> -> memref<1x128xi32, #tpu.memory_space<vmem>>
      %dma_start3A_409 = tpu.memref_squeeze %dma_start3A_408 : memref<1x128xi32, #tpu.memory_space<vmem>> -> memref<128xi32, #tpu.memory_space<vmem>>
      %dma_start3A_410 = arith.constant 0 : i32
      %dma_start3A_411 = arith.constant 0 : i32
      %dma_start3A_412 = tpu.memref_slice %arg10[%dma_start3A_410, %dma_start3A_411] : memref<10240x32xf32, #tpu.memory_space<vmem_shared>> -> memref<10240x32xf32, #tpu.memory_space<vmem_shared>>
      %dma_start3A_413 = tpu.memref_slice %arg12[%dma_start3A_402] : memref<8x!tpu.dma_semaphore, #tpu.memory_space<semaphore_mem>> -> memref<1x!tpu.dma_semaphore, #tpu.memory_space<semaphore_mem>>
      %dma_start3A_414 = tpu.memref_squeeze %dma_start3A_413 : memref<1x!tpu.dma_semaphore, #tpu.memory_space<semaphore_mem>> -> memref<!tpu.dma_semaphore, #tpu.memory_space<semaphore_mem>>
      tpu.enqueue_indirect_dma source(%dma_start3A_406 : memref<128x32xf32, #tpu.memory_space<vmem>>) target(%dma_start3A_412 : memref<10240x32xf32, #tpu.memory_space<vmem_shared>>) offsets(%dma_start3A_409 : memref<128xi32, #tpu.memory_space<vmem>>) semaphore(%dma_start3A_414 : memref<!tpu.dma_semaphore, #tpu.memory_space<semaphore_mem>>) {add = true}
      %dma_wait3A_415 = arith.constant 0 : i32
      %dma_wait3A_416 = arith.constant 5 : i32
      %dma_wait3A_417 = arith.constant 5 : i32
      %dma_wait3A_418 = arith.constant 0 : i32
      %dma_wait3A_419 = arith.constant 0 : i32
      %dma_wait3A_420 = tpu.memref_slice %arg9[%dma_wait3A_416, %dma_wait3A_418, %dma_wait3A_419] : memref<8x128x32xf32, #tpu.memory_space<vmem>> -> memref<1x128x32xf32, #tpu.memory_space<vmem>>
      %dma_wait3A_421 = tpu.memref_squeeze %dma_wait3A_420 : memref<1x128x32xf32, #tpu.memory_space<vmem>> -> memref<128x32xf32, #tpu.memory_space<vmem>>
      %dma_wait3A_422 = arith.constant 0 : i32
      %dma_wait3A_423 = tpu.memref_slice %arg7[%dma_wait3A_415, %dma_wait3A_422] : memref<80x128xi32, #tpu.memory_space<vmem>> -> memref<1x128xi32, #tpu.memory_space<vmem>>
      %dma_wait3A_424 = tpu.memref_squeeze %dma_wait3A_423 : memref<1x128xi32, #tpu.memory_space<vmem>> -> memref<128xi32, #tpu.memory_space<vmem>>
      %dma_wait3A_425 = arith.constant 0 : i32
      %dma_wait3A_426 = arith.constant 0 : i32
      %dma_wait3A_427 = tpu.memref_slice %arg2[%dma_wait3A_425, %dma_wait3A_426] : memref<10240x32xf32, #tpu.memory_space<hbm>> -> memref<10240x32xf32, #tpu.memory_space<hbm>>
      %dma_wait3A_428 = tpu.memref_slice %arg11[%dma_wait3A_417] : memref<8x!tpu.dma_semaphore, #tpu.memory_space<semaphore_mem>> -> memref<1x!tpu.dma_semaphore, #tpu.memory_space<semaphore_mem>>
      %dma_wait3A_429 = tpu.memref_squeeze %dma_wait3A_428 : memref<1x!tpu.dma_semaphore, #tpu.memory_space<semaphore_mem>> -> memref<!tpu.dma_semaphore, #tpu.memory_space<semaphore_mem>>
      tpu.wait_indirect_dma semaphore(%dma_wait3A_429 : memref<!tpu.dma_semaphore, #tpu.memory_space<semaphore_mem>>) src(%dma_wait3A_427 : memref<10240x32xf32, #tpu.memory_space<hbm>>) dst(%dma_wait3A_421 : memref<128x32xf32, #tpu.memory_space<vmem>>)
      %add3A_430 = arith.constant 5 : i32
      %add3A_431 = arith.addi %mul3A_259, %add3A_430 : i32
      %dma_start3A_432 = arith.constant 5 : i32
      %dma_start3A_433 = arith.constant 5 : i32
      %dma_start3A_434 = arith.constant 0 : i32
      %dma_start3A_435 = arith.constant 0 : i32
      %dma_start3A_436 = tpu.memref_slice %arg9[%dma_start3A_432, %dma_start3A_434, %dma_start3A_435] : memref<8x128x32xf32, #tpu.memory_space<vmem>> -> memref<1x128x32xf32, #tpu.memory_space<vmem>>
      %dma_start3A_437 = tpu.memref_squeeze %dma_start3A_436 : memref<1x128x32xf32, #tpu.memory_space<vmem>> -> memref<128x32xf32, #tpu.memory_space<vmem>>
      %dma_start3A_438 = arith.constant 0 : i32
      %dma_start3A_439 = tpu.memref_slice %arg8[%add3A_431, %dma_start3A_438] : memref<80x128xi32, #tpu.memory_space<vmem>> -> memref<1x128xi32, #tpu.memory_space<vmem>>
      %dma_start3A_440 = tpu.memref_squeeze %dma_start3A_439 : memref<1x128xi32, #tpu.memory_space<vmem>> -> memref<128xi32, #tpu.memory_space<vmem>>
      %dma_start3A_441 = arith.constant 0 : i32
      %dma_start3A_442 = arith.constant 0 : i32
      %dma_start3A_443 = tpu.memref_slice %arg10[%dma_start3A_441, %dma_start3A_442] : memref<10240x32xf32, #tpu.memory_space<vmem_shared>> -> memref<10240x32xf32, #tpu.memory_space<vmem_shared>>
      %dma_start3A_444 = tpu.memref_slice %arg12[%dma_start3A_433] : memref<8x!tpu.dma_semaphore, #tpu.memory_space<semaphore_mem>> -> memref<1x!tpu.dma_semaphore, #tpu.memory_space<semaphore_mem>>
      %dma_start3A_445 = tpu.memref_squeeze %dma_start3A_444 : memref<1x!tpu.dma_semaphore, #tpu.memory_space<semaphore_mem>> -> memref<!tpu.dma_semaphore, #tpu.memory_space<semaphore_mem>>
      tpu.enqueue_indirect_dma source(%dma_start3A_437 : memref<128x32xf32, #tpu.memory_space<vmem>>) target(%dma_start3A_443 : memref<10240x32xf32, #tpu.memory_space<vmem_shared>>) offsets(%dma_start3A_440 : memref<128xi32, #tpu.memory_space<vmem>>) semaphore(%dma_start3A_445 : memref<!tpu.dma_semaphore, #tpu.memory_space<semaphore_mem>>) {add = true}
      %dma_wait3A_446 = arith.constant 0 : i32
      %dma_wait3A_447 = arith.constant 6 : i32
      %dma_wait3A_448 = arith.constant 6 : i32
      %dma_wait3A_449 = arith.constant 0 : i32
      %dma_wait3A_450 = arith.constant 0 : i32
      %dma_wait3A_451 = tpu.memref_slice %arg9[%dma_wait3A_447, %dma_wait3A_449, %dma_wait3A_450] : memref<8x128x32xf32, #tpu.memory_space<vmem>> -> memref<1x128x32xf32, #tpu.memory_space<vmem>>
      %dma_wait3A_452 = tpu.memref_squeeze %dma_wait3A_451 : memref<1x128x32xf32, #tpu.memory_space<vmem>> -> memref<128x32xf32, #tpu.memory_space<vmem>>
      %dma_wait3A_453 = arith.constant 0 : i32
      %dma_wait3A_454 = tpu.memref_slice %arg7[%dma_wait3A_446, %dma_wait3A_453] : memref<80x128xi32, #tpu.memory_space<vmem>> -> memref<1x128xi32, #tpu.memory_space<vmem>>
      %dma_wait3A_455 = tpu.memref_squeeze %dma_wait3A_454 : memref<1x128xi32, #tpu.memory_space<vmem>> -> memref<128xi32, #tpu.memory_space<vmem>>
      %dma_wait3A_456 = arith.constant 0 : i32
      %dma_wait3A_457 = arith.constant 0 : i32
      %dma_wait3A_458 = tpu.memref_slice %arg2[%dma_wait3A_456, %dma_wait3A_457] : memref<10240x32xf32, #tpu.memory_space<hbm>> -> memref<10240x32xf32, #tpu.memory_space<hbm>>
      %dma_wait3A_459 = tpu.memref_slice %arg11[%dma_wait3A_448] : memref<8x!tpu.dma_semaphore, #tpu.memory_space<semaphore_mem>> -> memref<1x!tpu.dma_semaphore, #tpu.memory_space<semaphore_mem>>
      %dma_wait3A_460 = tpu.memref_squeeze %dma_wait3A_459 : memref<1x!tpu.dma_semaphore, #tpu.memory_space<semaphore_mem>> -> memref<!tpu.dma_semaphore, #tpu.memory_space<semaphore_mem>>
      tpu.wait_indirect_dma semaphore(%dma_wait3A_460 : memref<!tpu.dma_semaphore, #tpu.memory_space<semaphore_mem>>) src(%dma_wait3A_458 : memref<10240x32xf32, #tpu.memory_space<hbm>>) dst(%dma_wait3A_452 : memref<128x32xf32, #tpu.memory_space<vmem>>)
      %add3A_461 = arith.constant 6 : i32
      %add3A_462 = arith.addi %mul3A_259, %add3A_461 : i32
      %dma_start3A_463 = arith.constant 6 : i32
      %dma_start3A_464 = arith.constant 6 : i32
      %dma_start3A_465 = arith.constant 0 : i32
      %dma_start3A_466 = arith.constant 0 : i32
      %dma_start3A_467 = tpu.memref_slice %arg9[%dma_start3A_463, %dma_start3A_465, %dma_start3A_466] : memref<8x128x32xf32, #tpu.memory_space<vmem>> -> memref<1x128x32xf32, #tpu.memory_space<vmem>>
      %dma_start3A_468 = tpu.memref_squeeze %dma_start3A_467 : memref<1x128x32xf32, #tpu.memory_space<vmem>> -> memref<128x32xf32, #tpu.memory_space<vmem>>
      %dma_start3A_469 = arith.constant 0 : i32
      %dma_start3A_470 = tpu.memref_slice %arg8[%add3A_462, %dma_start3A_469] : memref<80x128xi32, #tpu.memory_space<vmem>> -> memref<1x128xi32, #tpu.memory_space<vmem>>
      %dma_start3A_471 = tpu.memref_squeeze %dma_start3A_470 : memref<1x128xi32, #tpu.memory_space<vmem>> -> memref<128xi32, #tpu.memory_space<vmem>>
      %dma_start3A_472 = arith.constant 0 : i32
      %dma_start3A_473 = arith.constant 0 : i32
      %dma_start3A_474 = tpu.memref_slice %arg10[%dma_start3A_472, %dma_start3A_473] : memref<10240x32xf32, #tpu.memory_space<vmem_shared>> -> memref<10240x32xf32, #tpu.memory_space<vmem_shared>>
      %dma_start3A_475 = tpu.memref_slice %arg12[%dma_start3A_464] : memref<8x!tpu.dma_semaphore, #tpu.memory_space<semaphore_mem>> -> memref<1x!tpu.dma_semaphore, #tpu.memory_space<semaphore_mem>>
      %dma_start3A_476 = tpu.memref_squeeze %dma_start3A_475 : memref<1x!tpu.dma_semaphore, #tpu.memory_space<semaphore_mem>> -> memref<!tpu.dma_semaphore, #tpu.memory_space<semaphore_mem>>
      tpu.enqueue_indirect_dma source(%dma_start3A_468 : memref<128x32xf32, #tpu.memory_space<vmem>>) target(%dma_start3A_474 : memref<10240x32xf32, #tpu.memory_space<vmem_shared>>) offsets(%dma_start3A_471 : memref<128xi32, #tpu.memory_space<vmem>>) semaphore(%dma_start3A_476 : memref<!tpu.dma_semaphore, #tpu.memory_space<semaphore_mem>>) {add = true}
      %dma_wait3A_477 = arith.constant 0 : i32
      %dma_wait3A_478 = arith.constant 7 : i32
      %dma_wait3A_479 = arith.constant 7 : i32
      %dma_wait3A_480 = arith.constant 0 : i32
      %dma_wait3A_481 = arith.constant 0 : i32
      %dma_wait3A_482 = tpu.memref_slice %arg9[%dma_wait3A_478, %dma_wait3A_480, %dma_wait3A_481] : memref<8x128x32xf32, #tpu.memory_space<vmem>> -> memref<1x128x32xf32, #tpu.memory_space<vmem>>
      %dma_wait3A_483 = tpu.memref_squeeze %dma_wait3A_482 : memref<1x128x32xf32, #tpu.memory_space<vmem>> -> memref<128x32xf32, #tpu.memory_space<vmem>>
      %dma_wait3A_484 = arith.constant 0 : i32
      %dma_wait3A_485 = tpu.memref_slice %arg7[%dma_wait3A_477, %dma_wait3A_484] : memref<80x128xi32, #tpu.memory_space<vmem>> -> memref<1x128xi32, #tpu.memory_space<vmem>>
      %dma_wait3A_486 = tpu.memref_squeeze %dma_wait3A_485 : memref<1x128xi32, #tpu.memory_space<vmem>> -> memref<128xi32, #tpu.memory_space<vmem>>
      %dma_wait3A_487 = arith.constant 0 : i32
      %dma_wait3A_488 = arith.constant 0 : i32
      %dma_wait3A_489 = tpu.memref_slice %arg2[%dma_wait3A_487, %dma_wait3A_488] : memref<10240x32xf32, #tpu.memory_space<hbm>> -> memref<10240x32xf32, #tpu.memory_space<hbm>>
      %dma_wait3A_490 = tpu.memref_slice %arg11[%dma_wait3A_479] : memref<8x!tpu.dma_semaphore, #tpu.memory_space<semaphore_mem>> -> memref<1x!tpu.dma_semaphore, #tpu.memory_space<semaphore_mem>>
      %dma_wait3A_491 = tpu.memref_squeeze %dma_wait3A_490 : memref<1x!tpu.dma_semaphore, #tpu.memory_space<semaphore_mem>> -> memref<!tpu.dma_semaphore, #tpu.memory_space<semaphore_mem>>
      tpu.wait_indirect_dma semaphore(%dma_wait3A_491 : memref<!tpu.dma_semaphore, #tpu.memory_space<semaphore_mem>>) src(%dma_wait3A_489 : memref<10240x32xf32, #tpu.memory_space<hbm>>) dst(%dma_wait3A_483 : memref<128x32xf32, #tpu.memory_space<vmem>>)
      %add3A_492 = arith.constant 7 : i32
      %add3A_493 = arith.addi %mul3A_259, %add3A_492 : i32
      %dma_start3A_494 = arith.constant 7 : i32
      %dma_start3A_495 = arith.constant 7 : i32
      %dma_start3A_496 = arith.constant 0 : i32
      %dma_start3A_497 = arith.constant 0 : i32
      %dma_start3A_498 = tpu.memref_slice %arg9[%dma_start3A_494, %dma_start3A_496, %dma_start3A_497] : memref<8x128x32xf32, #tpu.memory_space<vmem>> -> memref<1x128x32xf32, #tpu.memory_space<vmem>>
      %dma_start3A_499 = tpu.memref_squeeze %dma_start3A_498 : memref<1x128x32xf32, #tpu.memory_space<vmem>> -> memref<128x32xf32, #tpu.memory_space<vmem>>
      %dma_start3A_500 = arith.constant 0 : i32
      %dma_start3A_501 = tpu.memref_slice %arg8[%add3A_493, %dma_start3A_500] : memref<80x128xi32, #tpu.memory_space<vmem>> -> memref<1x128xi32, #tpu.memory_space<vmem>>
      %dma_start3A_502 = tpu.memref_squeeze %dma_start3A_501 : memref<1x128xi32, #tpu.memory_space<vmem>> -> memref<128xi32, #tpu.memory_space<vmem>>
      %dma_start3A_503 = arith.constant 0 : i32
      %dma_start3A_504 = arith.constant 0 : i32
      %dma_start3A_505 = tpu.memref_slice %arg10[%dma_start3A_503, %dma_start3A_504] : memref<10240x32xf32, #tpu.memory_space<vmem_shared>> -> memref<10240x32xf32, #tpu.memory_space<vmem_shared>>
      %dma_start3A_506 = tpu.memref_slice %arg12[%dma_start3A_495] : memref<8x!tpu.dma_semaphore, #tpu.memory_space<semaphore_mem>> -> memref<1x!tpu.dma_semaphore, #tpu.memory_space<semaphore_mem>>
      %dma_start3A_507 = tpu.memref_squeeze %dma_start3A_506 : memref<1x!tpu.dma_semaphore, #tpu.memory_space<semaphore_mem>> -> memref<!tpu.dma_semaphore, #tpu.memory_space<semaphore_mem>>
      tpu.enqueue_indirect_dma source(%dma_start3A_499 : memref<128x32xf32, #tpu.memory_space<vmem>>) target(%dma_start3A_505 : memref<10240x32xf32, #tpu.memory_space<vmem_shared>>) offsets(%dma_start3A_502 : memref<128xi32, #tpu.memory_space<vmem>>) semaphore(%dma_start3A_507 : memref<!tpu.dma_semaphore, #tpu.memory_space<semaphore_mem>>) {add = true}
      %dma_wait3A_508 = arith.constant 0 : i32
      %dma_wait3A_509 = arith.constant 0 : i32
      %dma_wait3A_510 = arith.constant 0 : i32
      %dma_wait3A_511 = arith.constant 0 : i32
      %dma_wait3A_512 = arith.constant 0 : i32
      %dma_wait3A_513 = tpu.memref_slice %arg9[%dma_wait3A_508, %dma_wait3A_511, %dma_wait3A_512] : memref<8x128x32xf32, #tpu.memory_space<vmem>> -> memref<1x128x32xf32, #tpu.memory_space<vmem>>
      %dma_wait3A_514 = tpu.memref_squeeze %dma_wait3A_513 : memref<1x128x32xf32, #tpu.memory_space<vmem>> -> memref<128x32xf32, #tpu.memory_space<vmem>>
      %dma_wait3A_515 = arith.constant 0 : i32
      %dma_wait3A_516 = tpu.memref_slice %arg8[%dma_wait3A_509, %dma_wait3A_515] : memref<80x128xi32, #tpu.memory_space<vmem>> -> memref<1x128xi32, #tpu.memory_space<vmem>>
      %dma_wait3A_517 = tpu.memref_squeeze %dma_wait3A_516 : memref<1x128xi32, #tpu.memory_space<vmem>> -> memref<128xi32, #tpu.memory_space<vmem>>
      %dma_wait3A_518 = arith.constant 0 : i32
      %dma_wait3A_519 = arith.constant 0 : i32
      %dma_wait3A_520 = tpu.memref_slice %arg10[%dma_wait3A_518, %dma_wait3A_519] : memref<10240x32xf32, #tpu.memory_space<vmem_shared>> -> memref<10240x32xf32, #tpu.memory_space<vmem_shared>>
      %dma_wait3A_521 = tpu.memref_slice %arg12[%dma_wait3A_510] : memref<8x!tpu.dma_semaphore, #tpu.memory_space<semaphore_mem>> -> memref<1x!tpu.dma_semaphore, #tpu.memory_space<semaphore_mem>>
      %dma_wait3A_522 = tpu.memref_squeeze %dma_wait3A_521 : memref<1x!tpu.dma_semaphore, #tpu.memory_space<semaphore_mem>> -> memref<!tpu.dma_semaphore, #tpu.memory_space<semaphore_mem>>
      tpu.wait_indirect_dma semaphore(%dma_wait3A_522 : memref<!tpu.dma_semaphore, #tpu.memory_space<semaphore_mem>>) src(%dma_wait3A_514 : memref<128x32xf32, #tpu.memory_space<vmem>>) dst(%dma_wait3A_520 : memref<10240x32xf32, #tpu.memory_space<vmem_shared>>)
      %add3A_523 = arith.constant 8 : i32
      %add3A_524 = arith.addi %mul3A_259, %add3A_523 : i32
      %add3A_525 = arith.constant 0 : i32
      %add3A_526 = arith.addi %add3A_524, %add3A_525 : i32
      %min3A = arith.constant 79 : i32
      %min3A_527 = arith.minsi %add3A_526, %min3A : i32
      %dma_start3A_528 = arith.constant 0 : i32
      %dma_start3A_529 = arith.constant 0 : i32
      %dma_start3A_530 = arith.constant 0 : i32
      %dma_start3A_531 = arith.constant 0 : i32
      %dma_start3A_532 = tpu.memref_slice %arg9[%dma_start3A_528, %dma_start3A_530, %dma_start3A_531] : memref<8x128x32xf32, #tpu.memory_space<vmem>> -> memref<1x128x32xf32, #tpu.memory_space<vmem>>
      %dma_start3A_533 = tpu.memref_squeeze %dma_start3A_532 : memref<1x128x32xf32, #tpu.memory_space<vmem>> -> memref<128x32xf32, #tpu.memory_space<vmem>>
      %dma_start3A_534 = arith.constant 0 : i32
      %dma_start3A_535 = tpu.memref_slice %arg7[%min3A_527, %dma_start3A_534] : memref<80x128xi32, #tpu.memory_space<vmem>> -> memref<1x128xi32, #tpu.memory_space<vmem>>
      %dma_start3A_536 = tpu.memref_squeeze %dma_start3A_535 : memref<1x128xi32, #tpu.memory_space<vmem>> -> memref<128xi32, #tpu.memory_space<vmem>>
      %dma_start3A_537 = arith.constant 0 : i32
      %dma_start3A_538 = arith.constant 0 : i32
      %dma_start3A_539 = tpu.memref_slice %arg2[%dma_start3A_537, %dma_start3A_538] : memref<10240x32xf32, #tpu.memory_space<hbm>> -> memref<10240x32xf32, #tpu.memory_space<hbm>>
      %dma_start3A_540 = tpu.memref_slice %arg11[%dma_start3A_529] : memref<8x!tpu.dma_semaphore, #tpu.memory_space<semaphore_mem>> -> memref<1x!tpu.dma_semaphore, #tpu.memory_space<semaphore_mem>>
      %dma_start3A_541 = tpu.memref_squeeze %dma_start3A_540 : memref<1x!tpu.dma_semaphore, #tpu.memory_space<semaphore_mem>> -> memref<!tpu.dma_semaphore, #tpu.memory_space<semaphore_mem>>
      tpu.enqueue_indirect_dma source(%dma_start3A_539 : memref<10240x32xf32, #tpu.memory_space<hbm>>) target(%dma_start3A_533 : memref<128x32xf32, #tpu.memory_space<vmem>>) offsets(%dma_start3A_536 : memref<128xi32, #tpu.memory_space<vmem>>) semaphore(%dma_start3A_541 : memref<!tpu.dma_semaphore, #tpu.memory_space<semaphore_mem>>)
      %dma_wait3A_542 = arith.constant 1 : i32
      %dma_wait3A_543 = arith.constant 0 : i32
      %dma_wait3A_544 = arith.constant 1 : i32
      %dma_wait3A_545 = arith.constant 0 : i32
      %dma_wait3A_546 = arith.constant 0 : i32
      %dma_wait3A_547 = tpu.memref_slice %arg9[%dma_wait3A_542, %dma_wait3A_545, %dma_wait3A_546] : memref<8x128x32xf32, #tpu.memory_space<vmem>> -> memref<1x128x32xf32, #tpu.memory_space<vmem>>
      %dma_wait3A_548 = tpu.memref_squeeze %dma_wait3A_547 : memref<1x128x32xf32, #tpu.memory_space<vmem>> -> memref<128x32xf32, #tpu.memory_space<vmem>>
      %dma_wait3A_549 = arith.constant 0 : i32
      %dma_wait3A_550 = tpu.memref_slice %arg8[%dma_wait3A_543, %dma_wait3A_549] : memref<80x128xi32, #tpu.memory_space<vmem>> -> memref<1x128xi32, #tpu.memory_space<vmem>>
      %dma_wait3A_551 = tpu.memref_squeeze %dma_wait3A_550 : memref<1x128xi32, #tpu.memory_space<vmem>> -> memref<128xi32, #tpu.memory_space<vmem>>
      %dma_wait3A_552 = arith.constant 0 : i32
      %dma_wait3A_553 = arith.constant 0 : i32
      %dma_wait3A_554 = tpu.memref_slice %arg10[%dma_wait3A_552, %dma_wait3A_553] : memref<10240x32xf32, #tpu.memory_space<vmem_shared>> -> memref<10240x32xf32, #tpu.memory_space<vmem_shared>>
      %dma_wait3A_555 = tpu.memref_slice %arg12[%dma_wait3A_544] : memref<8x!tpu.dma_semaphore, #tpu.memory_space<semaphore_mem>> -> memref<1x!tpu.dma_semaphore, #tpu.memory_space<semaphore_mem>>
      %dma_wait3A_556 = tpu.memref_squeeze %dma_wait3A_555 : memref<1x!tpu.dma_semaphore, #tpu.memory_space<semaphore_mem>> -> memref<!tpu.dma_semaphore, #tpu.memory_space<semaphore_mem>>
      tpu.wait_indirect_dma semaphore(%dma_wait3A_556 : memref<!tpu.dma_semaphore, #tpu.memory_space<semaphore_mem>>) src(%dma_wait3A_548 : memref<128x32xf32, #tpu.memory_space<vmem>>) dst(%dma_wait3A_554 : memref<10240x32xf32, #tpu.memory_space<vmem_shared>>)
      %add3A_557 = arith.constant 8 : i32
      %add3A_558 = arith.addi %mul3A_259, %add3A_557 : i32
      %add3A_559 = arith.constant 1 : i32
      %add3A_560 = arith.addi %add3A_558, %add3A_559 : i32
      %min3A_561 = arith.constant 79 : i32
      %min3A_562 = arith.minsi %add3A_560, %min3A_561 : i32
      %dma_start3A_563 = arith.constant 1 : i32
      %dma_start3A_564 = arith.constant 1 : i32
      %dma_start3A_565 = arith.constant 0 : i32
      %dma_start3A_566 = arith.constant 0 : i32
      %dma_start3A_567 = tpu.memref_slice %arg9[%dma_start3A_563, %dma_start3A_565, %dma_start3A_566] : memref<8x128x32xf32, #tpu.memory_space<vmem>> -> memref<1x128x32xf32, #tpu.memory_space<vmem>>
      %dma_start3A_568 = tpu.memref_squeeze %dma_start3A_567 : memref<1x128x32xf32, #tpu.memory_space<vmem>> -> memref<128x32xf32, #tpu.memory_space<vmem>>
      %dma_start3A_569 = arith.constant 0 : i32
      %dma_start3A_570 = tpu.memref_slice %arg7[%min3A_562, %dma_start3A_569] : memref<80x128xi32, #tpu.memory_space<vmem>> -> memref<1x128xi32, #tpu.memory_space<vmem>>
      %dma_start3A_571 = tpu.memref_squeeze %dma_start3A_570 : memref<1x128xi32, #tpu.memory_space<vmem>> -> memref<128xi32, #tpu.memory_space<vmem>>
      %dma_start3A_572 = arith.constant 0 : i32
      %dma_start3A_573 = arith.constant 0 : i32
      %dma_start3A_574 = tpu.memref_slice %arg2[%dma_start3A_572, %dma_start3A_573] : memref<10240x32xf32, #tpu.memory_space<hbm>> -> memref<10240x32xf32, #tpu.memory_space<hbm>>
      %dma_start3A_575 = tpu.memref_slice %arg11[%dma_start3A_564] : memref<8x!tpu.dma_semaphore, #tpu.memory_space<semaphore_mem>> -> memref<1x!tpu.dma_semaphore, #tpu.memory_space<semaphore_mem>>
      %dma_start3A_576 = tpu.memref_squeeze %dma_start3A_575 : memref<1x!tpu.dma_semaphore, #tpu.memory_space<semaphore_mem>> -> memref<!tpu.dma_semaphore, #tpu.memory_space<semaphore_mem>>
      tpu.enqueue_indirect_dma source(%dma_start3A_574 : memref<10240x32xf32, #tpu.memory_space<hbm>>) target(%dma_start3A_568 : memref<128x32xf32, #tpu.memory_space<vmem>>) offsets(%dma_start3A_571 : memref<128xi32, #tpu.memory_space<vmem>>) semaphore(%dma_start3A_576 : memref<!tpu.dma_semaphore, #tpu.memory_space<semaphore_mem>>)
      %dma_wait3A_577 = arith.constant 2 : i32
      %dma_wait3A_578 = arith.constant 0 : i32
      %dma_wait3A_579 = arith.constant 2 : i32
      %dma_wait3A_580 = arith.constant 0 : i32
      %dma_wait3A_581 = arith.constant 0 : i32
      %dma_wait3A_582 = tpu.memref_slice %arg9[%dma_wait3A_577, %dma_wait3A_580, %dma_wait3A_581] : memref<8x128x32xf32, #tpu.memory_space<vmem>> -> memref<1x128x32xf32, #tpu.memory_space<vmem>>
      %dma_wait3A_583 = tpu.memref_squeeze %dma_wait3A_582 : memref<1x128x32xf32, #tpu.memory_space<vmem>> -> memref<128x32xf32, #tpu.memory_space<vmem>>
      %dma_wait3A_584 = arith.constant 0 : i32
      %dma_wait3A_585 = tpu.memref_slice %arg8[%dma_wait3A_578, %dma_wait3A_584] : memref<80x128xi32, #tpu.memory_space<vmem>> -> memref<1x128xi32, #tpu.memory_space<vmem>>
      %dma_wait3A_586 = tpu.memref_squeeze %dma_wait3A_585 : memref<1x128xi32, #tpu.memory_space<vmem>> -> memref<128xi32, #tpu.memory_space<vmem>>
      %dma_wait3A_587 = arith.constant 0 : i32
      %dma_wait3A_588 = arith.constant 0 : i32
      %dma_wait3A_589 = tpu.memref_slice %arg10[%dma_wait3A_587, %dma_wait3A_588] : memref<10240x32xf32, #tpu.memory_space<vmem_shared>> -> memref<10240x32xf32, #tpu.memory_space<vmem_shared>>
      %dma_wait3A_590 = tpu.memref_slice %arg12[%dma_wait3A_579] : memref<8x!tpu.dma_semaphore, #tpu.memory_space<semaphore_mem>> -> memref<1x!tpu.dma_semaphore, #tpu.memory_space<semaphore_mem>>
      %dma_wait3A_591 = tpu.memref_squeeze %dma_wait3A_590 : memref<1x!tpu.dma_semaphore, #tpu.memory_space<semaphore_mem>> -> memref<!tpu.dma_semaphore, #tpu.memory_space<semaphore_mem>>
      tpu.wait_indirect_dma semaphore(%dma_wait3A_591 : memref<!tpu.dma_semaphore, #tpu.memory_space<semaphore_mem>>) src(%dma_wait3A_583 : memref<128x32xf32, #tpu.memory_space<vmem>>) dst(%dma_wait3A_589 : memref<10240x32xf32, #tpu.memory_space<vmem_shared>>)
      %add3A_592 = arith.constant 8 : i32
      %add3A_593 = arith.addi %mul3A_259, %add3A_592 : i32
      %add3A_594 = arith.constant 2 : i32
      %add3A_595 = arith.addi %add3A_593, %add3A_594 : i32
      %min3A_596 = arith.constant 79 : i32
      %min3A_597 = arith.minsi %add3A_595, %min3A_596 : i32
      %dma_start3A_598 = arith.constant 2 : i32
      %dma_start3A_599 = arith.constant 2 : i32
      %dma_start3A_600 = arith.constant 0 : i32
      %dma_start3A_601 = arith.constant 0 : i32
      %dma_start3A_602 = tpu.memref_slice %arg9[%dma_start3A_598, %dma_start3A_600, %dma_start3A_601] : memref<8x128x32xf32, #tpu.memory_space<vmem>> -> memref<1x128x32xf32, #tpu.memory_space<vmem>>
      %dma_start3A_603 = tpu.memref_squeeze %dma_start3A_602 : memref<1x128x32xf32, #tpu.memory_space<vmem>> -> memref<128x32xf32, #tpu.memory_space<vmem>>
      %dma_start3A_604 = arith.constant 0 : i32
      %dma_start3A_605 = tpu.memref_slice %arg7[%min3A_597, %dma_start3A_604] : memref<80x128xi32, #tpu.memory_space<vmem>> -> memref<1x128xi32, #tpu.memory_space<vmem>>
      %dma_start3A_606 = tpu.memref_squeeze %dma_start3A_605 : memref<1x128xi32, #tpu.memory_space<vmem>> -> memref<128xi32, #tpu.memory_space<vmem>>
      %dma_start3A_607 = arith.constant 0 : i32
      %dma_start3A_608 = arith.constant 0 : i32
      %dma_start3A_609 = tpu.memref_slice %arg2[%dma_start3A_607, %dma_start3A_608] : memref<10240x32xf32, #tpu.memory_space<hbm>> -> memref<10240x32xf32, #tpu.memory_space<hbm>>
      %dma_start3A_610 = tpu.memref_slice %arg11[%dma_start3A_599] : memref<8x!tpu.dma_semaphore, #tpu.memory_space<semaphore_mem>> -> memref<1x!tpu.dma_semaphore, #tpu.memory_space<semaphore_mem>>
      %dma_start3A_611 = tpu.memref_squeeze %dma_start3A_610 : memref<1x!tpu.dma_semaphore, #tpu.memory_space<semaphore_mem>> -> memref<!tpu.dma_semaphore, #tpu.memory_space<semaphore_mem>>
      tpu.enqueue_indirect_dma source(%dma_start3A_609 : memref<10240x32xf32, #tpu.memory_space<hbm>>) target(%dma_start3A_603 : memref<128x32xf32, #tpu.memory_space<vmem>>) offsets(%dma_start3A_606 : memref<128xi32, #tpu.memory_space<vmem>>) semaphore(%dma_start3A_611 : memref<!tpu.dma_semaphore, #tpu.memory_space<semaphore_mem>>)
      %dma_wait3A_612 = arith.constant 3 : i32
      %dma_wait3A_613 = arith.constant 0 : i32
      %dma_wait3A_614 = arith.constant 3 : i32
      %dma_wait3A_615 = arith.constant 0 : i32
      %dma_wait3A_616 = arith.constant 0 : i32
      %dma_wait3A_617 = tpu.memref_slice %arg9[%dma_wait3A_612, %dma_wait3A_615, %dma_wait3A_616] : memref<8x128x32xf32, #tpu.memory_space<vmem>> -> memref<1x128x32xf32, #tpu.memory_space<vmem>>
      %dma_wait3A_618 = tpu.memref_squeeze %dma_wait3A_617 : memref<1x128x32xf32, #tpu.memory_space<vmem>> -> memref<128x32xf32, #tpu.memory_space<vmem>>
      %dma_wait3A_619 = arith.constant 0 : i32
      %dma_wait3A_620 = tpu.memref_slice %arg8[%dma_wait3A_613, %dma_wait3A_619] : memref<80x128xi32, #tpu.memory_space<vmem>> -> memref<1x128xi32, #tpu.memory_space<vmem>>
      %dma_wait3A_621 = tpu.memref_squeeze %dma_wait3A_620 : memref<1x128xi32, #tpu.memory_space<vmem>> -> memref<128xi32, #tpu.memory_space<vmem>>
      %dma_wait3A_622 = arith.constant 0 : i32
      %dma_wait3A_623 = arith.constant 0 : i32
      %dma_wait3A_624 = tpu.memref_slice %arg10[%dma_wait3A_622, %dma_wait3A_623] : memref<10240x32xf32, #tpu.memory_space<vmem_shared>> -> memref<10240x32xf32, #tpu.memory_space<vmem_shared>>
      %dma_wait3A_625 = tpu.memref_slice %arg12[%dma_wait3A_614] : memref<8x!tpu.dma_semaphore, #tpu.memory_space<semaphore_mem>> -> memref<1x!tpu.dma_semaphore, #tpu.memory_space<semaphore_mem>>
      %dma_wait3A_626 = tpu.memref_squeeze %dma_wait3A_625 : memref<1x!tpu.dma_semaphore, #tpu.memory_space<semaphore_mem>> -> memref<!tpu.dma_semaphore, #tpu.memory_space<semaphore_mem>>
      tpu.wait_indirect_dma semaphore(%dma_wait3A_626 : memref<!tpu.dma_semaphore, #tpu.memory_space<semaphore_mem>>) src(%dma_wait3A_618 : memref<128x32xf32, #tpu.memory_space<vmem>>) dst(%dma_wait3A_624 : memref<10240x32xf32, #tpu.memory_space<vmem_shared>>)
      %add3A_627 = arith.constant 8 : i32
      %add3A_628 = arith.addi %mul3A_259, %add3A_627 : i32
      %add3A_629 = arith.constant 3 : i32
      %add3A_630 = arith.addi %add3A_628, %add3A_629 : i32
      %min3A_631 = arith.constant 79 : i32
      %min3A_632 = arith.minsi %add3A_630, %min3A_631 : i32
      %dma_start3A_633 = arith.constant 3 : i32
      %dma_start3A_634 = arith.constant 3 : i32
      %dma_start3A_635 = arith.constant 0 : i32
      %dma_start3A_636 = arith.constant 0 : i32
      %dma_start3A_637 = tpu.memref_slice %arg9[%dma_start3A_633, %dma_start3A_635, %dma_start3A_636] : memref<8x128x32xf32, #tpu.memory_space<vmem>> -> memref<1x128x32xf32, #tpu.memory_space<vmem>>
      %dma_start3A_638 = tpu.memref_squeeze %dma_start3A_637 : memref<1x128x32xf32, #tpu.memory_space<vmem>> -> memref<128x32xf32, #tpu.memory_space<vmem>>
      %dma_start3A_639 = arith.constant 0 : i32
      %dma_start3A_640 = tpu.memref_slice %arg7[%min3A_632, %dma_start3A_639] : memref<80x128xi32, #tpu.memory_space<vmem>> -> memref<1x128xi32, #tpu.memory_space<vmem>>
      %dma_start3A_641 = tpu.memref_squeeze %dma_start3A_640 : memref<1x128xi32, #tpu.memory_space<vmem>> -> memref<128xi32, #tpu.memory_space<vmem>>
      %dma_start3A_642 = arith.constant 0 : i32
      %dma_start3A_643 = arith.constant 0 : i32
      %dma_start3A_644 = tpu.memref_slice %arg2[%dma_start3A_642, %dma_start3A_643] : memref<10240x32xf32, #tpu.memory_space<hbm>> -> memref<10240x32xf32, #tpu.memory_space<hbm>>
      %dma_start3A_645 = tpu.memref_slice %arg11[%dma_start3A_634] : memref<8x!tpu.dma_semaphore, #tpu.memory_space<semaphore_mem>> -> memref<1x!tpu.dma_semaphore, #tpu.memory_space<semaphore_mem>>
      %dma_start3A_646 = tpu.memref_squeeze %dma_start3A_645 : memref<1x!tpu.dma_semaphore, #tpu.memory_space<semaphore_mem>> -> memref<!tpu.dma_semaphore, #tpu.memory_space<semaphore_mem>>
      tpu.enqueue_indirect_dma source(%dma_start3A_644 : memref<10240x32xf32, #tpu.memory_space<hbm>>) target(%dma_start3A_638 : memref<128x32xf32, #tpu.memory_space<vmem>>) offsets(%dma_start3A_641 : memref<128xi32, #tpu.memory_space<vmem>>) semaphore(%dma_start3A_646 : memref<!tpu.dma_semaphore, #tpu.memory_space<semaphore_mem>>)
      %dma_wait3A_647 = arith.constant 4 : i32
      %dma_wait3A_648 = arith.constant 0 : i32
      %dma_wait3A_649 = arith.constant 4 : i32
      %dma_wait3A_650 = arith.constant 0 : i32
      %dma_wait3A_651 = arith.constant 0 : i32
      %dma_wait3A_652 = tpu.memref_slice %arg9[%dma_wait3A_647, %dma_wait3A_650, %dma_wait3A_651] : memref<8x128x32xf32, #tpu.memory_space<vmem>> -> memref<1x128x32xf32, #tpu.memory_space<vmem>>
      %dma_wait3A_653 = tpu.memref_squeeze %dma_wait3A_652 : memref<1x128x32xf32, #tpu.memory_space<vmem>> -> memref<128x32xf32, #tpu.memory_space<vmem>>
      %dma_wait3A_654 = arith.constant 0 : i32
      %dma_wait3A_655 = tpu.memref_slice %arg8[%dma_wait3A_648, %dma_wait3A_654] : memref<80x128xi32, #tpu.memory_space<vmem>> -> memref<1x128xi32, #tpu.memory_space<vmem>>
      %dma_wait3A_656 = tpu.memref_squeeze %dma_wait3A_655 : memref<1x128xi32, #tpu.memory_space<vmem>> -> memref<128xi32, #tpu.memory_space<vmem>>
      %dma_wait3A_657 = arith.constant 0 : i32
      %dma_wait3A_658 = arith.constant 0 : i32
      %dma_wait3A_659 = tpu.memref_slice %arg10[%dma_wait3A_657, %dma_wait3A_658] : memref<10240x32xf32, #tpu.memory_space<vmem_shared>> -> memref<10240x32xf32, #tpu.memory_space<vmem_shared>>
      %dma_wait3A_660 = tpu.memref_slice %arg12[%dma_wait3A_649] : memref<8x!tpu.dma_semaphore, #tpu.memory_space<semaphore_mem>> -> memref<1x!tpu.dma_semaphore, #tpu.memory_space<semaphore_mem>>
      %dma_wait3A_661 = tpu.memref_squeeze %dma_wait3A_660 : memref<1x!tpu.dma_semaphore, #tpu.memory_space<semaphore_mem>> -> memref<!tpu.dma_semaphore, #tpu.memory_space<semaphore_mem>>
      tpu.wait_indirect_dma semaphore(%dma_wait3A_661 : memref<!tpu.dma_semaphore, #tpu.memory_space<semaphore_mem>>) src(%dma_wait3A_653 : memref<128x32xf32, #tpu.memory_space<vmem>>) dst(%dma_wait3A_659 : memref<10240x32xf32, #tpu.memory_space<vmem_shared>>)
      %add3A_662 = arith.constant 8 : i32
      %add3A_663 = arith.addi %mul3A_259, %add3A_662 : i32
      %add3A_664 = arith.constant 4 : i32
      %add3A_665 = arith.addi %add3A_663, %add3A_664 : i32
      %min3A_666 = arith.constant 79 : i32
      %min3A_667 = arith.minsi %add3A_665, %min3A_666 : i32
      %dma_start3A_668 = arith.constant 4 : i32
      %dma_start3A_669 = arith.constant 4 : i32
      %dma_start3A_670 = arith.constant 0 : i32
      %dma_start3A_671 = arith.constant 0 : i32
      %dma_start3A_672 = tpu.memref_slice %arg9[%dma_start3A_668, %dma_start3A_670, %dma_start3A_671] : memref<8x128x32xf32, #tpu.memory_space<vmem>> -> memref<1x128x32xf32, #tpu.memory_space<vmem>>
      %dma_start3A_673 = tpu.memref_squeeze %dma_start3A_672 : memref<1x128x32xf32, #tpu.memory_space<vmem>> -> memref<128x32xf32, #tpu.memory_space<vmem>>
      %dma_start3A_674 = arith.constant 0 : i32
      %dma_start3A_675 = tpu.memref_slice %arg7[%min3A_667, %dma_start3A_674] : memref<80x128xi32, #tpu.memory_space<vmem>> -> memref<1x128xi32, #tpu.memory_space<vmem>>
      %dma_start3A_676 = tpu.memref_squeeze %dma_start3A_675 : memref<1x128xi32, #tpu.memory_space<vmem>> -> memref<128xi32, #tpu.memory_space<vmem>>
      %dma_start3A_677 = arith.constant 0 : i32
      %dma_start3A_678 = arith.constant 0 : i32
      %dma_start3A_679 = tpu.memref_slice %arg2[%dma_start3A_677, %dma_start3A_678] : memref<10240x32xf32, #tpu.memory_space<hbm>> -> memref<10240x32xf32, #tpu.memory_space<hbm>>
      %dma_start3A_680 = tpu.memref_slice %arg11[%dma_start3A_669] : memref<8x!tpu.dma_semaphore, #tpu.memory_space<semaphore_mem>> -> memref<1x!tpu.dma_semaphore, #tpu.memory_space<semaphore_mem>>
      %dma_start3A_681 = tpu.memref_squeeze %dma_start3A_680 : memref<1x!tpu.dma_semaphore, #tpu.memory_space<semaphore_mem>> -> memref<!tpu.dma_semaphore, #tpu.memory_space<semaphore_mem>>
      tpu.enqueue_indirect_dma source(%dma_start3A_679 : memref<10240x32xf32, #tpu.memory_space<hbm>>) target(%dma_start3A_673 : memref<128x32xf32, #tpu.memory_space<vmem>>) offsets(%dma_start3A_676 : memref<128xi32, #tpu.memory_space<vmem>>) semaphore(%dma_start3A_681 : memref<!tpu.dma_semaphore, #tpu.memory_space<semaphore_mem>>)
      %dma_wait3A_682 = arith.constant 5 : i32
      %dma_wait3A_683 = arith.constant 0 : i32
      %dma_wait3A_684 = arith.constant 5 : i32
      %dma_wait3A_685 = arith.constant 0 : i32
      %dma_wait3A_686 = arith.constant 0 : i32
      %dma_wait3A_687 = tpu.memref_slice %arg9[%dma_wait3A_682, %dma_wait3A_685, %dma_wait3A_686] : memref<8x128x32xf32, #tpu.memory_space<vmem>> -> memref<1x128x32xf32, #tpu.memory_space<vmem>>
      %dma_wait3A_688 = tpu.memref_squeeze %dma_wait3A_687 : memref<1x128x32xf32, #tpu.memory_space<vmem>> -> memref<128x32xf32, #tpu.memory_space<vmem>>
      %dma_wait3A_689 = arith.constant 0 : i32
      %dma_wait3A_690 = tpu.memref_slice %arg8[%dma_wait3A_683, %dma_wait3A_689] : memref<80x128xi32, #tpu.memory_space<vmem>> -> memref<1x128xi32, #tpu.memory_space<vmem>>
      %dma_wait3A_691 = tpu.memref_squeeze %dma_wait3A_690 : memref<1x128xi32, #tpu.memory_space<vmem>> -> memref<128xi32, #tpu.memory_space<vmem>>
      %dma_wait3A_692 = arith.constant 0 : i32
      %dma_wait3A_693 = arith.constant 0 : i32
      %dma_wait3A_694 = tpu.memref_slice %arg10[%dma_wait3A_692, %dma_wait3A_693] : memref<10240x32xf32, #tpu.memory_space<vmem_shared>> -> memref<10240x32xf32, #tpu.memory_space<vmem_shared>>
      %dma_wait3A_695 = tpu.memref_slice %arg12[%dma_wait3A_684] : memref<8x!tpu.dma_semaphore, #tpu.memory_space<semaphore_mem>> -> memref<1x!tpu.dma_semaphore, #tpu.memory_space<semaphore_mem>>
      %dma_wait3A_696 = tpu.memref_squeeze %dma_wait3A_695 : memref<1x!tpu.dma_semaphore, #tpu.memory_space<semaphore_mem>> -> memref<!tpu.dma_semaphore, #tpu.memory_space<semaphore_mem>>
      tpu.wait_indirect_dma semaphore(%dma_wait3A_696 : memref<!tpu.dma_semaphore, #tpu.memory_space<semaphore_mem>>) src(%dma_wait3A_688 : memref<128x32xf32, #tpu.memory_space<vmem>>) dst(%dma_wait3A_694 : memref<10240x32xf32, #tpu.memory_space<vmem_shared>>)
      %add3A_697 = arith.constant 8 : i32
      %add3A_698 = arith.addi %mul3A_259, %add3A_697 : i32
      %add3A_699 = arith.constant 5 : i32
      %add3A_700 = arith.addi %add3A_698, %add3A_699 : i32
      %min3A_701 = arith.constant 79 : i32
      %min3A_702 = arith.minsi %add3A_700, %min3A_701 : i32
      %dma_start3A_703 = arith.constant 5 : i32
      %dma_start3A_704 = arith.constant 5 : i32
      %dma_start3A_705 = arith.constant 0 : i32
      %dma_start3A_706 = arith.constant 0 : i32
      %dma_start3A_707 = tpu.memref_slice %arg9[%dma_start3A_703, %dma_start3A_705, %dma_start3A_706] : memref<8x128x32xf32, #tpu.memory_space<vmem>> -> memref<1x128x32xf32, #tpu.memory_space<vmem>>
      %dma_start3A_708 = tpu.memref_squeeze %dma_start3A_707 : memref<1x128x32xf32, #tpu.memory_space<vmem>> -> memref<128x32xf32, #tpu.memory_space<vmem>>
      %dma_start3A_709 = arith.constant 0 : i32
      %dma_start3A_710 = tpu.memref_slice %arg7[%min3A_702, %dma_start3A_709] : memref<80x128xi32, #tpu.memory_space<vmem>> -> memref<1x128xi32, #tpu.memory_space<vmem>>
      %dma_start3A_711 = tpu.memref_squeeze %dma_start3A_710 : memref<1x128xi32, #tpu.memory_space<vmem>> -> memref<128xi32, #tpu.memory_space<vmem>>
      %dma_start3A_712 = arith.constant 0 : i32
      %dma_start3A_713 = arith.constant 0 : i32
      %dma_start3A_714 = tpu.memref_slice %arg2[%dma_start3A_712, %dma_start3A_713] : memref<10240x32xf32, #tpu.memory_space<hbm>> -> memref<10240x32xf32, #tpu.memory_space<hbm>>
      %dma_start3A_715 = tpu.memref_slice %arg11[%dma_start3A_704] : memref<8x!tpu.dma_semaphore, #tpu.memory_space<semaphore_mem>> -> memref<1x!tpu.dma_semaphore, #tpu.memory_space<semaphore_mem>>
      %dma_start3A_716 = tpu.memref_squeeze %dma_start3A_715 : memref<1x!tpu.dma_semaphore, #tpu.memory_space<semaphore_mem>> -> memref<!tpu.dma_semaphore, #tpu.memory_space<semaphore_mem>>
      tpu.enqueue_indirect_dma source(%dma_start3A_714 : memref<10240x32xf32, #tpu.memory_space<hbm>>) target(%dma_start3A_708 : memref<128x32xf32, #tpu.memory_space<vmem>>) offsets(%dma_start3A_711 : memref<128xi32, #tpu.memory_space<vmem>>) semaphore(%dma_start3A_716 : memref<!tpu.dma_semaphore, #tpu.memory_space<semaphore_mem>>)
      %dma_wait3A_717 = arith.constant 6 : i32
      %dma_wait3A_718 = arith.constant 0 : i32
      %dma_wait3A_719 = arith.constant 6 : i32
      %dma_wait3A_720 = arith.constant 0 : i32
      %dma_wait3A_721 = arith.constant 0 : i32
      %dma_wait3A_722 = tpu.memref_slice %arg9[%dma_wait3A_717, %dma_wait3A_720, %dma_wait3A_721] : memref<8x128x32xf32, #tpu.memory_space<vmem>> -> memref<1x128x32xf32, #tpu.memory_space<vmem>>
      %dma_wait3A_723 = tpu.memref_squeeze %dma_wait3A_722 : memref<1x128x32xf32, #tpu.memory_space<vmem>> -> memref<128x32xf32, #tpu.memory_space<vmem>>
      %dma_wait3A_724 = arith.constant 0 : i32
      %dma_wait3A_725 = tpu.memref_slice %arg8[%dma_wait3A_718, %dma_wait3A_724] : memref<80x128xi32, #tpu.memory_space<vmem>> -> memref<1x128xi32, #tpu.memory_space<vmem>>
      %dma_wait3A_726 = tpu.memref_squeeze %dma_wait3A_725 : memref<1x128xi32, #tpu.memory_space<vmem>> -> memref<128xi32, #tpu.memory_space<vmem>>
      %dma_wait3A_727 = arith.constant 0 : i32
      %dma_wait3A_728 = arith.constant 0 : i32
      %dma_wait3A_729 = tpu.memref_slice %arg10[%dma_wait3A_727, %dma_wait3A_728] : memref<10240x32xf32, #tpu.memory_space<vmem_shared>> -> memref<10240x32xf32, #tpu.memory_space<vmem_shared>>
      %dma_wait3A_730 = tpu.memref_slice %arg12[%dma_wait3A_719] : memref<8x!tpu.dma_semaphore, #tpu.memory_space<semaphore_mem>> -> memref<1x!tpu.dma_semaphore, #tpu.memory_space<semaphore_mem>>
      %dma_wait3A_731 = tpu.memref_squeeze %dma_wait3A_730 : memref<1x!tpu.dma_semaphore, #tpu.memory_space<semaphore_mem>> -> memref<!tpu.dma_semaphore, #tpu.memory_space<semaphore_mem>>
      tpu.wait_indirect_dma semaphore(%dma_wait3A_731 : memref<!tpu.dma_semaphore, #tpu.memory_space<semaphore_mem>>) src(%dma_wait3A_723 : memref<128x32xf32, #tpu.memory_space<vmem>>) dst(%dma_wait3A_729 : memref<10240x32xf32, #tpu.memory_space<vmem_shared>>)
      %add3A_732 = arith.constant 8 : i32
      %add3A_733 = arith.addi %mul3A_259, %add3A_732 : i32
      %add3A_734 = arith.constant 6 : i32
      %add3A_735 = arith.addi %add3A_733, %add3A_734 : i32
      %min3A_736 = arith.constant 79 : i32
      %min3A_737 = arith.minsi %add3A_735, %min3A_736 : i32
      %dma_start3A_738 = arith.constant 6 : i32
      %dma_start3A_739 = arith.constant 6 : i32
      %dma_start3A_740 = arith.constant 0 : i32
      %dma_start3A_741 = arith.constant 0 : i32
      %dma_start3A_742 = tpu.memref_slice %arg9[%dma_start3A_738, %dma_start3A_740, %dma_start3A_741] : memref<8x128x32xf32, #tpu.memory_space<vmem>> -> memref<1x128x32xf32, #tpu.memory_space<vmem>>
      %dma_start3A_743 = tpu.memref_squeeze %dma_start3A_742 : memref<1x128x32xf32, #tpu.memory_space<vmem>> -> memref<128x32xf32, #tpu.memory_space<vmem>>
      %dma_start3A_744 = arith.constant 0 : i32
      %dma_start3A_745 = tpu.memref_slice %arg7[%min3A_737, %dma_start3A_744] : memref<80x128xi32, #tpu.memory_space<vmem>> -> memref<1x128xi32, #tpu.memory_space<vmem>>
      %dma_start3A_746 = tpu.memref_squeeze %dma_start3A_745 : memref<1x128xi32, #tpu.memory_space<vmem>> -> memref<128xi32, #tpu.memory_space<vmem>>
      %dma_start3A_747 = arith.constant 0 : i32
      %dma_start3A_748 = arith.constant 0 : i32
      %dma_start3A_749 = tpu.memref_slice %arg2[%dma_start3A_747, %dma_start3A_748] : memref<10240x32xf32, #tpu.memory_space<hbm>> -> memref<10240x32xf32, #tpu.memory_space<hbm>>
      %dma_start3A_750 = tpu.memref_slice %arg11[%dma_start3A_739] : memref<8x!tpu.dma_semaphore, #tpu.memory_space<semaphore_mem>> -> memref<1x!tpu.dma_semaphore, #tpu.memory_space<semaphore_mem>>
      %dma_start3A_751 = tpu.memref_squeeze %dma_start3A_750 : memref<1x!tpu.dma_semaphore, #tpu.memory_space<semaphore_mem>> -> memref<!tpu.dma_semaphore, #tpu.memory_space<semaphore_mem>>
      tpu.enqueue_indirect_dma source(%dma_start3A_749 : memref<10240x32xf32, #tpu.memory_space<hbm>>) target(%dma_start3A_743 : memref<128x32xf32, #tpu.memory_space<vmem>>) offsets(%dma_start3A_746 : memref<128xi32, #tpu.memory_space<vmem>>) semaphore(%dma_start3A_751 : memref<!tpu.dma_semaphore, #tpu.memory_space<semaphore_mem>>)
      %dma_wait3A_752 = arith.constant 7 : i32
      %dma_wait3A_753 = arith.constant 0 : i32
      %dma_wait3A_754 = arith.constant 7 : i32
      %dma_wait3A_755 = arith.constant 0 : i32
      %dma_wait3A_756 = arith.constant 0 : i32
      %dma_wait3A_757 = tpu.memref_slice %arg9[%dma_wait3A_752, %dma_wait3A_755, %dma_wait3A_756] : memref<8x128x32xf32, #tpu.memory_space<vmem>> -> memref<1x128x32xf32, #tpu.memory_space<vmem>>
      %dma_wait3A_758 = tpu.memref_squeeze %dma_wait3A_757 : memref<1x128x32xf32, #tpu.memory_space<vmem>> -> memref<128x32xf32, #tpu.memory_space<vmem>>
      %dma_wait3A_759 = arith.constant 0 : i32
      %dma_wait3A_760 = tpu.memref_slice %arg8[%dma_wait3A_753, %dma_wait3A_759] : memref<80x128xi32, #tpu.memory_space<vmem>> -> memref<1x128xi32, #tpu.memory_space<vmem>>
      %dma_wait3A_761 = tpu.memref_squeeze %dma_wait3A_760 : memref<1x128xi32, #tpu.memory_space<vmem>> -> memref<128xi32, #tpu.memory_space<vmem>>
      %dma_wait3A_762 = arith.constant 0 : i32
      %dma_wait3A_763 = arith.constant 0 : i32
      %dma_wait3A_764 = tpu.memref_slice %arg10[%dma_wait3A_762, %dma_wait3A_763] : memref<10240x32xf32, #tpu.memory_space<vmem_shared>> -> memref<10240x32xf32, #tpu.memory_space<vmem_shared>>
      %dma_wait3A_765 = tpu.memref_slice %arg12[%dma_wait3A_754] : memref<8x!tpu.dma_semaphore, #tpu.memory_space<semaphore_mem>> -> memref<1x!tpu.dma_semaphore, #tpu.memory_space<semaphore_mem>>
      %dma_wait3A_766 = tpu.memref_squeeze %dma_wait3A_765 : memref<1x!tpu.dma_semaphore, #tpu.memory_space<semaphore_mem>> -> memref<!tpu.dma_semaphore, #tpu.memory_space<semaphore_mem>>
      tpu.wait_indirect_dma semaphore(%dma_wait3A_766 : memref<!tpu.dma_semaphore, #tpu.memory_space<semaphore_mem>>) src(%dma_wait3A_758 : memref<128x32xf32, #tpu.memory_space<vmem>>) dst(%dma_wait3A_764 : memref<10240x32xf32, #tpu.memory_space<vmem_shared>>)
      %add3A_767 = arith.constant 8 : i32
      %add3A_768 = arith.addi %mul3A_259, %add3A_767 : i32
      %add3A_769 = arith.constant 7 : i32
      %add3A_770 = arith.addi %add3A_768, %add3A_769 : i32
      %min3A_771 = arith.constant 79 : i32
      %min3A_772 = arith.minsi %add3A_770, %min3A_771 : i32
      %dma_start3A_773 = arith.constant 7 : i32
      %dma_start3A_774 = arith.constant 7 : i32
      %dma_start3A_775 = arith.constant 0 : i32
      %dma_start3A_776 = arith.constant 0 : i32
      %dma_start3A_777 = tpu.memref_slice %arg9[%dma_start3A_773, %dma_start3A_775, %dma_start3A_776] : memref<8x128x32xf32, #tpu.memory_space<vmem>> -> memref<1x128x32xf32, #tpu.memory_space<vmem>>
      %dma_start3A_778 = tpu.memref_squeeze %dma_start3A_777 : memref<1x128x32xf32, #tpu.memory_space<vmem>> -> memref<128x32xf32, #tpu.memory_space<vmem>>
      %dma_start3A_779 = arith.constant 0 : i32
      %dma_start3A_780 = tpu.memref_slice %arg7[%min3A_772, %dma_start3A_779] : memref<80x128xi32, #tpu.memory_space<vmem>> -> memref<1x128xi32, #tpu.memory_space<vmem>>
      %dma_start3A_781 = tpu.memref_squeeze %dma_start3A_780 : memref<1x128xi32, #tpu.memory_space<vmem>> -> memref<128xi32, #tpu.memory_space<vmem>>
      %dma_start3A_782 = arith.constant 0 : i32
      %dma_start3A_783 = arith.constant 0 : i32
      %dma_start3A_784 = tpu.memref_slice %arg2[%dma_start3A_782, %dma_start3A_783] : memref<10240x32xf32, #tpu.memory_space<hbm>> -> memref<10240x32xf32, #tpu.memory_space<hbm>>
      %dma_start3A_785 = tpu.memref_slice %arg11[%dma_start3A_774] : memref<8x!tpu.dma_semaphore, #tpu.memory_space<semaphore_mem>> -> memref<1x!tpu.dma_semaphore, #tpu.memory_space<semaphore_mem>>
      %dma_start3A_786 = tpu.memref_squeeze %dma_start3A_785 : memref<1x!tpu.dma_semaphore, #tpu.memory_space<semaphore_mem>> -> memref<!tpu.dma_semaphore, #tpu.memory_space<semaphore_mem>>
      tpu.enqueue_indirect_dma source(%dma_start3A_784 : memref<10240x32xf32, #tpu.memory_space<hbm>>) target(%dma_start3A_778 : memref<128x32xf32, #tpu.memory_space<vmem>>) offsets(%dma_start3A_781 : memref<128xi32, #tpu.memory_space<vmem>>) semaphore(%dma_start3A_786 : memref<!tpu.dma_semaphore, #tpu.memory_space<semaphore_mem>>)
    }
    %scan3A_136 = arith.constant 10 : i32
    %dma_wait3A = arith.constant 0 : i32
    %dma_wait3A_137 = arith.constant 0 : i32
    %dma_wait3A_138 = arith.constant 0 : i32
    %dma_wait3A_139 = arith.constant 0 : i32
    %dma_wait3A_140 = arith.constant 0 : i32
    %dma_wait3A_141 = tpu.memref_slice %arg9[%dma_wait3A_137, %dma_wait3A_139, %dma_wait3A_140] : memref<8x128x32xf32, #tpu.memory_space<vmem>> -> memref<1x128x32xf32, #tpu.memory_space<vmem>>
    %dma_wait3A_142 = tpu.memref_squeeze %dma_wait3A_141 : memref<1x128x32xf32, #tpu.memory_space<vmem>> -> memref<128x32xf32, #tpu.memory_space<vmem>>
    %dma_wait3A_143 = arith.constant 0 : i32
    %dma_wait3A_144 = tpu.memref_slice %arg7[%dma_wait3A, %dma_wait3A_143] : memref<80x128xi32, #tpu.memory_space<vmem>> -> memref<1x128xi32, #tpu.memory_space<vmem>>
    %dma_wait3A_145 = tpu.memref_squeeze %dma_wait3A_144 : memref<1x128xi32, #tpu.memory_space<vmem>> -> memref<128xi32, #tpu.memory_space<vmem>>
    %dma_wait3A_146 = arith.constant 0 : i32
    %dma_wait3A_147 = arith.constant 0 : i32
    %dma_wait3A_148 = tpu.memref_slice %arg2[%dma_wait3A_146, %dma_wait3A_147] : memref<10240x32xf32, #tpu.memory_space<hbm>> -> memref<10240x32xf32, #tpu.memory_space<hbm>>
    %dma_wait3A_149 = tpu.memref_slice %arg11[%dma_wait3A_138] : memref<8x!tpu.dma_semaphore, #tpu.memory_space<semaphore_mem>> -> memref<1x!tpu.dma_semaphore, #tpu.memory_space<semaphore_mem>>
    %dma_wait3A_150 = tpu.memref_squeeze %dma_wait3A_149 : memref<1x!tpu.dma_semaphore, #tpu.memory_space<semaphore_mem>> -> memref<!tpu.dma_semaphore, #tpu.memory_space<semaphore_mem>>
    tpu.wait_indirect_dma semaphore(%dma_wait3A_150 : memref<!tpu.dma_semaphore, #tpu.memory_space<semaphore_mem>>) src(%dma_wait3A_148 : memref<10240x32xf32, #tpu.memory_space<hbm>>) dst(%dma_wait3A_142 : memref<128x32xf32, #tpu.memory_space<vmem>>)
    %dma_wait3A_151 = arith.constant 0 : i32
    %dma_wait3A_152 = arith.constant 1 : i32
    %dma_wait3A_153 = arith.constant 1 : i32
    %dma_wait3A_154 = arith.constant 0 : i32
    %dma_wait3A_155 = arith.constant 0 : i32
    %dma_wait3A_156 = tpu.memref_slice %arg9[%dma_wait3A_152, %dma_wait3A_154, %dma_wait3A_155] : memref<8x128x32xf32, #tpu.memory_space<vmem>> -> memref<1x128x32xf32, #tpu.memory_space<vmem>>
    %dma_wait3A_157 = tpu.memref_squeeze %dma_wait3A_156 : memref<1x128x32xf32, #tpu.memory_space<vmem>> -> memref<128x32xf32, #tpu.memory_space<vmem>>
    %dma_wait3A_158 = arith.constant 0 : i32
    %dma_wait3A_159 = tpu.memref_slice %arg7[%dma_wait3A_151, %dma_wait3A_158] : memref<80x128xi32, #tpu.memory_space<vmem>> -> memref<1x128xi32, #tpu.memory_space<vmem>>
    %dma_wait3A_160 = tpu.memref_squeeze %dma_wait3A_159 : memref<1x128xi32, #tpu.memory_space<vmem>> -> memref<128xi32, #tpu.memory_space<vmem>>
    %dma_wait3A_161 = arith.constant 0 : i32
    %dma_wait3A_162 = arith.constant 0 : i32
    %dma_wait3A_163 = tpu.memref_slice %arg2[%dma_wait3A_161, %dma_wait3A_162] : memref<10240x32xf32, #tpu.memory_space<hbm>> -> memref<10240x32xf32, #tpu.memory_space<hbm>>
    %dma_wait3A_164 = tpu.memref_slice %arg11[%dma_wait3A_153] : memref<8x!tpu.dma_semaphore, #tpu.memory_space<semaphore_mem>> -> memref<1x!tpu.dma_semaphore, #tpu.memory_space<semaphore_mem>>
    %dma_wait3A_165 = tpu.memref_squeeze %dma_wait3A_164 : memref<1x!tpu.dma_semaphore, #tpu.memory_space<semaphore_mem>> -> memref<!tpu.dma_semaphore, #tpu.memory_space<semaphore_mem>>
    tpu.wait_indirect_dma semaphore(%dma_wait3A_165 : memref<!tpu.dma_semaphore, #tpu.memory_space<semaphore_mem>>) src(%dma_wait3A_163 : memref<10240x32xf32, #tpu.memory_space<hbm>>) dst(%dma_wait3A_157 : memref<128x32xf32, #tpu.memory_space<vmem>>)
    %dma_wait3A_166 = arith.constant 0 : i32
    %dma_wait3A_167 = arith.constant 2 : i32
    %dma_wait3A_168 = arith.constant 2 : i32
    %dma_wait3A_169 = arith.constant 0 : i32
    %dma_wait3A_170 = arith.constant 0 : i32
    %dma_wait3A_171 = tpu.memref_slice %arg9[%dma_wait3A_167, %dma_wait3A_169, %dma_wait3A_170] : memref<8x128x32xf32, #tpu.memory_space<vmem>> -> memref<1x128x32xf32, #tpu.memory_space<vmem>>
    %dma_wait3A_172 = tpu.memref_squeeze %dma_wait3A_171 : memref<1x128x32xf32, #tpu.memory_space<vmem>> -> memref<128x32xf32, #tpu.memory_space<vmem>>
    %dma_wait3A_173 = arith.constant 0 : i32
    %dma_wait3A_174 = tpu.memref_slice %arg7[%dma_wait3A_166, %dma_wait3A_173] : memref<80x128xi32, #tpu.memory_space<vmem>> -> memref<1x128xi32, #tpu.memory_space<vmem>>
    %dma_wait3A_175 = tpu.memref_squeeze %dma_wait3A_174 : memref<1x128xi32, #tpu.memory_space<vmem>> -> memref<128xi32, #tpu.memory_space<vmem>>
    %dma_wait3A_176 = arith.constant 0 : i32
    %dma_wait3A_177 = arith.constant 0 : i32
    %dma_wait3A_178 = tpu.memref_slice %arg2[%dma_wait3A_176, %dma_wait3A_177] : memref<10240x32xf32, #tpu.memory_space<hbm>> -> memref<10240x32xf32, #tpu.memory_space<hbm>>
    %dma_wait3A_179 = tpu.memref_slice %arg11[%dma_wait3A_168] : memref<8x!tpu.dma_semaphore, #tpu.memory_space<semaphore_mem>> -> memref<1x!tpu.dma_semaphore, #tpu.memory_space<semaphore_mem>>
    %dma_wait3A_180 = tpu.memref_squeeze %dma_wait3A_179 : memref<1x!tpu.dma_semaphore, #tpu.memory_space<semaphore_mem>> -> memref<!tpu.dma_semaphore, #tpu.memory_space<semaphore_mem>>
    tpu.wait_indirect_dma semaphore(%dma_wait3A_180 : memref<!tpu.dma_semaphore, #tpu.memory_space<semaphore_mem>>) src(%dma_wait3A_178 : memref<10240x32xf32, #tpu.memory_space<hbm>>) dst(%dma_wait3A_172 : memref<128x32xf32, #tpu.memory_space<vmem>>)
    %dma_wait3A_181 = arith.constant 0 : i32
    %dma_wait3A_182 = arith.constant 3 : i32
    %dma_wait3A_183 = arith.constant 3 : i32
    %dma_wait3A_184 = arith.constant 0 : i32
    %dma_wait3A_185 = arith.constant 0 : i32
    %dma_wait3A_186 = tpu.memref_slice %arg9[%dma_wait3A_182, %dma_wait3A_184, %dma_wait3A_185] : memref<8x128x32xf32, #tpu.memory_space<vmem>> -> memref<1x128x32xf32, #tpu.memory_space<vmem>>
    %dma_wait3A_187 = tpu.memref_squeeze %dma_wait3A_186 : memref<1x128x32xf32, #tpu.memory_space<vmem>> -> memref<128x32xf32, #tpu.memory_space<vmem>>
    %dma_wait3A_188 = arith.constant 0 : i32
    %dma_wait3A_189 = tpu.memref_slice %arg7[%dma_wait3A_181, %dma_wait3A_188] : memref<80x128xi32, #tpu.memory_space<vmem>> -> memref<1x128xi32, #tpu.memory_space<vmem>>
    %dma_wait3A_190 = tpu.memref_squeeze %dma_wait3A_189 : memref<1x128xi32, #tpu.memory_space<vmem>> -> memref<128xi32, #tpu.memory_space<vmem>>
    %dma_wait3A_191 = arith.constant 0 : i32
    %dma_wait3A_192 = arith.constant 0 : i32
    %dma_wait3A_193 = tpu.memref_slice %arg2[%dma_wait3A_191, %dma_wait3A_192] : memref<10240x32xf32, #tpu.memory_space<hbm>> -> memref<10240x32xf32, #tpu.memory_space<hbm>>
    %dma_wait3A_194 = tpu.memref_slice %arg11[%dma_wait3A_183] : memref<8x!tpu.dma_semaphore, #tpu.memory_space<semaphore_mem>> -> memref<1x!tpu.dma_semaphore, #tpu.memory_space<semaphore_mem>>
    %dma_wait3A_195 = tpu.memref_squeeze %dma_wait3A_194 : memref<1x!tpu.dma_semaphore, #tpu.memory_space<semaphore_mem>> -> memref<!tpu.dma_semaphore, #tpu.memory_space<semaphore_mem>>
    tpu.wait_indirect_dma semaphore(%dma_wait3A_195 : memref<!tpu.dma_semaphore, #tpu.memory_space<semaphore_mem>>) src(%dma_wait3A_193 : memref<10240x32xf32, #tpu.memory_space<hbm>>) dst(%dma_wait3A_187 : memref<128x32xf32, #tpu.memory_space<vmem>>)
    %dma_wait3A_196 = arith.constant 0 : i32
    %dma_wait3A_197 = arith.constant 4 : i32
    %dma_wait3A_198 = arith.constant 4 : i32
    %dma_wait3A_199 = arith.constant 0 : i32
    %dma_wait3A_200 = arith.constant 0 : i32
    %dma_wait3A_201 = tpu.memref_slice %arg9[%dma_wait3A_197, %dma_wait3A_199, %dma_wait3A_200] : memref<8x128x32xf32, #tpu.memory_space<vmem>> -> memref<1x128x32xf32, #tpu.memory_space<vmem>>
    %dma_wait3A_202 = tpu.memref_squeeze %dma_wait3A_201 : memref<1x128x32xf32, #tpu.memory_space<vmem>> -> memref<128x32xf32, #tpu.memory_space<vmem>>
    %dma_wait3A_203 = arith.constant 0 : i32
    %dma_wait3A_204 = tpu.memref_slice %arg7[%dma_wait3A_196, %dma_wait3A_203] : memref<80x128xi32, #tpu.memory_space<vmem>> -> memref<1x128xi32, #tpu.memory_space<vmem>>
    %dma_wait3A_205 = tpu.memref_squeeze %dma_wait3A_204 : memref<1x128xi32, #tpu.memory_space<vmem>> -> memref<128xi32, #tpu.memory_space<vmem>>
    %dma_wait3A_206 = arith.constant 0 : i32
    %dma_wait3A_207 = arith.constant 0 : i32
    %dma_wait3A_208 = tpu.memref_slice %arg2[%dma_wait3A_206, %dma_wait3A_207] : memref<10240x32xf32, #tpu.memory_space<hbm>> -> memref<10240x32xf32, #tpu.memory_space<hbm>>
    %dma_wait3A_209 = tpu.memref_slice %arg11[%dma_wait3A_198] : memref<8x!tpu.dma_semaphore, #tpu.memory_space<semaphore_mem>> -> memref<1x!tpu.dma_semaphore, #tpu.memory_space<semaphore_mem>>
    %dma_wait3A_210 = tpu.memref_squeeze %dma_wait3A_209 : memref<1x!tpu.dma_semaphore, #tpu.memory_space<semaphore_mem>> -> memref<!tpu.dma_semaphore, #tpu.memory_space<semaphore_mem>>
    tpu.wait_indirect_dma semaphore(%dma_wait3A_210 : memref<!tpu.dma_semaphore, #tpu.memory_space<semaphore_mem>>) src(%dma_wait3A_208 : memref<10240x32xf32, #tpu.memory_space<hbm>>) dst(%dma_wait3A_202 : memref<128x32xf32, #tpu.memory_space<vmem>>)
    %dma_wait3A_211 = arith.constant 0 : i32
    %dma_wait3A_212 = arith.constant 5 : i32
    %dma_wait3A_213 = arith.constant 5 : i32
    %dma_wait3A_214 = arith.constant 0 : i32
    %dma_wait3A_215 = arith.constant 0 : i32
    %dma_wait3A_216 = tpu.memref_slice %arg9[%dma_wait3A_212, %dma_wait3A_214, %dma_wait3A_215] : memref<8x128x32xf32, #tpu.memory_space<vmem>> -> memref<1x128x32xf32, #tpu.memory_space<vmem>>
    %dma_wait3A_217 = tpu.memref_squeeze %dma_wait3A_216 : memref<1x128x32xf32, #tpu.memory_space<vmem>> -> memref<128x32xf32, #tpu.memory_space<vmem>>
    %dma_wait3A_218 = arith.constant 0 : i32
    %dma_wait3A_219 = tpu.memref_slice %arg7[%dma_wait3A_211, %dma_wait3A_218] : memref<80x128xi32, #tpu.memory_space<vmem>> -> memref<1x128xi32, #tpu.memory_space<vmem>>
    %dma_wait3A_220 = tpu.memref_squeeze %dma_wait3A_219 : memref<1x128xi32, #tpu.memory_space<vmem>> -> memref<128xi32, #tpu.memory_space<vmem>>
    %dma_wait3A_221 = arith.constant 0 : i32
    %dma_wait3A_222 = arith.constant 0 : i32
    %dma_wait3A_223 = tpu.memref_slice %arg2[%dma_wait3A_221, %dma_wait3A_222] : memref<10240x32xf32, #tpu.memory_space<hbm>> -> memref<10240x32xf32, #tpu.memory_space<hbm>>
    %dma_wait3A_224 = tpu.memref_slice %arg11[%dma_wait3A_213] : memref<8x!tpu.dma_semaphore, #tpu.memory_space<semaphore_mem>> -> memref<1x!tpu.dma_semaphore, #tpu.memory_space<semaphore_mem>>
    %dma_wait3A_225 = tpu.memref_squeeze %dma_wait3A_224 : memref<1x!tpu.dma_semaphore, #tpu.memory_space<semaphore_mem>> -> memref<!tpu.dma_semaphore, #tpu.memory_space<semaphore_mem>>
    tpu.wait_indirect_dma semaphore(%dma_wait3A_225 : memref<!tpu.dma_semaphore, #tpu.memory_space<semaphore_mem>>) src(%dma_wait3A_223 : memref<10240x32xf32, #tpu.memory_space<hbm>>) dst(%dma_wait3A_217 : memref<128x32xf32, #tpu.memory_space<vmem>>)
    %dma_wait3A_226 = arith.constant 0 : i32
    %dma_wait3A_227 = arith.constant 6 : i32
    %dma_wait3A_228 = arith.constant 6 : i32
    %dma_wait3A_229 = arith.constant 0 : i32
    %dma_wait3A_230 = arith.constant 0 : i32
    %dma_wait3A_231 = tpu.memref_slice %arg9[%dma_wait3A_227, %dma_wait3A_229, %dma_wait3A_230] : memref<8x128x32xf32, #tpu.memory_space<vmem>> -> memref<1x128x32xf32, #tpu.memory_space<vmem>>
    %dma_wait3A_232 = tpu.memref_squeeze %dma_wait3A_231 : memref<1x128x32xf32, #tpu.memory_space<vmem>> -> memref<128x32xf32, #tpu.memory_space<vmem>>
    %dma_wait3A_233 = arith.constant 0 : i32
    %dma_wait3A_234 = tpu.memref_slice %arg7[%dma_wait3A_226, %dma_wait3A_233] : memref<80x128xi32, #tpu.memory_space<vmem>> -> memref<1x128xi32, #tpu.memory_space<vmem>>
    %dma_wait3A_235 = tpu.memref_squeeze %dma_wait3A_234 : memref<1x128xi32, #tpu.memory_space<vmem>> -> memref<128xi32, #tpu.memory_space<vmem>>
    %dma_wait3A_236 = arith.constant 0 : i32
    %dma_wait3A_237 = arith.constant 0 : i32
    %dma_wait3A_238 = tpu.memref_slice %arg2[%dma_wait3A_236, %dma_wait3A_237] : memref<10240x32xf32, #tpu.memory_space<hbm>> -> memref<10240x32xf32, #tpu.memory_space<hbm>>
    %dma_wait3A_239 = tpu.memref_slice %arg11[%dma_wait3A_228] : memref<8x!tpu.dma_semaphore, #tpu.memory_space<semaphore_mem>> -> memref<1x!tpu.dma_semaphore, #tpu.memory_space<semaphore_mem>>
    %dma_wait3A_240 = tpu.memref_squeeze %dma_wait3A_239 : memref<1x!tpu.dma_semaphore, #tpu.memory_space<semaphore_mem>> -> memref<!tpu.dma_semaphore, #tpu.memory_space<semaphore_mem>>
    tpu.wait_indirect_dma semaphore(%dma_wait3A_240 : memref<!tpu.dma_semaphore, #tpu.memory_space<semaphore_mem>>) src(%dma_wait3A_238 : memref<10240x32xf32, #tpu.memory_space<hbm>>) dst(%dma_wait3A_232 : memref<128x32xf32, #tpu.memory_space<vmem>>)
    %dma_wait3A_241 = arith.constant 0 : i32
    %dma_wait3A_242 = arith.constant 7 : i32
    %dma_wait3A_243 = arith.constant 7 : i32
    %dma_wait3A_244 = arith.constant 0 : i32
    %dma_wait3A_245 = arith.constant 0 : i32
    %dma_wait3A_246 = tpu.memref_slice %arg9[%dma_wait3A_242, %dma_wait3A_244, %dma_wait3A_245] : memref<8x128x32xf32, #tpu.memory_space<vmem>> -> memref<1x128x32xf32, #tpu.memory_space<vmem>>
    %dma_wait3A_247 = tpu.memref_squeeze %dma_wait3A_246 : memref<1x128x32xf32, #tpu.memory_space<vmem>> -> memref<128x32xf32, #tpu.memory_space<vmem>>
    %dma_wait3A_248 = arith.constant 0 : i32
    %dma_wait3A_249 = tpu.memref_slice %arg7[%dma_wait3A_241, %dma_wait3A_248] : memref<80x128xi32, #tpu.memory_space<vmem>> -> memref<1x128xi32, #tpu.memory_space<vmem>>
    %dma_wait3A_250 = tpu.memref_squeeze %dma_wait3A_249 : memref<1x128xi32, #tpu.memory_space<vmem>> -> memref<128xi32, #tpu.memory_space<vmem>>
    %dma_wait3A_251 = arith.constant 0 : i32
    %dma_wait3A_252 = arith.constant 0 : i32
    %dma_wait3A_253 = tpu.memref_slice %arg2[%dma_wait3A_251, %dma_wait3A_252] : memref<10240x32xf32, #tpu.memory_space<hbm>> -> memref<10240x32xf32, #tpu.memory_space<hbm>>
    %dma_wait3A_254 = tpu.memref_slice %arg11[%dma_wait3A_243] : memref<8x!tpu.dma_semaphore, #tpu.memory_space<semaphore_mem>> -> memref<1x!tpu.dma_semaphore, #tpu.memory_space<semaphore_mem>>
    %dma_wait3A_255 = tpu.memref_squeeze %dma_wait3A_254 : memref<1x!tpu.dma_semaphore, #tpu.memory_space<semaphore_mem>> -> memref<!tpu.dma_semaphore, #tpu.memory_space<semaphore_mem>>
    tpu.wait_indirect_dma semaphore(%dma_wait3A_255 : memref<!tpu.dma_semaphore, #tpu.memory_space<semaphore_mem>>) src(%dma_wait3A_253 : memref<10240x32xf32, #tpu.memory_space<hbm>>) dst(%dma_wait3A_247 : memref<128x32xf32, #tpu.memory_space<vmem>>)
    %barrier3A_256 = arith.constant 0 : index
    tpu.barrier barrier_id(%barrier3A_256)
    "tpu.region"() ({
      %run_scoped3A = tpu.sem_alloc : memref<!tpu.dma_semaphore, #tpu.memory_space<semaphore_mem>>
      %dma_start3A_257 = arith.constant 0 : i32
      %dma_start3A_258 = tpu.memref_slice %arg6[%arg0, %mul3A_2, %dma_start3A_257] : memref<2x10240x32xf32, #tpu.memory_space<hbm>> -> memref<1x640x32xf32, #tpu.memory_space<hbm>>
      %dma_start3A_259 = tpu.memref_squeeze %dma_start3A_258 : memref<1x640x32xf32, #tpu.memory_space<hbm>> -> memref<640x32xf32, #tpu.memory_space<hbm>>
      %dma_start3A_260 = arith.constant 0 : i32
      %dma_start3A_261 = tpu.memref_slice %arg10[%mul3A_2, %dma_start3A_260] : memref<10240x32xf32, #tpu.memory_space<vmem_shared>> -> memref<640x32xf32, #tpu.memory_space<vmem_shared>>
      tpu.enqueue_dma source(%dma_start3A_261 : memref<640x32xf32, #tpu.memory_space<vmem_shared>>) target(%dma_start3A_259 : memref<640x32xf32, #tpu.memory_space<hbm>>) target_semaphore(%run_scoped3A : memref<!tpu.dma_semaphore, #tpu.memory_space<semaphore_mem>>)
      %dma_wait3A_262 = arith.constant 0 : i32
      %dma_wait3A_263 = tpu.memref_slice %arg6[%arg0, %mul3A_2, %dma_wait3A_262] : memref<2x10240x32xf32, #tpu.memory_space<hbm>> -> memref<1x640x32xf32, #tpu.memory_space<hbm>>
      %dma_wait3A_264 = tpu.memref_squeeze %dma_wait3A_263 : memref<1x640x32xf32, #tpu.memory_space<hbm>> -> memref<640x32xf32, #tpu.memory_space<hbm>>
      %dma_wait3A_265 = arith.constant 0 : i32
      %dma_wait3A_266 = tpu.memref_slice %arg10[%mul3A_2, %dma_wait3A_265] : memref<10240x32xf32, #tpu.memory_space<vmem_shared>> -> memref<640x32xf32, #tpu.memory_space<vmem_shared>>
      tpu.wait_dma2 semaphore(%run_scoped3A : memref<!tpu.dma_semaphore, #tpu.memory_space<semaphore_mem>>) src(%dma_wait3A_266 : memref<640x32xf32, #tpu.memory_space<vmem_shared>>) dst(%dma_wait3A_264 : memref<640x32xf32, #tpu.memory_space<hbm>>)
      tpu.yield
    }) : () -> ()
    return
  }
}

module attributes {stable_mosaic.version = 14 : i64} {
  func.func @body(%arg0: i32, %arg1: memref<320x1024xf32, #tpu.memory_space<vmem>>, %arg2: memref<1024x128xf32, #tpu.memory_space<vmem>>, %arg3: memref<320x128xf32, #tpu.memory_space<vmem>>) attributes {dimension_semantics = [#tpu.dimension_semantics<arbitrary>], iteration_bounds = array<i64: 4>, scalar_prefetch = 0 : i64, scratch_operands = 0 : i64, tpu.core_type = #tpu.core_type<tc>, window_params = [{transform_indices = @transform_0, window_bounds = array<i64: 320, 1024>}, {pipeline_mode = #tpu.pipeline_mode<synchronous>, transform_indices = @transform_1, window_bounds = array<i64: 1024, 128>}, {transform_indices = @transform_2, window_bounds = array<i64: 320, 128>}]} {
    %get3A = arith.constant 0 : index
    %get3A_0 = arith.constant 0 : index
    %get3A_1 = vector.load %arg1[%get3A, %get3A_0] : memref<320x1024xf32, #tpu.memory_space<vmem>>, vector<320x1024xf32>
    %get3A_2 = arith.constant 0 : index
    %get3A_3 = arith.constant 0 : index
    %get3A_4 = vector.load %arg2[%get3A_2, %get3A_3] : memref<1024x128xf32, #tpu.memory_space<vmem>>, vector<1024x128xf32>
    %dot_general3A = arith.constant dense<0.000000e+00> : vector<320x128xf32>
    %dot_general3A_5 = tpu.matmul %get3A_1, %get3A_4, %dot_general3A {dimension_numbers = #tpu.dot_dimension_numbers<[1], [0], [0], [1], [0, 0, 1, 1], [], []>, transpose_lhs_hint = false} : vector<320x1024xf32>, vector<1024x128xf32>, vector<320x128xf32> -> vector<320x128xf32>
    %swap3A = arith.constant 0 : index
    %swap3A_6 = arith.constant 0 : index
    %swap3A_7 = vector.load %arg3[%swap3A, %swap3A_6] : memref<320x128xf32, #tpu.memory_space<vmem>>, vector<320x128xf32>
    tpu.vector_store %arg3[%swap3A, %swap3A_6], %dot_general3A_5 {strides = array<i32>} : memref<320x128xf32, #tpu.memory_space<vmem>>, vector<320x128xf32>,
    return
  }
  func.func @transform_0(%arg0: i32) -> (i32, i32) {
    %c0_i32 = arith.constant 0 : i32
    %c0_i32_0 = arith.constant 0 : i32
    return %arg0, %c0_i32 : i32, i32
  }
  func.func @transform_1(%arg0: i32) -> (i32, i32) {
    %c0_i32 = arith.constant 0 : i32
    %c0_i32_0 = arith.constant 0 : i32
    %c0_i32_1 = arith.constant 0 : i32
    return %c0_i32, %c0_i32_0 : i32, i32
  }
  func.func @transform_2(%arg0: i32) -> (i32, i32) {
    %c0_i32 = arith.constant 0 : i32
    %c0_i32_0 = arith.constant 0 : i32
    return %arg0, %c0_i32 : i32, i32
  }
}

module attributes {stable_mosaic.version = 14 : i64} {
  func.func @body(%arg0: i32, %arg1: memref<2x320x128xf32, #tpu.memory_space<vmem>>, %arg2: memref<320x128xf32, #tpu.memory_space<vmem>>, %arg3: memref<1x128xf32, #tpu.memory_space<vmem>>, %arg4: memref<128x256xf32, #tpu.memory_space<vmem>>, %arg5: memref<320x256xf32, #tpu.memory_space<vmem>>) attributes {dimension_semantics = [#tpu.dimension_semantics<arbitrary>], iteration_bounds = array<i64: 4>, scalar_prefetch = 0 : i64, scratch_operands = 0 : i64, tpu.core_type = #tpu.core_type<tc>, window_params = [{transform_indices = @transform_0, window_bounds = array<i64: 2, 320, 128>}, {transform_indices = @transform_1, window_bounds = array<i64: 320, 128>}, {pipeline_mode = #tpu.pipeline_mode<synchronous>, transform_indices = @transform_2, window_bounds = array<i64: 1, 128>}, {pipeline_mode = #tpu.pipeline_mode<synchronous>, transform_indices = @transform_3, window_bounds = array<i64: 128, 256>}, {transform_indices = @transform_4, window_bounds = array<i64: 320, 256>}]} {
    %get3A = arith.constant 0 : index
    %get3A_0 = arith.constant 0 : index
    %get3A_1 = arith.constant 0 : index
    %get3A_2 = vector.load %arg1[%get3A, %get3A_0, %get3A_1] : memref<2x320x128xf32, #tpu.memory_space<vmem>>, vector<2x320x128xf32>
    %get3A_3 = arith.constant 0 : index
    %get3A_4 = arith.constant 0 : index
    %get3A_5 = vector.load %arg2[%get3A_3, %get3A_4] : memref<320x128xf32, #tpu.memory_space<vmem>>, vector<320x128xf32>
    %slice3A = vector.extract_strided_slice %get3A_2 {offsets = [0, 0, 0], sizes = [1, 320, 128], strides = [1, 1, 1]} : vector<2x320x128xf32> to vector<1x320x128xf32>
    %squeeze3A = vector.shape_cast %slice3A : vector<1x320x128xf32> to vector<320x128xf32>
    %slice3A_6 = vector.extract_strided_slice %get3A_2 {offsets = [1, 0, 0], sizes = [1, 320, 128], strides = [1, 1, 1]} : vector<2x320x128xf32> to vector<1x320x128xf32>
    %squeeze3A_7 = vector.shape_cast %slice3A_6 : vector<1x320x128xf32> to vector<320x128xf32>
    %add3A = arith.addf %squeeze3A, %squeeze3A_7 : vector<320x128xf32>
    %mul3A = arith.mulf %get3A_5, %add3A : vector<320x128xf32>
    %get3A_8 = arith.constant 0 : index
    %get3A_9 = arith.constant 0 : index
    %get3A_10 = vector.load %arg3[%get3A_8, %get3A_9] : memref<1x128xf32, #tpu.memory_space<vmem>>, vector<1x128xf32>
    %add3A_11 = vector.broadcast %get3A_10 : vector<1x128xf32> to vector<320x128xf32>
    %add3A_12 = arith.addf %mul3A, %add3A_11 : vector<320x128xf32>
    %gt3A = arith.constant 0.000000e+00 : f32
    %gt3A_13 = vector.broadcast %gt3A : f32 to vector<320x128xf32>
    %gt3A_14 = arith.cmpf ogt, %add3A_12, %gt3A_13 : vector<320x128xf32>
    %min3A = arith.constant 0.000000e+00 : f32
    %min3A_15 = vector.broadcast %min3A : f32 to vector<320x128xf32>
    %min3A_16 = arith.minimumf %add3A_12, %min3A_15 : vector<320x128xf32>
    %exp3A = math.exp %min3A_16 : vector<320x128xf32>
    %sub3A = arith.constant 1.000000e+00 : f32
    %sub3A_17 = vector.broadcast %sub3A : f32 to vector<320x128xf32>
    %sub3A_18 = arith.subf %exp3A, %sub3A_17 : vector<320x128xf32>
    %select_n3A = arith.select %gt3A_14, %add3A_12, %sub3A_18 : vector<320x128xi1>, vector<320x128xf32>
    %mul3A_19 = arith.mulf %get3A_5, %select_n3A : vector<320x128xf32>
    %get3A_20 = arith.constant 0 : index
    %get3A_21 = arith.constant 0 : index
    %get3A_22 = vector.load %arg4[%get3A_20, %get3A_21] : memref<128x256xf32, #tpu.memory_space<vmem>>, vector<128x256xf32>
    %dot_general3A = arith.constant dense<0.000000e+00> : vector<320x256xf32>
    %dot_general3A_23 = tpu.matmul %mul3A_19, %get3A_22, %dot_general3A {dimension_numbers = #tpu.dot_dimension_numbers<[1], [0], [0], [1], [0, 0, 1, 1], [], []>, transpose_lhs_hint = false} : vector<320x128xf32>, vector<128x256xf32>, vector<320x256xf32> -> vector<320x256xf32>
    %swap3A = arith.constant 0 : index
    %swap3A_24 = arith.constant 0 : index
    %swap3A_25 = vector.load %arg5[%swap3A, %swap3A_24] : memref<320x256xf32, #tpu.memory_space<vmem>>, vector<320x256xf32>
    tpu.vector_store %arg5[%swap3A, %swap3A_24], %dot_general3A_23 {strides = array<i32>} : memref<320x256xf32, #tpu.memory_space<vmem>>, vector<320x256xf32>,
    return
  }
  func.func @transform_0(%arg0: i32) -> (i32, i32, i32) {
    %c0_i32 = arith.constant 0 : i32
    %c0_i32_0 = arith.constant 0 : i32
    %c0_i32_1 = arith.constant 0 : i32
    return %c0_i32, %arg0, %c0_i32_0 : i32, i32, i32
  }
  func.func @transform_1(%arg0: i32) -> (i32, i32) {
    %c0_i32 = arith.constant 0 : i32
    %c0_i32_0 = arith.constant 0 : i32
    return %arg0, %c0_i32 : i32, i32
  }
  func.func @transform_2(%arg0: i32) -> (i32, i32) {
    %c0_i32 = arith.constant 0 : i32
    %c0_i32_0 = arith.constant 0 : i32
    %c0_i32_1 = arith.constant 0 : i32
    return %c0_i32, %c0_i32_0 : i32, i32
  }
  func.func @transform_3(%arg0: i32) -> (i32, i32) {
    %c0_i32 = arith.constant 0 : i32
    %c0_i32_0 = arith.constant 0 : i32
    %c0_i32_1 = arith.constant 0 : i32
    return %c0_i32, %c0_i32_0 : i32, i32
  }
  func.func @transform_4(%arg0: i32) -> (i32, i32) {
    %c0_i32 = arith.constant 0 : i32
    %c0_i32_0 = arith.constant 0 : i32
    return %arg0, %c0_i32 : i32, i32
  }
}

module attributes {stable_mosaic.version = 14 : i64} {
  func.func @body(%arg0: i32, %arg1: memref<2x640x128xf32, #tpu.memory_space<vmem>>, %arg2: memref<640x128xf32, #tpu.memory_space<vmem>>, %arg3: memref<1x128xf32, #tpu.memory_space<vmem>>, %arg4: memref<128x256xf32, #tpu.memory_space<vmem>>, %arg5: memref<640x256xf32, #tpu.memory_space<vmem>>) attributes {dimension_semantics = [#tpu.dimension_semantics<arbitrary>], iteration_bounds = array<i64: 4>, scalar_prefetch = 0 : i64, scratch_operands = 0 : i64, tpu.core_type = #tpu.core_type<tc>, window_params = [{transform_indices = @transform_0, window_bounds = array<i64: 2, 640, 128>}, {transform_indices = @transform_1, window_bounds = array<i64: 640, 128>}, {pipeline_mode = #tpu.pipeline_mode<synchronous>, transform_indices = @transform_2, window_bounds = array<i64: 1, 128>}, {pipeline_mode = #tpu.pipeline_mode<synchronous>, transform_indices = @transform_3, window_bounds = array<i64: 128, 256>}, {transform_indices = @transform_4, window_bounds = array<i64: 640, 256>}]} {
    %get3A = arith.constant 0 : index
    %get3A_0 = arith.constant 0 : index
    %get3A_1 = arith.constant 0 : index
    %get3A_2 = vector.load %arg1[%get3A, %get3A_0, %get3A_1] : memref<2x640x128xf32, #tpu.memory_space<vmem>>, vector<2x640x128xf32>
    %get3A_3 = arith.constant 0 : index
    %get3A_4 = arith.constant 0 : index
    %get3A_5 = vector.load %arg2[%get3A_3, %get3A_4] : memref<640x128xf32, #tpu.memory_space<vmem>>, vector<640x128xf32>
    %slice3A = vector.extract_strided_slice %get3A_2 {offsets = [0, 0, 0], sizes = [1, 640, 128], strides = [1, 1, 1]} : vector<2x640x128xf32> to vector<1x640x128xf32>
    %squeeze3A = vector.shape_cast %slice3A : vector<1x640x128xf32> to vector<640x128xf32>
    %slice3A_6 = vector.extract_strided_slice %get3A_2 {offsets = [1, 0, 0], sizes = [1, 640, 128], strides = [1, 1, 1]} : vector<2x640x128xf32> to vector<1x640x128xf32>
    %squeeze3A_7 = vector.shape_cast %slice3A_6 : vector<1x640x128xf32> to vector<640x128xf32>
    %add3A = arith.addf %squeeze3A, %squeeze3A_7 : vector<640x128xf32>
    %mul3A = arith.mulf %get3A_5, %add3A : vector<640x128xf32>
    %get3A_8 = arith.constant 0 : index
    %get3A_9 = arith.constant 0 : index
    %get3A_10 = vector.load %arg3[%get3A_8, %get3A_9] : memref<1x128xf32, #tpu.memory_space<vmem>>, vector<1x128xf32>
    %add3A_11 = vector.broadcast %get3A_10 : vector<1x128xf32> to vector<640x128xf32>
    %add3A_12 = arith.addf %mul3A, %add3A_11 : vector<640x128xf32>
    %gt3A = arith.constant 0.000000e+00 : f32
    %gt3A_13 = vector.broadcast %gt3A : f32 to vector<640x128xf32>
    %gt3A_14 = arith.cmpf ogt, %add3A_12, %gt3A_13 : vector<640x128xf32>
    %min3A = arith.constant 0.000000e+00 : f32
    %min3A_15 = vector.broadcast %min3A : f32 to vector<640x128xf32>
    %min3A_16 = arith.minimumf %add3A_12, %min3A_15 : vector<640x128xf32>
    %exp3A = math.exp %min3A_16 : vector<640x128xf32>
    %sub3A = arith.constant 1.000000e+00 : f32
    %sub3A_17 = vector.broadcast %sub3A : f32 to vector<640x128xf32>
    %sub3A_18 = arith.subf %exp3A, %sub3A_17 : vector<640x128xf32>
    %select_n3A = arith.select %gt3A_14, %add3A_12, %sub3A_18 : vector<640x128xi1>, vector<640x128xf32>
    %mul3A_19 = arith.mulf %get3A_5, %select_n3A : vector<640x128xf32>
    %get3A_20 = arith.constant 0 : index
    %get3A_21 = arith.constant 0 : index
    %get3A_22 = vector.load %arg4[%get3A_20, %get3A_21] : memref<128x256xf32, #tpu.memory_space<vmem>>, vector<128x256xf32>
    %dot_general3A = arith.constant dense<0.000000e+00> : vector<640x256xf32>
    %dot_general3A_23 = tpu.matmul %mul3A_19, %get3A_22, %dot_general3A {dimension_numbers = #tpu.dot_dimension_numbers<[1], [0], [0], [1], [0, 0, 1, 1], [], []>, transpose_lhs_hint = false} : vector<640x128xf32>, vector<128x256xf32>, vector<640x256xf32> -> vector<640x256xf32>
    %swap3A = arith.constant 0 : index
    %swap3A_24 = arith.constant 0 : index
    %swap3A_25 = vector.load %arg5[%swap3A, %swap3A_24] : memref<640x256xf32, #tpu.memory_space<vmem>>, vector<640x256xf32>
    tpu.vector_store %arg5[%swap3A, %swap3A_24], %dot_general3A_23 {strides = array<i32>} : memref<640x256xf32, #tpu.memory_space<vmem>>, vector<640x256xf32>,
    return
  }
  func.func @transform_0(%arg0: i32) -> (i32, i32, i32) {
    %c0_i32 = arith.constant 0 : i32
    %c0_i32_0 = arith.constant 0 : i32
    %c0_i32_1 = arith.constant 0 : i32
    return %c0_i32, %arg0, %c0_i32_0 : i32, i32, i32
  }
  func.func @transform_1(%arg0: i32) -> (i32, i32) {
    %c0_i32 = arith.constant 0 : i32
    %c0_i32_0 = arith.constant 0 : i32
    return %arg0, %c0_i32 : i32, i32
  }
  func.func @transform_2(%arg0: i32) -> (i32, i32) {
    %c0_i32 = arith.constant 0 : i32
    %c0_i32_0 = arith.constant 0 : i32
    %c0_i32_1 = arith.constant 0 : i32
    return %c0_i32, %c0_i32_0 : i32, i32
  }
  func.func @transform_3(%arg0: i32) -> (i32, i32) {
    %c0_i32 = arith.constant 0 : i32
    %c0_i32_0 = arith.constant 0 : i32
    %c0_i32_1 = arith.constant 0 : i32
    return %c0_i32, %c0_i32_0 : i32, i32
  }
  func.func @transform_4(%arg0: i32) -> (i32, i32) {
    %c0_i32 = arith.constant 0 : i32
    %c0_i32_0 = arith.constant 0 : i32
    return %arg0, %c0_i32 : i32, i32
  }
}

module attributes {stable_mosaic.version = 14 : i64} {
  func.func @body(%arg0: i32, %arg1: memref<2x1280x128xf32, #tpu.memory_space<vmem>>, %arg2: memref<1280x128xf32, #tpu.memory_space<vmem>>, %arg3: memref<1x128xf32, #tpu.memory_space<vmem>>, %arg4: memref<128x64xf32, #tpu.memory_space<vmem>>, %arg5: memref<1x64xf32, #tpu.memory_space<vmem>>, %arg6: memref<64x32xf32, #tpu.memory_space<vmem>>, %arg7: memref<1x32xf32, #tpu.memory_space<vmem>>, %arg8: memref<32x4xf32, #tpu.memory_space<vmem>>, %arg9: memref<1x4xf32, #tpu.memory_space<vmem>>, %arg10: memref<1280x4xf32, #tpu.memory_space<vmem>>) attributes {dimension_semantics = [#tpu.dimension_semantics<arbitrary>], iteration_bounds = array<i64: 4>, scalar_prefetch = 0 : i64, scratch_operands = 0 : i64, tpu.core_type = #tpu.core_type<tc>, window_params = [{transform_indices = @transform_0, window_bounds = array<i64: 2, 1280, 128>}, {transform_indices = @transform_1, window_bounds = array<i64: 1280, 128>}, {pipeline_mode = #tpu.pipeline_mode<synchronous>, transform_indices = @transform_2, window_bounds = array<i64: 1, 128>}, {pipeline_mode = #tpu.pipeline_mode<synchronous>, transform_indices = @transform_3, window_bounds = array<i64: 128, 64>}, {pipeline_mode = #tpu.pipeline_mode<synchronous>, transform_indices = @transform_4, window_bounds = array<i64: 1, 64>}, {pipeline_mode = #tpu.pipeline_mode<synchronous>, transform_indices = @transform_5, window_bounds = array<i64: 64, 32>}, {pipeline_mode = #tpu.pipeline_mode<synchronous>, transform_indices = @transform_6, window_bounds = array<i64: 1, 32>}, {pipeline_mode = #tpu.pipeline_mode<synchronous>, transform_indices = @transform_7, window_bounds = array<i64: 32, 4>}, {pipeline_mode = #tpu.pipeline_mode<synchronous>, transform_indices = @transform_8, window_bounds = array<i64: 1, 4>}, {transform_indices = @transform_9, window_bounds = array<i64: 1280, 4>}]} {
    %get3A = arith.constant 0 : index
    %get3A_0 = arith.constant 0 : index
    %get3A_1 = arith.constant 0 : index
    %get3A_2 = vector.load %arg1[%get3A, %get3A_0, %get3A_1] : memref<2x1280x128xf32, #tpu.memory_space<vmem>>, vector<2x1280x128xf32>
    %get3A_3 = arith.constant 0 : index
    %get3A_4 = arith.constant 0 : index
    %get3A_5 = vector.load %arg2[%get3A_3, %get3A_4] : memref<1280x128xf32, #tpu.memory_space<vmem>>, vector<1280x128xf32>
    %slice3A = vector.extract_strided_slice %get3A_2 {offsets = [0, 0, 0], sizes = [1, 1280, 128], strides = [1, 1, 1]} : vector<2x1280x128xf32> to vector<1x1280x128xf32>
    %squeeze3A = vector.shape_cast %slice3A : vector<1x1280x128xf32> to vector<1280x128xf32>
    %slice3A_6 = vector.extract_strided_slice %get3A_2 {offsets = [1, 0, 0], sizes = [1, 1280, 128], strides = [1, 1, 1]} : vector<2x1280x128xf32> to vector<1x1280x128xf32>
    %squeeze3A_7 = vector.shape_cast %slice3A_6 : vector<1x1280x128xf32> to vector<1280x128xf32>
    %add3A = arith.addf %squeeze3A, %squeeze3A_7 : vector<1280x128xf32>
    %mul3A = arith.mulf %get3A_5, %add3A : vector<1280x128xf32>
    %get3A_8 = arith.constant 0 : index
    %get3A_9 = arith.constant 0 : index
    %get3A_10 = vector.load %arg3[%get3A_8, %get3A_9] : memref<1x128xf32, #tpu.memory_space<vmem>>, vector<1x128xf32>
    %add3A_11 = vector.broadcast %get3A_10 : vector<1x128xf32> to vector<1280x128xf32>
    %add3A_12 = arith.addf %mul3A, %add3A_11 : vector<1280x128xf32>
    %gt3A = arith.constant 0.000000e+00 : f32
    %gt3A_13 = vector.broadcast %gt3A : f32 to vector<1280x128xf32>
    %gt3A_14 = arith.cmpf ogt, %add3A_12, %gt3A_13 : vector<1280x128xf32>
    %min3A = arith.constant 0.000000e+00 : f32
    %min3A_15 = vector.broadcast %min3A : f32 to vector<1280x128xf32>
    %min3A_16 = arith.minimumf %add3A_12, %min3A_15 : vector<1280x128xf32>
    %exp3A = math.exp %min3A_16 : vector<1280x128xf32>
    %sub3A = arith.constant 1.000000e+00 : f32
    %sub3A_17 = vector.broadcast %sub3A : f32 to vector<1280x128xf32>
    %sub3A_18 = arith.subf %exp3A, %sub3A_17 : vector<1280x128xf32>
    %select_n3A = arith.select %gt3A_14, %add3A_12, %sub3A_18 : vector<1280x128xi1>, vector<1280x128xf32>
    %get3A_19 = arith.constant 0 : index
    %get3A_20 = arith.constant 0 : index
    %get3A_21 = vector.load %arg4[%get3A_19, %get3A_20] : memref<128x64xf32, #tpu.memory_space<vmem>>, vector<128x64xf32>
    %dot_general3A = arith.constant dense<0.000000e+00> : vector<1280x64xf32>
    %dot_general3A_22 = tpu.matmul %select_n3A, %get3A_21, %dot_general3A {dimension_numbers = #tpu.dot_dimension_numbers<[1], [0], [0], [1], [0, 0, 1, 1], [], []>, transpose_lhs_hint = false} : vector<1280x128xf32>, vector<128x64xf32>, vector<1280x64xf32> -> vector<1280x64xf32>
    %get3A_23 = arith.constant 0 : index
    %get3A_24 = arith.constant 0 : index
    %get3A_25 = vector.load %arg5[%get3A_23, %get3A_24] : memref<1x64xf32, #tpu.memory_space<vmem>>, vector<1x64xf32>
    %add3A_26 = vector.broadcast %get3A_25 : vector<1x64xf32> to vector<1280x64xf32>
    %add3A_27 = arith.addf %dot_general3A_22, %add3A_26 : vector<1280x64xf32>
    %gt3A_28 = arith.constant 0.000000e+00 : f32
    %gt3A_29 = vector.broadcast %gt3A_28 : f32 to vector<1280x64xf32>
    %gt3A_30 = arith.cmpf ogt, %add3A_27, %gt3A_29 : vector<1280x64xf32>
    %min3A_31 = arith.constant 0.000000e+00 : f32
    %min3A_32 = vector.broadcast %min3A_31 : f32 to vector<1280x64xf32>
    %min3A_33 = arith.minimumf %add3A_27, %min3A_32 : vector<1280x64xf32>
    %exp3A_34 = math.exp %min3A_33 : vector<1280x64xf32>
    %sub3A_35 = arith.constant 1.000000e+00 : f32
    %sub3A_36 = vector.broadcast %sub3A_35 : f32 to vector<1280x64xf32>
    %sub3A_37 = arith.subf %exp3A_34, %sub3A_36 : vector<1280x64xf32>
    %select_n3A_38 = arith.select %gt3A_30, %add3A_27, %sub3A_37 : vector<1280x64xi1>, vector<1280x64xf32>
    %get3A_39 = arith.constant 0 : index
    %get3A_40 = arith.constant 0 : index
    %get3A_41 = vector.load %arg6[%get3A_39, %get3A_40] : memref<64x32xf32, #tpu.memory_space<vmem>>, vector<64x32xf32>
    %dot_general3A_42 = arith.constant dense<0.000000e+00> : vector<1280x32xf32>
    %dot_general3A_43 = tpu.matmul %select_n3A_38, %get3A_41, %dot_general3A_42 {dimension_numbers = #tpu.dot_dimension_numbers<[1], [0], [0], [1], [0, 0, 1, 1], [], []>, transpose_lhs_hint = false} : vector<1280x64xf32>, vector<64x32xf32>, vector<1280x32xf32> -> vector<1280x32xf32>
    %get3A_44 = arith.constant 0 : index
    %get3A_45 = arith.constant 0 : index
    %get3A_46 = vector.load %arg7[%get3A_44, %get3A_45] : memref<1x32xf32, #tpu.memory_space<vmem>>, vector<1x32xf32>
    %add3A_47 = vector.broadcast %get3A_46 : vector<1x32xf32> to vector<1280x32xf32>
    %add3A_48 = arith.addf %dot_general3A_43, %add3A_47 : vector<1280x32xf32>
    %gt3A_49 = arith.constant 0.000000e+00 : f32
    %gt3A_50 = vector.broadcast %gt3A_49 : f32 to vector<1280x32xf32>
    %gt3A_51 = arith.cmpf ogt, %add3A_48, %gt3A_50 : vector<1280x32xf32>
    %min3A_52 = arith.constant 0.000000e+00 : f32
    %min3A_53 = vector.broadcast %min3A_52 : f32 to vector<1280x32xf32>
    %min3A_54 = arith.minimumf %add3A_48, %min3A_53 : vector<1280x32xf32>
    %exp3A_55 = math.exp %min3A_54 : vector<1280x32xf32>
    %sub3A_56 = arith.constant 1.000000e+00 : f32
    %sub3A_57 = vector.broadcast %sub3A_56 : f32 to vector<1280x32xf32>
    %sub3A_58 = arith.subf %exp3A_55, %sub3A_57 : vector<1280x32xf32>
    %select_n3A_59 = arith.select %gt3A_51, %add3A_48, %sub3A_58 : vector<1280x32xi1>, vector<1280x32xf32>
    %get3A_60 = arith.constant 0 : index
    %get3A_61 = arith.constant 0 : index
    %get3A_62 = vector.load %arg8[%get3A_60, %get3A_61] : memref<32x4xf32, #tpu.memory_space<vmem>>, vector<32x4xf32>
    %dot_general3A_63 = arith.constant dense<0.000000e+00> : vector<1280x4xf32>
    %dot_general3A_64 = tpu.matmul %select_n3A_59, %get3A_62, %dot_general3A_63 {dimension_numbers = #tpu.dot_dimension_numbers<[1], [0], [0], [1], [0, 0, 1, 1], [], []>, transpose_lhs_hint = false} : vector<1280x32xf32>, vector<32x4xf32>, vector<1280x4xf32> -> vector<1280x4xf32>
    %get3A_65 = arith.constant 0 : index
    %get3A_66 = arith.constant 0 : index
    %get3A_67 = vector.load %arg9[%get3A_65, %get3A_66] : memref<1x4xf32, #tpu.memory_space<vmem>>, vector<1x4xf32>
    %add3A_68 = vector.broadcast %get3A_67 : vector<1x4xf32> to vector<1280x4xf32>
    %add3A_69 = arith.addf %dot_general3A_64, %add3A_68 : vector<1280x4xf32>
    %slice3A_70 = vector.extract_strided_slice %add3A_69 {offsets = [0, 0], sizes = [1280, 2], strides = [1, 1]} : vector<1280x4xf32> to vector<1280x2xf32>
    %reduce_max3A = arith.constant dense<0xFF800000> : vector<1280xf32>
    %reduce_max3A_71 = vector.multi_reduction <maximumf>, %slice3A_70, %reduce_max3A [1] : vector<1280x2xf32> to vector<1280xf32>
    %broadcast_in_dim3A = vector.shape_cast %reduce_max3A_71 : vector<1280xf32> to vector<1280x1xf32>
    %sub3A_72 = vector.broadcast %broadcast_in_dim3A : vector<1280x1xf32> to vector<1280x2xf32>
    %sub3A_73 = arith.subf %slice3A_70, %sub3A_72 : vector<1280x2xf32>
    %exp3A_74 = math.exp %sub3A_73 : vector<1280x2xf32>
    %reduce_sum3A = arith.constant dense<0.000000e+00> : vector<1280xf32>
    %reduce_sum3A_75 = vector.multi_reduction <add>, %exp3A_74, %reduce_sum3A [1] : vector<1280x2xf32> to vector<1280xf32>
    %broadcast_in_dim3A_76 = vector.shape_cast %reduce_sum3A_75 : vector<1280xf32> to vector<1280x1xf32>
    %log3A = math.log %broadcast_in_dim3A_76 : vector<1280x1xf32>
    %add3A_77 = arith.addf %broadcast_in_dim3A, %log3A : vector<1280x1xf32>
    %sub3A_78 = vector.broadcast %add3A_77 : vector<1280x1xf32> to vector<1280x2xf32>
    %sub3A_79 = arith.subf %slice3A_70, %sub3A_78 : vector<1280x2xf32>
    %slice3A_80 = vector.extract_strided_slice %add3A_69 {offsets = [0, 2], sizes = [1280, 2], strides = [1, 1]} : vector<1280x4xf32> to vector<1280x2xf32>
    %reduce_max3A_81 = arith.constant dense<0xFF800000> : vector<1280xf32>
    %reduce_max3A_82 = vector.multi_reduction <maximumf>, %slice3A_80, %reduce_max3A_81 [1] : vector<1280x2xf32> to vector<1280xf32>
    %broadcast_in_dim3A_83 = vector.shape_cast %reduce_max3A_82 : vector<1280xf32> to vector<1280x1xf32>
    %sub3A_84 = vector.broadcast %broadcast_in_dim3A_83 : vector<1280x1xf32> to vector<1280x2xf32>
    %sub3A_85 = arith.subf %slice3A_80, %sub3A_84 : vector<1280x2xf32>
    %exp3A_86 = math.exp %sub3A_85 : vector<1280x2xf32>
    %reduce_sum3A_87 = arith.constant dense<0.000000e+00> : vector<1280xf32>
    %reduce_sum3A_88 = vector.multi_reduction <add>, %exp3A_86, %reduce_sum3A_87 [1] : vector<1280x2xf32> to vector<1280xf32>
    %broadcast_in_dim3A_89 = vector.shape_cast %reduce_sum3A_88 : vector<1280xf32> to vector<1280x1xf32>
    %log3A_90 = math.log %broadcast_in_dim3A_89 : vector<1280x1xf32>
    %add3A_91 = arith.addf %broadcast_in_dim3A_83, %log3A_90 : vector<1280x1xf32>
    %sub3A_92 = vector.broadcast %add3A_91 : vector<1280x1xf32> to vector<1280x2xf32>
    %sub3A_93 = arith.subf %slice3A_80, %sub3A_92 : vector<1280x2xf32>
    %concatenate3A = tpu.concatenate %sub3A_79, %sub3A_93 in 1 : vector<1280x2xf32>, vector<1280x2xf32> -> vector<1280x4xf32>
    %swap3A = arith.constant 0 : index
    %swap3A_94 = arith.constant 0 : index
    %swap3A_95 = vector.load %arg10[%swap3A, %swap3A_94] : memref<1280x4xf32, #tpu.memory_space<vmem>>, vector<1280x4xf32>
    tpu.vector_store %arg10[%swap3A, %swap3A_94], %concatenate3A {strides = array<i32>} : memref<1280x4xf32, #tpu.memory_space<vmem>>, vector<1280x4xf32>,
    return
  }
  func.func @transform_0(%arg0: i32) -> (i32, i32, i32) {
    %c0_i32 = arith.constant 0 : i32
    %c0_i32_0 = arith.constant 0 : i32
    %c0_i32_1 = arith.constant 0 : i32
    return %c0_i32, %arg0, %c0_i32_0 : i32, i32, i32
  }
  func.func @transform_1(%arg0: i32) -> (i32, i32) {
    %c0_i32 = arith.constant 0 : i32
    %c0_i32_0 = arith.constant 0 : i32
    return %arg0, %c0_i32 : i32, i32
  }
  func.func @transform_2(%arg0: i32) -> (i32, i32) {
    %c0_i32 = arith.constant 0 : i32
    %c0_i32_0 = arith.constant 0 : i32
    %c0_i32_1 = arith.constant 0 : i32
    return %c0_i32, %c0_i32_0 : i32, i32
  }
  func.func @transform_3(%arg0: i32) -> (i32, i32) {
    %c0_i32 = arith.constant 0 : i32
    %c0_i32_0 = arith.constant 0 : i32
    %c0_i32_1 = arith.constant 0 : i32
    return %c0_i32, %c0_i32_0 : i32, i32
  }
  func.func @transform_4(%arg0: i32) -> (i32, i32) {
    %c0_i32 = arith.constant 0 : i32
    %c0_i32_0 = arith.constant 0 : i32
    %c0_i32_1 = arith.constant 0 : i32
    return %c0_i32, %c0_i32_0 : i32, i32
  }
  func.func @transform_5(%arg0: i32) -> (i32, i32) {
    %c0_i32 = arith.constant 0 : i32
    %c0_i32_0 = arith.constant 0 : i32
    %c0_i32_1 = arith.constant 0 : i32
    return %c0_i32, %c0_i32_0 : i32, i32
  }
  func.func @transform_6(%arg0: i32) -> (i32, i32) {
    %c0_i32 = arith.constant 0 : i32
    %c0_i32_0 = arith.constant 0 : i32
    %c0_i32_1 = arith.constant 0 : i32
    return %c0_i32, %c0_i32_0 : i32, i32
  }
  func.func @transform_7(%arg0: i32) -> (i32, i32) {
    %c0_i32 = arith.constant 0 : i32
    %c0_i32_0 = arith.constant 0 : i32
    %c0_i32_1 = arith.constant 0 : i32
    return %c0_i32, %c0_i32_0 : i32, i32
  }
  func.func @transform_8(%arg0: i32) -> (i32, i32) {
    %c0_i32 = arith.constant 0 : i32
    %c0_i32_0 = arith.constant 0 : i32
    %c0_i32_1 = arith.constant 0 : i32
    return %c0_i32, %c0_i32_0 : i32, i32
  }
  func.func @transform_9(%arg0: i32) -> (i32, i32) {
    %c0_i32 = arith.constant 0 : i32
    %c0_i32_0 = arith.constant 0 : i32
    return %arg0, %c0_i32 : i32, i32
  }
}

</mosaic_0001>

<sc_bundles>
// kernel: kernel.12.cloned.1.call-start
scs
__scs_entry_jumppad:
0x0: {  	(pc) =	sbr.rel $0x88, $3  }
0x1: {  	(tag) =	ssettag $0x0;
	lr =	simm.s32 $0x1  }
0x2: {  	[smem:$0x3F93] =	sst lr;
	_ =	strace $0xD0000000  }
0x3: {  	_ = 	snop  }
0x4: {  	_ = 	snop  }
0x5: {  	_ = 	snop  }
0x6: {  	_ = 	snop  }
0x7: {  	_ = 	snop  }
__scs_overlays_trampoline_lowered:
0x8: {  	[smem:$0x3FA2] =	sst s0  }
0x9: {  	[smem:$0x3FA3] =	sst s1  }
0xa: {  	[smem:$0x3FA4] =	sst s2  }
0xb: {  	[smem:$0x3FA5] =	sst s3  }
0xc: {  	[smem:$0x3FA6] =	sst s4  }
0xd: {  	[smem:$0x3FA7] =	sst s5  }
0xe: {  	[smem:$0x3FA8] =	sst s6  }
0xf: {  	[smem:$0x3FA9] =	sst s7  }
0x10: {  	[smem:$0x3FAA] =	sst s8  }
0x11: {  	[smem:$0x3FAB] =	sst s9;
	s0 =	simm.s32 @!p0 $0x0  }
0x12: {  	s1 =	sld [smem:$0x3F91];
	s0 =	simm.s32 @p0 $0x1  }
0x13: {  	[smem:$0x3FAC] =	sst s0;
	s0 =	simm.s32 @!p1 $0x0  }
0x14: {  	s2 =	sld [smem:$0x3F90];
	s0 =	simm.s32 @p1 $0x1  }
0x15: {  	[smem:$0x3FAD] =	sst s0;
	s0 =	simm.s32 @!p2 $0x0  }
0x16: {  	s3 =	sld [smem:$0x3FDB];
	s0 =	simm.s32 @p2 $0x1  }
0x17: {  	s4 =	simm.s32 $0x1BF5;
	[smem:$0x3FAF] =	sst s0  }
0x18: {  	s0 =	sld [smem:$0x3F92];
	_ =	swait.ge [sflag:s4], $0x0  }
0x19: {  	s7 =	sld [smem:$0x3F93]  }
0x1a: {  	s8 =	sadd.s32 $0xFFFFE003, lr  }
0x1b: {  	s9 =	sadd.s32 $0xFFFFFEF7, lr;
	s5 =	simm.s32 $0xFFFFFFFF;
	p2 =	slt.u32 s8, $0xFFFFF086  }
0x1c: {  	p1 =	slt.u32 s9, $0xF7A;
	s5 =	simm.s32 @!p2 $0x0  }
0x1d: {  	s5 =	simm.s32 @p1 $0x1;
	p0 =	seq.s32 s7, s2  }
0x1e: {  	s7 =	smul.u32 @!p0 $0xF7A, s2;
	p2 =	seq.s32 @!p0 s5, $0x0  }
0x1f: {  	s9 =	smul.u32 $0xF7A, s1;
	s8 =	simm.s32 @!p0 $0x1BF5;
	p2 =	por !p2, p0  }
0x20: {  	[sflag:s8] =	ssyncset.s32 @!p0 $0xFFFFF086;
	s6 =	sadd.s32 @!p0 s3, s7;
	s7 =	simm.s32 @!p0 $0x108  }
0x21: {  	s3 =	sadd.s32 s3, s9;
	s6 =	sadd.s32 @!p0 $0x88, s6;
	s7 =	simm.s32 @p2 $0x1082  }
0x22: {  	[simem:s7], [sflag:s8] =	dma.local @!p0 [hbm:s6], $0xF7A  }
0x23: {  	s9 =	sor.u32 $0xD0000000, s2;
	s6 =	simm.s32 $0x108;
	_ =	swait.ge @!p0 [sflag:s8], $0x0  }
0x24: {  	s3 =	sadd.s32 $0x88, s3;
	s6 =	simm.s32 @!p1 $0x1082;
	[sflag:s4] =	ssyncset.s32 $0xFFFFF086  }
0x25: {  	[simem:s6], [sflag:s4] =	dma.local [hbm:s3], $0xF7A  }
0x26: {  	[smem:$0x3F93] =	sst s1;
	(tag) =	ssettag s2;
	_ =	strace s9  }
0x27: {  	s1 =	sld [smem:$0x3FA3]  }
0x28: {  	s2 =	sld [smem:$0x3FA4]  }
0x29: {  	s4 =	sld [smem:$0x3FA6]  }
0x2a: {  	p0 =	seq.s32 s5, $0x0;
	s5 =	sld [smem:$0x3FA7]  }
0x2b: {  	s6 =	sld [smem:$0x3FA8]  }
0x2c: {  	s7 =	sld [smem:$0x3FA9]  }
0x2d: {  	s3 =	simm.s32 $0x108;
	s8 =	sld [smem:$0x3FAA]  }
0x2e: {  	s3 =	simm.s32 @!p0 $0x1082;
	s9 =	sld [smem:$0x3FAB]  }
0x2f: {  	lr =	sadd.s32 s0, s3;
	s0 =	sld [smem:$0x3FA2]  }
0x30: {  	s3 =	sld [smem:$0x3FA5]  }
0x31: {  	[smem:$0x3FAE] =	sst s10  }
0x32: {  	s10 =	sld [smem:$0x3FAC];
	_ =	sdelay $0x3  }
0x33: {  	p0 =	seq.s32 s10, $0x1;
	s10 =	sld [smem:$0x3FAE];
	_ =	sdelay $0x3  }
0x34: {  	[smem:$0x3FAE] =	sst s10  }
0x35: {  	s10 =	sld [smem:$0x3FAD];
	_ =	sdelay $0x3  }
0x36: {  	p1 =	seq.s32 s10, $0x1;
	s10 =	sld [smem:$0x3FAE];
	_ =	sdelay $0x3  }
0x37: {  	[smem:$0x3FAE] =	sst s10  }
0x38: {  	s10 =	sld [smem:$0x3FAF]  }
0x39: {  	_ = 	snop;
	(pc) =	sbr.ind lr, $3  }
0x3a: {  	_ = 	snop  }
0x3b: {  	_ = 	snop  }
0x3c: {  	p2 =	seq.s32 s10, $0x1;
	s10 =	sld [smem:$0x3FAE]  }
0x3d: {  	_ =	shalt  }
0x3e: {  	_ =	shalt  }
0x3f: {  	_ =	shalt  }
0x40: {  	_ =	shalt  }
0x41: {  	_ =	shalt  }
0x42: {  	_ =	shalt  }
0x43: {  	_ =	shalt  }
0x44: {  	_ =	shalt  }
0x45: {  	_ =	shalt  }
0x46: {  	_ =	shalt  }
0x47: {  	_ =	shalt  }
0x48: {  	_ =	shalt  }
0x49: {  	_ =	shalt  }
0x4a: {  	_ =	shalt  }
0x4b: {  	_ =	shalt  }
0x4c: {  	_ =	shalt  }
0x4d: {  	_ =	shalt  }
0x4e: {  	_ =	shalt  }
0x4f: {  	_ =	shalt  }
0x50: {  	_ =	shalt  }
0x51: {  	_ =	shalt  }
0x52: {  	_ =	shalt  }
0x53: {  	_ =	shalt  }
0x54: {  	_ =	shalt  }
0x55: {  	_ =	shalt  }
0x56: {  	_ =	shalt  }
0x57: {  	_ =	shalt  }
0x58: {  	_ =	shalt  }
0x59: {  	_ =	shalt  }
0x5a: {  	_ =	shalt  }
0x5b: {  	_ =	shalt  }
0x5c: {  	_ =	shalt  }
0x5d: {  	_ =	shalt  }
0x5e: {  	_ =	shalt  }
0x5f: {  	_ =	shalt  }
0x60: {  	_ =	shalt  }
0x61: {  	_ =	shalt  }
0x62: {  	_ =	shalt  }
0x63: {  	_ =	shalt  }
0x64: {  	_ =	shalt  }
0x65: {  	_ =	shalt  }
0x66: {  	_ =	shalt  }
0x67: {  	_ =	shalt  }
0x68: {  	_ =	shalt  }
0x69: {  	_ =	shalt  }
0x6a: {  	_ =	shalt  }
0x6b: {  	_ =	shalt  }
0x6c: {  	_ =	shalt  }
0x6d: {  	_ =	shalt  }
0x6e: {  	_ =	shalt  }
0x6f: {  	_ =	shalt  }
0x70: {  	_ =	shalt  }
0x71: {  	_ =	shalt  }
0x72: {  	_ =	shalt  }
0x73: {  	_ =	shalt  }
0x74: {  	_ =	shalt  }
0x75: {  	_ =	shalt  }
0x76: {  	_ =	shalt  }
0x77: {  	_ =	shalt  }
0x78: {  	_ =	shalt  }
0x79: {  	_ =	shalt  }
0x7a: {  	_ =	shalt  }
0x7b: {  	_ =	shalt  }
0x7c: {  	_ =	shalt  }
0x7d: {  	_ =	shalt  }
0x7e: {  	_ =	shalt  }
0x7f: {  	_ =	shalt  }
0x80: {  	_ =	shalt  }
0x81: {  	_ =	shalt  }
0x82: {  	_ =	shalt  }
0x83: {  	_ =	shalt  }
0x84: {  	_ =	shalt  }
0x85: {  	_ =	shalt  }
0x86: {  	_ =	shalt  }
0x87: {  	_ =	shalt  }
.Lfunc_end0:
.L_simem_size_0:
called_computation_lowered:
.L_overlay_start_0:
0x88: {  	s2 =	sld [smem:$0x3FD9]  }
0x89: {  	s3 =	sld [smem:$0x3FFE];
	_ =	sdelay $0x1  }
0x8a: {  	s1 =	srdreg.scid  }
0x8b: {  	s0 =	sand.u32 $0x1, s1  }
0x8c: {  	s17 =	sshll.u32 s0, $0xA;
	s2 =	sadd.s32 s3, s2  }
0x8d: {  	s2 =	sadd.s32 s2, s17  }
0x8e: {  	[smem:$0x3FBA] =	sst s2  }
0x8f: {  	_ = 	snop  }
0x90: {  	s2 =	sld [smem:$0x3FD0];
	(tm) =	ssettm $0x1  }
0x91: {  	s18 =	sld [smem:$0x3FFB];
	_ =	sdelay $0x3  }
0x92: {  	_ =	strace s18  }
0x93: {  	s3 =	sld [smem:$0x3FFC];
	_ =	sdelay $0x3  }
0x94: {  	_ =	strace s3  }
0x95: {  	s3 =	sld [smem:$0x3FFD];
	_ =	sdelay $0x3  }
0x96: {  	_ =	strace s3  }
0x97: {  	_ =	strace $0x8FFFFFFF  }
0x98: {  	s19 =	sld [smem:$0x3FDB];
	_ =	sdelay $0x1  }
0x99: {  	s4 =	simm.s32 $_scs_section_size  }
0x9a: {  	s5 =	simm.s32 $_size__tile_overlayer_lowered;
	s6 =	simm.s32 $_tile_overlayer_lowered  }
0x9b: {  	s22 =	simm.s32 $0x1BFF;
	s21 =	sshll.u32 s6, $0x1;
	s3 =	sadd.s32 s4, s19  }
0x9c: {  	s7 =	simm.s32 $0x0;
	s20 =	sshll.u32 s5, $0x1;
	s5 =	sadd.s32 s21, s3  }
0x9d: {  	[timem:s7], [sflag:s22] =	dma.local [hbm:s5], s20  }
0x9e: {  	_ =	swait.ge [sflag:s22], s20  }
0x9f: {  	s4 =	ssub.s32 $0x0, s20;
	[sflag:s22] =	ssyncset.done $0x0  }
0xa0: {  	[sflag:s22] =	ssyncadd.s32 s4;
	_ =	sdelay $0x1  }
0xa1: {  	s23 =	simm.s32 $0x1B8B  }
0xa2: {  	_ =	swait.ge [sflag:s23], $0x1  }
0xa3: {  	[sflag:s23] =	ssyncset.done $0x0  }
0xa4: {  	s25 =	simm.s32 $0x1B8E;
	s24 =	sld [smem:$0x3FFE];
	[sflag:s23] =	ssyncadd.s32 $0xFFFFFFFF  }
0xa5: {  	s26 =	simm.s32 $execute0_lowered;
	[smem:$0x3FD2] =	sst s25  }
0xa6: {  	s5 =	sshll.u32 s26, $0x1;
	_ =	strace $0x80000046;
	[dreg:$0x1] =	wrdreg $0xFFFFFFFF  }
0xa7: {  	s28 =	simm.s32 $_size_execute0_lowered;
	s3 =	sadd.s32 s3, s5;
	[dreg:$0x0] =	wrdreg $0x0  }
0xa8: {  	s5 =	sshll.u32 s28, $0x1;
	[dreg:$0x2] =	wrdreg s3  }
0xa9: {  	[dreg:$0x3] =	wrdreg s5  }
0xaa: {  	[dreg:$0x4] =	wrdreg $0xC0  }
0xab: {  	_ =	task [dreg:s7], $0x5FFFF  }
0xac: {  	[dreg:$0x1] =	wrdreg $0xFFFFFFFF  }
0xad: {  	[dreg:$0x0] =	wrdreg $0x60  }
0xae: {  	[dreg:$0x2] =	wrdreg s24  }
0xaf: {  	[dreg:$0x3] =	wrdreg s2  }
0xb0: {  	[dreg:$0x4] =	wrdreg $0x2C000  }
0xb1: {  	[dreg:$0x5] =	wrdreg $0x9  }
0xb2: {  	_ =	task.clear_ibuf [dreg:s7], $0x6FFFF;
	_ =	strace $0x90000046  }
0xb3: {  	s29 =	simm.s32 $0x9;
	_ =	strace $0x80000048  }
0xb4: {  	_ =	swait.ge [sflag:s29], $0x1  }
0xb5: {  	[sflag:s29] =	ssyncadd.s32 $0xFFFFFFFF  }
0xb6: {  	_ =	strace $0x90000048  }
0xb7: {  	_ =	sfence  }
0xb8: {  	s30 =	sld [smem:$0x0];
	_ =	sdelay $0x2  }
0xb9: {  	s31 =	sshll.u32 s1, $0xD;
	s1 =	sshrl.u32 s1, $0x2  }
0xba: {  	s3 =	sand.u32 $0x4000, s31;
	s1 =	sadd.s32 s1, s30  }
0xbb: {  	s0 =	sor.u32 s3, s0;
	s1 =	sshll.u32 s1, $0x11  }
0xbc: {  	s0 =	sor.u32 s1, s0  }
0xbd: {  	s0 =	sadd.s32 $0x8F2B, s0  }
0xbe: {  	[sflag:s0] =	ssyncadd.remote.s32 $0x1  }
0xbf: {  	_ =	sfence.sel $0xFFFF  }
0xc0: {  	[dreg:$0x0] =	wrdreg $0xFFFFFFFF;
	(pc) =	sbr.abs _section_cstart, $3  }
0xc1: {  	[dreg:$0x1] =	wrdreg $0xFFFFFFFF  }
0xc2: {  	_ =	task.clear_ibuf [dreg:s7], $0x2FFFF;
	_ =	strace $0x9FFFFFFF  }
0xc3: {  	(tm) =	ssettm $0x7FFFFFFF  }
tec
execute0_lowered:
.L_overlay_start_1:
0x0: {  	(tag) =	ssettag $0x1  }
0x1: {  	s6 =	rddreg [dreg:$0x0]  }
0x2: {  	s1 =	srdreg.scid;
	s2 =	rddreg [dreg:$0x1]  }
0x3: {  	s0 =	stileid.u32;
	s3 =	rddreg [dreg:$0x2]  }
0x4: {  	s4 =	simm.s32 $0x0;
	s13 =	simm.s32 $0x80;
	s14 =	simm.s32 $0x1  }
0x5: {  	s15 =	simm.s32 $0x2;
	s16 =	simm.s32 $0x3;
	s17 =	simm.s32 $0x4  }
0x6: {  	s18 =	simm.s32 $0x5;
	s19 =	simm.s32 $0x6;
	s20 =	simm.s32 $0x7  }
0x7: {  	s21 =	simm.s32 $0x8;
	s22 =	simm.s32 $0x0;
	s5 =	sand.u32 $0x1, s1  }
0x8: {  	s29 =	sshll.u32 s0, $0x1;
	s8 =	smul.u32 $0x1400, s0;
	[smem:$0x7FF] =	sst s4  }
0x9: {  	s31 =	sshll.u32 s0, $0x6;
	s1 =	sor.u32 s5, s29;
	s9 =	smul.u32 $0x14000, s5  }
0xa: {  	s5 =	ssub.s32 $0x2, s5;
	s7 =	smul.u32 $0x500, s1;
	s1 =	rddreg [dreg:$0x3]  }
0xb: {  	_ =	strace $0x80000047;
	s10 =	sshrl.u32 s8, $0x3;
	s30 =	sshrl.u32 s5, $0x1  }
0xc: {  	s12 =	sadd.s32 s8, s3;
	s9 =	sadd.s32 s8, s9;
	s10 =	sadd.s32 s10, s6  }
0xd: {  	s11 =	ssub.s32 s5, s30;
	s7 =	sadd.s32 s7, s6;
	s9 =	sshrl.u32 s9, $0x3  }
0xe: {  	s5 =	sadd.s32 $0x16800, s10;
	s10 =	sshrl.u32 s12, $0x3;
	s12 =	simm.s32 $0x2800  }
0xf: {  	s9 =	sadd.s32 s9, s6;
	s6 =	sor.u32 $0x1C09, s31;
	s7 =	sadd.s32 $0xC800, s7  }
0x10: {  	s8 =	sadd.s32 $0x19000, s9;
	s9 =	smax.u32 s11, $0x1;
	s11 =	simm.s32 $0x9  }
.LBB2_1:
0x11: {  	[spmem:s10], [sflag:s6] =	dma.local [hbm:s5], $0x280  }
0x12: {  	_ =	swait.ge [sflag:s11], $0x280  }
0x13: {  	[sflag:s11] =	ssyncset.done $0x0  }
0x14: {  	[sflag:s11] =	ssyncadd.s32 $0xFFFFFD80  }
0x15: {  	[tilespmem:s12], [sflag:$0x9] =	stream.linear.gather [hbm4b:s2+s4], $0x400, $0x38;
	[tilespmem:$0x4000] =	vst v63  }
0x16: {  	_ =	swait.ge [sflag:s11], $0x400  }
0x17: {  	[sflag:s11] =	ssyncset.done $0x0  }
0x18: {  	[sflag:s11] =	ssyncadd.s32 $0xFFFFFC00  }
0x19: {  	[tilespmem:s4], [sflag:$0x9] =	stream.linear.gather [hbm4b:s7+s4], $0x2800, $0x38;
	[tilespmem:$0x4000] =	vst v63  }
0x1a: {  	_ =	swait.ge [sflag:s11], $0x2800  }
0x1b: {  	[sflag:s11] =	ssyncset.done $0x0  }
0x1c: {  	[sflag:s11] =	ssyncadd.s32 $0xFFFFD800  }
0x1d: {  	s23 =	simm.s32 $0x0;
	[bflag:$0x0] =	sbarrier.arrive $0xFFFF  }
0x1e: {  	[spmem:s3] =	stream.indirect.scatter.add.f32 [tilespmem:s12], [sflag:$0x1], $0x8, s23, s13, $0xb8;
	[tilespmem:$0x4000] =	vst v63  }
0x1f: {  	s24 =	simm.s32 $0x80  }
0x20: {  	[spmem:s3] =	stream.indirect.scatter.add.f32 [tilespmem:s12], [sflag:$0x2], $0x8, s24, s13, $0xb8;
	[tilespmem:$0x4000] =	vst v63  }
0x21: {  	s25 =	simm.s32 $0x100  }
0x22: {  	[spmem:s3] =	stream.indirect.scatter.add.f32 [tilespmem:s12], [sflag:$0x3], $0x8, s25, s13, $0xb8;
	[tilespmem:$0x4000] =	vst v63  }
0x23: {  	s26 =	simm.s32 $0x180  }
0x24: {  	[spmem:s3] =	stream.indirect.scatter.add.f32 [tilespmem:s12], [sflag:$0x4], $0x8, s26, s13, $0xb8;
	[tilespmem:$0x4000] =	vst v63  }
0x25: {  	s28 =	simm.s32 $0x200  }
0x26: {  	[spmem:s3] =	stream.indirect.scatter.add.f32 [tilespmem:s12], [sflag:$0x5], $0x8, s28, s13, $0xb8;
	[tilespmem:$0x4000] =	vst v63  }
0x27: {  	s29 =	simm.s32 $0x280  }
0x28: {  	[spmem:s3] =	stream.indirect.scatter.add.f32 [tilespmem:s12], [sflag:$0x6], $0x8, s29, s13, $0xb8;
	[tilespmem:$0x4000] =	vst v63  }
0x29: {  	s30 =	simm.s32 $0x300  }
0x2a: {  	[spmem:s3] =	stream.indirect.scatter.add.f32 [tilespmem:s12], [sflag:$0x7], $0x8, s30, s13, $0xb8;
	[tilespmem:$0x4000] =	vst v63  }
0x2b: {  	s31 =	simm.s32 $0x380  }
0x2c: {  	[spmem:s3] =	stream.indirect.scatter.add.f32 [tilespmem:s12], [sflag:$0x8], $0x8, s31, s13, $0xb8;
	[tilespmem:$0x4000] =	vst v63  }
0x2d: {  	_ =	swait.ge [sflag:s14], $0x400  }
0x2e: {  	[sflag:s14] =	ssyncset.done $0x0  }
0x2f: {  	[sflag:s14] =	ssyncadd.s32 $0xFFFFFC00  }
0x30: {  	_ =	swait.ge [sflag:s15], $0x400  }
0x31: {  	[sflag:s15] =	ssyncset.done $0x0  }
0x32: {  	[sflag:s15] =	ssyncadd.s32 $0xFFFFFC00  }
0x33: {  	_ =	swait.ge [sflag:s16], $0x400  }
0x34: {  	[sflag:s16] =	ssyncset.done $0x0  }
0x35: {  	[sflag:s16] =	ssyncadd.s32 $0xFFFFFC00  }
0x36: {  	_ =	swait.ge [sflag:s17], $0x400  }
0x37: {  	[sflag:s17] =	ssyncset.done $0x0  }
0x38: {  	[sflag:s17] =	ssyncadd.s32 $0xFFFFFC00  }
0x39: {  	_ =	swait.ge [sflag:s18], $0x400  }
0x3a: {  	[sflag:s18] =	ssyncset.done $0x0  }
0x3b: {  	[sflag:s18] =	ssyncadd.s32 $0xFFFFFC00  }
0x3c: {  	_ =	swait.ge [sflag:s19], $0x400  }
0x3d: {  	[sflag:s19] =	ssyncset.done $0x0  }
0x3e: {  	[sflag:s19] =	ssyncadd.s32 $0xFFFFFC00  }
0x3f: {  	_ =	swait.ge [sflag:s20], $0x400  }
0x40: {  	[sflag:s20] =	ssyncset.done $0x0  }
0x41: {  	[sflag:s20] =	ssyncadd.s32 $0xFFFFFC00  }
0x42: {  	_ =	swait.ge [sflag:s21], $0x400  }
0x43: {  	s23 =	simm.s32 $0x1000;
	s25 =	simm.s32 $0x2000;
	[sflag:s21] =	ssyncset.done $0x0  }
.LBB2_2:
0x44: {  	s26 =	sshra.s32 s23, $0x2  }
0x45: {  	[sflag:s21] =	ssyncadd.s32 $0xFFFFFC00;
	s23 =	smov.u32 s25;
	s24 =	sadd.s32 $0x1000, s25  }
0x46: {  	[spmem:s3] =	stream.indirect.scatter.add.f32 [tilespmem:s12], [sflag:$0x1], $0x8, s26, s13, $0xb8;
	[tilespmem:$0x4000] =	vst v63  }
0x47: {  	p0 =	sne.s32 s25, $0x9000;
	s25 =	sadd.s32 $0x80, s26  }
0x48: {  	[spmem:s3] =	stream.indirect.scatter.add.f32 [tilespmem:s12], [sflag:$0x2], $0x8, s25, s13, $0xb8;
	[tilespmem:$0x4000] =	vst v63  }
0x49: {  	s25 =	sadd.s32 $0x100, s26  }
0x4a: {  	[spmem:s3] =	stream.indirect.scatter.add.f32 [tilespmem:s12], [sflag:$0x3], $0x8, s25, s13, $0xb8;
	[tilespmem:$0x4000] =	vst v63  }
0x4b: {  	s25 =	sadd.s32 $0x180, s26  }
0x4c: {  	[spmem:s3] =	stream.indirect.scatter.add.f32 [tilespmem:s12], [sflag:$0x4], $0x8, s25, s13, $0xb8;
	[tilespmem:$0x4000] =	vst v63  }
0x4d: {  	s25 =	sadd.s32 $0x200, s26  }
0x4e: {  	[spmem:s3] =	stream.indirect.scatter.add.f32 [tilespmem:s12], [sflag:$0x5], $0x8, s25, s13, $0xb8;
	[tilespmem:$0x4000] =	vst v63  }
0x4f: {  	s25 =	sadd.s32 $0x280, s26  }
0x50: {  	[spmem:s3] =	stream.indirect.scatter.add.f32 [tilespmem:s12], [sflag:$0x6], $0x8, s25, s13, $0xb8;
	[tilespmem:$0x4000] =	vst v63  }
0x51: {  	s25 =	sadd.s32 $0x300, s26  }
0x52: {  	[spmem:s3] =	stream.indirect.scatter.add.f32 [tilespmem:s12], [sflag:$0x7], $0x8, s25, s13, $0xb8;
	[tilespmem:$0x4000] =	vst v63  }
0x53: {  	s25 =	sadd.s32 $0x380, s26  }
0x54: {  	[spmem:s3] =	stream.indirect.scatter.add.f32 [tilespmem:s12], [sflag:$0x8], $0x8, s25, s13, $0xb8;
	[tilespmem:$0x4000] =	vst v63  }
0x55: {  	_ =	swait.ge [sflag:s14], $0x400  }
0x56: {  	[sflag:s14] =	ssyncset.done $0x0  }
0x57: {  	[sflag:s14] =	ssyncadd.s32 $0xFFFFFC00  }
0x58: {  	_ =	swait.ge [sflag:s15], $0x400  }
0x59: {  	[sflag:s15] =	ssyncset.done $0x0  }
0x5a: {  	[sflag:s15] =	ssyncadd.s32 $0xFFFFFC00  }
0x5b: {  	_ =	swait.ge [sflag:s16], $0x400  }
0x5c: {  	[sflag:s16] =	ssyncset.done $0x0  }
0x5d: {  	[sflag:s16] =	ssyncadd.s32 $0xFFFFFC00  }
0x5e: {  	_ =	swait.ge [sflag:s17], $0x400  }
0x5f: {  	[sflag:s17] =	ssyncset.done $0x0  }
0x60: {  	[sflag:s17] =	ssyncadd.s32 $0xFFFFFC00  }
0x61: {  	_ =	swait.ge [sflag:s18], $0x400  }
0x62: {  	[sflag:s18] =	ssyncset.done $0x0  }
0x63: {  	[sflag:s18] =	ssyncadd.s32 $0xFFFFFC00  }
0x64: {  	_ =	swait.ge [sflag:s19], $0x400  }
0x65: {  	[sflag:s19] =	ssyncset.done $0x0  }
0x66: {  	[sflag:s19] =	ssyncadd.s32 $0xFFFFFC00  }
.Ltmp0:
0x67: {  	_ =	swait.ge [sflag:s20], $0x400;
	(pc) =	sbr.rel @p0 .LBB2_2-.Ltmp0, $4  }
0x68: {  	[sflag:s20] =	ssyncset.done $0x0  }
0x69: {  	[sflag:s20] =	ssyncadd.s32 $0xFFFFFC00  }
0x6a: {  	_ =	swait.ge [sflag:s21], $0x400  }
0x6b: {  	s25 =	smov.u32 s24;
	[sflag:s21] =	ssyncset.done $0x0  }
0x6c: {  	s23 =	sshra.s32 s23, $0x2;
	[sflag:s21] =	ssyncadd.s32 $0xFFFFFC00  }
0x6d: {  	[spmem:s3] =	stream.indirect.scatter.add.f32 [tilespmem:s12], [sflag:$0x1], $0x8, s23, s13, $0xb8;
	[tilespmem:$0x4000] =	vst v63  }
0x6e: {  	s24 =	sadd.s32 $0x80, s23  }
0x6f: {  	[spmem:s3] =	stream.indirect.scatter.add.f32 [tilespmem:s12], [sflag:$0x2], $0x8, s24, s13, $0xb8;
	[tilespmem:$0x4000] =	vst v63  }
0x70: {  	s26 =	sadd.s32 $0x100, s23  }
0x71: {  	[spmem:s3] =	stream.indirect.scatter.add.f32 [tilespmem:s12], [sflag:$0x3], $0x8, s26, s13, $0xb8;
	[tilespmem:$0x4000] =	vst v63  }
0x72: {  	s28 =	sadd.s32 $0x180, s23  }
0x73: {  	[spmem:s3] =	stream.indirect.scatter.add.f32 [tilespmem:s12], [sflag:$0x4], $0x8, s28, s13, $0xb8;
	[tilespmem:$0x4000] =	vst v63  }
0x74: {  	s29 =	sadd.s32 $0x200, s23  }
0x75: {  	[spmem:s3] =	stream.indirect.scatter.add.f32 [tilespmem:s12], [sflag:$0x5], $0x8, s29, s13, $0xb8;
	[tilespmem:$0x4000] =	vst v63  }
0x76: {  	s30 =	sadd.s32 $0x280, s23  }
0x77: {  	[spmem:s3] =	stream.indirect.scatter.add.f32 [tilespmem:s12], [sflag:$0x6], $0x8, s30, s13, $0xb8;
	[tilespmem:$0x4000] =	vst v63  }
0x78: {  	s31 =	sadd.s32 $0x300, s23  }
0x79: {  	[spmem:s3] =	stream.indirect.scatter.add.f32 [tilespmem:s12], [sflag:$0x7], $0x8, s31, s13, $0xb8;
	[tilespmem:$0x4000] =	vst v63  }
0x7a: {  	s23 =	sadd.s32 $0x380, s23  }
0x7b: {  	[spmem:s3] =	stream.indirect.scatter.add.f32 [tilespmem:s12], [sflag:$0x8], $0x8, s23, s13, $0xb8;
	[tilespmem:$0x4000] =	vst v63  }
0x7c: {  	_ =	swait.ge [sflag:s14], $0x400  }
0x7d: {  	[sflag:s14] =	ssyncset.done $0x0  }
0x7e: {  	[sflag:s14] =	ssyncadd.s32 $0xFFFFFC00  }
0x7f: {  	_ =	swait.ge [sflag:s15], $0x400  }
0x80: {  	[sflag:s15] =	ssyncset.done $0x0  }
0x81: {  	[sflag:s15] =	ssyncadd.s32 $0xFFFFFC00  }
0x82: {  	_ =	swait.ge [sflag:s16], $0x400  }
0x83: {  	[sflag:s16] =	ssyncset.done $0x0  }
0x84: {  	[sflag:s16] =	ssyncadd.s32 $0xFFFFFC00  }
0x85: {  	_ =	swait.ge [sflag:s17], $0x400  }
0x86: {  	[sflag:s17] =	ssyncset.done $0x0  }
0x87: {  	[sflag:s17] =	ssyncadd.s32 $0xFFFFFC00  }
0x88: {  	_ =	swait.ge [sflag:s18], $0x400  }
0x89: {  	[sflag:s18] =	ssyncset.done $0x0  }
0x8a: {  	[sflag:s18] =	ssyncadd.s32 $0xFFFFFC00  }
0x8b: {  	_ =	swait.ge [sflag:s19], $0x400  }
0x8c: {  	[sflag:s19] =	ssyncset.done $0x0  }
0x8d: {  	[sflag:s19] =	ssyncadd.s32 $0xFFFFFC00  }
0x8e: {  	_ =	swait.ge [sflag:s20], $0x400  }
0x8f: {  	[sflag:s20] =	ssyncset.done $0x0  }
0x90: {  	[sflag:s20] =	ssyncadd.s32 $0xFFFFFC00  }
0x91: {  	_ =	swait.ge [sflag:s21], $0x400  }
0x92: {  	s22 =	sadd.s32 $0x1, s22;
	[sflag:s21] =	ssyncset.done $0x0  }
0x93: {  	p0 =	sne.s32 s22, s9;
	[sflag:s21] =	ssyncadd.s32 $0xFFFFFC00  }
.Ltmp1:
0x94: {  	[bflag:$0x0] =	sbarrier.arrive $0xFFFF;
	(pc) =	sbr.rel @p0 .LBB2_1-.Ltmp1, $4  }
0x95: {  	[hbm:s8], [sflag:s6] =	dma.local [spmem:s10], $0x280  }
0x96: {  	_ =	swait.ge [sflag:s11], $0x280  }
0x97: {  	[sflag:s11] =	ssyncset.done $0x0  }
0x98: {  	[sflag:s11] =	ssyncadd.s32 $0xFFFFFD80  }
0x99: {  	_ =	sfence.sel $0x180000  }
0x9a: {  	[bflag:$0x0] =	sbarrier.arrive $0xFFFF  }
0x9b: {  	p0 =	sne.s32 s0, $0x0;
	_ =	strace $0x90000047  }
0x9c: {  	s0 =	sadd.s32 @!p0 $0x100000, s1;
	[bflag:$0x2] =	sbarrier.arrive $0xFFFF  }
0x9d: {  	[sflag:s0] =	ssyncadd.tile.s32 @!p0 $0x1;
	_ =	shalt  }
.Lfunc_end2:
_tile_overlayer_lowered:
.L_overlay_start_2:
0x9e: {  	(tag) =	ssettag $0x2  }
0x9f: {  	s0 =	rddreg [dreg:$0x0];
	s2 =	stileid.u32  }
0xa0: {  	s1 =	rddreg [dreg:$0x1];
	p0 =	sne.s32 s2, $0x0  }
0xa1: {  	s3 =	rddreg [dreg:$0x2];
	[bflag:$0x3] =	sbarrier.arrive $0xFFFF;
	s2 =	simm.s32 @!p0 $0x1C09  }
0xa2: {  	[timem:s3], [sflag:s2] =	dma.local @!p0 [hbm:s0], s1  }
0xa3: {  	s0 =	simm.s32 @!p0 $0x9  }
0xa4: {  	_ =	swait.ge @!p0 [sflag:s0], s1  }
0xa5: {  	s1 =	ssub.s32 @!p0 $0x0, s1;
	[sflag:s0] =	ssyncset.done @!p0 $0x0  }
0xa6: {  	[sflag:s0] =	ssyncadd.s32 @!p0 s1  }
0xa7: {  	[bflag:$0x3] =	sbarrier.arrive $0xFFFF  }
0xa8: {  	_ =	shalt  }

// kernel: kernel.15.cloned.1.call-start
scs
__scs_entry_jumppad:
0x0: {  	(pc) =	sbr.rel $0x88, $3  }
0x1: {  	(tag) =	ssettag $0x0;
	lr =	simm.s32 $0x1  }
0x2: {  	[smem:$0x3F93] =	sst lr;
	_ =	strace $0xD0000000  }
0x3: {  	_ = 	snop  }
0x4: {  	_ = 	snop  }
0x5: {  	_ = 	snop  }
0x6: {  	_ = 	snop  }
0x7: {  	_ = 	snop  }
__scs_overlays_trampoline_lowered:
0x8: {  	[smem:$0x3FA2] =	sst s0  }
0x9: {  	[smem:$0x3FA3] =	sst s1  }
0xa: {  	[smem:$0x3FA4] =	sst s2  }
0xb: {  	[smem:$0x3FA5] =	sst s3  }
0xc: {  	[smem:$0x3FA6] =	sst s4  }
0xd: {  	[smem:$0x3FA7] =	sst s5  }
0xe: {  	[smem:$0x3FA8] =	sst s6  }
0xf: {  	[smem:$0x3FA9] =	sst s7  }
0x10: {  	[smem:$0x3FAA] =	sst s8  }
0x11: {  	[smem:$0x3FAB] =	sst s9;
	s0 =	simm.s32 @!p0 $0x0  }
0x12: {  	s1 =	sld [smem:$0x3F91];
	s0 =	simm.s32 @p0 $0x1  }
0x13: {  	[smem:$0x3FAC] =	sst s0;
	s0 =	simm.s32 @!p1 $0x0  }
0x14: {  	s2 =	sld [smem:$0x3F90];
	s0 =	simm.s32 @p1 $0x1  }
0x15: {  	[smem:$0x3FAD] =	sst s0;
	s0 =	simm.s32 @!p2 $0x0  }
0x16: {  	s3 =	sld [smem:$0x3FDB];
	s0 =	simm.s32 @p2 $0x1  }
0x17: {  	s4 =	simm.s32 $0x1BF5;
	[smem:$0x3FAF] =	sst s0  }
0x18: {  	s0 =	sld [smem:$0x3F92];
	_ =	swait.ge [sflag:s4], $0x0  }
0x19: {  	s7 =	sld [smem:$0x3F93]  }
0x1a: {  	s8 =	sadd.s32 $0xFFFFE003, lr  }
0x1b: {  	s9 =	sadd.s32 $0xFFFFFEF7, lr;
	s5 =	simm.s32 $0xFFFFFFFF;
	p2 =	slt.u32 s8, $0xFFFFF086  }
0x1c: {  	p1 =	slt.u32 s9, $0xF7A;
	s5 =	simm.s32 @!p2 $0x0  }
0x1d: {  	s5 =	simm.s32 @p1 $0x1;
	p0 =	seq.s32 s7, s2  }
0x1e: {  	s7 =	smul.u32 @!p0 $0xF7A, s2;
	p2 =	seq.s32 @!p0 s5, $0x0  }
0x1f: {  	s9 =	smul.u32 $0xF7A, s1;
	s8 =	simm.s32 @!p0 $0x1BF5;
	p2 =	por !p2, p0  }
0x20: {  	[sflag:s8] =	ssyncset.s32 @!p0 $0xFFFFF086;
	s6 =	sadd.s32 @!p0 s3, s7;
	s7 =	simm.s32 @!p0 $0x108  }
0x21: {  	s3 =	sadd.s32 s3, s9;
	s6 =	sadd.s32 @!p0 $0x88, s6;
	s7 =	simm.s32 @p2 $0x1082  }
0x22: {  	[simem:s7], [sflag:s8] =	dma.local @!p0 [hbm:s6], $0xF7A  }
0x23: {  	s9 =	sor.u32 $0xD0000000, s2;
	s6 =	simm.s32 $0x108;
	_ =	swait.ge @!p0 [sflag:s8], $0x0  }
0x24: {  	s3 =	sadd.s32 $0x88, s3;
	s6 =	simm.s32 @!p1 $0x1082;
	[sflag:s4] =	ssyncset.s32 $0xFFFFF086  }
0x25: {  	[simem:s6], [sflag:s4] =	dma.local [hbm:s3], $0xF7A  }
0x26: {  	[smem:$0x3F93] =	sst s1;
	(tag) =	ssettag s2;
	_ =	strace s9  }
0x27: {  	s1 =	sld [smem:$0x3FA3]  }
0x28: {  	s2 =	sld [smem:$0x3FA4]  }
0x29: {  	s4 =	sld [smem:$0x3FA6]  }
0x2a: {  	p0 =	seq.s32 s5, $0x0;
	s5 =	sld [smem:$0x3FA7]  }
0x2b: {  	s6 =	sld [smem:$0x3FA8]  }
0x2c: {  	s7 =	sld [smem:$0x3FA9]  }
0x2d: {  	s3 =	simm.s32 $0x108;
	s8 =	sld [smem:$0x3FAA]  }
0x2e: {  	s3 =	simm.s32 @!p0 $0x1082;
	s9 =	sld [smem:$0x3FAB]  }
0x2f: {  	lr =	sadd.s32 s0, s3;
	s0 =	sld [smem:$0x3FA2]  }
0x30: {  	s3 =	sld [smem:$0x3FA5]  }
0x31: {  	[smem:$0x3FAE] =	sst s10  }
0x32: {  	s10 =	sld [smem:$0x3FAC];
	_ =	sdelay $0x3  }
0x33: {  	p0 =	seq.s32 s10, $0x1;
	s10 =	sld [smem:$0x3FAE];
	_ =	sdelay $0x3  }
0x34: {  	[smem:$0x3FAE] =	sst s10  }
0x35: {  	s10 =	sld [smem:$0x3FAD];
	_ =	sdelay $0x3  }
0x36: {  	p1 =	seq.s32 s10, $0x1;
	s10 =	sld [smem:$0x3FAE];
	_ =	sdelay $0x3  }
0x37: {  	[smem:$0x3FAE] =	sst s10  }
0x38: {  	s10 =	sld [smem:$0x3FAF]  }
0x39: {  	_ = 	snop;
	(pc) =	sbr.ind lr, $3  }
0x3a: {  	_ = 	snop  }
0x3b: {  	_ = 	snop  }
0x3c: {  	p2 =	seq.s32 s10, $0x1;
	s10 =	sld [smem:$0x3FAE]  }
0x3d: {  	_ =	shalt  }
0x3e: {  	_ =	shalt  }
0x3f: {  	_ =	shalt  }
0x40: {  	_ =	shalt  }
0x41: {  	_ =	shalt  }
0x42: {  	_ =	shalt  }
0x43: {  	_ =	shalt  }
0x44: {  	_ =	shalt  }
0x45: {  	_ =	shalt  }
0x46: {  	_ =	shalt  }
0x47: {  	_ =	shalt  }
0x48: {  	_ =	shalt  }
0x49: {  	_ =	shalt  }
0x4a: {  	_ =	shalt  }
0x4b: {  	_ =	shalt  }
0x4c: {  	_ =	shalt  }
0x4d: {  	_ =	shalt  }
0x4e: {  	_ =	shalt  }
0x4f: {  	_ =	shalt  }
0x50: {  	_ =	shalt  }
0x51: {  	_ =	shalt  }
0x52: {  	_ =	shalt  }
0x53: {  	_ =	shalt  }
0x54: {  	_ =	shalt  }
0x55: {  	_ =	shalt  }
0x56: {  	_ =	shalt  }
0x57: {  	_ =	shalt  }
0x58: {  	_ =	shalt  }
0x59: {  	_ =	shalt  }
0x5a: {  	_ =	shalt  }
0x5b: {  	_ =	shalt  }
0x5c: {  	_ =	shalt  }
0x5d: {  	_ =	shalt  }
0x5e: {  	_ =	shalt  }
0x5f: {  	_ =	shalt  }
0x60: {  	_ =	shalt  }
0x61: {  	_ =	shalt  }
0x62: {  	_ =	shalt  }
0x63: {  	_ =	shalt  }
0x64: {  	_ =	shalt  }
0x65: {  	_ =	shalt  }
0x66: {  	_ =	shalt  }
0x67: {  	_ =	shalt  }
0x68: {  	_ =	shalt  }
0x69: {  	_ =	shalt  }
0x6a: {  	_ =	shalt  }
0x6b: {  	_ =	shalt  }
0x6c: {  	_ =	shalt  }
0x6d: {  	_ =	shalt  }
0x6e: {  	_ =	shalt  }
0x6f: {  	_ =	shalt  }
0x70: {  	_ =	shalt  }
0x71: {  	_ =	shalt  }
0x72: {  	_ =	shalt  }
0x73: {  	_ =	shalt  }
0x74: {  	_ =	shalt  }
0x75: {  	_ =	shalt  }
0x76: {  	_ =	shalt  }
0x77: {  	_ =	shalt  }
0x78: {  	_ =	shalt  }
0x79: {  	_ =	shalt  }
0x7a: {  	_ =	shalt  }
0x7b: {  	_ =	shalt  }
0x7c: {  	_ =	shalt  }
0x7d: {  	_ =	shalt  }
0x7e: {  	_ =	shalt  }
0x7f: {  	_ =	shalt  }
0x80: {  	_ =	shalt  }
0x81: {  	_ =	shalt  }
0x82: {  	_ =	shalt  }
0x83: {  	_ =	shalt  }
0x84: {  	_ =	shalt  }
0x85: {  	_ =	shalt  }
0x86: {  	_ =	shalt  }
0x87: {  	_ =	shalt  }
.Lfunc_end0:
.L_simem_size_0:
called_computation.1_lowered:
.L_overlay_start_0:
0x88: {  	s2 =	sld [smem:$0x3FD9]  }
0x89: {  	s3 =	sld [smem:$0x3FFE];
	_ =	sdelay $0x1  }
0x8a: {  	s1 =	srdreg.scid  }
0x8b: {  	s0 =	sand.u32 $0x1, s1  }
0x8c: {  	s16 =	sshll.u32 s0, $0xA;
	s2 =	sadd.s32 s3, s2  }
0x8d: {  	s2 =	sadd.s32 s2, s16  }
0x8e: {  	[smem:$0x3FBA] =	sst s2  }
0x8f: {  	_ = 	snop  }
0x90: {  	(tm) =	ssettm $0x1  }
0x91: {  	s17 =	sld [smem:$0x3FFB];
	_ =	sdelay $0x3  }
0x92: {  	_ =	strace s17  }
0x93: {  	s2 =	sld [smem:$0x3FFC];
	_ =	sdelay $0x3  }
0x94: {  	_ =	strace s2  }
0x95: {  	s2 =	sld [smem:$0x3FFD];
	_ =	sdelay $0x3  }
0x96: {  	_ =	strace s2  }
0x97: {  	_ =	strace $0x8FFFFFFF  }
0x98: {  	s18 =	sld [smem:$0x3FDB];
	_ =	sdelay $0x1  }
0x99: {  	s19 =	simm.s32 $_scs_section_size  }
0x9a: {  	s4 =	simm.s32 $_size__tile_overlayer_lowered;
	s5 =	simm.s32 $_tile_overlayer_lowered  }
0x9b: {  	s22 =	simm.s32 $0x1BFF;
	s21 =	sshll.u32 s5, $0x1;
	s2 =	sadd.s32 s19, s18  }
0x9c: {  	s6 =	simm.s32 $0x0;
	s20 =	sshll.u32 s4, $0x1;
	s4 =	sadd.s32 s21, s2  }
0x9d: {  	[timem:s6], [sflag:s22] =	dma.local [hbm:s4], s20  }
0x9e: {  	_ =	swait.ge [sflag:s22], s20  }
0x9f: {  	s3 =	ssub.s32 $0x0, s20;
	[sflag:s22] =	ssyncset.done $0x0  }
0xa0: {  	[sflag:s22] =	ssyncadd.s32 s3;
	_ =	sdelay $0x1  }
0xa1: {  	s23 =	simm.s32 $0x1B8B  }
0xa2: {  	_ =	swait.ge [sflag:s23], $0x1  }
0xa3: {  	[sflag:s23] =	ssyncset.done $0x0  }
0xa4: {  	s25 =	simm.s32 $0x1B8E;
	s24 =	sld [smem:$0x3FFE];
	[sflag:s23] =	ssyncadd.s32 $0xFFFFFFFF  }
0xa5: {  	s26 =	simm.s32 $execute0_lowered;
	[smem:$0x3FD2] =	sst s25  }
0xa6: {  	s4 =	sshll.u32 s26, $0x1;
	_ =	strace $0x80000049;
	[dreg:$0x1] =	wrdreg $0xFFFFFFFF  }
0xa7: {  	s28 =	simm.s32 $_size_execute0_lowered;
	s2 =	sadd.s32 s2, s4;
	[dreg:$0x0] =	wrdreg $0x0  }
0xa8: {  	s4 =	sshll.u32 s28, $0x1;
	[dreg:$0x2] =	wrdreg s2  }
0xa9: {  	[dreg:$0x3] =	wrdreg s4  }
0xaa: {  	[dreg:$0x4] =	wrdreg $0xC0  }
0xab: {  	_ =	task [dreg:s6], $0x5FFFF  }
0xac: {  	[dreg:$0x1] =	wrdreg $0xFFFFFFFF  }
0xad: {  	[dreg:$0x0] =	wrdreg $0x60  }
0xae: {  	[dreg:$0x2] =	wrdreg s24  }
0xaf: {  	[dreg:$0x3] =	wrdreg $0x90000  }
0xb0: {  	[dreg:$0x4] =	wrdreg $0x9  }
0xb1: {  	_ =	task.clear_ibuf [dreg:s6], $0x5FFFF;
	_ =	strace $0x90000049  }
0xb2: {  	s29 =	simm.s32 $0x9;
	_ =	strace $0x8000004B  }
0xb3: {  	_ =	swait.ge [sflag:s29], $0x1  }
0xb4: {  	[sflag:s29] =	ssyncadd.s32 $0xFFFFFFFF  }
0xb5: {  	_ =	strace $0x9000004B  }
0xb6: {  	_ =	sfence  }
0xb7: {  	s30 =	sld [smem:$0x0];
	_ =	sdelay $0x2  }
0xb8: {  	s31 =	sshll.u32 s1, $0xD;
	s1 =	sshrl.u32 s1, $0x2  }
0xb9: {  	s3 =	sand.u32 $0x4000, s31;
	s1 =	sadd.s32 s1, s30  }
0xba: {  	s0 =	sor.u32 s3, s0;
	s1 =	sshll.u32 s1, $0x11  }
0xbb: {  	s0 =	sor.u32 s1, s0  }
0xbc: {  	s0 =	sadd.s32 $0x8F2B, s0  }
0xbd: {  	[sflag:s0] =	ssyncadd.remote.s32 $0x1  }
0xbe: {  	_ =	sfence.sel $0xFFFF  }
0xbf: {  	[dreg:$0x0] =	wrdreg $0xFFFFFFFF;
	(pc) =	sbr.abs _section_cstart, $3  }
0xc0: {  	[dreg:$0x1] =	wrdreg $0xFFFFFFFF  }
0xc1: {  	_ =	task.clear_ibuf [dreg:s6], $0x2FFFF;
	_ =	strace $0x9FFFFFFF  }
0xc2: {  	(tm) =	ssettm $0x7FFFFFFF  }
0xc3: {  	_ =	shalt  }
tec
execute0_lowered:
.L_overlay_start_1:
0x0: {  	(tag) =	ssettag $0x1  }
0x1: {  	s0 =	srdreg.scid  }
0x2: {  	s10 =	stileid.u32;
	s3 =	rddreg [dreg:$0x0]  }
0x3: {  	s2 =	rddreg [dreg:$0x1];
	s4 =	simm.s32 $0x0;
	s12 =	simm.s32 $0x11  }
0x4: {  	s14 =	simm.s32 $0x80;
	s15 =	simm.s32 $0x5000;
	s16 =	simm.s32 $0x5800  }
0x5: {  	s18 =	simm.s32 $0x6000;
	s29 =	simm.s32 $0x8800;
	s30 =	simm.s32 $0x1  }
0x6: {  	s31 =	simm.s32 $0x2;
	s13 =	simm.s32 $0x5;
	s17 =	simm.s32 $0x6  }
0x7: {  	s19 =	simm.s32 $0x7;
	s28 =	simm.s32 $0xB;
	s0 =	sand.u32 $0x1, s0  }
0x8: {  	s1 =	sshll.u32 s10, $0x1;
	s5 =	smul.u32 $0x2800, s10;
	[smem:$0x7FF] =	sst s4  }
0x9: {  	s4 =	sadd.s32 $0x16800, s3;
	s8 =	sadd.s32 $0x1B800, s3;
	s26 =	sshll.u32 s10, $0x6  }
0xa: {  	s1 =	sor.u32 s0, s1;
	s6 =	smul.u32 $0x28000, s0;
	_ =	strace $0x8000004A  }
0xb: {  	s7 =	ssub.s32 $0x2, s0;
	p0 =	seq.s32 s0, $0x0;
	s10 =	sor.u32 $0x1C11, s26  }
0xc: {  	s26 =	simm.s32 $0x8000;
	s0 =	simm.s32 $0x4;
	s1 =	smul.u32 $0x500, s1  }
0xd: {  	s9 =	sshrl.u32 s7, $0x1;
	s21 =	sadd.s32 s5, s2;
	s8 =	smov.u32 @p0 s4  }
0xe: {  	[dreg:$0x8] =	wrdreg s10;
	s6 =	sadd.s32 s5, s6;
	s20 =	ssub.s32 s7, s9  }
0xf: {  	s5 =	sshrl.u32 s5, $0x3;
	s11 =	sshrl.u32 s21, $0x3;
	s21 =	simm.s32 $0x8  }
0x10: {  	s7 =	simm.s32 $0xE;
	s9 =	simm.s32 $0x10;
	s1 =	sadd.s32 s1, s3  }
0x11: {  	s6 =	sshrl.u32 s6, $0x3;
	s24 =	smax.u32 s20, $0x1;
	s25 =	sadd.s32 s8, s5  }
0x12: {  	s20 =	simm.s32 $0x6800;
	s5 =	simm.s32 $0xC;
	[dreg:$0x9] =	wrdreg s11  }
0x13: {  	s8 =	simm.s32 $0xF;
	s3 =	sadd.s32 s6, s3;
	[dreg:$0x6] =	wrdreg s24  }
0x14: {  	s22 =	sadd.s32 $0x2800, s1;
	s1 =	sadd.s32 $0xC800, s1;
	[dreg:$0x7] =	wrdreg s25  }
0x15: {  	s24 =	simm.s32 $0x7800;
	s25 =	simm.s32 $0xA;
	[dreg:$0x3] =	wrdreg s22  }
0x16: {  	s6 =	simm.s32 $0xD;
	[dreg:$0x4] =	wrdreg s1;
	s23 =	sadd.s32 $0x20800, s3  }
0x17: {  	s22 =	simm.s32 $0x7000;
	s3 =	simm.s32 $0x0;
	[dreg:$0x5] =	wrdreg s23  }
0x18: {  	s1 =	simm.s32 $0x3;
	s23 =	simm.s32 $0x9;
	[dreg:$0xa] =	wrdreg s3  }
.LBB2_1:
0x19: {  	s3 =	rddreg [dreg:$0x7]  }
0x1a: {  	[spmem:s11], [sflag:s10] =	dma.local [hbm:s3], $0x500  }
0x1b: {  	_ =	swait.ge [sflag:s12], $0x500  }
0x1c: {  	[sflag:s12] =	ssyncset.done $0x0  }
0x1d: {  	s10 =	simm.s32 $0x0;
	s11 =	rddreg [dreg:$0x3];
	[sflag:s12] =	ssyncadd.s32 $0xFFFFFB00  }
0x1e: {  	[tilespmem:s10], [sflag:$0x11] =	stream.linear.gather [hbm4b:s11+s10], $0x2800, $0x38;
	[tilespmem:$0xB800] =	vst v63  }
0x1f: {  	_ =	swait.ge [sflag:s12], $0x2800  }
0x20: {  	[sflag:s12] =	ssyncset.done $0x0  }
0x21: {  	s11 =	simm.s32 $0x2800;
	s3 =	rddreg [dreg:$0x4];
	[sflag:s12] =	ssyncadd.s32 $0xFFFFD800  }
0x22: {  	[tilespmem:s11], [sflag:$0x11] =	stream.linear.gather [hbm4b:s3+s10], $0x2800, $0x38;
	[tilespmem:$0xB800] =	vst v63  }
0x23: {  	_ =	swait.ge [sflag:s12], $0x2800  }
0x24: {  	[sflag:s12] =	ssyncset.done $0x0  }
0x25: {  	[sflag:s12] =	ssyncadd.s32 $0xFFFFD800  }
0x26: {  	[bflag:$0x0] =	sbarrier.arrive $0xFFFF  }
0x27: {  	[tilespmem:s15], [sflag:$0x1] =	stream.indirect.gather [hbm4b:s4+s14], $0x10, s10, s14, $0xb8;
	[tilespmem:$0xB800] =	vst v63  }
0x28: {  	_ = 	snop  }
0x29: {  	[tilespmem:s16], [sflag:$0x2] =	stream.indirect.gather [hbm4b:s4+s14], $0x10, s14, s14, $0xb8;
	[tilespmem:$0xB800] =	vst v63  }
0x2a: {  	s11 =	simm.s32 $0x100  }
0x2b: {  	[tilespmem:s18], [sflag:$0x3] =	stream.indirect.gather [hbm4b:s4+s14], $0x10, s11, s14, $0xb8;
	[tilespmem:$0xB800] =	vst v63  }
0x2c: {  	s12 =	simm.s32 $0x180  }
0x2d: {  	[tilespmem:s20], [sflag:$0x4] =	stream.indirect.gather [hbm4b:s4+s14], $0x10, s12, s14, $0xb8;
	[tilespmem:$0xB800] =	vst v63  }
0x2e: {  	s11 =	simm.s32 $0x200  }
0x2f: {  	[tilespmem:s22], [sflag:$0x5] =	stream.indirect.gather [hbm4b:s4+s14], $0x10, s11, s14, $0xb8;
	[tilespmem:$0xB800] =	vst v63  }
0x30: {  	s12 =	simm.s32 $0x280  }
0x31: {  	[tilespmem:s24], [sflag:$0x6] =	stream.indirect.gather [hbm4b:s4+s14], $0x10, s12, s14, $0xb8;
	[tilespmem:$0xB800] =	vst v63  }
0x32: {  	s11 =	simm.s32 $0x300  }
0x33: {  	[tilespmem:s26], [sflag:$0x7] =	stream.indirect.gather [hbm4b:s4+s14], $0x10, s11, s14, $0xb8;
	[tilespmem:$0xB800] =	vst v63  }
0x34: {  	s12 =	simm.s32 $0x380  }
0x35: {  	[tilespmem:s29], [sflag:$0x8] =	stream.indirect.gather [hbm4b:s4+s14], $0x10, s12, s14, $0xb8;
	[tilespmem:$0xB800] =	vst v63  }
0x36: {  	_ =	swait.ge [sflag:s30], $0x800  }
0x37: {  	[sflag:s30] =	ssyncset.done $0x0  }
0x38: {  	s11 =	simm.s32 $0x2800;
	[sflag:s30] =	ssyncadd.s32 $0xFFFFF800  }
0x39: {  	[spmem:s2] =	stream.indirect.scatter.add.f32 [tilespmem:s15], [sflag:$0x9], $0x10, s11, s14, $0xb8;
	[tilespmem:$0xB800] =	vst v63  }
0x3a: {  	_ =	swait.ge [sflag:s31], $0x800  }
0x3b: {  	[sflag:s31] =	ssyncset.done $0x0  }
0x3c: {  	s12 =	simm.s32 $0x2880;
	[sflag:s31] =	ssyncadd.s32 $0xFFFFF800  }
0x3d: {  	[spmem:s2] =	stream.indirect.scatter.add.f32 [tilespmem:s16], [sflag:$0xA], $0x10, s12, s14, $0xb8;
	[tilespmem:$0xB800] =	vst v63  }
0x3e: {  	_ =	swait.ge [sflag:s1], $0x800  }
0x3f: {  	[sflag:s1] =	ssyncset.done $0x0  }
0x40: {  	s11 =	simm.s32 $0x2900;
	[sflag:s1] =	ssyncadd.s32 $0xFFFFF800  }
0x41: {  	[spmem:s2] =	stream.indirect.scatter.add.f32 [tilespmem:s18], [sflag:$0xB], $0x10, s11, s14, $0xb8;
	[tilespmem:$0xB800] =	vst v63  }
0x42: {  	_ =	swait.ge [sflag:s0], $0x800  }
0x43: {  	[sflag:s0] =	ssyncset.done $0x0  }
0x44: {  	s12 =	simm.s32 $0x2980;
	[sflag:s0] =	ssyncadd.s32 $0xFFFFF800  }
0x45: {  	[spmem:s2] =	stream.indirect.scatter.add.f32 [tilespmem:s20], [sflag:$0xC], $0x10, s12, s14, $0xb8;
	[tilespmem:$0xB800] =	vst v63  }
0x46: {  	_ =	swait.ge [sflag:s13], $0x800  }
0x47: {  	[sflag:s13] =	ssyncset.done $0x0  }
0x48: {  	s11 =	simm.s32 $0x2A00;
	[sflag:s13] =	ssyncadd.s32 $0xFFFFF800  }
0x49: {  	[spmem:s2] =	stream.indirect.scatter.add.f32 [tilespmem:s22], [sflag:$0xD], $0x10, s11, s14, $0xb8;
	[tilespmem:$0xB800] =	vst v63  }
0x4a: {  	_ =	swait.ge [sflag:s17], $0x800  }
0x4b: {  	[sflag:s17] =	ssyncset.done $0x0  }
0x4c: {  	s12 =	simm.s32 $0x2A80;
	[sflag:s17] =	ssyncadd.s32 $0xFFFFF800  }
0x4d: {  	[spmem:s2] =	stream.indirect.scatter.add.f32 [tilespmem:s24], [sflag:$0xE], $0x10, s12, s14, $0xb8;
	[tilespmem:$0xB800] =	vst v63  }
0x4e: {  	_ =	swait.ge [sflag:s19], $0x800  }
0x4f: {  	[sflag:s19] =	ssyncset.done $0x0  }
0x50: {  	s11 =	simm.s32 $0x2B00;
	[sflag:s19] =	ssyncadd.s32 $0xFFFFF800  }
0x51: {  	[spmem:s2] =	stream.indirect.scatter.add.f32 [tilespmem:s26], [sflag:$0xF], $0x10, s11, s14, $0xb8;
	[tilespmem:$0xB800] =	vst v63  }
0x52: {  	_ =	swait.ge [sflag:s21], $0x800  }
0x53: {  	[sflag:s21] =	ssyncset.done $0x0  }
0x54: {  	s12 =	simm.s32 $0x2B80;
	[sflag:s21] =	ssyncadd.s32 $0xFFFFF800  }
0x55: {  	[spmem:s2] =	stream.indirect.scatter.add.f32 [tilespmem:s29], [sflag:$0x10], $0x10, s12, s14, $0xb8;
	[tilespmem:$0xB800] =	vst v63  }
0x56: {  	s11 =	smin.u32 s10, $0x47;
	_ =	swait.ge [sflag:s23], $0x800  }
0x57: {  	s3 =	sshll.u32 s11, $0x7;
	[sflag:s23] =	ssyncset.done $0x0  }
0x58: {  	s3 =	sadd.s32 $0x400, s3;
	[sflag:s23] =	ssyncadd.s32 $0xFFFFF800  }
0x59: {  	[tilespmem:s15], [sflag:$0x1] =	stream.indirect.gather [hbm4b:s4+s14], $0x10, s3, s14, $0xb8;
	[tilespmem:$0xB800] =	vst v63  }
0x5a: {  	s12 =	smin.u32 s10, $0x46;
	_ =	swait.ge [sflag:s25], $0x800  }
0x5b: {  	s3 =	sshll.u32 s12, $0x7;
	[sflag:s25] =	ssyncset.done $0x0  }
0x5c: {  	s3 =	sadd.s32 $0x480, s3;
	[sflag:s25] =	ssyncadd.s32 $0xFFFFF800  }
0x5d: {  	[tilespmem:s16], [sflag:$0x2] =	stream.indirect.gather [hbm4b:s4+s14], $0x10, s3, s14, $0xb8;
	[tilespmem:$0xB800] =	vst v63  }
0x5e: {  	s11 =	smin.u32 s10, $0x45;
	_ =	swait.ge [sflag:s28], $0x800  }
0x5f: {  	s3 =	sshll.u32 s11, $0x7;
	[sflag:s28] =	ssyncset.done $0x0  }
0x60: {  	s3 =	sadd.s32 $0x500, s3;
	[sflag:s28] =	ssyncadd.s32 $0xFFFFF800  }
0x61: {  	[tilespmem:s18], [sflag:$0x3] =	stream.indirect.gather [hbm4b:s4+s14], $0x10, s3, s14, $0xb8;
	[tilespmem:$0xB800] =	vst v63  }
0x62: {  	s12 =	smin.u32 s10, $0x44;
	_ =	swait.ge [sflag:s5], $0x800  }
0x63: {  	s3 =	sshll.u32 s12, $0x7;
	[sflag:s5] =	ssyncset.done $0x0  }
0x64: {  	s3 =	sadd.s32 $0x580, s3;
	[sflag:s5] =	ssyncadd.s32 $0xFFFFF800  }
0x65: {  	[tilespmem:s20], [sflag:$0x4] =	stream.indirect.gather [hbm4b:s4+s14], $0x10, s3, s14, $0xb8;
	[tilespmem:$0xB800] =	vst v63  }
0x66: {  	s11 =	smin.u32 s10, $0x43;
	_ =	swait.ge [sflag:s6], $0x800  }
0x67: {  	s3 =	sshll.u32 s11, $0x7;
	[sflag:s6] =	ssyncset.done $0x0  }
0x68: {  	s3 =	sadd.s32 $0x600, s3;
	[sflag:s6] =	ssyncadd.s32 $0xFFFFF800  }
0x69: {  	[tilespmem:s22], [sflag:$0x5] =	stream.indirect.gather [hbm4b:s4+s14], $0x10, s3, s14, $0xb8;
	[tilespmem:$0xB800] =	vst v63  }
0x6a: {  	s12 =	smin.u32 s10, $0x42;
	_ =	swait.ge [sflag:s7], $0x800  }
0x6b: {  	s3 =	sshll.u32 s12, $0x7;
	[sflag:s7] =	ssyncset.done $0x0  }
0x6c: {  	s3 =	sadd.s32 $0x680, s3;
	[sflag:s7] =	ssyncadd.s32 $0xFFFFF800  }
0x6d: {  	[tilespmem:s24], [sflag:$0x6] =	stream.indirect.gather [hbm4b:s4+s14], $0x10, s3, s14, $0xb8;
	[tilespmem:$0xB800] =	vst v63  }
0x6e: {  	s11 =	smin.u32 s10, $0x41;
	_ =	swait.ge [sflag:s8], $0x800  }
0x6f: {  	s3 =	sshll.u32 s11, $0x7;
	[sflag:s8] =	ssyncset.done $0x0  }
0x70: {  	s3 =	sadd.s32 $0x700, s3;
	[sflag:s8] =	ssyncadd.s32 $0xFFFFF800  }
0x71: {  	[tilespmem:s26], [sflag:$0x7] =	stream.indirect.gather [hbm4b:s4+s14], $0x10, s3, s14, $0xb8;
	[tilespmem:$0xB800] =	vst v63  }
0x72: {  	s12 =	smin.u32 s10, $0x40;
	_ =	swait.ge [sflag:s9], $0x800  }
0x73: {  	s11 =	simm.s32 $0x1000;
	s3 =	sshll.u32 s12, $0x7;
	[sflag:s9] =	ssyncset.done $0x0  }
0x74: {  	s12 =	sadd.s32 $0x780, s3;
	s3 =	simm.s32 $0x8;
	[sflag:s9] =	ssyncadd.s32 $0xFFFFF800  }
.LBB2_2:
0x75: {  	[tilespmem:s29], [sflag:$0x8] =	stream.indirect.gather [hbm4b:s4+s14], $0x10, s12, s14, $0xb8;
	[tilespmem:$0xB800] =	vst v63  }
0x76: {  	s12 =	smov.u32 s11  }
0x77: {  	p0 =	sne.s32 s11, $0x9000;
	s11 =	sadd.s32 $0x1000, s11;
	_ =	swait.ge [sflag:s30], $0x800  }
0x78: {  	s12 =	sshra.s32 s12, $0x2;
	[sflag:s30] =	ssyncset.done $0x0  }
0x79: {  	s10 =	sadd.s32 $0x2800, s12;
	[sflag:s30] =	ssyncadd.s32 $0xFFFFF800  }
0x7a: {  	[spmem:s2] =	stream.indirect.scatter.add.f32 [tilespmem:s15], [sflag:$0x9], $0x10, s10, s14, $0xb8;
	[tilespmem:$0xB800] =	vst v63  }
0x7b: {  	_ =	swait.ge [sflag:s31], $0x800  }
0x7c: {  	[sflag:s31] =	ssyncset.done $0x0  }
0x7d: {  	s10 =	sadd.s32 $0x2880, s12;
	[sflag:s31] =	ssyncadd.s32 $0xFFFFF800  }
0x7e: {  	[spmem:s2] =	stream.indirect.scatter.add.f32 [tilespmem:s16], [sflag:$0xA], $0x10, s10, s14, $0xb8;
	[tilespmem:$0xB800] =	vst v63  }
0x7f: {  	_ =	swait.ge [sflag:s1], $0x800  }
0x80: {  	[sflag:s1] =	ssyncset.done $0x0  }
0x81: {  	s10 =	sadd.s32 $0x2900, s12;
	[sflag:s1] =	ssyncadd.s32 $0xFFFFF800  }
0x82: {  	[spmem:s2] =	stream.indirect.scatter.add.f32 [tilespmem:s18], [sflag:$0xB], $0x10, s10, s14, $0xb8;
	[tilespmem:$0xB800] =	vst v63  }
0x83: {  	_ =	swait.ge [sflag:s0], $0x800  }
0x84: {  	[sflag:s0] =	ssyncset.done $0x0  }
0x85: {  	s10 =	sadd.s32 $0x2980, s12;
	[sflag:s0] =	ssyncadd.s32 $0xFFFFF800  }
0x86: {  	[spmem:s2] =	stream.indirect.scatter.add.f32 [tilespmem:s20], [sflag:$0xC], $0x10, s10, s14, $0xb8;
	[tilespmem:$0xB800] =	vst v63  }
0x87: {  	_ =	swait.ge [sflag:s13], $0x800  }
0x88: {  	[sflag:s13] =	ssyncset.done $0x0  }
0x89: {  	s10 =	sadd.s32 $0x2A00, s12;
	[sflag:s13] =	ssyncadd.s32 $0xFFFFF800  }
0x8a: {  	[spmem:s2] =	stream.indirect.scatter.add.f32 [tilespmem:s22], [sflag:$0xD], $0x10, s10, s14, $0xb8;
	[tilespmem:$0xB800] =	vst v63  }
0x8b: {  	_ =	swait.ge [sflag:s17], $0x800  }
0x8c: {  	[sflag:s17] =	ssyncset.done $0x0  }
0x8d: {  	s10 =	sadd.s32 $0x2A80, s12;
	[sflag:s17] =	ssyncadd.s32 $0xFFFFF800  }
0x8e: {  	[spmem:s2] =	stream.indirect.scatter.add.f32 [tilespmem:s24], [sflag:$0xE], $0x10, s10, s14, $0xb8;
	[tilespmem:$0xB800] =	vst v63  }
0x8f: {  	_ =	swait.ge [sflag:s19], $0x800  }
0x90: {  	[sflag:s19] =	ssyncset.done $0x0  }
0x91: {  	s10 =	sadd.s32 $0x2B00, s12;
	[sflag:s19] =	ssyncadd.s32 $0xFFFFF800  }
0x92: {  	[spmem:s2] =	stream.indirect.scatter.add.f32 [tilespmem:s26], [sflag:$0xF], $0x10, s10, s14, $0xb8;
	[tilespmem:$0xB800] =	vst v63  }
0x93: {  	_ =	swait.ge [sflag:s21], $0x800  }
0x94: {  	[sflag:s21] =	ssyncset.done $0x0  }
0x95: {  	s10 =	sadd.s32 $0x2B80, s12;
	[sflag:s21] =	ssyncadd.s32 $0xFFFFF800  }
0x96: {  	[spmem:s2] =	stream.indirect.scatter.add.f32 [tilespmem:s29], [sflag:$0x10], $0x10, s10, s14, $0xb8;
	[tilespmem:$0xB800] =	vst v63  }
0x97: {  	s10 =	smin.u32 s3, $0x47;
	_ =	swait.ge [sflag:s23], $0x800  }
0x98: {  	s10 =	sshll.u32 s10, $0x7;
	[sflag:s23] =	ssyncset.done $0x0  }
0x99: {  	s10 =	sadd.s32 $0x400, s10;
	[sflag:s23] =	ssyncadd.s32 $0xFFFFF800  }
0x9a: {  	[tilespmem:s15], [sflag:$0x1] =	stream.indirect.gather [hbm4b:s4+s14], $0x10, s10, s14, $0xb8;
	[tilespmem:$0xB800] =	vst v63  }
0x9b: {  	s10 =	smin.u32 s3, $0x46;
	_ =	swait.ge [sflag:s25], $0x800  }
0x9c: {  	s10 =	sshll.u32 s10, $0x7;
	[sflag:s25] =	ssyncset.done $0x0  }
0x9d: {  	s10 =	sadd.s32 $0x480, s10;
	[sflag:s25] =	ssyncadd.s32 $0xFFFFF800  }
0x9e: {  	[tilespmem:s16], [sflag:$0x2] =	stream.indirect.gather [hbm4b:s4+s14], $0x10, s10, s14, $0xb8;
	[tilespmem:$0xB800] =	vst v63  }
0x9f: {  	s10 =	smin.u32 s3, $0x45;
	_ =	swait.ge [sflag:s28], $0x800  }
0xa0: {  	s10 =	sshll.u32 s10, $0x7;
	[sflag:s28] =	ssyncset.done $0x0  }
0xa1: {  	s10 =	sadd.s32 $0x500, s10;
	[sflag:s28] =	ssyncadd.s32 $0xFFFFF800  }
0xa2: {  	[tilespmem:s18], [sflag:$0x3] =	stream.indirect.gather [hbm4b:s4+s14], $0x10, s10, s14, $0xb8;
	[tilespmem:$0xB800] =	vst v63  }
0xa3: {  	s10 =	smin.u32 s3, $0x44;
	_ =	swait.ge [sflag:s5], $0x800  }
0xa4: {  	s10 =	sshll.u32 s10, $0x7;
	[sflag:s5] =	ssyncset.done $0x0  }
0xa5: {  	s10 =	sadd.s32 $0x580, s10;
	[sflag:s5] =	ssyncadd.s32 $0xFFFFF800  }
0xa6: {  	[tilespmem:s20], [sflag:$0x4] =	stream.indirect.gather [hbm4b:s4+s14], $0x10, s10, s14, $0xb8;
	[tilespmem:$0xB800] =	vst v63  }
0xa7: {  	s10 =	smin.u32 s3, $0x43;
	_ =	swait.ge [sflag:s6], $0x800  }
0xa8: {  	s10 =	sshll.u32 s10, $0x7;
	[sflag:s6] =	ssyncset.done $0x0  }
0xa9: {  	s10 =	sadd.s32 $0x600, s10;
	[sflag:s6] =	ssyncadd.s32 $0xFFFFF800  }
0xaa: {  	[tilespmem:s22], [sflag:$0x5] =	stream.indirect.gather [hbm4b:s4+s14], $0x10, s10, s14, $0xb8;
	[tilespmem:$0xB800] =	vst v63  }
0xab: {  	s10 =	smin.u32 s3, $0x42;
	_ =	swait.ge [sflag:s7], $0x800  }
0xac: {  	s10 =	sshll.u32 s10, $0x7;
	[sflag:s7] =	ssyncset.done $0x0  }
0xad: {  	s10 =	sadd.s32 $0x680, s10;
	[sflag:s7] =	ssyncadd.s32 $0xFFFFF800  }
0xae: {  	[tilespmem:s24], [sflag:$0x6] =	stream.indirect.gather [hbm4b:s4+s14], $0x10, s10, s14, $0xb8;
	[tilespmem:$0xB800] =	vst v63  }
0xaf: {  	s10 =	smin.u32 s3, $0x41;
	_ =	swait.ge [sflag:s8], $0x800  }
0xb0: {  	s10 =	sshll.u32 s10, $0x7;
	[sflag:s8] =	ssyncset.done $0x0  }
.Ltmp0:
0xb1: {  	s10 =	sadd.s32 $0x700, s10;
	[sflag:s8] =	ssyncadd.s32 $0xFFFFF800;
	(pc) =	sbr.rel @p0 .LBB2_2-.Ltmp0, $4  }
0xb2: {  	[tilespmem:s26], [sflag:$0x7] =	stream.indirect.gather [hbm4b:s4+s14], $0x10, s10, s14, $0xb8;
	[tilespmem:$0xB800] =	vst v63  }
0xb3: {  	s10 =	smin.u32 s3, $0x40;
	_ =	swait.ge [sflag:s9], $0x800  }
0xb4: {  	s10 =	sshll.u32 s10, $0x7;
	[sflag:s9] =	ssyncset.done $0x0  }
0xb5: {  	s3 =	sadd.s32 $0x8, s3;
	s12 =	sadd.s32 $0x780, s10;
	[sflag:s9] =	ssyncadd.s32 $0xFFFFF800  }
0xb6: {  	[tilespmem:s29], [sflag:$0x8] =	stream.indirect.gather [hbm4b:s4+s14], $0x10, s12, s14, $0xb8;
	[tilespmem:$0xB800] =	vst v63  }
0xb7: {  	_ =	swait.ge [sflag:s30], $0x800  }
0xb8: {  	[sflag:s30] =	ssyncset.done $0x0  }
0xb9: {  	[sflag:s30] =	ssyncadd.s32 $0xFFFFF800  }
0xba: {  	_ =	swait.ge [sflag:s31], $0x800  }
0xbb: {  	[sflag:s31] =	ssyncset.done $0x0  }
0xbc: {  	[sflag:s31] =	ssyncadd.s32 $0xFFFFF800  }
0xbd: {  	_ =	swait.ge [sflag:s1], $0x800  }
0xbe: {  	[sflag:s1] =	ssyncset.done $0x0  }
0xbf: {  	[sflag:s1] =	ssyncadd.s32 $0xFFFFF800  }
0xc0: {  	_ =	swait.ge [sflag:s0], $0x800  }
0xc1: {  	[sflag:s0] =	ssyncset.done $0x0  }
0xc2: {  	[sflag:s0] =	ssyncadd.s32 $0xFFFFF800  }
0xc3: {  	_ =	swait.ge [sflag:s13], $0x800  }
0xc4: {  	[sflag:s13] =	ssyncset.done $0x0  }
0xc5: {  	[sflag:s13] =	ssyncadd.s32 $0xFFFFF800  }
0xc6: {  	_ =	swait.ge [sflag:s17], $0x800  }
0xc7: {  	[sflag:s17] =	ssyncset.done $0x0  }
0xc8: {  	[sflag:s17] =	ssyncadd.s32 $0xFFFFF800  }
0xc9: {  	_ =	swait.ge [sflag:s19], $0x800  }
0xca: {  	[sflag:s19] =	ssyncset.done $0x0  }
0xcb: {  	[sflag:s19] =	ssyncadd.s32 $0xFFFFF800  }
0xcc: {  	_ =	swait.ge [sflag:s21], $0x800  }
0xcd: {  	[sflag:s21] =	ssyncset.done $0x0  }
0xce: {  	[sflag:s21] =	ssyncadd.s32 $0xFFFFF800  }
0xcf: {  	[bflag:$0x0] =	sbarrier.arrive $0xFFFF  }
0xd0: {  	s3 =	rddreg [dreg:$0x5]  }
0xd1: {  	s10 =	rddreg [dreg:$0x8]  }
0xd2: {  	s12 =	simm.s32 $0x11;
	s11 =	rddreg [dreg:$0x9]  }
0xd3: {  	[hbm:s3], [sflag:s10] =	dma.local [spmem:s11], $0x500  }
0xd4: {  	_ =	swait.ge [sflag:s12], $0x500  }
0xd5: {  	s3 =	rddreg [dreg:$0xa]  }
0xd6: {  	s10 =	sadd.s32 $0x1, s3;
	s3 =	rddreg [dreg:$0x6]  }
0xd7: {  	p0 =	sne.s32 s10, s3  }
.Ltmp1:
0xd8: {  	_ = 	snop;
	(pc) =	sbr.rel @p0 .LBB2_1-.Ltmp1, $3  }
0xd9: {  	_ =	sdelay $0x1  }
0xda: {  	[sflag:s12] =	ssyncset.done $0x0;
	[dreg:$0xa] =	wrdreg s10  }
0xdb: {  	[sflag:s12] =	ssyncadd.s32 $0xFFFFFB00;
	s10 =	rddreg [dreg:$0x8]  }
0xdc: {  	_ =	sfence.sel $0x180000  }
0xdd: {  	[bflag:$0x0] =	sbarrier.arrive $0xFFFF  }
0xde: {  	_ =	strace $0x9000004A  }
0xdf: {  	s0 =	stileid.u32;
	[bflag:$0x2] =	sbarrier.arrive $0xFFFF  }
0xe0: {  	p0 =	sne.s32 s0, $0x0;
	s0 =	rddreg [dreg:$0x2]  }
0xe1: {  	s0 =	sadd.s32 @!p0 $0x100000, s0  }
0xe2: {  	[sflag:s0] =	ssyncadd.tile.s32 @!p0 $0x1;
	_ =	shalt  }
.Lfunc_end2:
_tile_overlayer_lowered:
.L_overlay_start_2:
0xe3: {  	(tag) =	ssettag $0x2  }
0xe4: {  	s0 =	rddreg [dreg:$0x0];
	s2 =	stileid.u32  }
0xe5: {  	s1 =	rddreg [dreg:$0x1];
	p0 =	sne.s32 s2, $0x0  }
0xe6: {  	s3 =	rddreg [dreg:$0x2];
	[bflag:$0x3] =	sbarrier.arrive $0xFFFF;
	s2 =	simm.s32 @!p0 $0x1C11  }
0xe7: {  	[timem:s3], [sflag:s2] =	dma.local @!p0 [hbm:s0], s1  }
0xe8: {  	s0 =	simm.s32 @!p0 $0x11  }
0xe9: {  	_ =	swait.ge @!p0 [sflag:s0], s1  }
0xea: {  	s1 =	ssub.s32 @!p0 $0x0, s1;
	[sflag:s0] =	ssyncset.done @!p0 $0x0  }
0xeb: {  	[sflag:s0] =	ssyncadd.s32 @!p0 s1  }
0xec: {  	[bflag:$0x3] =	sbarrier.arrive $0xFFFF  }
0xed: {  	_ =	shalt  }

// kernel: kernel.18.cloned.1.call-start
scs
__scs_entry_jumppad:
0x0: {  	(pc) =	sbr.rel $0x88, $3  }
0x1: {  	(tag) =	ssettag $0x0;
	lr =	simm.s32 $0x1  }
0x2: {  	[smem:$0x3F93] =	sst lr;
	_ =	strace $0xD0000000  }
0x3: {  	_ = 	snop  }
0x4: {  	_ = 	snop  }
0x5: {  	_ = 	snop  }
0x6: {  	_ = 	snop  }
0x7: {  	_ = 	snop  }
__scs_overlays_trampoline_lowered:
0x8: {  	[smem:$0x3FA2] =	sst s0  }
0x9: {  	[smem:$0x3FA3] =	sst s1  }
0xa: {  	[smem:$0x3FA4] =	sst s2  }
0xb: {  	[smem:$0x3FA5] =	sst s3  }
0xc: {  	[smem:$0x3FA6] =	sst s4  }
0xd: {  	[smem:$0x3FA7] =	sst s5  }
0xe: {  	[smem:$0x3FA8] =	sst s6  }
0xf: {  	[smem:$0x3FA9] =	sst s7  }
0x10: {  	[smem:$0x3FAA] =	sst s8  }
0x11: {  	[smem:$0x3FAB] =	sst s9;
	s0 =	simm.s32 @!p0 $0x0  }
0x12: {  	s1 =	sld [smem:$0x3F91];
	s0 =	simm.s32 @p0 $0x1  }
0x13: {  	[smem:$0x3FAC] =	sst s0;
	s0 =	simm.s32 @!p1 $0x0  }
0x14: {  	s2 =	sld [smem:$0x3F90];
	s0 =	simm.s32 @p1 $0x1  }
0x15: {  	[smem:$0x3FAD] =	sst s0;
	s0 =	simm.s32 @!p2 $0x0  }
0x16: {  	s3 =	sld [smem:$0x3FDB];
	s0 =	simm.s32 @p2 $0x1  }
0x17: {  	s4 =	simm.s32 $0x1BF5;
	[smem:$0x3FAF] =	sst s0  }
0x18: {  	s0 =	sld [smem:$0x3F92];
	_ =	swait.ge [sflag:s4], $0x0  }
0x19: {  	s7 =	sld [smem:$0x3F93]  }
0x1a: {  	s8 =	sadd.s32 $0xFFFFE003, lr  }
0x1b: {  	s9 =	sadd.s32 $0xFFFFFEF7, lr;
	s5 =	simm.s32 $0xFFFFFFFF;
	p2 =	slt.u32 s8, $0xFFFFF086  }
0x1c: {  	p1 =	slt.u32 s9, $0xF7A;
	s5 =	simm.s32 @!p2 $0x0  }
0x1d: {  	s5 =	simm.s32 @p1 $0x1;
	p0 =	seq.s32 s7, s2  }
0x1e: {  	s7 =	smul.u32 @!p0 $0xF7A, s2;
	p2 =	seq.s32 @!p0 s5, $0x0  }
0x1f: {  	s9 =	smul.u32 $0xF7A, s1;
	s8 =	simm.s32 @!p0 $0x1BF5;
	p2 =	por !p2, p0  }
0x20: {  	[sflag:s8] =	ssyncset.s32 @!p0 $0xFFFFF086;
	s6 =	sadd.s32 @!p0 s3, s7;
	s7 =	simm.s32 @!p0 $0x108  }
0x21: {  	s3 =	sadd.s32 s3, s9;
	s6 =	sadd.s32 @!p0 $0x88, s6;
	s7 =	simm.s32 @p2 $0x1082  }
0x22: {  	[simem:s7], [sflag:s8] =	dma.local @!p0 [hbm:s6], $0xF7A  }
0x23: {  	s9 =	sor.u32 $0xD0000000, s2;
	s6 =	simm.s32 $0x108;
	_ =	swait.ge @!p0 [sflag:s8], $0x0  }
0x24: {  	s3 =	sadd.s32 $0x88, s3;
	s6 =	simm.s32 @!p1 $0x1082;
	[sflag:s4] =	ssyncset.s32 $0xFFFFF086  }
0x25: {  	[simem:s6], [sflag:s4] =	dma.local [hbm:s3], $0xF7A  }
0x26: {  	[smem:$0x3F93] =	sst s1;
	(tag) =	ssettag s2;
	_ =	strace s9  }
0x27: {  	s1 =	sld [smem:$0x3FA3]  }
0x28: {  	s2 =	sld [smem:$0x3FA4]  }
0x29: {  	s4 =	sld [smem:$0x3FA6]  }
0x2a: {  	p0 =	seq.s32 s5, $0x0;
	s5 =	sld [smem:$0x3FA7]  }
0x2b: {  	s6 =	sld [smem:$0x3FA8]  }
0x2c: {  	s7 =	sld [smem:$0x3FA9]  }
0x2d: {  	s3 =	simm.s32 $0x108;
	s8 =	sld [smem:$0x3FAA]  }
0x2e: {  	s3 =	simm.s32 @!p0 $0x1082;
	s9 =	sld [smem:$0x3FAB]  }
0x2f: {  	lr =	sadd.s32 s0, s3;
	s0 =	sld [smem:$0x3FA2]  }
0x30: {  	s3 =	sld [smem:$0x3FA5]  }
0x31: {  	[smem:$0x3FAE] =	sst s10  }
0x32: {  	s10 =	sld [smem:$0x3FAC];
	_ =	sdelay $0x3  }
0x33: {  	p0 =	seq.s32 s10, $0x1;
	s10 =	sld [smem:$0x3FAE];
	_ =	sdelay $0x3  }
0x34: {  	[smem:$0x3FAE] =	sst s10  }
0x35: {  	s10 =	sld [smem:$0x3FAD];
	_ =	sdelay $0x3  }
0x36: {  	p1 =	seq.s32 s10, $0x1;
	s10 =	sld [smem:$0x3FAE];
	_ =	sdelay $0x3  }
0x37: {  	[smem:$0x3FAE] =	sst s10  }
0x38: {  	s10 =	sld [smem:$0x3FAF]  }
0x39: {  	_ = 	snop;
	(pc) =	sbr.ind lr, $3  }
0x3a: {  	_ = 	snop  }
0x3b: {  	_ = 	snop  }
0x3c: {  	p2 =	seq.s32 s10, $0x1;
	s10 =	sld [smem:$0x3FAE]  }
0x3d: {  	_ =	shalt  }
0x3e: {  	_ =	shalt  }
0x3f: {  	_ =	shalt  }
0x40: {  	_ =	shalt  }
0x41: {  	_ =	shalt  }
0x42: {  	_ =	shalt  }
0x43: {  	_ =	shalt  }
0x44: {  	_ =	shalt  }
0x45: {  	_ =	shalt  }
0x46: {  	_ =	shalt  }
0x47: {  	_ =	shalt  }
0x48: {  	_ =	shalt  }
0x49: {  	_ =	shalt  }
0x4a: {  	_ =	shalt  }
0x4b: {  	_ =	shalt  }
0x4c: {  	_ =	shalt  }
0x4d: {  	_ =	shalt  }
0x4e: {  	_ =	shalt  }
0x4f: {  	_ =	shalt  }
0x50: {  	_ =	shalt  }
0x51: {  	_ =	shalt  }
0x52: {  	_ =	shalt  }
0x53: {  	_ =	shalt  }
0x54: {  	_ =	shalt  }
0x55: {  	_ =	shalt  }
0x56: {  	_ =	shalt  }
0x57: {  	_ =	shalt  }
0x58: {  	_ =	shalt  }
0x59: {  	_ =	shalt  }
0x5a: {  	_ =	shalt  }
0x5b: {  	_ =	shalt  }
0x5c: {  	_ =	shalt  }
0x5d: {  	_ =	shalt  }
0x5e: {  	_ =	shalt  }
0x5f: {  	_ =	shalt  }
0x60: {  	_ =	shalt  }
0x61: {  	_ =	shalt  }
0x62: {  	_ =	shalt  }
0x63: {  	_ =	shalt  }
0x64: {  	_ =	shalt  }
0x65: {  	_ =	shalt  }
0x66: {  	_ =	shalt  }
0x67: {  	_ =	shalt  }
0x68: {  	_ =	shalt  }
0x69: {  	_ =	shalt  }
0x6a: {  	_ =	shalt  }
0x6b: {  	_ =	shalt  }
0x6c: {  	_ =	shalt  }
0x6d: {  	_ =	shalt  }
0x6e: {  	_ =	shalt  }
0x6f: {  	_ =	shalt  }
0x70: {  	_ =	shalt  }
0x71: {  	_ =	shalt  }
0x72: {  	_ =	shalt  }
0x73: {  	_ =	shalt  }
0x74: {  	_ =	shalt  }
0x75: {  	_ =	shalt  }
0x76: {  	_ =	shalt  }
0x77: {  	_ =	shalt  }
0x78: {  	_ =	shalt  }
0x79: {  	_ =	shalt  }
0x7a: {  	_ =	shalt  }
0x7b: {  	_ =	shalt  }
0x7c: {  	_ =	shalt  }
0x7d: {  	_ =	shalt  }
0x7e: {  	_ =	shalt  }
0x7f: {  	_ =	shalt  }
0x80: {  	_ =	shalt  }
0x81: {  	_ =	shalt  }
0x82: {  	_ =	shalt  }
0x83: {  	_ =	shalt  }
0x84: {  	_ =	shalt  }
0x85: {  	_ =	shalt  }
0x86: {  	_ =	shalt  }
0x87: {  	_ =	shalt  }
.Lfunc_end0:
.L_simem_size_0:
called_computation.2_lowered:
.L_overlay_start_0:
0x88: {  	s2 =	sld [smem:$0x3FD9]  }
0x89: {  	s3 =	sld [smem:$0x3FFE];
	_ =	sdelay $0x1  }
0x8a: {  	s1 =	srdreg.scid  }
0x8b: {  	s0 =	sand.u32 $0x1, s1  }
0x8c: {  	s16 =	sshll.u32 s0, $0xA;
	s2 =	sadd.s32 s3, s2  }
0x8d: {  	s2 =	sadd.s32 s2, s16  }
0x8e: {  	[smem:$0x3FBA] =	sst s2  }
0x8f: {  	_ = 	snop  }
0x90: {  	(tm) =	ssettm $0x1  }
0x91: {  	s17 =	sld [smem:$0x3FFB];
	_ =	sdelay $0x3  }
0x92: {  	_ =	strace s17  }
0x93: {  	s2 =	sld [smem:$0x3FFC];
	_ =	sdelay $0x3  }
0x94: {  	_ =	strace s2  }
0x95: {  	s2 =	sld [smem:$0x3FFD];
	_ =	sdelay $0x3  }
0x96: {  	_ =	strace s2  }
0x97: {  	_ =	strace $0x8FFFFFFF  }
0x98: {  	s18 =	sld [smem:$0x3FDB];
	_ =	sdelay $0x1  }
0x99: {  	s19 =	simm.s32 $_scs_section_size  }
0x9a: {  	s4 =	simm.s32 $_size__tile_overlayer_lowered;
	s5 =	simm.s32 $_tile_overlayer_lowered  }
0x9b: {  	s22 =	simm.s32 $0x1BFF;
	s21 =	sshll.u32 s5, $0x1;
	s2 =	sadd.s32 s19, s18  }
0x9c: {  	s6 =	simm.s32 $0x0;
	s20 =	sshll.u32 s4, $0x1;
	s4 =	sadd.s32 s21, s2  }
0x9d: {  	[timem:s6], [sflag:s22] =	dma.local [hbm:s4], s20  }
0x9e: {  	_ =	swait.ge [sflag:s22], s20  }
0x9f: {  	s3 =	ssub.s32 $0x0, s20;
	[sflag:s22] =	ssyncset.done $0x0  }
0xa0: {  	[sflag:s22] =	ssyncadd.s32 s3;
	_ =	sdelay $0x1  }
0xa1: {  	s23 =	simm.s32 $0x1B8B  }
0xa2: {  	_ =	swait.ge [sflag:s23], $0x1  }
0xa3: {  	[sflag:s23] =	ssyncset.done $0x0  }
0xa4: {  	s25 =	simm.s32 $0x1B8E;
	s24 =	sld [smem:$0x3FFE];
	[sflag:s23] =	ssyncadd.s32 $0xFFFFFFFF  }
0xa5: {  	s26 =	simm.s32 $execute0_lowered;
	[smem:$0x3FD2] =	sst s25  }
0xa6: {  	s4 =	sshll.u32 s26, $0x1;
	_ =	strace $0x8000004C;
	[dreg:$0x1] =	wrdreg $0xFFFFFFFF  }
0xa7: {  	s28 =	simm.s32 $_size_execute0_lowered;
	s2 =	sadd.s32 s2, s4;
	[dreg:$0x0] =	wrdreg $0x0  }
0xa8: {  	s4 =	sshll.u32 s28, $0x1;
	[dreg:$0x2] =	wrdreg s2  }
0xa9: {  	[dreg:$0x3] =	wrdreg s4  }
0xaa: {  	[dreg:$0x4] =	wrdreg $0xC0  }
0xab: {  	_ =	task [dreg:s6], $0x5FFFF  }
0xac: {  	[dreg:$0x1] =	wrdreg $0xFFFFFFFF  }
0xad: {  	[dreg:$0x0] =	wrdreg $0x60  }
0xae: {  	[dreg:$0x2] =	wrdreg s24  }
0xaf: {  	[dreg:$0x3] =	wrdreg $0xD0000  }
0xb0: {  	[dreg:$0x4] =	wrdreg $0x9  }
0xb1: {  	_ =	task.clear_ibuf [dreg:s6], $0x5FFFF;
	_ =	strace $0x9000004C  }
0xb2: {  	s29 =	simm.s32 $0x9;
	_ =	strace $0x8000004E  }
0xb3: {  	_ =	swait.ge [sflag:s29], $0x1  }
0xb4: {  	[sflag:s29] =	ssyncadd.s32 $0xFFFFFFFF  }
0xb5: {  	_ =	strace $0x9000004E  }
0xb6: {  	_ =	sfence  }
0xb7: {  	s30 =	sld [smem:$0x0];
	_ =	sdelay $0x2  }
0xb8: {  	s31 =	sshll.u32 s1, $0xD;
	s1 =	sshrl.u32 s1, $0x2  }
0xb9: {  	s3 =	sand.u32 $0x4000, s31;
	s1 =	sadd.s32 s1, s30  }
0xba: {  	s0 =	sor.u32 s3, s0;
	s1 =	sshll.u32 s1, $0x11  }
0xbb: {  	s0 =	sor.u32 s1, s0  }
0xbc: {  	s0 =	sadd.s32 $0x8F2B, s0  }
0xbd: {  	[sflag:s0] =	ssyncadd.remote.s32 $0x1  }
0xbe: {  	_ =	sfence.sel $0xFFFF  }
0xbf: {  	[dreg:$0x0] =	wrdreg $0xFFFFFFFF;
	(pc) =	sbr.abs _section_cstart, $3  }
0xc0: {  	[dreg:$0x1] =	wrdreg $0xFFFFFFFF  }
0xc1: {  	_ =	task.clear_ibuf [dreg:s6], $0x2FFFF;
	_ =	strace $0x9FFFFFFF  }
0xc2: {  	(tm) =	ssettm $0x7FFFFFFF  }
0xc3: {  	_ =	shalt  }
tec
execute0_lowered:
.L_overlay_start_1:
0x0: {  	(tag) =	ssettag $0x1  }
0x1: {  	s0 =	srdreg.scid  }
0x2: {  	s10 =	stileid.u32;
	s3 =	rddreg [dreg:$0x0]  }
0x3: {  	s2 =	rddreg [dreg:$0x1];
	s4 =	simm.s32 $0x0;
	s12 =	simm.s32 $0x11  }
0x4: {  	s14 =	simm.s32 $0x80;
	s15 =	simm.s32 $0x5000;
	s16 =	simm.s32 $0x6000  }
0x5: {  	s18 =	simm.s32 $0x7000;
	s29 =	simm.s32 $0xC000;
	s30 =	simm.s32 $0x1  }
0x6: {  	s31 =	simm.s32 $0x2;
	s13 =	simm.s32 $0x5;
	s17 =	simm.s32 $0x6  }
0x7: {  	s19 =	simm.s32 $0x7;
	s28 =	simm.s32 $0xB;
	s0 =	sand.u32 $0x1, s0  }
0x8: {  	s1 =	sshll.u32 s10, $0x1;
	s5 =	smul.u32 $0x5000, s10;
	[smem:$0x7FF] =	sst s4  }
0x9: {  	s4 =	sadd.s32 $0x16800, s3;
	s8 =	sadd.s32 $0x20800, s3;
	s26 =	sshll.u32 s10, $0x6  }
0xa: {  	s1 =	sor.u32 s0, s1;
	s6 =	smul.u32 $0x50000, s0;
	_ =	strace $0x8000004D  }
0xb: {  	s7 =	ssub.s32 $0x2, s0;
	p0 =	seq.s32 s0, $0x0;
	s10 =	sor.u32 $0x1C11, s26  }
0xc: {  	s26 =	simm.s32 $0xB000;
	s0 =	simm.s32 $0x4;
	s1 =	smul.u32 $0x500, s1  }
0xd: {  	s9 =	sshrl.u32 s7, $0x1;
	s21 =	sadd.s32 s5, s2;
	s8 =	smov.u32 @p0 s4  }
0xe: {  	[dreg:$0x8] =	wrdreg s10;
	s6 =	sadd.s32 s5, s6;
	s20 =	ssub.s32 s7, s9  }
0xf: {  	s5 =	sshrl.u32 s5, $0x3;
	s11 =	sshrl.u32 s21, $0x3;
	s21 =	simm.s32 $0x8  }
0x10: {  	s7 =	simm.s32 $0xE;
	s9 =	simm.s32 $0x10;
	s1 =	sadd.s32 s1, s3  }
0x11: {  	s6 =	sshrl.u32 s6, $0x3;
	s24 =	smax.u32 s20, $0x1;
	s25 =	sadd.s32 s8, s5  }
0x12: {  	s20 =	simm.s32 $0x8000;
	s5 =	simm.s32 $0xC;
	[dreg:$0x9] =	wrdreg s11  }
0x13: {  	s8 =	simm.s32 $0xF;
	s3 =	sadd.s32 s6, s3;
	[dreg:$0x6] =	wrdreg s24  }
0x14: {  	s22 =	sadd.s32 $0x2800, s1;
	s1 =	sadd.s32 $0xC800, s1;
	[dreg:$0x7] =	wrdreg s25  }
0x15: {  	s24 =	simm.s32 $0xA000;
	s25 =	simm.s32 $0xA;
	[dreg:$0x3] =	wrdreg s22  }
0x16: {  	s6 =	simm.s32 $0xD;
	[dreg:$0x4] =	wrdreg s1;
	s23 =	sadd.s32 $0x2A800, s3  }
0x17: {  	s22 =	simm.s32 $0x9000;
	s3 =	simm.s32 $0x0;
	[dreg:$0x5] =	wrdreg s23  }
0x18: {  	s1 =	simm.s32 $0x3;
	s23 =	simm.s32 $0x9;
	[dreg:$0xa] =	wrdreg s3  }
.LBB2_1:
0x19: {  	s3 =	rddreg [dreg:$0x7]  }
0x1a: {  	[spmem:s11], [sflag:s10] =	dma.local [hbm:s3], $0xA00  }
0x1b: {  	_ =	swait.ge [sflag:s12], $0xA00  }
0x1c: {  	[sflag:s12] =	ssyncset.done $0x0  }
0x1d: {  	s10 =	simm.s32 $0x0;
	s11 =	rddreg [dreg:$0x3];
	[sflag:s12] =	ssyncadd.s32 $0xFFFFF600  }
0x1e: {  	[tilespmem:s10], [sflag:$0x11] =	stream.linear.gather [hbm4b:s11+s10], $0x2800, $0x38;
	[tilespmem:$0x12000] =	vst v63  }
0x1f: {  	_ =	swait.ge [sflag:s12], $0x2800  }
0x20: {  	[sflag:s12] =	ssyncset.done $0x0  }
0x21: {  	s11 =	simm.s32 $0x2800;
	s3 =	rddreg [dreg:$0x4];
	[sflag:s12] =	ssyncadd.s32 $0xFFFFD800  }
0x22: {  	[tilespmem:s11], [sflag:$0x11] =	stream.linear.gather [hbm4b:s3+s10], $0x2800, $0x38;
	[tilespmem:$0x12000] =	vst v63  }
0x23: {  	_ =	swait.ge [sflag:s12], $0x2800  }
0x24: {  	[sflag:s12] =	ssyncset.done $0x0  }
0x25: {  	[sflag:s12] =	ssyncadd.s32 $0xFFFFD800  }
0x26: {  	[bflag:$0x0] =	sbarrier.arrive $0xFFFF  }
0x27: {  	[tilespmem:s15], [sflag:$0x1] =	stream.indirect.gather [hbm4b:s4+s14], $0x20, s10, s14, $0xb8;
	[tilespmem:$0x12000] =	vst v63  }
0x28: {  	_ = 	snop  }
0x29: {  	[tilespmem:s16], [sflag:$0x2] =	stream.indirect.gather [hbm4b:s4+s14], $0x20, s14, s14, $0xb8;
	[tilespmem:$0x12000] =	vst v63  }
0x2a: {  	s11 =	simm.s32 $0x100  }
0x2b: {  	[tilespmem:s18], [sflag:$0x3] =	stream.indirect.gather [hbm4b:s4+s14], $0x20, s11, s14, $0xb8;
	[tilespmem:$0x12000] =	vst v63  }
0x2c: {  	s12 =	simm.s32 $0x180  }
0x2d: {  	[tilespmem:s20], [sflag:$0x4] =	stream.indirect.gather [hbm4b:s4+s14], $0x20, s12, s14, $0xb8;
	[tilespmem:$0x12000] =	vst v63  }
0x2e: {  	s11 =	simm.s32 $0x200  }
0x2f: {  	[tilespmem:s22], [sflag:$0x5] =	stream.indirect.gather [hbm4b:s4+s14], $0x20, s11, s14, $0xb8;
	[tilespmem:$0x12000] =	vst v63  }
0x30: {  	s12 =	simm.s32 $0x280  }
0x31: {  	[tilespmem:s24], [sflag:$0x6] =	stream.indirect.gather [hbm4b:s4+s14], $0x20, s12, s14, $0xb8;
	[tilespmem:$0x12000] =	vst v63  }
0x32: {  	s11 =	simm.s32 $0x300  }
0x33: {  	[tilespmem:s26], [sflag:$0x7] =	stream.indirect.gather [hbm4b:s4+s14], $0x20, s11, s14, $0xb8;
	[tilespmem:$0x12000] =	vst v63  }
0x34: {  	s12 =	simm.s32 $0x380  }
0x35: {  	[tilespmem:s29], [sflag:$0x8] =	stream.indirect.gather [hbm4b:s4+s14], $0x20, s12, s14, $0xb8;
	[tilespmem:$0x12000] =	vst v63  }
0x36: {  	_ =	swait.ge [sflag:s30], $0x1000  }
0x37: {  	[sflag:s30] =	ssyncset.done $0x0  }
0x38: {  	s11 =	simm.s32 $0x2800;
	[sflag:s30] =	ssyncadd.s32 $0xFFFFF000  }
0x39: {  	[spmem:s2] =	stream.indirect.scatter.add.f32 [tilespmem:s15], [sflag:$0x9], $0x20, s11, s14, $0xb8;
	[tilespmem:$0x12000] =	vst v63  }
0x3a: {  	_ =	swait.ge [sflag:s31], $0x1000  }
0x3b: {  	[sflag:s31] =	ssyncset.done $0x0  }
0x3c: {  	s12 =	simm.s32 $0x2880;
	[sflag:s31] =	ssyncadd.s32 $0xFFFFF000  }
0x3d: {  	[spmem:s2] =	stream.indirect.scatter.add.f32 [tilespmem:s16], [sflag:$0xA], $0x20, s12, s14, $0xb8;
	[tilespmem:$0x12000] =	vst v63  }
0x3e: {  	_ =	swait.ge [sflag:s1], $0x1000  }
0x3f: {  	[sflag:s1] =	ssyncset.done $0x0  }
0x40: {  	s11 =	simm.s32 $0x2900;
	[sflag:s1] =	ssyncadd.s32 $0xFFFFF000  }
0x41: {  	[spmem:s2] =	stream.indirect.scatter.add.f32 [tilespmem:s18], [sflag:$0xB], $0x20, s11, s14, $0xb8;
	[tilespmem:$0x12000] =	vst v63  }
0x42: {  	_ =	swait.ge [sflag:s0], $0x1000  }
0x43: {  	[sflag:s0] =	ssyncset.done $0x0  }
0x44: {  	s12 =	simm.s32 $0x2980;
	[sflag:s0] =	ssyncadd.s32 $0xFFFFF000  }
0x45: {  	[spmem:s2] =	stream.indirect.scatter.add.f32 [tilespmem:s20], [sflag:$0xC], $0x20, s12, s14, $0xb8;
	[tilespmem:$0x12000] =	vst v63  }
0x46: {  	_ =	swait.ge [sflag:s13], $0x1000  }
0x47: {  	[sflag:s13] =	ssyncset.done $0x0  }
0x48: {  	s11 =	simm.s32 $0x2A00;
	[sflag:s13] =	ssyncadd.s32 $0xFFFFF000  }
0x49: {  	[spmem:s2] =	stream.indirect.scatter.add.f32 [tilespmem:s22], [sflag:$0xD], $0x20, s11, s14, $0xb8;
	[tilespmem:$0x12000] =	vst v63  }
0x4a: {  	_ =	swait.ge [sflag:s17], $0x1000  }
0x4b: {  	[sflag:s17] =	ssyncset.done $0x0  }
0x4c: {  	s12 =	simm.s32 $0x2A80;
	[sflag:s17] =	ssyncadd.s32 $0xFFFFF000  }
0x4d: {  	[spmem:s2] =	stream.indirect.scatter.add.f32 [tilespmem:s24], [sflag:$0xE], $0x20, s12, s14, $0xb8;
	[tilespmem:$0x12000] =	vst v63  }
0x4e: {  	_ =	swait.ge [sflag:s19], $0x1000  }
0x4f: {  	[sflag:s19] =	ssyncset.done $0x0  }
0x50: {  	s11 =	simm.s32 $0x2B00;
	[sflag:s19] =	ssyncadd.s32 $0xFFFFF000  }
0x51: {  	[spmem:s2] =	stream.indirect.scatter.add.f32 [tilespmem:s26], [sflag:$0xF], $0x20, s11, s14, $0xb8;
	[tilespmem:$0x12000] =	vst v63  }
0x52: {  	_ =	swait.ge [sflag:s21], $0x1000  }
0x53: {  	[sflag:s21] =	ssyncset.done $0x0  }
0x54: {  	s12 =	simm.s32 $0x2B80;
	[sflag:s21] =	ssyncadd.s32 $0xFFFFF000  }
0x55: {  	[spmem:s2] =	stream.indirect.scatter.add.f32 [tilespmem:s29], [sflag:$0x10], $0x20, s12, s14, $0xb8;
	[tilespmem:$0x12000] =	vst v63  }
0x56: {  	s11 =	smin.u32 s10, $0x47;
	_ =	swait.ge [sflag:s23], $0x1000  }
0x57: {  	s3 =	sshll.u32 s11, $0x7;
	[sflag:s23] =	ssyncset.done $0x0  }
0x58: {  	s3 =	sadd.s32 $0x400, s3;
	[sflag:s23] =	ssyncadd.s32 $0xFFFFF000  }
0x59: {  	[tilespmem:s15], [sflag:$0x1] =	stream.indirect.gather [hbm4b:s4+s14], $0x20, s3, s14, $0xb8;
	[tilespmem:$0x12000] =	vst v63  }
0x5a: {  	s12 =	smin.u32 s10, $0x46;
	_ =	swait.ge [sflag:s25], $0x1000  }
0x5b: {  	s3 =	sshll.u32 s12, $0x7;
	[sflag:s25] =	ssyncset.done $0x0  }
0x5c: {  	s3 =	sadd.s32 $0x480, s3;
	[sflag:s25] =	ssyncadd.s32 $0xFFFFF000  }
0x5d: {  	[tilespmem:s16], [sflag:$0x2] =	stream.indirect.gather [hbm4b:s4+s14], $0x20, s3, s14, $0xb8;
	[tilespmem:$0x12000] =	vst v63  }
0x5e: {  	s11 =	smin.u32 s10, $0x45;
	_ =	swait.ge [sflag:s28], $0x1000  }
0x5f: {  	s3 =	sshll.u32 s11, $0x7;
	[sflag:s28] =	ssyncset.done $0x0  }
0x60: {  	s3 =	sadd.s32 $0x500, s3;
	[sflag:s28] =	ssyncadd.s32 $0xFFFFF000  }
0x61: {  	[tilespmem:s18], [sflag:$0x3] =	stream.indirect.gather [hbm4b:s4+s14], $0x20, s3, s14, $0xb8;
	[tilespmem:$0x12000] =	vst v63  }
0x62: {  	s12 =	smin.u32 s10, $0x44;
	_ =	swait.ge [sflag:s5], $0x1000  }
0x63: {  	s3 =	sshll.u32 s12, $0x7;
	[sflag:s5] =	ssyncset.done $0x0  }
0x64: {  	s3 =	sadd.s32 $0x580, s3;
	[sflag:s5] =	ssyncadd.s32 $0xFFFFF000  }
0x65: {  	[tilespmem:s20], [sflag:$0x4] =	stream.indirect.gather [hbm4b:s4+s14], $0x20, s3, s14, $0xb8;
	[tilespmem:$0x12000] =	vst v63  }
0x66: {  	s11 =	smin.u32 s10, $0x43;
	_ =	swait.ge [sflag:s6], $0x1000  }
0x67: {  	s3 =	sshll.u32 s11, $0x7;
	[sflag:s6] =	ssyncset.done $0x0  }
0x68: {  	s3 =	sadd.s32 $0x600, s3;
	[sflag:s6] =	ssyncadd.s32 $0xFFFFF000  }
0x69: {  	[tilespmem:s22], [sflag:$0x5] =	stream.indirect.gather [hbm4b:s4+s14], $0x20, s3, s14, $0xb8;
	[tilespmem:$0x12000] =	vst v63  }
0x6a: {  	s12 =	smin.u32 s10, $0x42;
	_ =	swait.ge [sflag:s7], $0x1000  }
0x6b: {  	s3 =	sshll.u32 s12, $0x7;
	[sflag:s7] =	ssyncset.done $0x0  }
0x6c: {  	s3 =	sadd.s32 $0x680, s3;
	[sflag:s7] =	ssyncadd.s32 $0xFFFFF000  }
0x6d: {  	[tilespmem:s24], [sflag:$0x6] =	stream.indirect.gather [hbm4b:s4+s14], $0x20, s3, s14, $0xb8;
	[tilespmem:$0x12000] =	vst v63  }
0x6e: {  	s11 =	smin.u32 s10, $0x41;
	_ =	swait.ge [sflag:s8], $0x1000  }
0x6f: {  	s3 =	sshll.u32 s11, $0x7;
	[sflag:s8] =	ssyncset.done $0x0  }
0x70: {  	s3 =	sadd.s32 $0x700, s3;
	[sflag:s8] =	ssyncadd.s32 $0xFFFFF000  }
0x71: {  	[tilespmem:s26], [sflag:$0x7] =	stream.indirect.gather [hbm4b:s4+s14], $0x20, s3, s14, $0xb8;
	[tilespmem:$0x12000] =	vst v63  }
0x72: {  	s12 =	smin.u32 s10, $0x40;
	_ =	swait.ge [sflag:s9], $0x1000  }
0x73: {  	s11 =	simm.s32 $0x1000;
	s3 =	sshll.u32 s12, $0x7;
	[sflag:s9] =	ssyncset.done $0x0  }
0x74: {  	s12 =	sadd.s32 $0x780, s3;
	s3 =	simm.s32 $0x8;
	[sflag:s9] =	ssyncadd.s32 $0xFFFFF000  }
.LBB2_2:
0x75: {  	[tilespmem:s29], [sflag:$0x8] =	stream.indirect.gather [hbm4b:s4+s14], $0x20, s12, s14, $0xb8;
	[tilespmem:$0x12000] =	vst v63  }
0x76: {  	s12 =	smov.u32 s11  }
0x77: {  	p0 =	sne.s32 s11, $0x9000;
	s11 =	sadd.s32 $0x1000, s11;
	_ =	swait.ge [sflag:s30], $0x1000  }
0x78: {  	s12 =	sshra.s32 s12, $0x2;
	[sflag:s30] =	ssyncset.done $0x0  }
0x79: {  	s10 =	sadd.s32 $0x2800, s12;
	[sflag:s30] =	ssyncadd.s32 $0xFFFFF000  }
0x7a: {  	[spmem:s2] =	stream.indirect.scatter.add.f32 [tilespmem:s15], [sflag:$0x9], $0x20, s10, s14, $0xb8;
	[tilespmem:$0x12000] =	vst v63  }
0x7b: {  	_ =	swait.ge [sflag:s31], $0x1000  }
0x7c: {  	[sflag:s31] =	ssyncset.done $0x0  }
0x7d: {  	s10 =	sadd.s32 $0x2880, s12;
	[sflag:s31] =	ssyncadd.s32 $0xFFFFF000  }
0x7e: {  	[spmem:s2] =	stream.indirect.scatter.add.f32 [tilespmem:s16], [sflag:$0xA], $0x20, s10, s14, $0xb8;
	[tilespmem:$0x12000] =	vst v63  }
0x7f: {  	_ =	swait.ge [sflag:s1], $0x1000  }
0x80: {  	[sflag:s1] =	ssyncset.done $0x0  }
0x81: {  	s10 =	sadd.s32 $0x2900, s12;
	[sflag:s1] =	ssyncadd.s32 $0xFFFFF000  }
0x82: {  	[spmem:s2] =	stream.indirect.scatter.add.f32 [tilespmem:s18], [sflag:$0xB], $0x20, s10, s14, $0xb8;
	[tilespmem:$0x12000] =	vst v63  }
0x83: {  	_ =	swait.ge [sflag:s0], $0x1000  }
0x84: {  	[sflag:s0] =	ssyncset.done $0x0  }
0x85: {  	s10 =	sadd.s32 $0x2980, s12;
	[sflag:s0] =	ssyncadd.s32 $0xFFFFF000  }
0x86: {  	[spmem:s2] =	stream.indirect.scatter.add.f32 [tilespmem:s20], [sflag:$0xC], $0x20, s10, s14, $0xb8;
	[tilespmem:$0x12000] =	vst v63  }
0x87: {  	_ =	swait.ge [sflag:s13], $0x1000  }
0x88: {  	[sflag:s13] =	ssyncset.done $0x0  }
0x89: {  	s10 =	sadd.s32 $0x2A00, s12;
	[sflag:s13] =	ssyncadd.s32 $0xFFFFF000  }
0x8a: {  	[spmem:s2] =	stream.indirect.scatter.add.f32 [tilespmem:s22], [sflag:$0xD], $0x20, s10, s14, $0xb8;
	[tilespmem:$0x12000] =	vst v63  }
0x8b: {  	_ =	swait.ge [sflag:s17], $0x1000  }
0x8c: {  	[sflag:s17] =	ssyncset.done $0x0  }
0x8d: {  	s10 =	sadd.s32 $0x2A80, s12;
	[sflag:s17] =	ssyncadd.s32 $0xFFFFF000  }
0x8e: {  	[spmem:s2] =	stream.indirect.scatter.add.f32 [tilespmem:s24], [sflag:$0xE], $0x20, s10, s14, $0xb8;
	[tilespmem:$0x12000] =	vst v63  }
0x8f: {  	_ =	swait.ge [sflag:s19], $0x1000  }
0x90: {  	[sflag:s19] =	ssyncset.done $0x0  }
0x91: {  	s10 =	sadd.s32 $0x2B00, s12;
	[sflag:s19] =	ssyncadd.s32 $0xFFFFF000  }
0x92: {  	[spmem:s2] =	stream.indirect.scatter.add.f32 [tilespmem:s26], [sflag:$0xF], $0x20, s10, s14, $0xb8;
	[tilespmem:$0x12000] =	vst v63  }
0x93: {  	_ =	swait.ge [sflag:s21], $0x1000  }
0x94: {  	[sflag:s21] =	ssyncset.done $0x0  }
0x95: {  	s10 =	sadd.s32 $0x2B80, s12;
	[sflag:s21] =	ssyncadd.s32 $0xFFFFF000  }
0x96: {  	[spmem:s2] =	stream.indirect.scatter.add.f32 [tilespmem:s29], [sflag:$0x10], $0x20, s10, s14, $0xb8;
	[tilespmem:$0x12000] =	vst v63  }
0x97: {  	s10 =	smin.u32 s3, $0x47;
	_ =	swait.ge [sflag:s23], $0x1000  }
0x98: {  	s10 =	sshll.u32 s10, $0x7;
	[sflag:s23] =	ssyncset.done $0x0  }
0x99: {  	s10 =	sadd.s32 $0x400, s10;
	[sflag:s23] =	ssyncadd.s32 $0xFFFFF000  }
0x9a: {  	[tilespmem:s15], [sflag:$0x1] =	stream.indirect.gather [hbm4b:s4+s14], $0x20, s10, s14, $0xb8;
	[tilespmem:$0x12000] =	vst v63  }
0x9b: {  	s10 =	smin.u32 s3, $0x46;
	_ =	swait.ge [sflag:s25], $0x1000  }
0x9c: {  	s10 =	sshll.u32 s10, $0x7;
	[sflag:s25] =	ssyncset.done $0x0  }
0x9d: {  	s10 =	sadd.s32 $0x480, s10;
	[sflag:s25] =	ssyncadd.s32 $0xFFFFF000  }
0x9e: {  	[tilespmem:s16], [sflag:$0x2] =	stream.indirect.gather [hbm4b:s4+s14], $0x20, s10, s14, $0xb8;
	[tilespmem:$0x12000] =	vst v63  }
0x9f: {  	s10 =	smin.u32 s3, $0x45;
	_ =	swait.ge [sflag:s28], $0x1000  }
0xa0: {  	s10 =	sshll.u32 s10, $0x7;
	[sflag:s28] =	ssyncset.done $0x0  }
0xa1: {  	s10 =	sadd.s32 $0x500, s10;
	[sflag:s28] =	ssyncadd.s32 $0xFFFFF000  }
0xa2: {  	[tilespmem:s18], [sflag:$0x3] =	stream.indirect.gather [hbm4b:s4+s14], $0x20, s10, s14, $0xb8;
	[tilespmem:$0x12000] =	vst v63  }
0xa3: {  	s10 =	smin.u32 s3, $0x44;
	_ =	swait.ge [sflag:s5], $0x1000  }
0xa4: {  	s10 =	sshll.u32 s10, $0x7;
	[sflag:s5] =	ssyncset.done $0x0  }
0xa5: {  	s10 =	sadd.s32 $0x580, s10;
	[sflag:s5] =	ssyncadd.s32 $0xFFFFF000  }
0xa6: {  	[tilespmem:s20], [sflag:$0x4] =	stream.indirect.gather [hbm4b:s4+s14], $0x20, s10, s14, $0xb8;
	[tilespmem:$0x12000] =	vst v63  }
0xa7: {  	s10 =	smin.u32 s3, $0x43;
	_ =	swait.ge [sflag:s6], $0x1000  }
0xa8: {  	s10 =	sshll.u32 s10, $0x7;
	[sflag:s6] =	ssyncset.done $0x0  }
0xa9: {  	s10 =	sadd.s32 $0x600, s10;
	[sflag:s6] =	ssyncadd.s32 $0xFFFFF000  }
0xaa: {  	[tilespmem:s22], [sflag:$0x5] =	stream.indirect.gather [hbm4b:s4+s14], $0x20, s10, s14, $0xb8;
	[tilespmem:$0x12000] =	vst v63  }
0xab: {  	s10 =	smin.u32 s3, $0x42;
	_ =	swait.ge [sflag:s7], $0x1000  }
0xac: {  	s10 =	sshll.u32 s10, $0x7;
	[sflag:s7] =	ssyncset.done $0x0  }
0xad: {  	s10 =	sadd.s32 $0x680, s10;
	[sflag:s7] =	ssyncadd.s32 $0xFFFFF000  }
0xae: {  	[tilespmem:s24], [sflag:$0x6] =	stream.indirect.gather [hbm4b:s4+s14], $0x20, s10, s14, $0xb8;
	[tilespmem:$0x12000] =	vst v63  }
0xaf: {  	s10 =	smin.u32 s3, $0x41;
	_ =	swait.ge [sflag:s8], $0x1000  }
0xb0: {  	s10 =	sshll.u32 s10, $0x7;
	[sflag:s8] =	ssyncset.done $0x0  }
.Ltmp0:
0xb1: {  	s10 =	sadd.s32 $0x700, s10;
	[sflag:s8] =	ssyncadd.s32 $0xFFFFF000;
	(pc) =	sbr.rel @p0 .LBB2_2-.Ltmp0, $4  }
0xb2: {  	[tilespmem:s26], [sflag:$0x7] =	stream.indirect.gather [hbm4b:s4+s14], $0x20, s10, s14, $0xb8;
	[tilespmem:$0x12000] =	vst v63  }
0xb3: {  	s10 =	smin.u32 s3, $0x40;
	_ =	swait.ge [sflag:s9], $0x1000  }
0xb4: {  	s10 =	sshll.u32 s10, $0x7;
	[sflag:s9] =	ssyncset.done $0x0  }
0xb5: {  	s3 =	sadd.s32 $0x8, s3;
	s12 =	sadd.s32 $0x780, s10;
	[sflag:s9] =	ssyncadd.s32 $0xFFFFF000  }
0xb6: {  	[tilespmem:s29], [sflag:$0x8] =	stream.indirect.gather [hbm4b:s4+s14], $0x20, s12, s14, $0xb8;
	[tilespmem:$0x12000] =	vst v63  }
0xb7: {  	_ =	swait.ge [sflag:s30], $0x1000  }
0xb8: {  	[sflag:s30] =	ssyncset.done $0x0  }
0xb9: {  	[sflag:s30] =	ssyncadd.s32 $0xFFFFF000  }
0xba: {  	_ =	swait.ge [sflag:s31], $0x1000  }
0xbb: {  	[sflag:s31] =	ssyncset.done $0x0  }
0xbc: {  	[sflag:s31] =	ssyncadd.s32 $0xFFFFF000  }
0xbd: {  	_ =	swait.ge [sflag:s1], $0x1000  }
0xbe: {  	[sflag:s1] =	ssyncset.done $0x0  }
0xbf: {  	[sflag:s1] =	ssyncadd.s32 $0xFFFFF000  }
0xc0: {  	_ =	swait.ge [sflag:s0], $0x1000  }
0xc1: {  	[sflag:s0] =	ssyncset.done $0x0  }
0xc2: {  	[sflag:s0] =	ssyncadd.s32 $0xFFFFF000  }
0xc3: {  	_ =	swait.ge [sflag:s13], $0x1000  }
0xc4: {  	[sflag:s13] =	ssyncset.done $0x0  }
0xc5: {  	[sflag:s13] =	ssyncadd.s32 $0xFFFFF000  }
0xc6: {  	_ =	swait.ge [sflag:s17], $0x1000  }
0xc7: {  	[sflag:s17] =	ssyncset.done $0x0  }
0xc8: {  	[sflag:s17] =	ssyncadd.s32 $0xFFFFF000  }
0xc9: {  	_ =	swait.ge [sflag:s19], $0x1000  }
0xca: {  	[sflag:s19] =	ssyncset.done $0x0  }
0xcb: {  	[sflag:s19] =	ssyncadd.s32 $0xFFFFF000  }
0xcc: {  	_ =	swait.ge [sflag:s21], $0x1000  }
0xcd: {  	[sflag:s21] =	ssyncset.done $0x0  }
0xce: {  	[sflag:s21] =	ssyncadd.s32 $0xFFFFF000  }
0xcf: {  	[bflag:$0x0] =	sbarrier.arrive $0xFFFF  }
0xd0: {  	s3 =	rddreg [dreg:$0x5]  }
0xd1: {  	s10 =	rddreg [dreg:$0x8]  }
0xd2: {  	s12 =	simm.s32 $0x11;
	s11 =	rddreg [dreg:$0x9]  }
0xd3: {  	[hbm:s3], [sflag:s10] =	dma.local [spmem:s11], $0xA00  }
0xd4: {  	_ =	swait.ge [sflag:s12], $0xA00  }
0xd5: {  	s3 =	rddreg [dreg:$0xa]  }
0xd6: {  	s10 =	sadd.s32 $0x1, s3;
	s3 =	rddreg [dreg:$0x6]  }
0xd7: {  	p0 =	sne.s32 s10, s3  }
.Ltmp1:
0xd8: {  	_ = 	snop;
	(pc) =	sbr.rel @p0 .LBB2_1-.Ltmp1, $3  }
0xd9: {  	_ =	sdelay $0x1  }
0xda: {  	[sflag:s12] =	ssyncset.done $0x0;
	[dreg:$0xa] =	wrdreg s10  }
0xdb: {  	[sflag:s12] =	ssyncadd.s32 $0xFFFFF600;
	s10 =	rddreg [dreg:$0x8]  }
0xdc: {  	_ =	sfence.sel $0x180000  }
0xdd: {  	[bflag:$0x0] =	sbarrier.arrive $0xFFFF  }
0xde: {  	_ =	strace $0x9000004D  }
0xdf: {  	s0 =	stileid.u32;
	[bflag:$0x2] =	sbarrier.arrive $0xFFFF  }
0xe0: {  	p0 =	sne.s32 s0, $0x0;
	s0 =	rddreg [dreg:$0x2]  }
0xe1: {  	s0 =	sadd.s32 @!p0 $0x100000, s0  }
0xe2: {  	[sflag:s0] =	ssyncadd.tile.s32 @!p0 $0x1;
	_ =	shalt  }
.Lfunc_end2:
_tile_overlayer_lowered:
.L_overlay_start_2:
0xe3: {  	(tag) =	ssettag $0x2  }
0xe4: {  	s0 =	rddreg [dreg:$0x0];
	s2 =	stileid.u32  }
0xe5: {  	s1 =	rddreg [dreg:$0x1];
	p0 =	sne.s32 s2, $0x0  }
0xe6: {  	s3 =	rddreg [dreg:$0x2];
	[bflag:$0x3] =	sbarrier.arrive $0xFFFF;
	s2 =	simm.s32 @!p0 $0x1C11  }
0xe7: {  	[timem:s3], [sflag:s2] =	dma.local @!p0 [hbm:s0], s1  }
0xe8: {  	s0 =	simm.s32 @!p0 $0x11  }
0xe9: {  	_ =	swait.ge @!p0 [sflag:s0], s1  }
0xea: {  	s1 =	ssub.s32 @!p0 $0x0, s1;
	[sflag:s0] =	ssyncset.done @!p0 $0x0  }
0xeb: {  	[sflag:s0] =	ssyncadd.s32 @!p0 s1  }
0xec: {  	[bflag:$0x3] =	sbarrier.arrive $0xFFFF  }
0xed: {  	_ =	shalt  }

// kernel: kernel.21.cloned.1.call-start
scs
__scs_entry_jumppad:
0x0: {  	(pc) =	sbr.rel $0x88, $3  }
0x1: {  	(tag) =	ssettag $0x0;
	lr =	simm.s32 $0x1  }
0x2: {  	[smem:$0x3F93] =	sst lr;
	_ =	strace $0xD0000000  }
0x3: {  	_ = 	snop  }
0x4: {  	_ = 	snop  }
0x5: {  	_ = 	snop  }
0x6: {  	_ = 	snop  }
0x7: {  	_ = 	snop  }
__scs_overlays_trampoline_lowered:
0x8: {  	[smem:$0x3FA2] =	sst s0  }
0x9: {  	[smem:$0x3FA3] =	sst s1  }
0xa: {  	[smem:$0x3FA4] =	sst s2  }
0xb: {  	[smem:$0x3FA5] =	sst s3  }
0xc: {  	[smem:$0x3FA6] =	sst s4  }
0xd: {  	[smem:$0x3FA7] =	sst s5  }
0xe: {  	[smem:$0x3FA8] =	sst s6  }
0xf: {  	[smem:$0x3FA9] =	sst s7  }
0x10: {  	[smem:$0x3FAA] =	sst s8  }
0x11: {  	[smem:$0x3FAB] =	sst s9;
	s0 =	simm.s32 @!p0 $0x0  }
0x12: {  	s1 =	sld [smem:$0x3F91];
	s0 =	simm.s32 @p0 $0x1  }
0x13: {  	[smem:$0x3FAC] =	sst s0;
	s0 =	simm.s32 @!p1 $0x0  }
0x14: {  	s2 =	sld [smem:$0x3F90];
	s0 =	simm.s32 @p1 $0x1  }
0x15: {  	[smem:$0x3FAD] =	sst s0;
	s0 =	simm.s32 @!p2 $0x0  }
0x16: {  	s3 =	sld [smem:$0x3FDB];
	s0 =	simm.s32 @p2 $0x1  }
0x17: {  	s4 =	simm.s32 $0x1BF5;
	[smem:$0x3FAF] =	sst s0  }
0x18: {  	s0 =	sld [smem:$0x3F92];
	_ =	swait.ge [sflag:s4], $0x0  }
0x19: {  	s7 =	sld [smem:$0x3F93]  }
0x1a: {  	s8 =	sadd.s32 $0xFFFFE003, lr  }
0x1b: {  	s9 =	sadd.s32 $0xFFFFFEF7, lr;
	s5 =	simm.s32 $0xFFFFFFFF;
	p2 =	slt.u32 s8, $0xFFFFF086  }
0x1c: {  	p1 =	slt.u32 s9, $0xF7A;
	s5 =	simm.s32 @!p2 $0x0  }
0x1d: {  	s5 =	simm.s32 @p1 $0x1;
	p0 =	seq.s32 s7, s2  }
0x1e: {  	s7 =	smul.u32 @!p0 $0xF7A, s2;
	p2 =	seq.s32 @!p0 s5, $0x0  }
0x1f: {  	s9 =	smul.u32 $0xF7A, s1;
	s8 =	simm.s32 @!p0 $0x1BF5;
	p2 =	por !p2, p0  }
0x20: {  	[sflag:s8] =	ssyncset.s32 @!p0 $0xFFFFF086;
	s6 =	sadd.s32 @!p0 s3, s7;
	s7 =	simm.s32 @!p0 $0x108  }
0x21: {  	s3 =	sadd.s32 s3, s9;
	s6 =	sadd.s32 @!p0 $0x88, s6;
	s7 =	simm.s32 @p2 $0x1082  }
0x22: {  	[simem:s7], [sflag:s8] =	dma.local @!p0 [hbm:s6], $0xF7A  }
0x23: {  	s9 =	sor.u32 $0xD0000000, s2;
	s6 =	simm.s32 $0x108;
	_ =	swait.ge @!p0 [sflag:s8], $0x0  }
0x24: {  	s3 =	sadd.s32 $0x88, s3;
	s6 =	simm.s32 @!p1 $0x1082;
	[sflag:s4] =	ssyncset.s32 $0xFFFFF086  }
0x25: {  	[simem:s6], [sflag:s4] =	dma.local [hbm:s3], $0xF7A  }
0x26: {  	[smem:$0x3F93] =	sst s1;
	(tag) =	ssettag s2;
	_ =	strace s9  }
0x27: {  	s1 =	sld [smem:$0x3FA3]  }
0x28: {  	s2 =	sld [smem:$0x3FA4]  }
0x29: {  	s4 =	sld [smem:$0x3FA6]  }
0x2a: {  	p0 =	seq.s32 s5, $0x0;
	s5 =	sld [smem:$0x3FA7]  }
0x2b: {  	s6 =	sld [smem:$0x3FA8]  }
0x2c: {  	s7 =	sld [smem:$0x3FA9]  }
0x2d: {  	s3 =	simm.s32 $0x108;
	s8 =	sld [smem:$0x3FAA]  }
0x2e: {  	s3 =	simm.s32 @!p0 $0x1082;
	s9 =	sld [smem:$0x3FAB]  }
0x2f: {  	lr =	sadd.s32 s0, s3;
	s0 =	sld [smem:$0x3FA2]  }
0x30: {  	s3 =	sld [smem:$0x3FA5]  }
0x31: {  	[smem:$0x3FAE] =	sst s10  }
0x32: {  	s10 =	sld [smem:$0x3FAC];
	_ =	sdelay $0x3  }
0x33: {  	p0 =	seq.s32 s10, $0x1;
	s10 =	sld [smem:$0x3FAE];
	_ =	sdelay $0x3  }
0x34: {  	[smem:$0x3FAE] =	sst s10  }
0x35: {  	s10 =	sld [smem:$0x3FAD];
	_ =	sdelay $0x3  }
0x36: {  	p1 =	seq.s32 s10, $0x1;
	s10 =	sld [smem:$0x3FAE];
	_ =	sdelay $0x3  }
0x37: {  	[smem:$0x3FAE] =	sst s10  }
0x38: {  	s10 =	sld [smem:$0x3FAF]  }
0x39: {  	_ = 	snop;
	(pc) =	sbr.ind lr, $3  }
0x3a: {  	_ = 	snop  }
0x3b: {  	_ = 	snop  }
0x3c: {  	p2 =	seq.s32 s10, $0x1;
	s10 =	sld [smem:$0x3FAE]  }
0x3d: {  	_ =	shalt  }
0x3e: {  	_ =	shalt  }
0x3f: {  	_ =	shalt  }
0x40: {  	_ =	shalt  }
0x41: {  	_ =	shalt  }
0x42: {  	_ =	shalt  }
0x43: {  	_ =	shalt  }
0x44: {  	_ =	shalt  }
0x45: {  	_ =	shalt  }
0x46: {  	_ =	shalt  }
0x47: {  	_ =	shalt  }
0x48: {  	_ =	shalt  }
0x49: {  	_ =	shalt  }
0x4a: {  	_ =	shalt  }
0x4b: {  	_ =	shalt  }
0x4c: {  	_ =	shalt  }
0x4d: {  	_ =	shalt  }
0x4e: {  	_ =	shalt  }
0x4f: {  	_ =	shalt  }
0x50: {  	_ =	shalt  }
0x51: {  	_ =	shalt  }
0x52: {  	_ =	shalt  }
0x53: {  	_ =	shalt  }
0x54: {  	_ =	shalt  }
0x55: {  	_ =	shalt  }
0x56: {  	_ =	shalt  }
0x57: {  	_ =	shalt  }
0x58: {  	_ =	shalt  }
0x59: {  	_ =	shalt  }
0x5a: {  	_ =	shalt  }
0x5b: {  	_ =	shalt  }
0x5c: {  	_ =	shalt  }
0x5d: {  	_ =	shalt  }
0x5e: {  	_ =	shalt  }
0x5f: {  	_ =	shalt  }
0x60: {  	_ =	shalt  }
0x61: {  	_ =	shalt  }
0x62: {  	_ =	shalt  }
0x63: {  	_ =	shalt  }
0x64: {  	_ =	shalt  }
0x65: {  	_ =	shalt  }
0x66: {  	_ =	shalt  }
0x67: {  	_ =	shalt  }
0x68: {  	_ =	shalt  }
0x69: {  	_ =	shalt  }
0x6a: {  	_ =	shalt  }
0x6b: {  	_ =	shalt  }
0x6c: {  	_ =	shalt  }
0x6d: {  	_ =	shalt  }
0x6e: {  	_ =	shalt  }
0x6f: {  	_ =	shalt  }
0x70: {  	_ =	shalt  }
0x71: {  	_ =	shalt  }
0x72: {  	_ =	shalt  }
0x73: {  	_ =	shalt  }
0x74: {  	_ =	shalt  }
0x75: {  	_ =	shalt  }
0x76: {  	_ =	shalt  }
0x77: {  	_ =	shalt  }
0x78: {  	_ =	shalt  }
0x79: {  	_ =	shalt  }
0x7a: {  	_ =	shalt  }
0x7b: {  	_ =	shalt  }
0x7c: {  	_ =	shalt  }
0x7d: {  	_ =	shalt  }
0x7e: {  	_ =	shalt  }
0x7f: {  	_ =	shalt  }
0x80: {  	_ =	shalt  }
0x81: {  	_ =	shalt  }
0x82: {  	_ =	shalt  }
0x83: {  	_ =	shalt  }
0x84: {  	_ =	shalt  }
0x85: {  	_ =	shalt  }
0x86: {  	_ =	shalt  }
0x87: {  	_ =	shalt  }
.Lfunc_end0:
.L_simem_size_0:
called_computation.3_lowered:
.L_overlay_start_0:
0x88: {  	s2 =	sld [smem:$0x3FD9]  }
0x89: {  	s3 =	sld [smem:$0x3FFE];
	_ =	sdelay $0x1  }
0x8a: {  	s1 =	srdreg.scid  }
0x8b: {  	s0 =	sand.u32 $0x1, s1  }
0x8c: {  	s16 =	sshll.u32 s0, $0xA;
	s2 =	sadd.s32 s3, s2  }
0x8d: {  	s2 =	sadd.s32 s2, s16  }
0x8e: {  	[smem:$0x3FBA] =	sst s2  }
0x8f: {  	_ = 	snop  }
0x90: {  	(tm) =	ssettm $0x1  }
0x91: {  	s17 =	sld [smem:$0x3FFB];
	_ =	sdelay $0x3  }
0x92: {  	_ =	strace s17  }
0x93: {  	s2 =	sld [smem:$0x3FFC];
	_ =	sdelay $0x3  }
0x94: {  	_ =	strace s2  }
0x95: {  	s2 =	sld [smem:$0x3FFD];
	_ =	sdelay $0x3  }
0x96: {  	_ =	strace s2  }
0x97: {  	_ =	strace $0x8FFFFFFF  }
0x98: {  	s18 =	sld [smem:$0x3FDB];
	_ =	sdelay $0x1  }
0x99: {  	s19 =	simm.s32 $_scs_section_size  }
0x9a: {  	s4 =	simm.s32 $_size__tile_overlayer_lowered;
	s5 =	simm.s32 $_tile_overlayer_lowered  }
0x9b: {  	s22 =	simm.s32 $0x1BFF;
	s21 =	sshll.u32 s5, $0x1;
	s2 =	sadd.s32 s19, s18  }
0x9c: {  	s6 =	simm.s32 $0x0;
	s20 =	sshll.u32 s4, $0x1;
	s4 =	sadd.s32 s21, s2  }
0x9d: {  	[timem:s6], [sflag:s22] =	dma.local [hbm:s4], s20  }
0x9e: {  	_ =	swait.ge [sflag:s22], s20  }
0x9f: {  	s3 =	ssub.s32 $0x0, s20;
	[sflag:s22] =	ssyncset.done $0x0  }
0xa0: {  	[sflag:s22] =	ssyncadd.s32 s3;
	_ =	sdelay $0x1  }
0xa1: {  	s23 =	simm.s32 $0x1B8B  }
0xa2: {  	_ =	swait.ge [sflag:s23], $0x1  }
0xa3: {  	[sflag:s23] =	ssyncset.done $0x0  }
0xa4: {  	s25 =	simm.s32 $0x1B8E;
	s24 =	sld [smem:$0x3FFE];
	[sflag:s23] =	ssyncadd.s32 $0xFFFFFFFF  }
0xa5: {  	s26 =	simm.s32 $execute0_lowered;
	[smem:$0x3FD2] =	sst s25  }
0xa6: {  	s4 =	sshll.u32 s26, $0x1;
	_ =	strace $0x8000004F;
	[dreg:$0x1] =	wrdreg $0xFFFFFFFF  }
0xa7: {  	s28 =	simm.s32 $_size_execute0_lowered;
	s2 =	sadd.s32 s2, s4;
	[dreg:$0x0] =	wrdreg $0x0  }
0xa8: {  	s4 =	sshll.u32 s28, $0x1;
	[dreg:$0x2] =	wrdreg s2  }
0xa9: {  	[dreg:$0x3] =	wrdreg s4  }
0xaa: {  	[dreg:$0x4] =	wrdreg $0xC0  }
0xab: {  	_ =	task [dreg:s6], $0x5FFFF  }
0xac: {  	[dreg:$0x1] =	wrdreg $0xFFFFFFFF  }
0xad: {  	[dreg:$0x0] =	wrdreg $0x60  }
0xae: {  	[dreg:$0x2] =	wrdreg s24  }
0xaf: {  	[dreg:$0x3] =	wrdreg $0x150000  }
0xb0: {  	[dreg:$0x4] =	wrdreg $0x9  }
0xb1: {  	_ =	task.clear_ibuf [dreg:s6], $0x5FFFF;
	_ =	strace $0x9000004F  }
0xb2: {  	s29 =	simm.s32 $0x9;
	_ =	strace $0x80000051  }
0xb3: {  	_ =	swait.ge [sflag:s29], $0x1  }
0xb4: {  	[sflag:s29] =	ssyncadd.s32 $0xFFFFFFFF  }
0xb5: {  	_ =	strace $0x90000051  }
0xb6: {  	_ =	sfence  }
0xb7: {  	s30 =	sld [smem:$0x0];
	_ =	sdelay $0x2  }
0xb8: {  	s31 =	sshll.u32 s1, $0xD;
	s1 =	sshrl.u32 s1, $0x2  }
0xb9: {  	s3 =	sand.u32 $0x4000, s31;
	s1 =	sadd.s32 s1, s30  }
0xba: {  	s0 =	sor.u32 s3, s0;
	s1 =	sshll.u32 s1, $0x11  }
0xbb: {  	s0 =	sor.u32 s1, s0  }
0xbc: {  	s0 =	sadd.s32 $0x8F2B, s0  }
0xbd: {  	[sflag:s0] =	ssyncadd.remote.s32 $0x1  }
0xbe: {  	_ =	sfence.sel $0xFFFF  }
0xbf: {  	[dreg:$0x0] =	wrdreg $0xFFFFFFFF;
	(pc) =	sbr.abs _section_cstart, $3  }
0xc0: {  	[dreg:$0x1] =	wrdreg $0xFFFFFFFF  }
0xc1: {  	_ =	task.clear_ibuf [dreg:s6], $0x2FFFF;
	_ =	strace $0x9FFFFFFF  }
0xc2: {  	(tm) =	ssettm $0x7FFFFFFF  }
0xc3: {  	_ =	shalt  }
tec
execute0_lowered:
.L_overlay_start_1:
0x0: {  	(tag) =	ssettag $0x1  }
0x1: {  	s0 =	srdreg.scid  }
0x2: {  	s10 =	stileid.u32;
	s3 =	rddreg [dreg:$0x0]  }
0x3: {  	s2 =	rddreg [dreg:$0x1];
	s4 =	simm.s32 $0x0;
	s12 =	simm.s32 $0x11  }
0x4: {  	s14 =	simm.s32 $0x80;
	s15 =	simm.s32 $0x5000;
	s16 =	simm.s32 $0x7000  }
0x5: {  	s18 =	simm.s32 $0x9000;
	s29 =	simm.s32 $0x13000;
	s30 =	simm.s32 $0x1  }
0x6: {  	s31 =	simm.s32 $0x2;
	s13 =	simm.s32 $0x5;
	s17 =	simm.s32 $0x6  }
0x7: {  	s19 =	simm.s32 $0x7;
	s28 =	simm.s32 $0xB;
	s0 =	sand.u32 $0x1, s0  }
0x8: {  	s1 =	sshll.u32 s10, $0x1;
	s5 =	smul.u32 $0xA000, s10;
	[smem:$0x7FF] =	sst s4  }
0x9: {  	s4 =	sadd.s32 $0x16800, s3;
	s8 =	sadd.s32 $0x2A800, s3;
	s26 =	sshll.u32 s10, $0x6  }
0xa: {  	s1 =	sor.u32 s0, s1;
	s6 =	smul.u32 $0xA0000, s0;
	_ =	strace $0x80000050  }
0xb: {  	s7 =	ssub.s32 $0x2, s0;
	p0 =	seq.s32 s0, $0x0;
	s10 =	sor.u32 $0x1C11, s26  }
0xc: {  	s26 =	simm.s32 $0x11000;
	s0 =	simm.s32 $0x4;
	s1 =	smul.u32 $0x500, s1  }
0xd: {  	s9 =	sshrl.u32 s7, $0x1;
	s21 =	sadd.s32 s5, s2;
	s8 =	smov.u32 @p0 s4  }
0xe: {  	[dreg:$0x8] =	wrdreg s10;
	s6 =	sadd.s32 s5, s6;
	s20 =	ssub.s32 s7, s9  }
0xf: {  	s5 =	sshrl.u32 s5, $0x3;
	s11 =	sshrl.u32 s21, $0x3;
	s21 =	simm.s32 $0x8  }
0x10: {  	s7 =	simm.s32 $0xE;
	s9 =	simm.s32 $0x10;
	s1 =	sadd.s32 s1, s3  }
0x11: {  	s6 =	sshrl.u32 s6, $0x3;
	s24 =	smax.u32 s20, $0x1;
	s25 =	sadd.s32 s8, s5  }
0x12: {  	s20 =	simm.s32 $0xB000;
	s5 =	simm.s32 $0xC;
	[dreg:$0x9] =	wrdreg s11  }
0x13: {  	s8 =	simm.s32 $0xF;
	s3 =	sadd.s32 s6, s3;
	[dreg:$0x6] =	wrdreg s24  }
0x14: {  	s22 =	sadd.s32 $0x2800, s1;
	s1 =	sadd.s32 $0xC800, s1;
	[dreg:$0x7] =	wrdreg s25  }
0x15: {  	s24 =	simm.s32 $0xF000;
	s25 =	simm.s32 $0xA;
	[dreg:$0x3] =	wrdreg s22  }
0x16: {  	s6 =	simm.s32 $0xD;
	[dreg:$0x4] =	wrdreg s1;
	s23 =	sadd.s32 $0x3E800, s3  }
0x17: {  	s22 =	simm.s32 $0xD000;
	s3 =	simm.s32 $0x0;
	[dreg:$0x5] =	wrdreg s23  }
0x18: {  	s1 =	simm.s32 $0x3;
	s23 =	simm.s32 $0x9;
	[dreg:$0xa] =	wrdreg s3  }
.LBB2_1:
0x19: {  	s3 =	rddreg [dreg:$0x7]  }
0x1a: {  	[spmem:s11], [sflag:s10] =	dma.local [hbm:s3], $0x1400  }
0x1b: {  	_ =	swait.ge [sflag:s12], $0x1400  }
0x1c: {  	[sflag:s12] =	ssyncset.done $0x0  }
0x1d: {  	s10 =	simm.s32 $0x0;
	s11 =	rddreg [dreg:$0x3];
	[sflag:s12] =	ssyncadd.s32 $0xFFFFEC00  }
0x1e: {  	[tilespmem:s10], [sflag:$0x11] =	stream.linear.gather [hbm4b:s11+s10], $0x2800, $0x38;
	[tilespmem:$0x1F000] =	vst v63  }
0x1f: {  	_ =	swait.ge [sflag:s12], $0x2800  }
0x20: {  	[sflag:s12] =	ssyncset.done $0x0  }
0x21: {  	s11 =	simm.s32 $0x2800;
	s3 =	rddreg [dreg:$0x4];
	[sflag:s12] =	ssyncadd.s32 $0xFFFFD800  }
0x22: {  	[tilespmem:s11], [sflag:$0x11] =	stream.linear.gather [hbm4b:s3+s10], $0x2800, $0x38;
	[tilespmem:$0x1F000] =	vst v63  }
0x23: {  	_ =	swait.ge [sflag:s12], $0x2800  }
0x24: {  	[sflag:s12] =	ssyncset.done $0x0  }
0x25: {  	[sflag:s12] =	ssyncadd.s32 $0xFFFFD800  }
0x26: {  	[bflag:$0x0] =	sbarrier.arrive $0xFFFF  }
0x27: {  	[tilespmem:s15], [sflag:$0x1] =	stream.indirect.gather [hbm4b:s4+s14], $0x40, s10, s14, $0xb8;
	[tilespmem:$0x1F000] =	vst v63  }
0x28: {  	_ = 	snop  }
0x29: {  	[tilespmem:s16], [sflag:$0x2] =	stream.indirect.gather [hbm4b:s4+s14], $0x40, s14, s14, $0xb8;
	[tilespmem:$0x1F000] =	vst v63  }
0x2a: {  	s11 =	simm.s32 $0x100  }
0x2b: {  	[tilespmem:s18], [sflag:$0x3] =	stream.indirect.gather [hbm4b:s4+s14], $0x40, s11, s14, $0xb8;
	[tilespmem:$0x1F000] =	vst v63  }
0x2c: {  	s12 =	simm.s32 $0x180  }
0x2d: {  	[tilespmem:s20], [sflag:$0x4] =	stream.indirect.gather [hbm4b:s4+s14], $0x40, s12, s14, $0xb8;
	[tilespmem:$0x1F000] =	vst v63  }
0x2e: {  	s11 =	simm.s32 $0x200  }
0x2f: {  	[tilespmem:s22], [sflag:$0x5] =	stream.indirect.gather [hbm4b:s4+s14], $0x40, s11, s14, $0xb8;
	[tilespmem:$0x1F000] =	vst v63  }
0x30: {  	s12 =	simm.s32 $0x280  }
0x31: {  	[tilespmem:s24], [sflag:$0x6] =	stream.indirect.gather [hbm4b:s4+s14], $0x40, s12, s14, $0xb8;
	[tilespmem:$0x1F000] =	vst v63  }
0x32: {  	s11 =	simm.s32 $0x300  }
0x33: {  	[tilespmem:s26], [sflag:$0x7] =	stream.indirect.gather [hbm4b:s4+s14], $0x40, s11, s14, $0xb8;
	[tilespmem:$0x1F000] =	vst v63  }
0x34: {  	s12 =	simm.s32 $0x380  }
0x35: {  	[tilespmem:s29], [sflag:$0x8] =	stream.indirect.gather [hbm4b:s4+s14], $0x40, s12, s14, $0xb8;
	[tilespmem:$0x1F000] =	vst v63  }
0x36: {  	_ =	swait.ge [sflag:s30], $0x2000  }
0x37: {  	[sflag:s30] =	ssyncset.done $0x0  }
0x38: {  	s11 =	simm.s32 $0x2800;
	[sflag:s30] =	ssyncadd.s32 $0xFFFFE000  }
0x39: {  	[spmem:s2] =	stream.indirect.scatter.add.f32 [tilespmem:s15], [sflag:$0x9], $0x40, s11, s14, $0xb8;
	[tilespmem:$0x1F000] =	vst v63  }
0x3a: {  	_ =	swait.ge [sflag:s31], $0x2000  }
0x3b: {  	[sflag:s31] =	ssyncset.done $0x0  }
0x3c: {  	s12 =	simm.s32 $0x2880;
	[sflag:s31] =	ssyncadd.s32 $0xFFFFE000  }
0x3d: {  	[spmem:s2] =	stream.indirect.scatter.add.f32 [tilespmem:s16], [sflag:$0xA], $0x40, s12, s14, $0xb8;
	[tilespmem:$0x1F000] =	vst v63  }
0x3e: {  	_ =	swait.ge [sflag:s1], $0x2000  }
0x3f: {  	[sflag:s1] =	ssyncset.done $0x0  }
0x40: {  	s11 =	simm.s32 $0x2900;
	[sflag:s1] =	ssyncadd.s32 $0xFFFFE000  }
0x41: {  	[spmem:s2] =	stream.indirect.scatter.add.f32 [tilespmem:s18], [sflag:$0xB], $0x40, s11, s14, $0xb8;
	[tilespmem:$0x1F000] =	vst v63  }
0x42: {  	_ =	swait.ge [sflag:s0], $0x2000  }
0x43: {  	[sflag:s0] =	ssyncset.done $0x0  }
0x44: {  	s12 =	simm.s32 $0x2980;
	[sflag:s0] =	ssyncadd.s32 $0xFFFFE000  }
0x45: {  	[spmem:s2] =	stream.indirect.scatter.add.f32 [tilespmem:s20], [sflag:$0xC], $0x40, s12, s14, $0xb8;
	[tilespmem:$0x1F000] =	vst v63  }
0x46: {  	_ =	swait.ge [sflag:s13], $0x2000  }
0x47: {  	[sflag:s13] =	ssyncset.done $0x0  }
0x48: {  	s11 =	simm.s32 $0x2A00;
	[sflag:s13] =	ssyncadd.s32 $0xFFFFE000  }
0x49: {  	[spmem:s2] =	stream.indirect.scatter.add.f32 [tilespmem:s22], [sflag:$0xD], $0x40, s11, s14, $0xb8;
	[tilespmem:$0x1F000] =	vst v63  }
0x4a: {  	_ =	swait.ge [sflag:s17], $0x2000  }
0x4b: {  	[sflag:s17] =	ssyncset.done $0x0  }
0x4c: {  	s12 =	simm.s32 $0x2A80;
	[sflag:s17] =	ssyncadd.s32 $0xFFFFE000  }
0x4d: {  	[spmem:s2] =	stream.indirect.scatter.add.f32 [tilespmem:s24], [sflag:$0xE], $0x40, s12, s14, $0xb8;
	[tilespmem:$0x1F000] =	vst v63  }
0x4e: {  	_ =	swait.ge [sflag:s19], $0x2000  }
0x4f: {  	[sflag:s19] =	ssyncset.done $0x0  }
0x50: {  	s11 =	simm.s32 $0x2B00;
	[sflag:s19] =	ssyncadd.s32 $0xFFFFE000  }
0x51: {  	[spmem:s2] =	stream.indirect.scatter.add.f32 [tilespmem:s26], [sflag:$0xF], $0x40, s11, s14, $0xb8;
	[tilespmem:$0x1F000] =	vst v63  }
0x52: {  	_ =	swait.ge [sflag:s21], $0x2000  }
0x53: {  	[sflag:s21] =	ssyncset.done $0x0  }
0x54: {  	s12 =	simm.s32 $0x2B80;
	[sflag:s21] =	ssyncadd.s32 $0xFFFFE000  }
0x55: {  	[spmem:s2] =	stream.indirect.scatter.add.f32 [tilespmem:s29], [sflag:$0x10], $0x40, s12, s14, $0xb8;
	[tilespmem:$0x1F000] =	vst v63  }
0x56: {  	s11 =	smin.u32 s10, $0x47;
	_ =	swait.ge [sflag:s23], $0x2000  }
0x57: {  	s3 =	sshll.u32 s11, $0x7;
	[sflag:s23] =	ssyncset.done $0x0  }
0x58: {  	s3 =	sadd.s32 $0x400, s3;
	[sflag:s23] =	ssyncadd.s32 $0xFFFFE000  }
0x59: {  	[tilespmem:s15], [sflag:$0x1] =	stream.indirect.gather [hbm4b:s4+s14], $0x40, s3, s14, $0xb8;
	[tilespmem:$0x1F000] =	vst v63  }
0x5a: {  	s12 =	smin.u32 s10, $0x46;
	_ =	swait.ge [sflag:s25], $0x2000  }
0x5b: {  	s3 =	sshll.u32 s12, $0x7;
	[sflag:s25] =	ssyncset.done $0x0  }
0x5c: {  	s3 =	sadd.s32 $0x480, s3;
	[sflag:s25] =	ssyncadd.s32 $0xFFFFE000  }
0x5d: {  	[tilespmem:s16], [sflag:$0x2] =	stream.indirect.gather [hbm4b:s4+s14], $0x40, s3, s14, $0xb8;
	[tilespmem:$0x1F000] =	vst v63  }
0x5e: {  	s11 =	smin.u32 s10, $0x45;
	_ =	swait.ge [sflag:s28], $0x2000  }
0x5f: {  	s3 =	sshll.u32 s11, $0x7;
	[sflag:s28] =	ssyncset.done $0x0  }
0x60: {  	s3 =	sadd.s32 $0x500, s3;
	[sflag:s28] =	ssyncadd.s32 $0xFFFFE000  }
0x61: {  	[tilespmem:s18], [sflag:$0x3] =	stream.indirect.gather [hbm4b:s4+s14], $0x40, s3, s14, $0xb8;
	[tilespmem:$0x1F000] =	vst v63  }
0x62: {  	s12 =	smin.u32 s10, $0x44;
	_ =	swait.ge [sflag:s5], $0x2000  }
0x63: {  	s3 =	sshll.u32 s12, $0x7;
	[sflag:s5] =	ssyncset.done $0x0  }
0x64: {  	s3 =	sadd.s32 $0x580, s3;
	[sflag:s5] =	ssyncadd.s32 $0xFFFFE000  }
0x65: {  	[tilespmem:s20], [sflag:$0x4] =	stream.indirect.gather [hbm4b:s4+s14], $0x40, s3, s14, $0xb8;
	[tilespmem:$0x1F000] =	vst v63  }
0x66: {  	s11 =	smin.u32 s10, $0x43;
	_ =	swait.ge [sflag:s6], $0x2000  }
0x67: {  	s3 =	sshll.u32 s11, $0x7;
	[sflag:s6] =	ssyncset.done $0x0  }
0x68: {  	s3 =	sadd.s32 $0x600, s3;
	[sflag:s6] =	ssyncadd.s32 $0xFFFFE000  }
0x69: {  	[tilespmem:s22], [sflag:$0x5] =	stream.indirect.gather [hbm4b:s4+s14], $0x40, s3, s14, $0xb8;
	[tilespmem:$0x1F000] =	vst v63  }
0x6a: {  	s12 =	smin.u32 s10, $0x42;
	_ =	swait.ge [sflag:s7], $0x2000  }
0x6b: {  	s3 =	sshll.u32 s12, $0x7;
	[sflag:s7] =	ssyncset.done $0x0  }
0x6c: {  	s3 =	sadd.s32 $0x680, s3;
	[sflag:s7] =	ssyncadd.s32 $0xFFFFE000  }
0x6d: {  	[tilespmem:s24], [sflag:$0x6] =	stream.indirect.gather [hbm4b:s4+s14], $0x40, s3, s14, $0xb8;
	[tilespmem:$0x1F000] =	vst v63  }
0x6e: {  	s11 =	smin.u32 s10, $0x41;
	_ =	swait.ge [sflag:s8], $0x2000  }
0x6f: {  	s3 =	sshll.u32 s11, $0x7;
	[sflag:s8] =	ssyncset.done $0x0  }
0x70: {  	s3 =	sadd.s32 $0x700, s3;
	[sflag:s8] =	ssyncadd.s32 $0xFFFFE000  }
0x71: {  	[tilespmem:s26], [sflag:$0x7] =	stream.indirect.gather [hbm4b:s4+s14], $0x40, s3, s14, $0xb8;
	[tilespmem:$0x1F000] =	vst v63  }
0x72: {  	s12 =	smin.u32 s10, $0x40;
	_ =	swait.ge [sflag:s9], $0x2000  }
0x73: {  	s11 =	simm.s32 $0x1000;
	s3 =	sshll.u32 s12, $0x7;
	[sflag:s9] =	ssyncset.done $0x0  }
0x74: {  	s12 =	sadd.s32 $0x780, s3;
	s3 =	simm.s32 $0x8;
	[sflag:s9] =	ssyncadd.s32 $0xFFFFE000  }
.LBB2_2:
0x75: {  	[tilespmem:s29], [sflag:$0x8] =	stream.indirect.gather [hbm4b:s4+s14], $0x40, s12, s14, $0xb8;
	[tilespmem:$0x1F000] =	vst v63  }
0x76: {  	s12 =	smov.u32 s11  }
0x77: {  	p0 =	sne.s32 s11, $0x9000;
	s11 =	sadd.s32 $0x1000, s11;
	_ =	swait.ge [sflag:s30], $0x2000  }
0x78: {  	s12 =	sshra.s32 s12, $0x2;
	[sflag:s30] =	ssyncset.done $0x0  }
0x79: {  	s10 =	sadd.s32 $0x2800, s12;
	[sflag:s30] =	ssyncadd.s32 $0xFFFFE000  }
0x7a: {  	[spmem:s2] =	stream.indirect.scatter.add.f32 [tilespmem:s15], [sflag:$0x9], $0x40, s10, s14, $0xb8;
	[tilespmem:$0x1F000] =	vst v63  }
0x7b: {  	_ =	swait.ge [sflag:s31], $0x2000  }
0x7c: {  	[sflag:s31] =	ssyncset.done $0x0  }
0x7d: {  	s10 =	sadd.s32 $0x2880, s12;
	[sflag:s31] =	ssyncadd.s32 $0xFFFFE000  }
0x7e: {  	[spmem:s2] =	stream.indirect.scatter.add.f32 [tilespmem:s16], [sflag:$0xA], $0x40, s10, s14, $0xb8;
	[tilespmem:$0x1F000] =	vst v63  }
0x7f: {  	_ =	swait.ge [sflag:s1], $0x2000  }
0x80: {  	[sflag:s1] =	ssyncset.done $0x0  }
0x81: {  	s10 =	sadd.s32 $0x2900, s12;
	[sflag:s1] =	ssyncadd.s32 $0xFFFFE000  }
0x82: {  	[spmem:s2] =	stream.indirect.scatter.add.f32 [tilespmem:s18], [sflag:$0xB], $0x40, s10, s14, $0xb8;
	[tilespmem:$0x1F000] =	vst v63  }
0x83: {  	_ =	swait.ge [sflag:s0], $0x2000  }
0x84: {  	[sflag:s0] =	ssyncset.done $0x0  }
0x85: {  	s10 =	sadd.s32 $0x2980, s12;
	[sflag:s0] =	ssyncadd.s32 $0xFFFFE000  }
0x86: {  	[spmem:s2] =	stream.indirect.scatter.add.f32 [tilespmem:s20], [sflag:$0xC], $0x40, s10, s14, $0xb8;
	[tilespmem:$0x1F000] =	vst v63  }
0x87: {  	_ =	swait.ge [sflag:s13], $0x2000  }
0x88: {  	[sflag:s13] =	ssyncset.done $0x0  }
0x89: {  	s10 =	sadd.s32 $0x2A00, s12;
	[sflag:s13] =	ssyncadd.s32 $0xFFFFE000  }
0x8a: {  	[spmem:s2] =	stream.indirect.scatter.add.f32 [tilespmem:s22], [sflag:$0xD], $0x40, s10, s14, $0xb8;
	[tilespmem:$0x1F000] =	vst v63  }
0x8b: {  	_ =	swait.ge [sflag:s17], $0x2000  }
0x8c: {  	[sflag:s17] =	ssyncset.done $0x0  }
0x8d: {  	s10 =	sadd.s32 $0x2A80, s12;
	[sflag:s17] =	ssyncadd.s32 $0xFFFFE000  }
0x8e: {  	[spmem:s2] =	stream.indirect.scatter.add.f32 [tilespmem:s24], [sflag:$0xE], $0x40, s10, s14, $0xb8;
	[tilespmem:$0x1F000] =	vst v63  }
0x8f: {  	_ =	swait.ge [sflag:s19], $0x2000  }
0x90: {  	[sflag:s19] =	ssyncset.done $0x0  }
0x91: {  	s10 =	sadd.s32 $0x2B00, s12;
	[sflag:s19] =	ssyncadd.s32 $0xFFFFE000  }
0x92: {  	[spmem:s2] =	stream.indirect.scatter.add.f32 [tilespmem:s26], [sflag:$0xF], $0x40, s10, s14, $0xb8;
	[tilespmem:$0x1F000] =	vst v63  }
0x93: {  	_ =	swait.ge [sflag:s21], $0x2000  }
0x94: {  	[sflag:s21] =	ssyncset.done $0x0  }
0x95: {  	s10 =	sadd.s32 $0x2B80, s12;
	[sflag:s21] =	ssyncadd.s32 $0xFFFFE000  }
0x96: {  	[spmem:s2] =	stream.indirect.scatter.add.f32 [tilespmem:s29], [sflag:$0x10], $0x40, s10, s14, $0xb8;
	[tilespmem:$0x1F000] =	vst v63  }
0x97: {  	s10 =	smin.u32 s3, $0x47;
	_ =	swait.ge [sflag:s23], $0x2000  }
0x98: {  	s10 =	sshll.u32 s10, $0x7;
	[sflag:s23] =	ssyncset.done $0x0  }
0x99: {  	s10 =	sadd.s32 $0x400, s10;
	[sflag:s23] =	ssyncadd.s32 $0xFFFFE000  }
0x9a: {  	[tilespmem:s15], [sflag:$0x1] =	stream.indirect.gather [hbm4b:s4+s14], $0x40, s10, s14, $0xb8;
	[tilespmem:$0x1F000] =	vst v63  }
0x9b: {  	s10 =	smin.u32 s3, $0x46;
	_ =	swait.ge [sflag:s25], $0x2000  }
0x9c: {  	s10 =	sshll.u32 s10, $0x7;
	[sflag:s25] =	ssyncset.done $0x0  }
0x9d: {  	s10 =	sadd.s32 $0x480, s10;
	[sflag:s25] =	ssyncadd.s32 $0xFFFFE000  }
0x9e: {  	[tilespmem:s16], [sflag:$0x2] =	stream.indirect.gather [hbm4b:s4+s14], $0x40, s10, s14, $0xb8;
	[tilespmem:$0x1F000] =	vst v63  }
0x9f: {  	s10 =	smin.u32 s3, $0x45;
	_ =	swait.ge [sflag:s28], $0x2000  }
0xa0: {  	s10 =	sshll.u32 s10, $0x7;
	[sflag:s28] =	ssyncset.done $0x0  }
0xa1: {  	s10 =	sadd.s32 $0x500, s10;
	[sflag:s28] =	ssyncadd.s32 $0xFFFFE000  }
0xa2: {  	[tilespmem:s18], [sflag:$0x3] =	stream.indirect.gather [hbm4b:s4+s14], $0x40, s10, s14, $0xb8;
	[tilespmem:$0x1F000] =	vst v63  }
0xa3: {  	s10 =	smin.u32 s3, $0x44;
	_ =	swait.ge [sflag:s5], $0x2000  }
0xa4: {  	s10 =	sshll.u32 s10, $0x7;
	[sflag:s5] =	ssyncset.done $0x0  }
0xa5: {  	s10 =	sadd.s32 $0x580, s10;
	[sflag:s5] =	ssyncadd.s32 $0xFFFFE000  }
0xa6: {  	[tilespmem:s20], [sflag:$0x4] =	stream.indirect.gather [hbm4b:s4+s14], $0x40, s10, s14, $0xb8;
	[tilespmem:$0x1F000] =	vst v63  }
0xa7: {  	s10 =	smin.u32 s3, $0x43;
	_ =	swait.ge [sflag:s6], $0x2000  }
0xa8: {  	s10 =	sshll.u32 s10, $0x7;
	[sflag:s6] =	ssyncset.done $0x0  }
0xa9: {  	s10 =	sadd.s32 $0x600, s10;
	[sflag:s6] =	ssyncadd.s32 $0xFFFFE000  }
0xaa: {  	[tilespmem:s22], [sflag:$0x5] =	stream.indirect.gather [hbm4b:s4+s14], $0x40, s10, s14, $0xb8;
	[tilespmem:$0x1F000] =	vst v63  }
0xab: {  	s10 =	smin.u32 s3, $0x42;
	_ =	swait.ge [sflag:s7], $0x2000  }
0xac: {  	s10 =	sshll.u32 s10, $0x7;
	[sflag:s7] =	ssyncset.done $0x0  }
0xad: {  	s10 =	sadd.s32 $0x680, s10;
	[sflag:s7] =	ssyncadd.s32 $0xFFFFE000  }
0xae: {  	[tilespmem:s24], [sflag:$0x6] =	stream.indirect.gather [hbm4b:s4+s14], $0x40, s10, s14, $0xb8;
	[tilespmem:$0x1F000] =	vst v63  }
0xaf: {  	s10 =	smin.u32 s3, $0x41;
	_ =	swait.ge [sflag:s8], $0x2000  }
0xb0: {  	s10 =	sshll.u32 s10, $0x7;
	[sflag:s8] =	ssyncset.done $0x0  }
.Ltmp0:
0xb1: {  	s10 =	sadd.s32 $0x700, s10;
	[sflag:s8] =	ssyncadd.s32 $0xFFFFE000;
	(pc) =	sbr.rel @p0 .LBB2_2-.Ltmp0, $4  }
0xb2: {  	[tilespmem:s26], [sflag:$0x7] =	stream.indirect.gather [hbm4b:s4+s14], $0x40, s10, s14, $0xb8;
	[tilespmem:$0x1F000] =	vst v63  }
0xb3: {  	s10 =	smin.u32 s3, $0x40;
	_ =	swait.ge [sflag:s9], $0x2000  }
0xb4: {  	s10 =	sshll.u32 s10, $0x7;
	[sflag:s9] =	ssyncset.done $0x0  }
0xb5: {  	s3 =	sadd.s32 $0x8, s3;
	s12 =	sadd.s32 $0x780, s10;
	[sflag:s9] =	ssyncadd.s32 $0xFFFFE000  }
0xb6: {  	[tilespmem:s29], [sflag:$0x8] =	stream.indirect.gather [hbm4b:s4+s14], $0x40, s12, s14, $0xb8;
	[tilespmem:$0x1F000] =	vst v63  }
0xb7: {  	_ =	swait.ge [sflag:s30], $0x2000  }
0xb8: {  	[sflag:s30] =	ssyncset.done $0x0  }
0xb9: {  	[sflag:s30] =	ssyncadd.s32 $0xFFFFE000  }
0xba: {  	_ =	swait.ge [sflag:s31], $0x2000  }
0xbb: {  	[sflag:s31] =	ssyncset.done $0x0  }
0xbc: {  	[sflag:s31] =	ssyncadd.s32 $0xFFFFE000  }
0xbd: {  	_ =	swait.ge [sflag:s1], $0x2000  }
0xbe: {  	[sflag:s1] =	ssyncset.done $0x0  }
0xbf: {  	[sflag:s1] =	ssyncadd.s32 $0xFFFFE000  }
0xc0: {  	_ =	swait.ge [sflag:s0], $0x2000  }
0xc1: {  	[sflag:s0] =	ssyncset.done $0x0  }
0xc2: {  	[sflag:s0] =	ssyncadd.s32 $0xFFFFE000  }
0xc3: {  	_ =	swait.ge [sflag:s13], $0x2000  }
0xc4: {  	[sflag:s13] =	ssyncset.done $0x0  }
0xc5: {  	[sflag:s13] =	ssyncadd.s32 $0xFFFFE000  }
0xc6: {  	_ =	swait.ge [sflag:s17], $0x2000  }
0xc7: {  	[sflag:s17] =	ssyncset.done $0x0  }
0xc8: {  	[sflag:s17] =	ssyncadd.s32 $0xFFFFE000  }
0xc9: {  	_ =	swait.ge [sflag:s19], $0x2000  }
0xca: {  	[sflag:s19] =	ssyncset.done $0x0  }
0xcb: {  	[sflag:s19] =	ssyncadd.s32 $0xFFFFE000  }
0xcc: {  	_ =	swait.ge [sflag:s21], $0x2000  }
0xcd: {  	[sflag:s21] =	ssyncset.done $0x0  }
0xce: {  	[sflag:s21] =	ssyncadd.s32 $0xFFFFE000  }
0xcf: {  	[bflag:$0x0] =	sbarrier.arrive $0xFFFF  }
0xd0: {  	s3 =	rddreg [dreg:$0x5]  }
0xd1: {  	s10 =	rddreg [dreg:$0x8]  }
0xd2: {  	s12 =	simm.s32 $0x11;
	s11 =	rddreg [dreg:$0x9]  }
0xd3: {  	[hbm:s3], [sflag:s10] =	dma.local [spmem:s11], $0x1400  }
0xd4: {  	_ =	swait.ge [sflag:s12], $0x1400  }
0xd5: {  	s3 =	rddreg [dreg:$0xa]  }
0xd6: {  	s10 =	sadd.s32 $0x1, s3;
	s3 =	rddreg [dreg:$0x6]  }
0xd7: {  	p0 =	sne.s32 s10, s3  }
.Ltmp1:
0xd8: {  	_ = 	snop;
	(pc) =	sbr.rel @p0 .LBB2_1-.Ltmp1, $3  }
0xd9: {  	_ =	sdelay $0x1  }
0xda: {  	[sflag:s12] =	ssyncset.done $0x0;
	[dreg:$0xa] =	wrdreg s10  }
0xdb: {  	[sflag:s12] =	ssyncadd.s32 $0xFFFFEC00;
	s10 =	rddreg [dreg:$0x8]  }
0xdc: {  	_ =	sfence.sel $0x180000  }
0xdd: {  	[bflag:$0x0] =	sbarrier.arrive $0xFFFF  }
0xde: {  	_ =	strace $0x90000050  }
0xdf: {  	s0 =	stileid.u32;
	[bflag:$0x2] =	sbarrier.arrive $0xFFFF  }
0xe0: {  	p0 =	sne.s32 s0, $0x0;
	s0 =	rddreg [dreg:$0x2]  }
0xe1: {  	s0 =	sadd.s32 @!p0 $0x100000, s0  }
0xe2: {  	[sflag:s0] =	ssyncadd.tile.s32 @!p0 $0x1;
	_ =	shalt  }
.Lfunc_end2:
_tile_overlayer_lowered:
.L_overlay_start_2:
0xe3: {  	(tag) =	ssettag $0x2  }
0xe4: {  	s0 =	rddreg [dreg:$0x0];
	s2 =	stileid.u32  }
0xe5: {  	s1 =	rddreg [dreg:$0x1];
	p0 =	sne.s32 s2, $0x0  }
0xe6: {  	s3 =	rddreg [dreg:$0x2];
	[bflag:$0x3] =	sbarrier.arrive $0xFFFF;
	s2 =	simm.s32 @!p0 $0x1C11  }
0xe7: {  	[timem:s3], [sflag:s2] =	dma.local @!p0 [hbm:s0], s1  }
0xe8: {  	s0 =	simm.s32 @!p0 $0x11  }
0xe9: {  	_ =	swait.ge @!p0 [sflag:s0], s1  }
0xea: {  	s1 =	ssub.s32 @!p0 $0x0, s1;
	[sflag:s0] =	ssyncset.done @!p0 $0x0  }
0xeb: {  	[sflag:s0] =	ssyncadd.s32 @!p0 s1  }
0xec: {  	[bflag:$0x3] =	sbarrier.arrive $0xFFFF  }
0xed: {  	_ =	shalt  }

</sc_bundles>
